<compile_context>
chip_gen: v7x
topology: tpu7x:2x2x1
jax: 0.10.2.dev20260603
libtpu: 0.0.44.dev20260713+nightly
codegen_flags: <defaults>
</compile_context>

<pallas_src>
import functools

import jax
import jax.numpy as jnp
from jax import lax
from jax.experimental import pallas as pl
from jax.experimental.pallas import tpu as pltpu
from jax.experimental.pallas import tpu_sc as plsc

N = 10000
E = 320000
NC = 2
NS = 16
NW = NC * NS
C = 125
NSLOTS = E // (NS * C)
assert NSLOTS % 8 == 0 and NSLOTS * NS * C == E
NPAD = 10112
RPT = NPAD // NS

_mesh = lambda: plsc.VectorSubcoreMesh(core_axis_name="c", subcore_axis_name="s")
_sc_params = lambda: pltpu.CompilerParams(use_tc_tiling_on_sc=False)


def _deg_body(dst_hbm, ones_hbm, zeros_hbm, out_hbm, dstv, onesv, acc, sem):
    c = lax.axis_index("c")
    s = lax.axis_index("s")
    pltpu.sync_copy(dst_hbm.at[c, s], dstv)
    pltpu.sync_copy(ones_hbm, onesv)
    pltpu.sync_copy(zeros_hbm, acc.at[pl.ds(s * RPT, RPT)])
    plsc.subcore_barrier()

    def body(i, carry):
        for b in range(8):
            pltpu.async_copy(onesv, acc.at[dstv.at[8 * i + b]], sem, add=True)
        for b in range(8):
            pltpu.make_async_copy(onesv, acc.at[dstv.at[0]], sem).wait()
        return carry

    lax.fori_loop(0, NSLOTS // 8, body, 0)
    plsc.subcore_barrier()
    rows = pl.ds(s * RPT, RPT)
    pltpu.sync_copy(acc.at[rows], out_hbm.at[c, rows])


def _degree_partials(dst_all):
    ones = jnp.ones((C, 16), jnp.float32)
    zeros = jnp.zeros((RPT, 16), jnp.float32)
    f = pl.kernel(
        _deg_body,
        out_type=jax.ShapeDtypeStruct((NC, NPAD, 16), jnp.float32),
        mesh=_mesh(),
        compiler_params=_sc_params(),
        scratch_types=[
            pltpu.VMEM((NSLOTS, C), jnp.int32),
            pltpu.VMEM((C, 16), jnp.float32),
            pltpu.VMEM_SHARED((NPAD, 16), jnp.float32),
            pltpu.SemaphoreType.DMA,
        ],
    )
    return f(dst_all, ones, zeros)


def _seg_body(h_hbm, src_hbm, dst_hbm, zeros_hbm, out_hbm,
              srcv, dstv, r0, r1, r2, r3, acc,
              g0, g1, g2, g3, s0, s1, s2, s3):
    c = lax.axis_index("c")
    s = lax.axis_index("s")
    pltpu.sync_copy(src_hbm.at[c, s], srcv)
    pltpu.sync_copy(dst_hbm.at[c, s], dstv)
    pltpu.sync_copy(zeros_hbm, acc.at[pl.ds(s * RPT, RPT)])
    plsc.subcore_barrier()

    rows = [r0, r1, r2, r3]
    gsem = [g0, g1, g2, g3]
    ssem = [s0, s1, s2, s3]

    def g_start(j, b):
        pltpu.async_copy(h_hbm.at[srcv.at[j]], rows[b], gsem[b])

    def g_wait(b):
        pltpu.make_async_copy(h_hbm.at[srcv.at[0]], rows[b], gsem[b]).wait()

    def s_start(j, b):
        pltpu.async_copy(rows[b], acc.at[dstv.at[j]], ssem[b], add=True)

    def s_wait(b):
        pltpu.make_async_copy(rows[b], acc.at[dstv.at[0]], ssem[b]).wait()

    g_start(0, 0)
    g_start(1, 1)
    g_start(2, 2)
    g_wait(0); s_start(0, 0); g_start(3, 3)

    def body(i, carry):
        j = 4 * i + 1
        for off in range(4):
            b = (1 + off) % 4
            p = (b - 1) % 4
            g_wait(b)
            s_start(j + off, b)
            s_wait(p)
            g_start(j + off + 3, p)
        return carry

    lax.fori_loop(0, (NSLOTS - 4) // 4, body, 0)
    for jj in range(NSLOTS - 3, NSLOTS):
        b = jj % 4
        g_wait(b)
        s_start(jj, b)
        s_wait((b - 1) % 4)
    s_wait((NSLOTS - 1) % 4)

    plsc.subcore_barrier()
    rows_sl = pl.ds(s * RPT, RPT)
    pltpu.sync_copy(acc.at[rows_sl], out_hbm.at[c, rows_sl])


def _segment_partials(h, src4, dst4, F):
    zeros = jnp.zeros((RPT, F), jnp.float32)
    f = pl.kernel(
        _seg_body,
        out_type=jax.ShapeDtypeStruct((NC, NPAD, F), jnp.float32),
        mesh=_mesh(),
        compiler_params=_sc_params(),
        scratch_types=[
            pltpu.VMEM((NSLOTS, C), jnp.int32),
            pltpu.VMEM((NSLOTS, C), jnp.int32),
            pltpu.VMEM((C, F), jnp.float32),
            pltpu.VMEM((C, F), jnp.float32),
            pltpu.VMEM((C, F), jnp.float32),
            pltpu.VMEM((C, F), jnp.float32),
            pltpu.VMEM_SHARED((NPAD, F), jnp.float32),
        ] + [pltpu.SemaphoreType.DMA] * 8,
    )
    return f(h, src4, dst4, zeros)



def _bf(a):
    u = lax.bitcast_convert_type(a, jnp.uint32)
    r = u + jnp.uint32(0x7FFF) + ((u >> 16) & jnp.uint32(1))
    return lax.bitcast_convert_type(r & jnp.uint32(0xFFFF0000), jnp.float32)


def _dot(a, b):
    return jnp.dot(a.astype(jnp.bfloat16), b.astype(jnp.bfloat16),
                   preferred_element_type=jnp.float32)


def _dinv_body(p_ref, o_ref):
    dinv = lax.rsqrt(1.0 + jnp.concatenate(
        [p_ref[0, :N, 0:1], p_ref[1, :N, 0:1]], axis=0))
    o_ref[...] = dinv


def _dinv(p):
    return pl.pallas_call(
        _dinv_body,
        out_shape=jax.ShapeDtypeStruct((2 * N, 1), jnp.float32),
    )(p)


def _mm_body(x_ref, w_ref, d_ref, o_ref):
    o_ref[...] = _dot(x_ref[...], w_ref[...]) * d_ref[...]


_BM = 2000


def _matmul_scale(x, W, dinv):
    M, Fin = x.shape
    Fout = W.shape[1]
    return pl.pallas_call(
        _mm_body,
        grid=(M // _BM,),
        in_specs=[
            pl.BlockSpec((_BM, Fin), lambda m: (m, 0)),
            pl.BlockSpec((Fin, Fout), lambda m: (0, 0)),
            pl.BlockSpec((_BM, 1), lambda m: (m, 0)),
        ],
        out_specs=pl.BlockSpec((_BM, Fout), lambda m: (m, 0)),
        out_shape=jax.ShapeDtypeStruct((M, Fout), jnp.float32),
    )(x, W, dinv)


def _combine_body(do_relu, p_ref, h_ref, d_ref, b_ref, o_ref):
    y = d_ref[...] * (p_ref[0] + h_ref[...]) + b_ref[...]
    if do_relu:
        y = jnp.maximum(y, 0.0)
    o_ref[...] = _bf(y)


_NBG = N // _BM


def _combine(p, h, dinv, b, do_relu):
    M, F = h.shape
    return pl.pallas_call(
        functools.partial(_combine_body, do_relu),
        grid=(M // _BM,),
        in_specs=[
            pl.BlockSpec((1, _BM, F), lambda m: (m // _NBG, m % _NBG, 0)),
            pl.BlockSpec((_BM, F), lambda m: (m, 0)),
            pl.BlockSpec((_BM, 1), lambda m: (m, 0)),
            pl.BlockSpec((1, F), lambda m: (0, 0)),
        ],
        out_specs=pl.BlockSpec((_BM, F), lambda m: (m, 0)),
        out_shape=jax.ShapeDtypeStruct((M, F), jnp.float32),
    )(p, h, dinv, b)


def _tail_body(eq_ref, ec_ref, gs_ref, watt_ref, a_ref, wb_ref, bias_ref,
               wfc1_ref, bfc1_ref, wfc2_ref, bfc2_ref, o_ref):
    gs = gs_ref[...]

    def pool(emb):
        P = _dot(emb.reshape(-1, 16), watt_ref[...]).reshape(emb.shape)
        ctx = _bf(jnp.tanh(jnp.sum(P, axis=1) / gs))
        s = _bf(jax.nn.sigmoid(jnp.sum(emb * ctx[:, None, :], axis=2)))
        return jnp.sum(emb * s[:, :, None], axis=1)

    e1 = pool(eq_ref[...])
    e2 = pool(ec_ref[...])
    outer = _bf(e1[:, :, None] * e2[:, None, :])
    cols = []
    for k in range(16):
        t = jnp.sum(outer * _bf(a_ref[k]), axis=2)
        cols.append(jnp.sum(t, axis=1, keepdims=True))
    ntn = jnp.concatenate(cols, axis=1)
    cat = jnp.concatenate([e1, e2], axis=1)
    scores = ntn + _dot(cat, wb_ref[...]) + bias_ref[...]
    scores = jnp.maximum(scores, 0.0)
    h = jnp.maximum(_dot(scores, wfc1_ref[...]) + bfc1_ref[...], 0.0)
    p = jax.nn.sigmoid(_dot(h, wfc2_ref[...]) + bfc2_ref[...])
    o_ref[...] = -gs * jnp.log(p)


def _tail(eq, ec, gs, W_att, A_ntn, W_b, ntn_bias, W_fc1, b_fc1, W_fc2, b_fc2):
    B = gs.shape[0]
    return pl.pallas_call(
        _tail_body,
        out_shape=jax.ShapeDtypeStruct((B, 1), jnp.float32),
    )(eq, ec, gs, W_att, A_ntn, W_b, ntn_bias.reshape(1, -1),
      W_fc1, b_fc1.reshape(1, -1), W_fc2, b_fc2.reshape(1, -1))


def kernel(x_q, edge_index_q, x_c, edge_index_c, graph_sizes, W1, b1, W2, b2,
           W3, b3, W_att, A_ntn, W_b, ntn_bias, W_fc1, b_fc1, W_fc2, b_fc2):
    src4 = jnp.stack([edge_index_q[0].reshape(NS, NSLOTS, C),
                      (edge_index_c[0] + N).reshape(NS, NSLOTS, C)])
    dst4 = jnp.stack([edge_index_q[1].reshape(NS, NSLOTS, C),
                      edge_index_c[1].reshape(NS, NSLOTS, C)])

    dp = _degree_partials(dst4)
    dinv = _dinv(dp)

    x = jnp.concatenate([x_q, x_c], axis=0)

    def layer(x, W, b, F, do_relu):
        h = _matmul_scale(x, W, dinv)
        p = _segment_partials(h, src4, dst4, F)
        return _combine(p, h, dinv, b.reshape(1, -1), do_relu)

    y = layer(x, W1, b1, 64, True)
    y = layer(y, W2, b2, 32, True)
    y = layer(y, W3, b3, 16, False)

    B = graph_sizes.shape[0]
    eq = y[:N].reshape(B, N // B, 16)
    ec = y[N:].reshape(B, N // B, 16)
    ged = _tail(eq, ec, graph_sizes.reshape(B, 1), W_att, A_ntn, W_b,
                ntn_bias, W_fc1, b_fc1, W_fc2, b_fc2)
    return ged[:, 0]

# --- scband reference (transcript-rebuilt; emitter-appended) ---
"""Pipeline reference for scband-sim-gnntensorized-87694642250024 (READ-ONLY COPY).

The authoritative reference and input builder live on the scoring server;
editing this copy changes nothing except your own understanding.
"""

import jax, jax.numpy as jnp
import numpy as np

N = 10000; E = 320000; D = 128; F1 = 64; F2 = 32; F3 = 16; K = 16; BN = 16; B = 100; NP = 100


def setup_inputs(seed: int = 0):
    key = jax.random.key(seed)
    ks = jax.random.split(key, 24)
    inp = {}
    inp['x_q'] = jax.random.normal(ks[0], (N, D), dtype=jnp.float32)
    inp['edge_index_q'] = jax.random.randint(ks[1], (2, E), 0, N, dtype=jnp.int32)
    inp['x_c'] = jax.random.normal(ks[2], (N, D), dtype=jnp.float32)
    inp['edge_index_c'] = jax.random.randint(ks[3], (2, E), 0, N, dtype=jnp.int32)
    inp['graph_sizes'] = jnp.full((B,), float(NP), dtype=jnp.float32)
    def glorot(k, shape):
        fan_in = shape[0]; fan_out = shape[-1]
        s = (2.0 / (fan_in + fan_out)) ** 0.5
        return jax.random.normal(k, shape, dtype=jnp.float32) * s
    inp['W1'] = glorot(ks[4], (D, F1)); inp['b1'] = jnp.zeros((F1,), jnp.float32)
    inp['W2'] = glorot(ks[5], (F1, F2)); inp['b2'] = jnp.zeros((F2,), jnp.float32)
    inp['W3'] = glorot(ks[6], (F2, F3)); inp['b3'] = jnp.zeros((F3,), jnp.float32)
    inp['W_att'] = glorot(ks[7], (F3, F3))
    inp['A_ntn'] = jax.random.normal(ks[8], (K, F3, F3), dtype=jnp.float32) * 0.1
    inp['W_b'] = glorot(ks[9], (2 * F3, K))
    inp['ntn_bias'] = jax.random.normal(ks[10], (K,), dtype=jnp.float32) * 0.1
    inp['W_fc1'] = glorot(ks[11], (K, BN)); inp['b_fc1'] = jnp.zeros((BN,), jnp.float32)
    inp['W_fc2'] = glorot(ks[12], (BN, 1)); inp['b_fc2'] = jnp.zeros((1,), jnp.float32)
    return inp


def reference(x_q, edge_index_q, x_c, edge_index_c, graph_sizes, W1, b1, W2, b2, W3, b3, W_att, A_ntn, W_b, ntn_bias, W_fc1, b_fc1, W_fc2, b_fc2):
    def gcn(x, ei, W, b):
        n = x.shape[0]
        loops = jnp.arange(n, dtype=ei.dtype)
        src = jnp.concatenate([ei[0], loops])
        dst = jnp.concatenate([ei[1], loops])
        ones = jnp.ones(src.shape[0], dtype=x.dtype)
        deg = jax.ops.segment_sum(ones, dst, num_segments=n)
        dinv = jnp.where(deg > 0, deg ** -0.5, 0.0)
        norm = dinv[src] * dinv[dst]
        h = x @ W
        out = jax.ops.segment_sum(h[src] * norm[:, None], dst, num_segments=n)
        return out + b

    def gnn(x, ei):
        h = jax.nn.relu(gcn(x, ei, W1, b1))
        h = jax.nn.relu(gcn(h, ei, W2, b2))
        return gcn(h, ei, W3, b3)

    hq = gnn(x_q, edge_index_q).reshape(B, NP, F3)
    hc = gnn(x_c, edge_index_c).reshape(B, NP, F3)

    def pool(emb):
        ctx = jnp.tanh(jnp.sum(emb @ W_att, axis=1) / graph_sizes[:, None])
        s = jax.nn.sigmoid(jnp.einsum('bnf,bf->bn', emb, ctx))
        return jnp.einsum('bnf,bn->bf', emb, s)

    e1 = pool(hq)
    e2 = pool(hc)
    ntn = jnp.einsum('bi,kij,bj->bk', e1, A_ntn, e2)
    scores = jax.nn.relu(ntn + jnp.concatenate([e1, e2], axis=-1) @ W_b + ntn_bias)
    h = jax.nn.relu(scores @ W_fc1 + b_fc1)
    p = jax.nn.sigmoid(h @ W_fc2 + b_fc2)[:, 0]
    ged = -0.5 * (graph_sizes + graph_sizes) * jnp.log(p)
    return ged

if __name__ == "__main__":
    import jax
    _d = setup_inputs()
    print(jax.jit(kernel)(*tuple(_d.values())))

</pallas_src>

<mosaic_0001>
#map = affine_map<(d0, d1) -> (0, 0, 0, 0)>
#map1 = affine_map<(d0, d1) -> (0, 0)>
#map2 = affine_map<(d0, d1) -> (0, 0, 0)>
module attributes {stable_mosaic.version = 14 : i64} {
  func.func @_deg_body(%arg0: i32, %arg1: i32, %arg2: memref<2x16x160x125xi32, #tpu.memory_space<hbm>>, %arg3: memref<125x16xf32, #tpu.memory_space<hbm>>, %arg4: memref<632x16xf32, #tpu.memory_space<hbm>>, %arg5: memref<2x10112x16xf32, #tpu.memory_space<hbm>>, %arg6: memref<160x125xi32, #tpu.memory_space<vmem>>, %arg7: memref<125x16xf32, #tpu.memory_space<vmem>>, %arg8: memref<10112x16xf32, #tpu.memory_space<vmem_shared>>, %arg9: memref<!tpu.dma_semaphore, #tpu.memory_space<semaphore_mem>>) attributes {dimension_semantics = [#tpu.dimension_semantics<core_parallel>, #tpu.dimension_semantics<subcore_parallel>], iteration_bounds = array<i64: 2, 16>, scalar_prefetch = 0 : i64, scratch_operands = 4 : i64, tpu.core_type = #tpu.core_type<sc_vector_subcore>, window_params = [{transform_indices = #map}, {transform_indices = #map1}, {transform_indices = #map1}, {transform_indices = #map2}]} {
    "tpu.region"() ({
      %run_scoped3A = tpu.sem_alloc : memref<!tpu.dma_semaphore, #tpu.memory_space<semaphore_mem>>
      %dma_start3A = arith.constant 0 : i32
      %dma_start3A_9 = arith.constant 0 : i32
      %dma_start3A_10 = tpu.memref_slice %arg2[%arg0, %arg1, %dma_start3A, %dma_start3A_9] : memref<2x16x160x125xi32, #tpu.memory_space<hbm>> -> memref<1x1x160x125xi32, #tpu.memory_space<hbm>>
      %dma_start3A_11 = tpu.memref_squeeze %dma_start3A_10 : memref<1x1x160x125xi32, #tpu.memory_space<hbm>> -> memref<160x125xi32, #tpu.memory_space<hbm>>
      %dma_start3A_12 = arith.constant 0 : i32
      %dma_start3A_13 = arith.constant 0 : i32
      %dma_start3A_14 = tpu.memref_slice %arg2[%arg0, %arg1, %dma_start3A_12, %dma_start3A_13] : memref<2x16x160x125xi32, #tpu.memory_space<hbm>> -> memref<1x1x160x125xi32, #tpu.memory_space<hbm>>
      %dma_start3A_15 = tpu.memref_squeeze %dma_start3A_14 : memref<1x1x160x125xi32, #tpu.memory_space<hbm>> -> memref<160x125xi32, #tpu.memory_space<hbm>>
      tpu.enqueue_dma source(%dma_start3A_15 : memref<160x125xi32, #tpu.memory_space<hbm>>) target(%arg6 : memref<160x125xi32, #tpu.memory_space<vmem>>) target_semaphore(%run_scoped3A : memref<!tpu.dma_semaphore, #tpu.memory_space<semaphore_mem>>)
      %dma_wait3A = arith.constant 0 : i32
      %dma_wait3A_16 = arith.constant 0 : i32
      %dma_wait3A_17 = tpu.memref_slice %arg2[%arg0, %arg1, %dma_wait3A, %dma_wait3A_16] : memref<2x16x160x125xi32, #tpu.memory_space<hbm>> -> memref<1x1x160x125xi32, #tpu.memory_space<hbm>>
      %dma_wait3A_18 = tpu.memref_squeeze %dma_wait3A_17 : memref<1x1x160x125xi32, #tpu.memory_space<hbm>> -> memref<160x125xi32, #tpu.memory_space<hbm>>
      %dma_wait3A_19 = arith.constant 0 : i32
      %dma_wait3A_20 = arith.constant 0 : i32
      %dma_wait3A_21 = tpu.memref_slice %arg2[%arg0, %arg1, %dma_wait3A_19, %dma_wait3A_20] : memref<2x16x160x125xi32, #tpu.memory_space<hbm>> -> memref<1x1x160x125xi32, #tpu.memory_space<hbm>>
      %dma_wait3A_22 = tpu.memref_squeeze %dma_wait3A_21 : memref<1x1x160x125xi32, #tpu.memory_space<hbm>> -> memref<160x125xi32, #tpu.memory_space<hbm>>
      tpu.wait_dma2 semaphore(%run_scoped3A : memref<!tpu.dma_semaphore, #tpu.memory_space<semaphore_mem>>) src(%dma_wait3A_22 : memref<160x125xi32, #tpu.memory_space<hbm>>) dst(%arg6 : memref<160x125xi32, #tpu.memory_space<vmem>>)
      tpu.yield
    }) : () -> ()
    "tpu.region"() ({
      %run_scoped3A = tpu.sem_alloc : memref<!tpu.dma_semaphore, #tpu.memory_space<semaphore_mem>>
      tpu.enqueue_dma source(%arg3 : memref<125x16xf32, #tpu.memory_space<hbm>>) target(%arg7 : memref<125x16xf32, #tpu.memory_space<vmem>>) target_semaphore(%run_scoped3A : memref<!tpu.dma_semaphore, #tpu.memory_space<semaphore_mem>>)
      tpu.wait_dma2 semaphore(%run_scoped3A : memref<!tpu.dma_semaphore, #tpu.memory_space<semaphore_mem>>) src(%arg3 : memref<125x16xf32, #tpu.memory_space<hbm>>) dst(%arg7 : memref<125x16xf32, #tpu.memory_space<vmem>>)
      tpu.yield
    }) : () -> ()
    %mul3A = arith.constant 632 : i32
    %mul3A_0 = arith.muli %arg1, %mul3A : i32
    "tpu.region"() ({
      %run_scoped3A = tpu.sem_alloc : memref<!tpu.dma_semaphore, #tpu.memory_space<semaphore_mem>>
      %dma_start3A = arith.constant 0 : i32
      %dma_start3A_9 = tpu.memref_slice %arg8[%mul3A_0, %dma_start3A] : memref<10112x16xf32, #tpu.memory_space<vmem_shared>> -> memref<632x16xf32, #tpu.memory_space<vmem_shared>>
      tpu.enqueue_dma source(%arg4 : memref<632x16xf32, #tpu.memory_space<hbm>>) target(%dma_start3A_9 : memref<632x16xf32, #tpu.memory_space<vmem_shared>>) target_semaphore(%run_scoped3A : memref<!tpu.dma_semaphore, #tpu.memory_space<semaphore_mem>>)
      %dma_wait3A = arith.constant 0 : i32
      %dma_wait3A_10 = tpu.memref_slice %arg8[%mul3A_0, %dma_wait3A] : memref<10112x16xf32, #tpu.memory_space<vmem_shared>> -> memref<632x16xf32, #tpu.memory_space<vmem_shared>>
      tpu.wait_dma2 semaphore(%run_scoped3A : memref<!tpu.dma_semaphore, #tpu.memory_space<semaphore_mem>>) src(%arg4 : memref<632x16xf32, #tpu.memory_space<hbm>>) dst(%dma_wait3A_10 : memref<632x16xf32, #tpu.memory_space<vmem_shared>>)
      tpu.yield
    }) : () -> ()
    %barrier3A = arith.constant 0 : index
    tpu.barrier barrier_id(%barrier3A)
    %scan3A = arith.constant 0 : i32
    %scan3A_1 = arith.constant 0 : i32
    %scan3A_2 = arith.constant 20 : i32
    %scan3A_3 = arith.addi %scan3A_1, %scan3A_2 : i32
    %scan3A_4 = arith.constant 1 : i32
    scf.for %scan3A_9 = %scan3A_1 to %scan3A_3 step %scan3A_4  : i32 {
      %mul3A_10 = arith.constant 8 : i32
      %mul3A_11 = arith.muli %mul3A_10, %scan3A_9 : i32
      %add3A = arith.constant 0 : i32
      %add3A_12 = arith.addi %mul3A_11, %add3A : i32
      %dma_start3A = arith.constant 0 : i32
      %dma_start3A_13 = tpu.memref_slice %arg6[%add3A_12, %dma_start3A] : memref<160x125xi32, #tpu.memory_space<vmem>> -> memref<1x125xi32, #tpu.memory_space<vmem>>
      %dma_start3A_14 = tpu.memref_squeeze %dma_start3A_13 : memref<1x125xi32, #tpu.memory_space<vmem>> -> memref<125xi32, #tpu.memory_space<vmem>>
      %dma_start3A_15 = arith.constant 0 : i32
      %dma_start3A_16 = arith.constant 0 : i32
      %dma_start3A_17 = tpu.memref_slice %arg8[%dma_start3A_15, %dma_start3A_16] : memref<10112x16xf32, #tpu.memory_space<vmem_shared>> -> memref<10112x16xf32, #tpu.memory_space<vmem_shared>>
      tpu.enqueue_indirect_dma source(%arg7 : memref<125x16xf32, #tpu.memory_space<vmem>>) target(%dma_start3A_17 : memref<10112x16xf32, #tpu.memory_space<vmem_shared>>) offsets(%dma_start3A_14 : memref<125xi32, #tpu.memory_space<vmem>>) semaphore(%arg9 : memref<!tpu.dma_semaphore, #tpu.memory_space<semaphore_mem>>) {add = true}
      %mul3A_18 = arith.constant 8 : i32
      %mul3A_19 = arith.muli %mul3A_18, %scan3A_9 : i32
      %add3A_20 = arith.constant 1 : i32
      %add3A_21 = arith.addi %mul3A_19, %add3A_20 : i32
      %dma_start3A_22 = arith.constant 0 : i32
      %dma_start3A_23 = tpu.memref_slice %arg6[%add3A_21, %dma_start3A_22] : memref<160x125xi32, #tpu.memory_space<vmem>> -> memref<1x125xi32, #tpu.memory_space<vmem>>
      %dma_start3A_24 = tpu.memref_squeeze %dma_start3A_23 : memref<1x125xi32, #tpu.memory_space<vmem>> -> memref<125xi32, #tpu.memory_space<vmem>>
      %dma_start3A_25 = arith.constant 0 : i32
      %dma_start3A_26 = arith.constant 0 : i32
      %dma_start3A_27 = tpu.memref_slice %arg8[%dma_start3A_25, %dma_start3A_26] : memref<10112x16xf32, #tpu.memory_space<vmem_shared>> -> memref<10112x16xf32, #tpu.memory_space<vmem_shared>>
      tpu.enqueue_indirect_dma source(%arg7 : memref<125x16xf32, #tpu.memory_space<vmem>>) target(%dma_start3A_27 : memref<10112x16xf32, #tpu.memory_space<vmem_shared>>) offsets(%dma_start3A_24 : memref<125xi32, #tpu.memory_space<vmem>>) semaphore(%arg9 : memref<!tpu.dma_semaphore, #tpu.memory_space<semaphore_mem>>) {add = true}
      %mul3A_28 = arith.constant 8 : i32
      %mul3A_29 = arith.muli %mul3A_28, %scan3A_9 : i32
      %add3A_30 = arith.constant 2 : i32
      %add3A_31 = arith.addi %mul3A_29, %add3A_30 : i32
      %dma_start3A_32 = arith.constant 0 : i32
      %dma_start3A_33 = tpu.memref_slice %arg6[%add3A_31, %dma_start3A_32] : memref<160x125xi32, #tpu.memory_space<vmem>> -> memref<1x125xi32, #tpu.memory_space<vmem>>
      %dma_start3A_34 = tpu.memref_squeeze %dma_start3A_33 : memref<1x125xi32, #tpu.memory_space<vmem>> -> memref<125xi32, #tpu.memory_space<vmem>>
      %dma_start3A_35 = arith.constant 0 : i32
      %dma_start3A_36 = arith.constant 0 : i32
      %dma_start3A_37 = tpu.memref_slice %arg8[%dma_start3A_35, %dma_start3A_36] : memref<10112x16xf32, #tpu.memory_space<vmem_shared>> -> memref<10112x16xf32, #tpu.memory_space<vmem_shared>>
      tpu.enqueue_indirect_dma source(%arg7 : memref<125x16xf32, #tpu.memory_space<vmem>>) target(%dma_start3A_37 : memref<10112x16xf32, #tpu.memory_space<vmem_shared>>) offsets(%dma_start3A_34 : memref<125xi32, #tpu.memory_space<vmem>>) semaphore(%arg9 : memref<!tpu.dma_semaphore, #tpu.memory_space<semaphore_mem>>) {add = true}
      %mul3A_38 = arith.constant 8 : i32
      %mul3A_39 = arith.muli %mul3A_38, %scan3A_9 : i32
      %add3A_40 = arith.constant 3 : i32
      %add3A_41 = arith.addi %mul3A_39, %add3A_40 : i32
      %dma_start3A_42 = arith.constant 0 : i32
      %dma_start3A_43 = tpu.memref_slice %arg6[%add3A_41, %dma_start3A_42] : memref<160x125xi32, #tpu.memory_space<vmem>> -> memref<1x125xi32, #tpu.memory_space<vmem>>
      %dma_start3A_44 = tpu.memref_squeeze %dma_start3A_43 : memref<1x125xi32, #tpu.memory_space<vmem>> -> memref<125xi32, #tpu.memory_space<vmem>>
      %dma_start3A_45 = arith.constant 0 : i32
      %dma_start3A_46 = arith.constant 0 : i32
      %dma_start3A_47 = tpu.memref_slice %arg8[%dma_start3A_45, %dma_start3A_46] : memref<10112x16xf32, #tpu.memory_space<vmem_shared>> -> memref<10112x16xf32, #tpu.memory_space<vmem_shared>>
      tpu.enqueue_indirect_dma source(%arg7 : memref<125x16xf32, #tpu.memory_space<vmem>>) target(%dma_start3A_47 : memref<10112x16xf32, #tpu.memory_space<vmem_shared>>) offsets(%dma_start3A_44 : memref<125xi32, #tpu.memory_space<vmem>>) semaphore(%arg9 : memref<!tpu.dma_semaphore, #tpu.memory_space<semaphore_mem>>) {add = true}
      %mul3A_48 = arith.constant 8 : i32
      %mul3A_49 = arith.muli %mul3A_48, %scan3A_9 : i32
      %add3A_50 = arith.constant 4 : i32
      %add3A_51 = arith.addi %mul3A_49, %add3A_50 : i32
      %dma_start3A_52 = arith.constant 0 : i32
      %dma_start3A_53 = tpu.memref_slice %arg6[%add3A_51, %dma_start3A_52] : memref<160x125xi32, #tpu.memory_space<vmem>> -> memref<1x125xi32, #tpu.memory_space<vmem>>
      %dma_start3A_54 = tpu.memref_squeeze %dma_start3A_53 : memref<1x125xi32, #tpu.memory_space<vmem>> -> memref<125xi32, #tpu.memory_space<vmem>>
      %dma_start3A_55 = arith.constant 0 : i32
      %dma_start3A_56 = arith.constant 0 : i32
      %dma_start3A_57 = tpu.memref_slice %arg8[%dma_start3A_55, %dma_start3A_56] : memref<10112x16xf32, #tpu.memory_space<vmem_shared>> -> memref<10112x16xf32, #tpu.memory_space<vmem_shared>>
      tpu.enqueue_indirect_dma source(%arg7 : memref<125x16xf32, #tpu.memory_space<vmem>>) target(%dma_start3A_57 : memref<10112x16xf32, #tpu.memory_space<vmem_shared>>) offsets(%dma_start3A_54 : memref<125xi32, #tpu.memory_space<vmem>>) semaphore(%arg9 : memref<!tpu.dma_semaphore, #tpu.memory_space<semaphore_mem>>) {add = true}
      %mul3A_58 = arith.constant 8 : i32
      %mul3A_59 = arith.muli %mul3A_58, %scan3A_9 : i32
      %add3A_60 = arith.constant 5 : i32
      %add3A_61 = arith.addi %mul3A_59, %add3A_60 : i32
      %dma_start3A_62 = arith.constant 0 : i32
      %dma_start3A_63 = tpu.memref_slice %arg6[%add3A_61, %dma_start3A_62] : memref<160x125xi32, #tpu.memory_space<vmem>> -> memref<1x125xi32, #tpu.memory_space<vmem>>
      %dma_start3A_64 = tpu.memref_squeeze %dma_start3A_63 : memref<1x125xi32, #tpu.memory_space<vmem>> -> memref<125xi32, #tpu.memory_space<vmem>>
      %dma_start3A_65 = arith.constant 0 : i32
      %dma_start3A_66 = arith.constant 0 : i32
      %dma_start3A_67 = tpu.memref_slice %arg8[%dma_start3A_65, %dma_start3A_66] : memref<10112x16xf32, #tpu.memory_space<vmem_shared>> -> memref<10112x16xf32, #tpu.memory_space<vmem_shared>>
      tpu.enqueue_indirect_dma source(%arg7 : memref<125x16xf32, #tpu.memory_space<vmem>>) target(%dma_start3A_67 : memref<10112x16xf32, #tpu.memory_space<vmem_shared>>) offsets(%dma_start3A_64 : memref<125xi32, #tpu.memory_space<vmem>>) semaphore(%arg9 : memref<!tpu.dma_semaphore, #tpu.memory_space<semaphore_mem>>) {add = true}
      %mul3A_68 = arith.constant 8 : i32
      %mul3A_69 = arith.muli %mul3A_68, %scan3A_9 : i32
      %add3A_70 = arith.constant 6 : i32
      %add3A_71 = arith.addi %mul3A_69, %add3A_70 : i32
      %dma_start3A_72 = arith.constant 0 : i32
      %dma_start3A_73 = tpu.memref_slice %arg6[%add3A_71, %dma_start3A_72] : memref<160x125xi32, #tpu.memory_space<vmem>> -> memref<1x125xi32, #tpu.memory_space<vmem>>
      %dma_start3A_74 = tpu.memref_squeeze %dma_start3A_73 : memref<1x125xi32, #tpu.memory_space<vmem>> -> memref<125xi32, #tpu.memory_space<vmem>>
      %dma_start3A_75 = arith.constant 0 : i32
      %dma_start3A_76 = arith.constant 0 : i32
      %dma_start3A_77 = tpu.memref_slice %arg8[%dma_start3A_75, %dma_start3A_76] : memref<10112x16xf32, #tpu.memory_space<vmem_shared>> -> memref<10112x16xf32, #tpu.memory_space<vmem_shared>>
      tpu.enqueue_indirect_dma source(%arg7 : memref<125x16xf32, #tpu.memory_space<vmem>>) target(%dma_start3A_77 : memref<10112x16xf32, #tpu.memory_space<vmem_shared>>) offsets(%dma_start3A_74 : memref<125xi32, #tpu.memory_space<vmem>>) semaphore(%arg9 : memref<!tpu.dma_semaphore, #tpu.memory_space<semaphore_mem>>) {add = true}
      %mul3A_78 = arith.constant 8 : i32
      %mul3A_79 = arith.muli %mul3A_78, %scan3A_9 : i32
      %add3A_80 = arith.constant 7 : i32
      %add3A_81 = arith.addi %mul3A_79, %add3A_80 : i32
      %dma_start3A_82 = arith.constant 0 : i32
      %dma_start3A_83 = tpu.memref_slice %arg6[%add3A_81, %dma_start3A_82] : memref<160x125xi32, #tpu.memory_space<vmem>> -> memref<1x125xi32, #tpu.memory_space<vmem>>
      %dma_start3A_84 = tpu.memref_squeeze %dma_start3A_83 : memref<1x125xi32, #tpu.memory_space<vmem>> -> memref<125xi32, #tpu.memory_space<vmem>>
      %dma_start3A_85 = arith.constant 0 : i32
      %dma_start3A_86 = arith.constant 0 : i32
      %dma_start3A_87 = tpu.memref_slice %arg8[%dma_start3A_85, %dma_start3A_86] : memref<10112x16xf32, #tpu.memory_space<vmem_shared>> -> memref<10112x16xf32, #tpu.memory_space<vmem_shared>>
      tpu.enqueue_indirect_dma source(%arg7 : memref<125x16xf32, #tpu.memory_space<vmem>>) target(%dma_start3A_87 : memref<10112x16xf32, #tpu.memory_space<vmem_shared>>) offsets(%dma_start3A_84 : memref<125xi32, #tpu.memory_space<vmem>>) semaphore(%arg9 : memref<!tpu.dma_semaphore, #tpu.memory_space<semaphore_mem>>) {add = true}
      %dma_wait3A = arith.constant 0 : i32
      %dma_wait3A_88 = arith.constant 0 : i32
      %dma_wait3A_89 = tpu.memref_slice %arg6[%dma_wait3A, %dma_wait3A_88] : memref<160x125xi32, #tpu.memory_space<vmem>> -> memref<1x125xi32, #tpu.memory_space<vmem>>
      %dma_wait3A_90 = tpu.memref_squeeze %dma_wait3A_89 : memref<1x125xi32, #tpu.memory_space<vmem>> -> memref<125xi32, #tpu.memory_space<vmem>>
      %dma_wait3A_91 = arith.constant 0 : i32
      %dma_wait3A_92 = arith.constant 0 : i32
      %dma_wait3A_93 = tpu.memref_slice %arg8[%dma_wait3A_91, %dma_wait3A_92] : memref<10112x16xf32, #tpu.memory_space<vmem_shared>> -> memref<10112x16xf32, #tpu.memory_space<vmem_shared>>
      tpu.wait_indirect_dma semaphore(%arg9 : memref<!tpu.dma_semaphore, #tpu.memory_space<semaphore_mem>>) src(%arg7 : memref<125x16xf32, #tpu.memory_space<vmem>>) dst(%dma_wait3A_93 : memref<10112x16xf32, #tpu.memory_space<vmem_shared>>)
      %dma_wait3A_94 = arith.constant 0 : i32
      %dma_wait3A_95 = arith.constant 0 : i32
      %dma_wait3A_96 = tpu.memref_slice %arg6[%dma_wait3A_94, %dma_wait3A_95] : memref<160x125xi32, #tpu.memory_space<vmem>> -> memref<1x125xi32, #tpu.memory_space<vmem>>
      %dma_wait3A_97 = tpu.memref_squeeze %dma_wait3A_96 : memref<1x125xi32, #tpu.memory_space<vmem>> -> memref<125xi32, #tpu.memory_space<vmem>>
      %dma_wait3A_98 = arith.constant 0 : i32
      %dma_wait3A_99 = arith.constant 0 : i32
      %dma_wait3A_100 = tpu.memref_slice %arg8[%dma_wait3A_98, %dma_wait3A_99] : memref<10112x16xf32, #tpu.memory_space<vmem_shared>> -> memref<10112x16xf32, #tpu.memory_space<vmem_shared>>
      tpu.wait_indirect_dma semaphore(%arg9 : memref<!tpu.dma_semaphore, #tpu.memory_space<semaphore_mem>>) src(%arg7 : memref<125x16xf32, #tpu.memory_space<vmem>>) dst(%dma_wait3A_100 : memref<10112x16xf32, #tpu.memory_space<vmem_shared>>)
      %dma_wait3A_101 = arith.constant 0 : i32
      %dma_wait3A_102 = arith.constant 0 : i32
      %dma_wait3A_103 = tpu.memref_slice %arg6[%dma_wait3A_101, %dma_wait3A_102] : memref<160x125xi32, #tpu.memory_space<vmem>> -> memref<1x125xi32, #tpu.memory_space<vmem>>
      %dma_wait3A_104 = tpu.memref_squeeze %dma_wait3A_103 : memref<1x125xi32, #tpu.memory_space<vmem>> -> memref<125xi32, #tpu.memory_space<vmem>>
      %dma_wait3A_105 = arith.constant 0 : i32
      %dma_wait3A_106 = arith.constant 0 : i32
      %dma_wait3A_107 = tpu.memref_slice %arg8[%dma_wait3A_105, %dma_wait3A_106] : memref<10112x16xf32, #tpu.memory_space<vmem_shared>> -> memref<10112x16xf32, #tpu.memory_space<vmem_shared>>
      tpu.wait_indirect_dma semaphore(%arg9 : memref<!tpu.dma_semaphore, #tpu.memory_space<semaphore_mem>>) src(%arg7 : memref<125x16xf32, #tpu.memory_space<vmem>>) dst(%dma_wait3A_107 : memref<10112x16xf32, #tpu.memory_space<vmem_shared>>)
      %dma_wait3A_108 = arith.constant 0 : i32
      %dma_wait3A_109 = arith.constant 0 : i32
      %dma_wait3A_110 = tpu.memref_slice %arg6[%dma_wait3A_108, %dma_wait3A_109] : memref<160x125xi32, #tpu.memory_space<vmem>> -> memref<1x125xi32, #tpu.memory_space<vmem>>
      %dma_wait3A_111 = tpu.memref_squeeze %dma_wait3A_110 : memref<1x125xi32, #tpu.memory_space<vmem>> -> memref<125xi32, #tpu.memory_space<vmem>>
      %dma_wait3A_112 = arith.constant 0 : i32
      %dma_wait3A_113 = arith.constant 0 : i32
      %dma_wait3A_114 = tpu.memref_slice %arg8[%dma_wait3A_112, %dma_wait3A_113] : memref<10112x16xf32, #tpu.memory_space<vmem_shared>> -> memref<10112x16xf32, #tpu.memory_space<vmem_shared>>
      tpu.wait_indirect_dma semaphore(%arg9 : memref<!tpu.dma_semaphore, #tpu.memory_space<semaphore_mem>>) src(%arg7 : memref<125x16xf32, #tpu.memory_space<vmem>>) dst(%dma_wait3A_114 : memref<10112x16xf32, #tpu.memory_space<vmem_shared>>)
      %dma_wait3A_115 = arith.constant 0 : i32
      %dma_wait3A_116 = arith.constant 0 : i32
      %dma_wait3A_117 = tpu.memref_slice %arg6[%dma_wait3A_115, %dma_wait3A_116] : memref<160x125xi32, #tpu.memory_space<vmem>> -> memref<1x125xi32, #tpu.memory_space<vmem>>
      %dma_wait3A_118 = tpu.memref_squeeze %dma_wait3A_117 : memref<1x125xi32, #tpu.memory_space<vmem>> -> memref<125xi32, #tpu.memory_space<vmem>>
      %dma_wait3A_119 = arith.constant 0 : i32
      %dma_wait3A_120 = arith.constant 0 : i32
      %dma_wait3A_121 = tpu.memref_slice %arg8[%dma_wait3A_119, %dma_wait3A_120] : memref<10112x16xf32, #tpu.memory_space<vmem_shared>> -> memref<10112x16xf32, #tpu.memory_space<vmem_shared>>
      tpu.wait_indirect_dma semaphore(%arg9 : memref<!tpu.dma_semaphore, #tpu.memory_space<semaphore_mem>>) src(%arg7 : memref<125x16xf32, #tpu.memory_space<vmem>>) dst(%dma_wait3A_121 : memref<10112x16xf32, #tpu.memory_space<vmem_shared>>)
      %dma_wait3A_122 = arith.constant 0 : i32
      %dma_wait3A_123 = arith.constant 0 : i32
      %dma_wait3A_124 = tpu.memref_slice %arg6[%dma_wait3A_122, %dma_wait3A_123] : memref<160x125xi32, #tpu.memory_space<vmem>> -> memref<1x125xi32, #tpu.memory_space<vmem>>
      %dma_wait3A_125 = tpu.memref_squeeze %dma_wait3A_124 : memref<1x125xi32, #tpu.memory_space<vmem>> -> memref<125xi32, #tpu.memory_space<vmem>>
      %dma_wait3A_126 = arith.constant 0 : i32
      %dma_wait3A_127 = arith.constant 0 : i32
      %dma_wait3A_128 = tpu.memref_slice %arg8[%dma_wait3A_126, %dma_wait3A_127] : memref<10112x16xf32, #tpu.memory_space<vmem_shared>> -> memref<10112x16xf32, #tpu.memory_space<vmem_shared>>
      tpu.wait_indirect_dma semaphore(%arg9 : memref<!tpu.dma_semaphore, #tpu.memory_space<semaphore_mem>>) src(%arg7 : memref<125x16xf32, #tpu.memory_space<vmem>>) dst(%dma_wait3A_128 : memref<10112x16xf32, #tpu.memory_space<vmem_shared>>)
      %dma_wait3A_129 = arith.constant 0 : i32
      %dma_wait3A_130 = arith.constant 0 : i32
      %dma_wait3A_131 = tpu.memref_slice %arg6[%dma_wait3A_129, %dma_wait3A_130] : memref<160x125xi32, #tpu.memory_space<vmem>> -> memref<1x125xi32, #tpu.memory_space<vmem>>
      %dma_wait3A_132 = tpu.memref_squeeze %dma_wait3A_131 : memref<1x125xi32, #tpu.memory_space<vmem>> -> memref<125xi32, #tpu.memory_space<vmem>>
      %dma_wait3A_133 = arith.constant 0 : i32
      %dma_wait3A_134 = arith.constant 0 : i32
      %dma_wait3A_135 = tpu.memref_slice %arg8[%dma_wait3A_133, %dma_wait3A_134] : memref<10112x16xf32, #tpu.memory_space<vmem_shared>> -> memref<10112x16xf32, #tpu.memory_space<vmem_shared>>
      tpu.wait_indirect_dma semaphore(%arg9 : memref<!tpu.dma_semaphore, #tpu.memory_space<semaphore_mem>>) src(%arg7 : memref<125x16xf32, #tpu.memory_space<vmem>>) dst(%dma_wait3A_135 : memref<10112x16xf32, #tpu.memory_space<vmem_shared>>)
      %dma_wait3A_136 = arith.constant 0 : i32
      %dma_wait3A_137 = arith.constant 0 : i32
      %dma_wait3A_138 = tpu.memref_slice %arg6[%dma_wait3A_136, %dma_wait3A_137] : memref<160x125xi32, #tpu.memory_space<vmem>> -> memref<1x125xi32, #tpu.memory_space<vmem>>
      %dma_wait3A_139 = tpu.memref_squeeze %dma_wait3A_138 : memref<1x125xi32, #tpu.memory_space<vmem>> -> memref<125xi32, #tpu.memory_space<vmem>>
      %dma_wait3A_140 = arith.constant 0 : i32
      %dma_wait3A_141 = arith.constant 0 : i32
      %dma_wait3A_142 = tpu.memref_slice %arg8[%dma_wait3A_140, %dma_wait3A_141] : memref<10112x16xf32, #tpu.memory_space<vmem_shared>> -> memref<10112x16xf32, #tpu.memory_space<vmem_shared>>
      tpu.wait_indirect_dma semaphore(%arg9 : memref<!tpu.dma_semaphore, #tpu.memory_space<semaphore_mem>>) src(%arg7 : memref<125x16xf32, #tpu.memory_space<vmem>>) dst(%dma_wait3A_142 : memref<10112x16xf32, #tpu.memory_space<vmem_shared>>)
    }
    %scan3A_5 = arith.constant 20 : i32
    %barrier3A_6 = arith.constant 0 : index
    tpu.barrier barrier_id(%barrier3A_6)
    %mul3A_7 = arith.constant 632 : i32
    %mul3A_8 = arith.muli %arg1, %mul3A_7 : i32
    "tpu.region"() ({
      %run_scoped3A = tpu.sem_alloc : memref<!tpu.dma_semaphore, #tpu.memory_space<semaphore_mem>>
      %dma_start3A = arith.constant 0 : i32
      %dma_start3A_9 = tpu.memref_slice %arg5[%arg0, %mul3A_8, %dma_start3A] : memref<2x10112x16xf32, #tpu.memory_space<hbm>> -> memref<1x632x16xf32, #tpu.memory_space<hbm>>
      %dma_start3A_10 = tpu.memref_squeeze %dma_start3A_9 : memref<1x632x16xf32, #tpu.memory_space<hbm>> -> memref<632x16xf32, #tpu.memory_space<hbm>>
      %dma_start3A_11 = arith.constant 0 : i32
      %dma_start3A_12 = tpu.memref_slice %arg8[%mul3A_8, %dma_start3A_11] : memref<10112x16xf32, #tpu.memory_space<vmem_shared>> -> memref<632x16xf32, #tpu.memory_space<vmem_shared>>
      tpu.enqueue_dma source(%dma_start3A_12 : memref<632x16xf32, #tpu.memory_space<vmem_shared>>) target(%dma_start3A_10 : memref<632x16xf32, #tpu.memory_space<hbm>>) target_semaphore(%run_scoped3A : memref<!tpu.dma_semaphore, #tpu.memory_space<semaphore_mem>>)
      %dma_wait3A = arith.constant 0 : i32
      %dma_wait3A_13 = tpu.memref_slice %arg5[%arg0, %mul3A_8, %dma_wait3A] : memref<2x10112x16xf32, #tpu.memory_space<hbm>> -> memref<1x632x16xf32, #tpu.memory_space<hbm>>
      %dma_wait3A_14 = tpu.memref_squeeze %dma_wait3A_13 : memref<1x632x16xf32, #tpu.memory_space<hbm>> -> memref<632x16xf32, #tpu.memory_space<hbm>>
      %dma_wait3A_15 = arith.constant 0 : i32
      %dma_wait3A_16 = tpu.memref_slice %arg8[%mul3A_8, %dma_wait3A_15] : memref<10112x16xf32, #tpu.memory_space<vmem_shared>> -> memref<632x16xf32, #tpu.memory_space<vmem_shared>>
      tpu.wait_dma2 semaphore(%run_scoped3A : memref<!tpu.dma_semaphore, #tpu.memory_space<semaphore_mem>>) src(%dma_wait3A_16 : memref<632x16xf32, #tpu.memory_space<vmem_shared>>) dst(%dma_wait3A_14 : memref<632x16xf32, #tpu.memory_space<hbm>>)
      tpu.yield
    }) : () -> ()
    return
  }
}

#map = affine_map<(d0, d1) -> (0, 0)>
#map1 = affine_map<(d0, d1) -> (0, 0, 0, 0)>
#map2 = affine_map<(d0, d1) -> (0, 0, 0)>
module attributes {stable_mosaic.version = 14 : i64} {
  func.func @_seg_body(%arg0: i32, %arg1: i32, %arg2: memref<20000x32xf32, #tpu.memory_space<hbm>>, %arg3: memref<2x16x160x125xi32, #tpu.memory_space<hbm>>, %arg4: memref<2x16x160x125xi32, #tpu.memory_space<hbm>>, %arg5: memref<632x32xf32, #tpu.memory_space<hbm>>, %arg6: memref<2x10112x32xf32, #tpu.memory_space<hbm>>, %arg7: memref<160x125xi32, #tpu.memory_space<vmem>>, %arg8: memref<160x125xi32, #tpu.memory_space<vmem>>, %arg9: memref<125x32xf32, #tpu.memory_space<vmem>>, %arg10: memref<125x32xf32, #tpu.memory_space<vmem>>, %arg11: memref<125x32xf32, #tpu.memory_space<vmem>>, %arg12: memref<125x32xf32, #tpu.memory_space<vmem>>, %arg13: memref<10112x32xf32, #tpu.memory_space<vmem_shared>>, %arg14: memref<!tpu.dma_semaphore, #tpu.memory_space<semaphore_mem>>, %arg15: memref<!tpu.dma_semaphore, #tpu.memory_space<semaphore_mem>>, %arg16: memref<!tpu.dma_semaphore, #tpu.memory_space<semaphore_mem>>, %arg17: memref<!tpu.dma_semaphore, #tpu.memory_space<semaphore_mem>>, %arg18: memref<!tpu.dma_semaphore, #tpu.memory_space<semaphore_mem>>, %arg19: memref<!tpu.dma_semaphore, #tpu.memory_space<semaphore_mem>>, %arg20: memref<!tpu.dma_semaphore, #tpu.memory_space<semaphore_mem>>, %arg21: memref<!tpu.dma_semaphore, #tpu.memory_space<semaphore_mem>>) attributes {dimension_semantics = [#tpu.dimension_semantics<core_parallel>, #tpu.dimension_semantics<subcore_parallel>], iteration_bounds = array<i64: 2, 16>, scalar_prefetch = 0 : i64, scratch_operands = 15 : i64, tpu.core_type = #tpu.core_type<sc_vector_subcore>, window_params = [{transform_indices = #map}, {transform_indices = #map1}, {transform_indices = #map1}, {transform_indices = #map}, {transform_indices = #map2}]} {
    "tpu.region"() ({
      %run_scoped3A = tpu.sem_alloc : memref<!tpu.dma_semaphore, #tpu.memory_space<semaphore_mem>>
      %dma_start3A_119 = arith.constant 0 : i32
      %dma_start3A_120 = arith.constant 0 : i32
      %dma_start3A_121 = tpu.memref_slice %arg3[%arg0, %arg1, %dma_start3A_119, %dma_start3A_120] : memref<2x16x160x125xi32, #tpu.memory_space<hbm>> -> memref<1x1x160x125xi32, #tpu.memory_space<hbm>>
      %dma_start3A_122 = tpu.memref_squeeze %dma_start3A_121 : memref<1x1x160x125xi32, #tpu.memory_space<hbm>> -> memref<160x125xi32, #tpu.memory_space<hbm>>
      %dma_start3A_123 = arith.constant 0 : i32
      %dma_start3A_124 = arith.constant 0 : i32
      %dma_start3A_125 = tpu.memref_slice %arg3[%arg0, %arg1, %dma_start3A_123, %dma_start3A_124] : memref<2x16x160x125xi32, #tpu.memory_space<hbm>> -> memref<1x1x160x125xi32, #tpu.memory_space<hbm>>
      %dma_start3A_126 = tpu.memref_squeeze %dma_start3A_125 : memref<1x1x160x125xi32, #tpu.memory_space<hbm>> -> memref<160x125xi32, #tpu.memory_space<hbm>>
      tpu.enqueue_dma source(%dma_start3A_126 : memref<160x125xi32, #tpu.memory_space<hbm>>) target(%arg7 : memref<160x125xi32, #tpu.memory_space<vmem>>) target_semaphore(%run_scoped3A : memref<!tpu.dma_semaphore, #tpu.memory_space<semaphore_mem>>)
      %dma_wait3A_127 = arith.constant 0 : i32
      %dma_wait3A_128 = arith.constant 0 : i32
      %dma_wait3A_129 = tpu.memref_slice %arg3[%arg0, %arg1, %dma_wait3A_127, %dma_wait3A_128] : memref<2x16x160x125xi32, #tpu.memory_space<hbm>> -> memref<1x1x160x125xi32, #tpu.memory_space<hbm>>
      %dma_wait3A_130 = tpu.memref_squeeze %dma_wait3A_129 : memref<1x1x160x125xi32, #tpu.memory_space<hbm>> -> memref<160x125xi32, #tpu.memory_space<hbm>>
      %dma_wait3A_131 = arith.constant 0 : i32
      %dma_wait3A_132 = arith.constant 0 : i32
      %dma_wait3A_133 = tpu.memref_slice %arg3[%arg0, %arg1, %dma_wait3A_131, %dma_wait3A_132] : memref<2x16x160x125xi32, #tpu.memory_space<hbm>> -> memref<1x1x160x125xi32, #tpu.memory_space<hbm>>
      %dma_wait3A_134 = tpu.memref_squeeze %dma_wait3A_133 : memref<1x1x160x125xi32, #tpu.memory_space<hbm>> -> memref<160x125xi32, #tpu.memory_space<hbm>>
      tpu.wait_dma2 semaphore(%run_scoped3A : memref<!tpu.dma_semaphore, #tpu.memory_space<semaphore_mem>>) src(%dma_wait3A_134 : memref<160x125xi32, #tpu.memory_space<hbm>>) dst(%arg7 : memref<160x125xi32, #tpu.memory_space<vmem>>)
      tpu.yield
    }) : () -> ()
    "tpu.region"() ({
      %run_scoped3A = tpu.sem_alloc : memref<!tpu.dma_semaphore, #tpu.memory_space<semaphore_mem>>
      %dma_start3A_119 = arith.constant 0 : i32
      %dma_start3A_120 = arith.constant 0 : i32
      %dma_start3A_121 = tpu.memref_slice %arg4[%arg0, %arg1, %dma_start3A_119, %dma_start3A_120] : memref<2x16x160x125xi32, #tpu.memory_space<hbm>> -> memref<1x1x160x125xi32, #tpu.memory_space<hbm>>
      %dma_start3A_122 = tpu.memref_squeeze %dma_start3A_121 : memref<1x1x160x125xi32, #tpu.memory_space<hbm>> -> memref<160x125xi32, #tpu.memory_space<hbm>>
      %dma_start3A_123 = arith.constant 0 : i32
      %dma_start3A_124 = arith.constant 0 : i32
      %dma_start3A_125 = tpu.memref_slice %arg4[%arg0, %arg1, %dma_start3A_123, %dma_start3A_124] : memref<2x16x160x125xi32, #tpu.memory_space<hbm>> -> memref<1x1x160x125xi32, #tpu.memory_space<hbm>>
      %dma_start3A_126 = tpu.memref_squeeze %dma_start3A_125 : memref<1x1x160x125xi32, #tpu.memory_space<hbm>> -> memref<160x125xi32, #tpu.memory_space<hbm>>
      tpu.enqueue_dma source(%dma_start3A_126 : memref<160x125xi32, #tpu.memory_space<hbm>>) target(%arg8 : memref<160x125xi32, #tpu.memory_space<vmem>>) target_semaphore(%run_scoped3A : memref<!tpu.dma_semaphore, #tpu.memory_space<semaphore_mem>>)
      %dma_wait3A_127 = arith.constant 0 : i32
      %dma_wait3A_128 = arith.constant 0 : i32
      %dma_wait3A_129 = tpu.memref_slice %arg4[%arg0, %arg1, %dma_wait3A_127, %dma_wait3A_128] : memref<2x16x160x125xi32, #tpu.memory_space<hbm>> -> memref<1x1x160x125xi32, #tpu.memory_space<hbm>>
      %dma_wait3A_130 = tpu.memref_squeeze %dma_wait3A_129 : memref<1x1x160x125xi32, #tpu.memory_space<hbm>> -> memref<160x125xi32, #tpu.memory_space<hbm>>
      %dma_wait3A_131 = arith.constant 0 : i32
      %dma_wait3A_132 = arith.constant 0 : i32
      %dma_wait3A_133 = tpu.memref_slice %arg4[%arg0, %arg1, %dma_wait3A_131, %dma_wait3A_132] : memref<2x16x160x125xi32, #tpu.memory_space<hbm>> -> memref<1x1x160x125xi32, #tpu.memory_space<hbm>>
      %dma_wait3A_134 = tpu.memref_squeeze %dma_wait3A_133 : memref<1x1x160x125xi32, #tpu.memory_space<hbm>> -> memref<160x125xi32, #tpu.memory_space<hbm>>
      tpu.wait_dma2 semaphore(%run_scoped3A : memref<!tpu.dma_semaphore, #tpu.memory_space<semaphore_mem>>) src(%dma_wait3A_134 : memref<160x125xi32, #tpu.memory_space<hbm>>) dst(%arg8 : memref<160x125xi32, #tpu.memory_space<vmem>>)
      tpu.yield
    }) : () -> ()
    %mul3A = arith.constant 632 : i32
    %mul3A_0 = arith.muli %arg1, %mul3A : i32
    "tpu.region"() ({
      %run_scoped3A = tpu.sem_alloc : memref<!tpu.dma_semaphore, #tpu.memory_space<semaphore_mem>>
      %dma_start3A_119 = arith.constant 0 : i32
      %dma_start3A_120 = tpu.memref_slice %arg13[%mul3A_0, %dma_start3A_119] : memref<10112x32xf32, #tpu.memory_space<vmem_shared>> -> memref<632x32xf32, #tpu.memory_space<vmem_shared>>
      tpu.enqueue_dma source(%arg5 : memref<632x32xf32, #tpu.memory_space<hbm>>) target(%dma_start3A_120 : memref<632x32xf32, #tpu.memory_space<vmem_shared>>) target_semaphore(%run_scoped3A : memref<!tpu.dma_semaphore, #tpu.memory_space<semaphore_mem>>)
      %dma_wait3A_121 = arith.constant 0 : i32
      %dma_wait3A_122 = tpu.memref_slice %arg13[%mul3A_0, %dma_wait3A_121] : memref<10112x32xf32, #tpu.memory_space<vmem_shared>> -> memref<632x32xf32, #tpu.memory_space<vmem_shared>>
      tpu.wait_dma2 semaphore(%run_scoped3A : memref<!tpu.dma_semaphore, #tpu.memory_space<semaphore_mem>>) src(%arg5 : memref<632x32xf32, #tpu.memory_space<hbm>>) dst(%dma_wait3A_122 : memref<632x32xf32, #tpu.memory_space<vmem_shared>>)
      tpu.yield
    }) : () -> ()
    %barrier3A = arith.constant 0 : index
    tpu.barrier barrier_id(%barrier3A)
    %dma_start3A = arith.constant 0 : i32
    %dma_start3A_1 = arith.constant 0 : i32
    %dma_start3A_2 = tpu.memref_slice %arg7[%dma_start3A, %dma_start3A_1] : memref<160x125xi32, #tpu.memory_space<vmem>> -> memref<1x125xi32, #tpu.memory_space<vmem>>
    %dma_start3A_3 = tpu.memref_squeeze %dma_start3A_2 : memref<1x125xi32, #tpu.memory_space<vmem>> -> memref<125xi32, #tpu.memory_space<vmem>>
    %dma_start3A_4 = arith.constant 0 : i32
    %dma_start3A_5 = arith.constant 0 : i32
    %dma_start3A_6 = tpu.memref_slice %arg2[%dma_start3A_4, %dma_start3A_5] : memref<20000x32xf32, #tpu.memory_space<hbm>> -> memref<20000x32xf32, #tpu.memory_space<hbm>>
    tpu.enqueue_indirect_dma source(%dma_start3A_6 : memref<20000x32xf32, #tpu.memory_space<hbm>>) target(%arg9 : memref<125x32xf32, #tpu.memory_space<vmem>>) offsets(%dma_start3A_3 : memref<125xi32, #tpu.memory_space<vmem>>) semaphore(%arg14 : memref<!tpu.dma_semaphore, #tpu.memory_space<semaphore_mem>>)
    %dma_start3A_7 = arith.constant 1 : i32
    %dma_start3A_8 = arith.constant 0 : i32
    %dma_start3A_9 = tpu.memref_slice %arg7[%dma_start3A_7, %dma_start3A_8] : memref<160x125xi32, #tpu.memory_space<vmem>> -> memref<1x125xi32, #tpu.memory_space<vmem>>
    %dma_start3A_10 = tpu.memref_squeeze %dma_start3A_9 : memref<1x125xi32, #tpu.memory_space<vmem>> -> memref<125xi32, #tpu.memory_space<vmem>>
    %dma_start3A_11 = arith.constant 0 : i32
    %dma_start3A_12 = arith.constant 0 : i32
    %dma_start3A_13 = tpu.memref_slice %arg2[%dma_start3A_11, %dma_start3A_12] : memref<20000x32xf32, #tpu.memory_space<hbm>> -> memref<20000x32xf32, #tpu.memory_space<hbm>>
    tpu.enqueue_indirect_dma source(%dma_start3A_13 : memref<20000x32xf32, #tpu.memory_space<hbm>>) target(%arg10 : memref<125x32xf32, #tpu.memory_space<vmem>>) offsets(%dma_start3A_10 : memref<125xi32, #tpu.memory_space<vmem>>) semaphore(%arg15 : memref<!tpu.dma_semaphore, #tpu.memory_space<semaphore_mem>>)
    %dma_start3A_14 = arith.constant 2 : i32
    %dma_start3A_15 = arith.constant 0 : i32
    %dma_start3A_16 = tpu.memref_slice %arg7[%dma_start3A_14, %dma_start3A_15] : memref<160x125xi32, #tpu.memory_space<vmem>> -> memref<1x125xi32, #tpu.memory_space<vmem>>
    %dma_start3A_17 = tpu.memref_squeeze %dma_start3A_16 : memref<1x125xi32, #tpu.memory_space<vmem>> -> memref<125xi32, #tpu.memory_space<vmem>>
    %dma_start3A_18 = arith.constant 0 : i32
    %dma_start3A_19 = arith.constant 0 : i32
    %dma_start3A_20 = tpu.memref_slice %arg2[%dma_start3A_18, %dma_start3A_19] : memref<20000x32xf32, #tpu.memory_space<hbm>> -> memref<20000x32xf32, #tpu.memory_space<hbm>>
    tpu.enqueue_indirect_dma source(%dma_start3A_20 : memref<20000x32xf32, #tpu.memory_space<hbm>>) target(%arg11 : memref<125x32xf32, #tpu.memory_space<vmem>>) offsets(%dma_start3A_17 : memref<125xi32, #tpu.memory_space<vmem>>) semaphore(%arg16 : memref<!tpu.dma_semaphore, #tpu.memory_space<semaphore_mem>>)
    %dma_wait3A = arith.constant 0 : i32
    %dma_wait3A_21 = arith.constant 0 : i32
    %dma_wait3A_22 = tpu.memref_slice %arg7[%dma_wait3A, %dma_wait3A_21] : memref<160x125xi32, #tpu.memory_space<vmem>> -> memref<1x125xi32, #tpu.memory_space<vmem>>
    %dma_wait3A_23 = tpu.memref_squeeze %dma_wait3A_22 : memref<1x125xi32, #tpu.memory_space<vmem>> -> memref<125xi32, #tpu.memory_space<vmem>>
    %dma_wait3A_24 = arith.constant 0 : i32
    %dma_wait3A_25 = arith.constant 0 : i32
    %dma_wait3A_26 = tpu.memref_slice %arg2[%dma_wait3A_24, %dma_wait3A_25] : memref<20000x32xf32, #tpu.memory_space<hbm>> -> memref<20000x32xf32, #tpu.memory_space<hbm>>
    tpu.wait_indirect_dma semaphore(%arg14 : memref<!tpu.dma_semaphore, #tpu.memory_space<semaphore_mem>>) src(%dma_wait3A_26 : memref<20000x32xf32, #tpu.memory_space<hbm>>) dst(%arg9 : memref<125x32xf32, #tpu.memory_space<vmem>>)
    %dma_start3A_27 = arith.constant 0 : i32
    %dma_start3A_28 = arith.constant 0 : i32
    %dma_start3A_29 = tpu.memref_slice %arg8[%dma_start3A_27, %dma_start3A_28] : memref<160x125xi32, #tpu.memory_space<vmem>> -> memref<1x125xi32, #tpu.memory_space<vmem>>
    %dma_start3A_30 = tpu.memref_squeeze %dma_start3A_29 : memref<1x125xi32, #tpu.memory_space<vmem>> -> memref<125xi32, #tpu.memory_space<vmem>>
    %dma_start3A_31 = arith.constant 0 : i32
    %dma_start3A_32 = arith.constant 0 : i32
    %dma_start3A_33 = tpu.memref_slice %arg13[%dma_start3A_31, %dma_start3A_32] : memref<10112x32xf32, #tpu.memory_space<vmem_shared>> -> memref<10112x32xf32, #tpu.memory_space<vmem_shared>>
    tpu.enqueue_indirect_dma source(%arg9 : memref<125x32xf32, #tpu.memory_space<vmem>>) target(%dma_start3A_33 : memref<10112x32xf32, #tpu.memory_space<vmem_shared>>) offsets(%dma_start3A_30 : memref<125xi32, #tpu.memory_space<vmem>>) semaphore(%arg18 : memref<!tpu.dma_semaphore, #tpu.memory_space<semaphore_mem>>) {add = true}
    %dma_start3A_34 = arith.constant 3 : i32
    %dma_start3A_35 = arith.constant 0 : i32
    %dma_start3A_36 = tpu.memref_slice %arg7[%dma_start3A_34, %dma_start3A_35] : memref<160x125xi32, #tpu.memory_space<vmem>> -> memref<1x125xi32, #tpu.memory_space<vmem>>
    %dma_start3A_37 = tpu.memref_squeeze %dma_start3A_36 : memref<1x125xi32, #tpu.memory_space<vmem>> -> memref<125xi32, #tpu.memory_space<vmem>>
    %dma_start3A_38 = arith.constant 0 : i32
    %dma_start3A_39 = arith.constant 0 : i32
    %dma_start3A_40 = tpu.memref_slice %arg2[%dma_start3A_38, %dma_start3A_39] : memref<20000x32xf32, #tpu.memory_space<hbm>> -> memref<20000x32xf32, #tpu.memory_space<hbm>>
    tpu.enqueue_indirect_dma source(%dma_start3A_40 : memref<20000x32xf32, #tpu.memory_space<hbm>>) target(%arg12 : memref<125x32xf32, #tpu.memory_space<vmem>>) offsets(%dma_start3A_37 : memref<125xi32, #tpu.memory_space<vmem>>) semaphore(%arg17 : memref<!tpu.dma_semaphore, #tpu.memory_space<semaphore_mem>>)
    %scan3A = arith.constant 0 : i32
    %scan3A_41 = arith.constant 0 : i32
    %scan3A_42 = arith.constant 39 : i32
    %scan3A_43 = arith.addi %scan3A_41, %scan3A_42 : i32
    %scan3A_44 = arith.constant 1 : i32
    scf.for %scan3A_119 = %scan3A_41 to %scan3A_43 step %scan3A_44  : i32 {
      %mul3A_120 = arith.constant 4 : i32
      %mul3A_121 = arith.muli %mul3A_120, %scan3A_119 : i32
      %add3A = arith.constant 1 : i32
      %add3A_122 = arith.addi %mul3A_121, %add3A : i32
      %dma_wait3A_123 = arith.constant 0 : i32
      %dma_wait3A_124 = arith.constant 0 : i32
      %dma_wait3A_125 = tpu.memref_slice %arg7[%dma_wait3A_123, %dma_wait3A_124] : memref<160x125xi32, #tpu.memory_space<vmem>> -> memref<1x125xi32, #tpu.memory_space<vmem>>
      %dma_wait3A_126 = tpu.memref_squeeze %dma_wait3A_125 : memref<1x125xi32, #tpu.memory_space<vmem>> -> memref<125xi32, #tpu.memory_space<vmem>>
      %dma_wait3A_127 = arith.constant 0 : i32
      %dma_wait3A_128 = arith.constant 0 : i32
      %dma_wait3A_129 = tpu.memref_slice %arg2[%dma_wait3A_127, %dma_wait3A_128] : memref<20000x32xf32, #tpu.memory_space<hbm>> -> memref<20000x32xf32, #tpu.memory_space<hbm>>
      tpu.wait_indirect_dma semaphore(%arg15 : memref<!tpu.dma_semaphore, #tpu.memory_space<semaphore_mem>>) src(%dma_wait3A_129 : memref<20000x32xf32, #tpu.memory_space<hbm>>) dst(%arg10 : memref<125x32xf32, #tpu.memory_space<vmem>>)
      %add3A_130 = arith.constant 0 : i32
      %add3A_131 = arith.addi %add3A_122, %add3A_130 : i32
      %dma_start3A_132 = arith.constant 0 : i32
      %dma_start3A_133 = tpu.memref_slice %arg8[%add3A_131, %dma_start3A_132] : memref<160x125xi32, #tpu.memory_space<vmem>> -> memref<1x125xi32, #tpu.memory_space<vmem>>
      %dma_start3A_134 = tpu.memref_squeeze %dma_start3A_133 : memref<1x125xi32, #tpu.memory_space<vmem>> -> memref<125xi32, #tpu.memory_space<vmem>>
      %dma_start3A_135 = arith.constant 0 : i32
      %dma_start3A_136 = arith.constant 0 : i32
      %dma_start3A_137 = tpu.memref_slice %arg13[%dma_start3A_135, %dma_start3A_136] : memref<10112x32xf32, #tpu.memory_space<vmem_shared>> -> memref<10112x32xf32, #tpu.memory_space<vmem_shared>>
      tpu.enqueue_indirect_dma source(%arg10 : memref<125x32xf32, #tpu.memory_space<vmem>>) target(%dma_start3A_137 : memref<10112x32xf32, #tpu.memory_space<vmem_shared>>) offsets(%dma_start3A_134 : memref<125xi32, #tpu.memory_space<vmem>>) semaphore(%arg19 : memref<!tpu.dma_semaphore, #tpu.memory_space<semaphore_mem>>) {add = true}
      %dma_wait3A_138 = arith.constant 0 : i32
      %dma_wait3A_139 = arith.constant 0 : i32
      %dma_wait3A_140 = tpu.memref_slice %arg8[%dma_wait3A_138, %dma_wait3A_139] : memref<160x125xi32, #tpu.memory_space<vmem>> -> memref<1x125xi32, #tpu.memory_space<vmem>>
      %dma_wait3A_141 = tpu.memref_squeeze %dma_wait3A_140 : memref<1x125xi32, #tpu.memory_space<vmem>> -> memref<125xi32, #tpu.memory_space<vmem>>
      %dma_wait3A_142 = arith.constant 0 : i32
      %dma_wait3A_143 = arith.constant 0 : i32
      %dma_wait3A_144 = tpu.memref_slice %arg13[%dma_wait3A_142, %dma_wait3A_143] : memref<10112x32xf32, #tpu.memory_space<vmem_shared>> -> memref<10112x32xf32, #tpu.memory_space<vmem_shared>>
      tpu.wait_indirect_dma semaphore(%arg18 : memref<!tpu.dma_semaphore, #tpu.memory_space<semaphore_mem>>) src(%arg9 : memref<125x32xf32, #tpu.memory_space<vmem>>) dst(%dma_wait3A_144 : memref<10112x32xf32, #tpu.memory_space<vmem_shared>>)
      %add3A_145 = arith.constant 0 : i32
      %add3A_146 = arith.addi %add3A_122, %add3A_145 : i32
      %add3A_147 = arith.constant 3 : i32
      %add3A_148 = arith.addi %add3A_146, %add3A_147 : i32
      %dma_start3A_149 = arith.constant 0 : i32
      %dma_start3A_150 = tpu.memref_slice %arg7[%add3A_148, %dma_start3A_149] : memref<160x125xi32, #tpu.memory_space<vmem>> -> memref<1x125xi32, #tpu.memory_space<vmem>>
      %dma_start3A_151 = tpu.memref_squeeze %dma_start3A_150 : memref<1x125xi32, #tpu.memory_space<vmem>> -> memref<125xi32, #tpu.memory_space<vmem>>
      %dma_start3A_152 = arith.constant 0 : i32
      %dma_start3A_153 = arith.constant 0 : i32
      %dma_start3A_154 = tpu.memref_slice %arg2[%dma_start3A_152, %dma_start3A_153] : memref<20000x32xf32, #tpu.memory_space<hbm>> -> memref<20000x32xf32, #tpu.memory_space<hbm>>
      tpu.enqueue_indirect_dma source(%dma_start3A_154 : memref<20000x32xf32, #tpu.memory_space<hbm>>) target(%arg9 : memref<125x32xf32, #tpu.memory_space<vmem>>) offsets(%dma_start3A_151 : memref<125xi32, #tpu.memory_space<vmem>>) semaphore(%arg14 : memref<!tpu.dma_semaphore, #tpu.memory_space<semaphore_mem>>)
      %dma_wait3A_155 = arith.constant 0 : i32
      %dma_wait3A_156 = arith.constant 0 : i32
      %dma_wait3A_157 = tpu.memref_slice %arg7[%dma_wait3A_155, %dma_wait3A_156] : memref<160x125xi32, #tpu.memory_space<vmem>> -> memref<1x125xi32, #tpu.memory_space<vmem>>
      %dma_wait3A_158 = tpu.memref_squeeze %dma_wait3A_157 : memref<1x125xi32, #tpu.memory_space<vmem>> -> memref<125xi32, #tpu.memory_space<vmem>>
      %dma_wait3A_159 = arith.constant 0 : i32
      %dma_wait3A_160 = arith.constant 0 : i32
      %dma_wait3A_161 = tpu.memref_slice %arg2[%dma_wait3A_159, %dma_wait3A_160] : memref<20000x32xf32, #tpu.memory_space<hbm>> -> memref<20000x32xf32, #tpu.memory_space<hbm>>
      tpu.wait_indirect_dma semaphore(%arg16 : memref<!tpu.dma_semaphore, #tpu.memory_space<semaphore_mem>>) src(%dma_wait3A_161 : memref<20000x32xf32, #tpu.memory_space<hbm>>) dst(%arg11 : memref<125x32xf32, #tpu.memory_space<vmem>>)
      %add3A_162 = arith.constant 1 : i32
      %add3A_163 = arith.addi %add3A_122, %add3A_162 : i32
      %dma_start3A_164 = arith.constant 0 : i32
      %dma_start3A_165 = tpu.memref_slice %arg8[%add3A_163, %dma_start3A_164] : memref<160x125xi32, #tpu.memory_space<vmem>> -> memref<1x125xi32, #tpu.memory_space<vmem>>
      %dma_start3A_166 = tpu.memref_squeeze %dma_start3A_165 : memref<1x125xi32, #tpu.memory_space<vmem>> -> memref<125xi32, #tpu.memory_space<vmem>>
      %dma_start3A_167 = arith.constant 0 : i32
      %dma_start3A_168 = arith.constant 0 : i32
      %dma_start3A_169 = tpu.memref_slice %arg13[%dma_start3A_167, %dma_start3A_168] : memref<10112x32xf32, #tpu.memory_space<vmem_shared>> -> memref<10112x32xf32, #tpu.memory_space<vmem_shared>>
      tpu.enqueue_indirect_dma source(%arg11 : memref<125x32xf32, #tpu.memory_space<vmem>>) target(%dma_start3A_169 : memref<10112x32xf32, #tpu.memory_space<vmem_shared>>) offsets(%dma_start3A_166 : memref<125xi32, #tpu.memory_space<vmem>>) semaphore(%arg20 : memref<!tpu.dma_semaphore, #tpu.memory_space<semaphore_mem>>) {add = true}
      %dma_wait3A_170 = arith.constant 0 : i32
      %dma_wait3A_171 = arith.constant 0 : i32
      %dma_wait3A_172 = tpu.memref_slice %arg8[%dma_wait3A_170, %dma_wait3A_171] : memref<160x125xi32, #tpu.memory_space<vmem>> -> memref<1x125xi32, #tpu.memory_space<vmem>>
      %dma_wait3A_173 = tpu.memref_squeeze %dma_wait3A_172 : memref<1x125xi32, #tpu.memory_space<vmem>> -> memref<125xi32, #tpu.memory_space<vmem>>
      %dma_wait3A_174 = arith.constant 0 : i32
      %dma_wait3A_175 = arith.constant 0 : i32
      %dma_wait3A_176 = tpu.memref_slice %arg13[%dma_wait3A_174, %dma_wait3A_175] : memref<10112x32xf32, #tpu.memory_space<vmem_shared>> -> memref<10112x32xf32, #tpu.memory_space<vmem_shared>>
      tpu.wait_indirect_dma semaphore(%arg19 : memref<!tpu.dma_semaphore, #tpu.memory_space<semaphore_mem>>) src(%arg10 : memref<125x32xf32, #tpu.memory_space<vmem>>) dst(%dma_wait3A_176 : memref<10112x32xf32, #tpu.memory_space<vmem_shared>>)
      %add3A_177 = arith.constant 1 : i32
      %add3A_178 = arith.addi %add3A_122, %add3A_177 : i32
      %add3A_179 = arith.constant 3 : i32
      %add3A_180 = arith.addi %add3A_178, %add3A_179 : i32
      %dma_start3A_181 = arith.constant 0 : i32
      %dma_start3A_182 = tpu.memref_slice %arg7[%add3A_180, %dma_start3A_181] : memref<160x125xi32, #tpu.memory_space<vmem>> -> memref<1x125xi32, #tpu.memory_space<vmem>>
      %dma_start3A_183 = tpu.memref_squeeze %dma_start3A_182 : memref<1x125xi32, #tpu.memory_space<vmem>> -> memref<125xi32, #tpu.memory_space<vmem>>
      %dma_start3A_184 = arith.constant 0 : i32
      %dma_start3A_185 = arith.constant 0 : i32
      %dma_start3A_186 = tpu.memref_slice %arg2[%dma_start3A_184, %dma_start3A_185] : memref<20000x32xf32, #tpu.memory_space<hbm>> -> memref<20000x32xf32, #tpu.memory_space<hbm>>
      tpu.enqueue_indirect_dma source(%dma_start3A_186 : memref<20000x32xf32, #tpu.memory_space<hbm>>) target(%arg10 : memref<125x32xf32, #tpu.memory_space<vmem>>) offsets(%dma_start3A_183 : memref<125xi32, #tpu.memory_space<vmem>>) semaphore(%arg15 : memref<!tpu.dma_semaphore, #tpu.memory_space<semaphore_mem>>)
      %dma_wait3A_187 = arith.constant 0 : i32
      %dma_wait3A_188 = arith.constant 0 : i32
      %dma_wait3A_189 = tpu.memref_slice %arg7[%dma_wait3A_187, %dma_wait3A_188] : memref<160x125xi32, #tpu.memory_space<vmem>> -> memref<1x125xi32, #tpu.memory_space<vmem>>
      %dma_wait3A_190 = tpu.memref_squeeze %dma_wait3A_189 : memref<1x125xi32, #tpu.memory_space<vmem>> -> memref<125xi32, #tpu.memory_space<vmem>>
      %dma_wait3A_191 = arith.constant 0 : i32
      %dma_wait3A_192 = arith.constant 0 : i32
      %dma_wait3A_193 = tpu.memref_slice %arg2[%dma_wait3A_191, %dma_wait3A_192] : memref<20000x32xf32, #tpu.memory_space<hbm>> -> memref<20000x32xf32, #tpu.memory_space<hbm>>
      tpu.wait_indirect_dma semaphore(%arg17 : memref<!tpu.dma_semaphore, #tpu.memory_space<semaphore_mem>>) src(%dma_wait3A_193 : memref<20000x32xf32, #tpu.memory_space<hbm>>) dst(%arg12 : memref<125x32xf32, #tpu.memory_space<vmem>>)
      %add3A_194 = arith.constant 2 : i32
      %add3A_195 = arith.addi %add3A_122, %add3A_194 : i32
      %dma_start3A_196 = arith.constant 0 : i32
      %dma_start3A_197 = tpu.memref_slice %arg8[%add3A_195, %dma_start3A_196] : memref<160x125xi32, #tpu.memory_space<vmem>> -> memref<1x125xi32, #tpu.memory_space<vmem>>
      %dma_start3A_198 = tpu.memref_squeeze %dma_start3A_197 : memref<1x125xi32, #tpu.memory_space<vmem>> -> memref<125xi32, #tpu.memory_space<vmem>>
      %dma_start3A_199 = arith.constant 0 : i32
      %dma_start3A_200 = arith.constant 0 : i32
      %dma_start3A_201 = tpu.memref_slice %arg13[%dma_start3A_199, %dma_start3A_200] : memref<10112x32xf32, #tpu.memory_space<vmem_shared>> -> memref<10112x32xf32, #tpu.memory_space<vmem_shared>>
      tpu.enqueue_indirect_dma source(%arg12 : memref<125x32xf32, #tpu.memory_space<vmem>>) target(%dma_start3A_201 : memref<10112x32xf32, #tpu.memory_space<vmem_shared>>) offsets(%dma_start3A_198 : memref<125xi32, #tpu.memory_space<vmem>>) semaphore(%arg21 : memref<!tpu.dma_semaphore, #tpu.memory_space<semaphore_mem>>) {add = true}
      %dma_wait3A_202 = arith.constant 0 : i32
      %dma_wait3A_203 = arith.constant 0 : i32
      %dma_wait3A_204 = tpu.memref_slice %arg8[%dma_wait3A_202, %dma_wait3A_203] : memref<160x125xi32, #tpu.memory_space<vmem>> -> memref<1x125xi32, #tpu.memory_space<vmem>>
      %dma_wait3A_205 = tpu.memref_squeeze %dma_wait3A_204 : memref<1x125xi32, #tpu.memory_space<vmem>> -> memref<125xi32, #tpu.memory_space<vmem>>
      %dma_wait3A_206 = arith.constant 0 : i32
      %dma_wait3A_207 = arith.constant 0 : i32
      %dma_wait3A_208 = tpu.memref_slice %arg13[%dma_wait3A_206, %dma_wait3A_207] : memref<10112x32xf32, #tpu.memory_space<vmem_shared>> -> memref<10112x32xf32, #tpu.memory_space<vmem_shared>>
      tpu.wait_indirect_dma semaphore(%arg20 : memref<!tpu.dma_semaphore, #tpu.memory_space<semaphore_mem>>) src(%arg11 : memref<125x32xf32, #tpu.memory_space<vmem>>) dst(%dma_wait3A_208 : memref<10112x32xf32, #tpu.memory_space<vmem_shared>>)
      %add3A_209 = arith.constant 2 : i32
      %add3A_210 = arith.addi %add3A_122, %add3A_209 : i32
      %add3A_211 = arith.constant 3 : i32
      %add3A_212 = arith.addi %add3A_210, %add3A_211 : i32
      %dma_start3A_213 = arith.constant 0 : i32
      %dma_start3A_214 = tpu.memref_slice %arg7[%add3A_212, %dma_start3A_213] : memref<160x125xi32, #tpu.memory_space<vmem>> -> memref<1x125xi32, #tpu.memory_space<vmem>>
      %dma_start3A_215 = tpu.memref_squeeze %dma_start3A_214 : memref<1x125xi32, #tpu.memory_space<vmem>> -> memref<125xi32, #tpu.memory_space<vmem>>
      %dma_start3A_216 = arith.constant 0 : i32
      %dma_start3A_217 = arith.constant 0 : i32
      %dma_start3A_218 = tpu.memref_slice %arg2[%dma_start3A_216, %dma_start3A_217] : memref<20000x32xf32, #tpu.memory_space<hbm>> -> memref<20000x32xf32, #tpu.memory_space<hbm>>
      tpu.enqueue_indirect_dma source(%dma_start3A_218 : memref<20000x32xf32, #tpu.memory_space<hbm>>) target(%arg11 : memref<125x32xf32, #tpu.memory_space<vmem>>) offsets(%dma_start3A_215 : memref<125xi32, #tpu.memory_space<vmem>>) semaphore(%arg16 : memref<!tpu.dma_semaphore, #tpu.memory_space<semaphore_mem>>)
      %dma_wait3A_219 = arith.constant 0 : i32
      %dma_wait3A_220 = arith.constant 0 : i32
      %dma_wait3A_221 = tpu.memref_slice %arg7[%dma_wait3A_219, %dma_wait3A_220] : memref<160x125xi32, #tpu.memory_space<vmem>> -> memref<1x125xi32, #tpu.memory_space<vmem>>
      %dma_wait3A_222 = tpu.memref_squeeze %dma_wait3A_221 : memref<1x125xi32, #tpu.memory_space<vmem>> -> memref<125xi32, #tpu.memory_space<vmem>>
      %dma_wait3A_223 = arith.constant 0 : i32
      %dma_wait3A_224 = arith.constant 0 : i32
      %dma_wait3A_225 = tpu.memref_slice %arg2[%dma_wait3A_223, %dma_wait3A_224] : memref<20000x32xf32, #tpu.memory_space<hbm>> -> memref<20000x32xf32, #tpu.memory_space<hbm>>
      tpu.wait_indirect_dma semaphore(%arg14 : memref<!tpu.dma_semaphore, #tpu.memory_space<semaphore_mem>>) src(%dma_wait3A_225 : memref<20000x32xf32, #tpu.memory_space<hbm>>) dst(%arg9 : memref<125x32xf32, #tpu.memory_space<vmem>>)
      %add3A_226 = arith.constant 3 : i32
      %add3A_227 = arith.addi %add3A_122, %add3A_226 : i32
      %dma_start3A_228 = arith.constant 0 : i32
      %dma_start3A_229 = tpu.memref_slice %arg8[%add3A_227, %dma_start3A_228] : memref<160x125xi32, #tpu.memory_space<vmem>> -> memref<1x125xi32, #tpu.memory_space<vmem>>
      %dma_start3A_230 = tpu.memref_squeeze %dma_start3A_229 : memref<1x125xi32, #tpu.memory_space<vmem>> -> memref<125xi32, #tpu.memory_space<vmem>>
      %dma_start3A_231 = arith.constant 0 : i32
      %dma_start3A_232 = arith.constant 0 : i32
      %dma_start3A_233 = tpu.memref_slice %arg13[%dma_start3A_231, %dma_start3A_232] : memref<10112x32xf32, #tpu.memory_space<vmem_shared>> -> memref<10112x32xf32, #tpu.memory_space<vmem_shared>>
      tpu.enqueue_indirect_dma source(%arg9 : memref<125x32xf32, #tpu.memory_space<vmem>>) target(%dma_start3A_233 : memref<10112x32xf32, #tpu.memory_space<vmem_shared>>) offsets(%dma_start3A_230 : memref<125xi32, #tpu.memory_space<vmem>>) semaphore(%arg18 : memref<!tpu.dma_semaphore, #tpu.memory_space<semaphore_mem>>) {add = true}
      %dma_wait3A_234 = arith.constant 0 : i32
      %dma_wait3A_235 = arith.constant 0 : i32
      %dma_wait3A_236 = tpu.memref_slice %arg8[%dma_wait3A_234, %dma_wait3A_235] : memref<160x125xi32, #tpu.memory_space<vmem>> -> memref<1x125xi32, #tpu.memory_space<vmem>>
      %dma_wait3A_237 = tpu.memref_squeeze %dma_wait3A_236 : memref<1x125xi32, #tpu.memory_space<vmem>> -> memref<125xi32, #tpu.memory_space<vmem>>
      %dma_wait3A_238 = arith.constant 0 : i32
      %dma_wait3A_239 = arith.constant 0 : i32
      %dma_wait3A_240 = tpu.memref_slice %arg13[%dma_wait3A_238, %dma_wait3A_239] : memref<10112x32xf32, #tpu.memory_space<vmem_shared>> -> memref<10112x32xf32, #tpu.memory_space<vmem_shared>>
      tpu.wait_indirect_dma semaphore(%arg21 : memref<!tpu.dma_semaphore, #tpu.memory_space<semaphore_mem>>) src(%arg12 : memref<125x32xf32, #tpu.memory_space<vmem>>) dst(%dma_wait3A_240 : memref<10112x32xf32, #tpu.memory_space<vmem_shared>>)
      %add3A_241 = arith.constant 3 : i32
      %add3A_242 = arith.addi %add3A_122, %add3A_241 : i32
      %add3A_243 = arith.constant 3 : i32
      %add3A_244 = arith.addi %add3A_242, %add3A_243 : i32
      %dma_start3A_245 = arith.constant 0 : i32
      %dma_start3A_246 = tpu.memref_slice %arg7[%add3A_244, %dma_start3A_245] : memref<160x125xi32, #tpu.memory_space<vmem>> -> memref<1x125xi32, #tpu.memory_space<vmem>>
      %dma_start3A_247 = tpu.memref_squeeze %dma_start3A_246 : memref<1x125xi32, #tpu.memory_space<vmem>> -> memref<125xi32, #tpu.memory_space<vmem>>
      %dma_start3A_248 = arith.constant 0 : i32
      %dma_start3A_249 = arith.constant 0 : i32
      %dma_start3A_250 = tpu.memref_slice %arg2[%dma_start3A_248, %dma_start3A_249] : memref<20000x32xf32, #tpu.memory_space<hbm>> -> memref<20000x32xf32, #tpu.memory_space<hbm>>
      tpu.enqueue_indirect_dma source(%dma_start3A_250 : memref<20000x32xf32, #tpu.memory_space<hbm>>) target(%arg12 : memref<125x32xf32, #tpu.memory_space<vmem>>) offsets(%dma_start3A_247 : memref<125xi32, #tpu.memory_space<vmem>>) semaphore(%arg17 : memref<!tpu.dma_semaphore, #tpu.memory_space<semaphore_mem>>)
    }
    %scan3A_45 = arith.constant 39 : i32
    %dma_wait3A_46 = arith.constant 0 : i32
    %dma_wait3A_47 = arith.constant 0 : i32
    %dma_wait3A_48 = tpu.memref_slice %arg7[%dma_wait3A_46, %dma_wait3A_47] : memref<160x125xi32, #tpu.memory_space<vmem>> -> memref<1x125xi32, #tpu.memory_space<vmem>>
    %dma_wait3A_49 = tpu.memref_squeeze %dma_wait3A_48 : memref<1x125xi32, #tpu.memory_space<vmem>> -> memref<125xi32, #tpu.memory_space<vmem>>
    %dma_wait3A_50 = arith.constant 0 : i32
    %dma_wait3A_51 = arith.constant 0 : i32
    %dma_wait3A_52 = tpu.memref_slice %arg2[%dma_wait3A_50, %dma_wait3A_51] : memref<20000x32xf32, #tpu.memory_space<hbm>> -> memref<20000x32xf32, #tpu.memory_space<hbm>>
    tpu.wait_indirect_dma semaphore(%arg15 : memref<!tpu.dma_semaphore, #tpu.memory_space<semaphore_mem>>) src(%dma_wait3A_52 : memref<20000x32xf32, #tpu.memory_space<hbm>>) dst(%arg10 : memref<125x32xf32, #tpu.memory_space<vmem>>)
    %dma_start3A_53 = arith.constant 157 : i32
    %dma_start3A_54 = arith.constant 0 : i32
    %dma_start3A_55 = tpu.memref_slice %arg8[%dma_start3A_53, %dma_start3A_54] : memref<160x125xi32, #tpu.memory_space<vmem>> -> memref<1x125xi32, #tpu.memory_space<vmem>>
    %dma_start3A_56 = tpu.memref_squeeze %dma_start3A_55 : memref<1x125xi32, #tpu.memory_space<vmem>> -> memref<125xi32, #tpu.memory_space<vmem>>
    %dma_start3A_57 = arith.constant 0 : i32
    %dma_start3A_58 = arith.constant 0 : i32
    %dma_start3A_59 = tpu.memref_slice %arg13[%dma_start3A_57, %dma_start3A_58] : memref<10112x32xf32, #tpu.memory_space<vmem_shared>> -> memref<10112x32xf32, #tpu.memory_space<vmem_shared>>
    tpu.enqueue_indirect_dma source(%arg10 : memref<125x32xf32, #tpu.memory_space<vmem>>) target(%dma_start3A_59 : memref<10112x32xf32, #tpu.memory_space<vmem_shared>>) offsets(%dma_start3A_56 : memref<125xi32, #tpu.memory_space<vmem>>) semaphore(%arg19 : memref<!tpu.dma_semaphore, #tpu.memory_space<semaphore_mem>>) {add = true}
    %dma_wait3A_60 = arith.constant 0 : i32
    %dma_wait3A_61 = arith.constant 0 : i32
    %dma_wait3A_62 = tpu.memref_slice %arg8[%dma_wait3A_60, %dma_wait3A_61] : memref<160x125xi32, #tpu.memory_space<vmem>> -> memref<1x125xi32, #tpu.memory_space<vmem>>
    %dma_wait3A_63 = tpu.memref_squeeze %dma_wait3A_62 : memref<1x125xi32, #tpu.memory_space<vmem>> -> memref<125xi32, #tpu.memory_space<vmem>>
    %dma_wait3A_64 = arith.constant 0 : i32
    %dma_wait3A_65 = arith.constant 0 : i32
    %dma_wait3A_66 = tpu.memref_slice %arg13[%dma_wait3A_64, %dma_wait3A_65] : memref<10112x32xf32, #tpu.memory_space<vmem_shared>> -> memref<10112x32xf32, #tpu.memory_space<vmem_shared>>
    tpu.wait_indirect_dma semaphore(%arg18 : memref<!tpu.dma_semaphore, #tpu.memory_space<semaphore_mem>>) src(%arg9 : memref<125x32xf32, #tpu.memory_space<vmem>>) dst(%dma_wait3A_66 : memref<10112x32xf32, #tpu.memory_space<vmem_shared>>)
    %dma_wait3A_67 = arith.constant 0 : i32
    %dma_wait3A_68 = arith.constant 0 : i32
    %dma_wait3A_69 = tpu.memref_slice %arg7[%dma_wait3A_67, %dma_wait3A_68] : memref<160x125xi32, #tpu.memory_space<vmem>> -> memref<1x125xi32, #tpu.memory_space<vmem>>
    %dma_wait3A_70 = tpu.memref_squeeze %dma_wait3A_69 : memref<1x125xi32, #tpu.memory_space<vmem>> -> memref<125xi32, #tpu.memory_space<vmem>>
    %dma_wait3A_71 = arith.constant 0 : i32
    %dma_wait3A_72 = arith.constant 0 : i32
    %dma_wait3A_73 = tpu.memref_slice %arg2[%dma_wait3A_71, %dma_wait3A_72] : memref<20000x32xf32, #tpu.memory_space<hbm>> -> memref<20000x32xf32, #tpu.memory_space<hbm>>
    tpu.wait_indirect_dma semaphore(%arg16 : memref<!tpu.dma_semaphore, #tpu.memory_space<semaphore_mem>>) src(%dma_wait3A_73 : memref<20000x32xf32, #tpu.memory_space<hbm>>) dst(%arg11 : memref<125x32xf32, #tpu.memory_space<vmem>>)
    %dma_start3A_74 = arith.constant 158 : i32
    %dma_start3A_75 = arith.constant 0 : i32
    %dma_start3A_76 = tpu.memref_slice %arg8[%dma_start3A_74, %dma_start3A_75] : memref<160x125xi32, #tpu.memory_space<vmem>> -> memref<1x125xi32, #tpu.memory_space<vmem>>
    %dma_start3A_77 = tpu.memref_squeeze %dma_start3A_76 : memref<1x125xi32, #tpu.memory_space<vmem>> -> memref<125xi32, #tpu.memory_space<vmem>>
    %dma_start3A_78 = arith.constant 0 : i32
    %dma_start3A_79 = arith.constant 0 : i32
    %dma_start3A_80 = tpu.memref_slice %arg13[%dma_start3A_78, %dma_start3A_79] : memref<10112x32xf32, #tpu.memory_space<vmem_shared>> -> memref<10112x32xf32, #tpu.memory_space<vmem_shared>>
    tpu.enqueue_indirect_dma source(%arg11 : memref<125x32xf32, #tpu.memory_space<vmem>>) target(%dma_start3A_80 : memref<10112x32xf32, #tpu.memory_space<vmem_shared>>) offsets(%dma_start3A_77 : memref<125xi32, #tpu.memory_space<vmem>>) semaphore(%arg20 : memref<!tpu.dma_semaphore, #tpu.memory_space<semaphore_mem>>) {add = true}
    %dma_wait3A_81 = arith.constant 0 : i32
    %dma_wait3A_82 = arith.constant 0 : i32
    %dma_wait3A_83 = tpu.memref_slice %arg8[%dma_wait3A_81, %dma_wait3A_82] : memref<160x125xi32, #tpu.memory_space<vmem>> -> memref<1x125xi32, #tpu.memory_space<vmem>>
    %dma_wait3A_84 = tpu.memref_squeeze %dma_wait3A_83 : memref<1x125xi32, #tpu.memory_space<vmem>> -> memref<125xi32, #tpu.memory_space<vmem>>
    %dma_wait3A_85 = arith.constant 0 : i32
    %dma_wait3A_86 = arith.constant 0 : i32
    %dma_wait3A_87 = tpu.memref_slice %arg13[%dma_wait3A_85, %dma_wait3A_86] : memref<10112x32xf32, #tpu.memory_space<vmem_shared>> -> memref<10112x32xf32, #tpu.memory_space<vmem_shared>>
    tpu.wait_indirect_dma semaphore(%arg19 : memref<!tpu.dma_semaphore, #tpu.memory_space<semaphore_mem>>) src(%arg10 : memref<125x32xf32, #tpu.memory_space<vmem>>) dst(%dma_wait3A_87 : memref<10112x32xf32, #tpu.memory_space<vmem_shared>>)
    %dma_wait3A_88 = arith.constant 0 : i32
    %dma_wait3A_89 = arith.constant 0 : i32
    %dma_wait3A_90 = tpu.memref_slice %arg7[%dma_wait3A_88, %dma_wait3A_89] : memref<160x125xi32, #tpu.memory_space<vmem>> -> memref<1x125xi32, #tpu.memory_space<vmem>>
    %dma_wait3A_91 = tpu.memref_squeeze %dma_wait3A_90 : memref<1x125xi32, #tpu.memory_space<vmem>> -> memref<125xi32, #tpu.memory_space<vmem>>
    %dma_wait3A_92 = arith.constant 0 : i32
    %dma_wait3A_93 = arith.constant 0 : i32
    %dma_wait3A_94 = tpu.memref_slice %arg2[%dma_wait3A_92, %dma_wait3A_93] : memref<20000x32xf32, #tpu.memory_space<hbm>> -> memref<20000x32xf32, #tpu.memory_space<hbm>>
    tpu.wait_indirect_dma semaphore(%arg17 : memref<!tpu.dma_semaphore, #tpu.memory_space<semaphore_mem>>) src(%dma_wait3A_94 : memref<20000x32xf32, #tpu.memory_space<hbm>>) dst(%arg12 : memref<125x32xf32, #tpu.memory_space<vmem>>)
    %dma_start3A_95 = arith.constant 159 : i32
    %dma_start3A_96 = arith.constant 0 : i32
    %dma_start3A_97 = tpu.memref_slice %arg8[%dma_start3A_95, %dma_start3A_96] : memref<160x125xi32, #tpu.memory_space<vmem>> -> memref<1x125xi32, #tpu.memory_space<vmem>>
    %dma_start3A_98 = tpu.memref_squeeze %dma_start3A_97 : memref<1x125xi32, #tpu.memory_space<vmem>> -> memref<125xi32, #tpu.memory_space<vmem>>
    %dma_start3A_99 = arith.constant 0 : i32
    %dma_start3A_100 = arith.constant 0 : i32
    %dma_start3A_101 = tpu.memref_slice %arg13[%dma_start3A_99, %dma_start3A_100] : memref<10112x32xf32, #tpu.memory_space<vmem_shared>> -> memref<10112x32xf32, #tpu.memory_space<vmem_shared>>
    tpu.enqueue_indirect_dma source(%arg12 : memref<125x32xf32, #tpu.memory_space<vmem>>) target(%dma_start3A_101 : memref<10112x32xf32, #tpu.memory_space<vmem_shared>>) offsets(%dma_start3A_98 : memref<125xi32, #tpu.memory_space<vmem>>) semaphore(%arg21 : memref<!tpu.dma_semaphore, #tpu.memory_space<semaphore_mem>>) {add = true}
    %dma_wait3A_102 = arith.constant 0 : i32
    %dma_wait3A_103 = arith.constant 0 : i32
    %dma_wait3A_104 = tpu.memref_slice %arg8[%dma_wait3A_102, %dma_wait3A_103] : memref<160x125xi32, #tpu.memory_space<vmem>> -> memref<1x125xi32, #tpu.memory_space<vmem>>
    %dma_wait3A_105 = tpu.memref_squeeze %dma_wait3A_104 : memref<1x125xi32, #tpu.memory_space<vmem>> -> memref<125xi32, #tpu.memory_space<vmem>>
    %dma_wait3A_106 = arith.constant 0 : i32
    %dma_wait3A_107 = arith.constant 0 : i32
    %dma_wait3A_108 = tpu.memref_slice %arg13[%dma_wait3A_106, %dma_wait3A_107] : memref<10112x32xf32, #tpu.memory_space<vmem_shared>> -> memref<10112x32xf32, #tpu.memory_space<vmem_shared>>
    tpu.wait_indirect_dma semaphore(%arg20 : memref<!tpu.dma_semaphore, #tpu.memory_space<semaphore_mem>>) src(%arg11 : memref<125x32xf32, #tpu.memory_space<vmem>>) dst(%dma_wait3A_108 : memref<10112x32xf32, #tpu.memory_space<vmem_shared>>)
    %dma_wait3A_109 = arith.constant 0 : i32
    %dma_wait3A_110 = arith.constant 0 : i32
    %dma_wait3A_111 = tpu.memref_slice %arg8[%dma_wait3A_109, %dma_wait3A_110] : memref<160x125xi32, #tpu.memory_space<vmem>> -> memref<1x125xi32, #tpu.memory_space<vmem>>
    %dma_wait3A_112 = tpu.memref_squeeze %dma_wait3A_111 : memref<1x125xi32, #tpu.memory_space<vmem>> -> memref<125xi32, #tpu.memory_space<vmem>>
    %dma_wait3A_113 = arith.constant 0 : i32
    %dma_wait3A_114 = arith.constant 0 : i32
    %dma_wait3A_115 = tpu.memref_slice %arg13[%dma_wait3A_113, %dma_wait3A_114] : memref<10112x32xf32, #tpu.memory_space<vmem_shared>> -> memref<10112x32xf32, #tpu.memory_space<vmem_shared>>
    tpu.wait_indirect_dma semaphore(%arg21 : memref<!tpu.dma_semaphore, #tpu.memory_space<semaphore_mem>>) src(%arg12 : memref<125x32xf32, #tpu.memory_space<vmem>>) dst(%dma_wait3A_115 : memref<10112x32xf32, #tpu.memory_space<vmem_shared>>)
    %barrier3A_116 = arith.constant 0 : index
    tpu.barrier barrier_id(%barrier3A_116)
    %mul3A_117 = arith.constant 632 : i32
    %mul3A_118 = arith.muli %arg1, %mul3A_117 : i32
    "tpu.region"() ({
      %run_scoped3A = tpu.sem_alloc : memref<!tpu.dma_semaphore, #tpu.memory_space<semaphore_mem>>
      %dma_start3A_119 = arith.constant 0 : i32
      %dma_start3A_120 = tpu.memref_slice %arg6[%arg0, %mul3A_118, %dma_start3A_119] : memref<2x10112x32xf32, #tpu.memory_space<hbm>> -> memref<1x632x32xf32, #tpu.memory_space<hbm>>
      %dma_start3A_121 = tpu.memref_squeeze %dma_start3A_120 : memref<1x632x32xf32, #tpu.memory_space<hbm>> -> memref<632x32xf32, #tpu.memory_space<hbm>>
      %dma_start3A_122 = arith.constant 0 : i32
      %dma_start3A_123 = tpu.memref_slice %arg13[%mul3A_118, %dma_start3A_122] : memref<10112x32xf32, #tpu.memory_space<vmem_shared>> -> memref<632x32xf32, #tpu.memory_space<vmem_shared>>
      tpu.enqueue_dma source(%dma_start3A_123 : memref<632x32xf32, #tpu.memory_space<vmem_shared>>) target(%dma_start3A_121 : memref<632x32xf32, #tpu.memory_space<hbm>>) target_semaphore(%run_scoped3A : memref<!tpu.dma_semaphore, #tpu.memory_space<semaphore_mem>>)
      %dma_wait3A_124 = arith.constant 0 : i32
      %dma_wait3A_125 = tpu.memref_slice %arg6[%arg0, %mul3A_118, %dma_wait3A_124] : memref<2x10112x32xf32, #tpu.memory_space<hbm>> -> memref<1x632x32xf32, #tpu.memory_space<hbm>>
      %dma_wait3A_126 = tpu.memref_squeeze %dma_wait3A_125 : memref<1x632x32xf32, #tpu.memory_space<hbm>> -> memref<632x32xf32, #tpu.memory_space<hbm>>
      %dma_wait3A_127 = arith.constant 0 : i32
      %dma_wait3A_128 = tpu.memref_slice %arg13[%mul3A_118, %dma_wait3A_127] : memref<10112x32xf32, #tpu.memory_space<vmem_shared>> -> memref<632x32xf32, #tpu.memory_space<vmem_shared>>
      tpu.wait_dma2 semaphore(%run_scoped3A : memref<!tpu.dma_semaphore, #tpu.memory_space<semaphore_mem>>) src(%dma_wait3A_128 : memref<632x32xf32, #tpu.memory_space<vmem_shared>>) dst(%dma_wait3A_126 : memref<632x32xf32, #tpu.memory_space<hbm>>)
      tpu.yield
    }) : () -> ()
    return
  }
}

#map = affine_map<(d0, d1) -> (0, 0)>
#map1 = affine_map<(d0, d1) -> (0, 0, 0, 0)>
#map2 = affine_map<(d0, d1) -> (0, 0, 0)>
module attributes {stable_mosaic.version = 14 : i64} {
  func.func @_seg_body(%arg0: i32, %arg1: i32, %arg2: memref<20000x64xf32, #tpu.memory_space<hbm>>, %arg3: memref<2x16x160x125xi32, #tpu.memory_space<hbm>>, %arg4: memref<2x16x160x125xi32, #tpu.memory_space<hbm>>, %arg5: memref<632x64xf32, #tpu.memory_space<hbm>>, %arg6: memref<2x10112x64xf32, #tpu.memory_space<hbm>>, %arg7: memref<160x125xi32, #tpu.memory_space<vmem>>, %arg8: memref<160x125xi32, #tpu.memory_space<vmem>>, %arg9: memref<125x64xf32, #tpu.memory_space<vmem>>, %arg10: memref<125x64xf32, #tpu.memory_space<vmem>>, %arg11: memref<125x64xf32, #tpu.memory_space<vmem>>, %arg12: memref<125x64xf32, #tpu.memory_space<vmem>>, %arg13: memref<10112x64xf32, #tpu.memory_space<vmem_shared>>, %arg14: memref<!tpu.dma_semaphore, #tpu.memory_space<semaphore_mem>>, %arg15: memref<!tpu.dma_semaphore, #tpu.memory_space<semaphore_mem>>, %arg16: memref<!tpu.dma_semaphore, #tpu.memory_space<semaphore_mem>>, %arg17: memref<!tpu.dma_semaphore, #tpu.memory_space<semaphore_mem>>, %arg18: memref<!tpu.dma_semaphore, #tpu.memory_space<semaphore_mem>>, %arg19: memref<!tpu.dma_semaphore, #tpu.memory_space<semaphore_mem>>, %arg20: memref<!tpu.dma_semaphore, #tpu.memory_space<semaphore_mem>>, %arg21: memref<!tpu.dma_semaphore, #tpu.memory_space<semaphore_mem>>) attributes {dimension_semantics = [#tpu.dimension_semantics<core_parallel>, #tpu.dimension_semantics<subcore_parallel>], iteration_bounds = array<i64: 2, 16>, scalar_prefetch = 0 : i64, scratch_operands = 15 : i64, tpu.core_type = #tpu.core_type<sc_vector_subcore>, window_params = [{transform_indices = #map}, {transform_indices = #map1}, {transform_indices = #map1}, {transform_indices = #map}, {transform_indices = #map2}]} {
    "tpu.region"() ({
      %run_scoped3A = tpu.sem_alloc : memref<!tpu.dma_semaphore, #tpu.memory_space<semaphore_mem>>
      %dma_start3A_119 = arith.constant 0 : i32
      %dma_start3A_120 = arith.constant 0 : i32
      %dma_start3A_121 = tpu.memref_slice %arg3[%arg0, %arg1, %dma_start3A_119, %dma_start3A_120] : memref<2x16x160x125xi32, #tpu.memory_space<hbm>> -> memref<1x1x160x125xi32, #tpu.memory_space<hbm>>
      %dma_start3A_122 = tpu.memref_squeeze %dma_start3A_121 : memref<1x1x160x125xi32, #tpu.memory_space<hbm>> -> memref<160x125xi32, #tpu.memory_space<hbm>>
      %dma_start3A_123 = arith.constant 0 : i32
      %dma_start3A_124 = arith.constant 0 : i32
      %dma_start3A_125 = tpu.memref_slice %arg3[%arg0, %arg1, %dma_start3A_123, %dma_start3A_124] : memref<2x16x160x125xi32, #tpu.memory_space<hbm>> -> memref<1x1x160x125xi32, #tpu.memory_space<hbm>>
      %dma_start3A_126 = tpu.memref_squeeze %dma_start3A_125 : memref<1x1x160x125xi32, #tpu.memory_space<hbm>> -> memref<160x125xi32, #tpu.memory_space<hbm>>
      tpu.enqueue_dma source(%dma_start3A_126 : memref<160x125xi32, #tpu.memory_space<hbm>>) target(%arg7 : memref<160x125xi32, #tpu.memory_space<vmem>>) target_semaphore(%run_scoped3A : memref<!tpu.dma_semaphore, #tpu.memory_space<semaphore_mem>>)
      %dma_wait3A_127 = arith.constant 0 : i32
      %dma_wait3A_128 = arith.constant 0 : i32
      %dma_wait3A_129 = tpu.memref_slice %arg3[%arg0, %arg1, %dma_wait3A_127, %dma_wait3A_128] : memref<2x16x160x125xi32, #tpu.memory_space<hbm>> -> memref<1x1x160x125xi32, #tpu.memory_space<hbm>>
      %dma_wait3A_130 = tpu.memref_squeeze %dma_wait3A_129 : memref<1x1x160x125xi32, #tpu.memory_space<hbm>> -> memref<160x125xi32, #tpu.memory_space<hbm>>
      %dma_wait3A_131 = arith.constant 0 : i32
      %dma_wait3A_132 = arith.constant 0 : i32
      %dma_wait3A_133 = tpu.memref_slice %arg3[%arg0, %arg1, %dma_wait3A_131, %dma_wait3A_132] : memref<2x16x160x125xi32, #tpu.memory_space<hbm>> -> memref<1x1x160x125xi32, #tpu.memory_space<hbm>>
      %dma_wait3A_134 = tpu.memref_squeeze %dma_wait3A_133 : memref<1x1x160x125xi32, #tpu.memory_space<hbm>> -> memref<160x125xi32, #tpu.memory_space<hbm>>
      tpu.wait_dma2 semaphore(%run_scoped3A : memref<!tpu.dma_semaphore, #tpu.memory_space<semaphore_mem>>) src(%dma_wait3A_134 : memref<160x125xi32, #tpu.memory_space<hbm>>) dst(%arg7 : memref<160x125xi32, #tpu.memory_space<vmem>>)
      tpu.yield
    }) : () -> ()
    "tpu.region"() ({
      %run_scoped3A = tpu.sem_alloc : memref<!tpu.dma_semaphore, #tpu.memory_space<semaphore_mem>>
      %dma_start3A_119 = arith.constant 0 : i32
      %dma_start3A_120 = arith.constant 0 : i32
      %dma_start3A_121 = tpu.memref_slice %arg4[%arg0, %arg1, %dma_start3A_119, %dma_start3A_120] : memref<2x16x160x125xi32, #tpu.memory_space<hbm>> -> memref<1x1x160x125xi32, #tpu.memory_space<hbm>>
      %dma_start3A_122 = tpu.memref_squeeze %dma_start3A_121 : memref<1x1x160x125xi32, #tpu.memory_space<hbm>> -> memref<160x125xi32, #tpu.memory_space<hbm>>
      %dma_start3A_123 = arith.constant 0 : i32
      %dma_start3A_124 = arith.constant 0 : i32
      %dma_start3A_125 = tpu.memref_slice %arg4[%arg0, %arg1, %dma_start3A_123, %dma_start3A_124] : memref<2x16x160x125xi32, #tpu.memory_space<hbm>> -> memref<1x1x160x125xi32, #tpu.memory_space<hbm>>
      %dma_start3A_126 = tpu.memref_squeeze %dma_start3A_125 : memref<1x1x160x125xi32, #tpu.memory_space<hbm>> -> memref<160x125xi32, #tpu.memory_space<hbm>>
      tpu.enqueue_dma source(%dma_start3A_126 : memref<160x125xi32, #tpu.memory_space<hbm>>) target(%arg8 : memref<160x125xi32, #tpu.memory_space<vmem>>) target_semaphore(%run_scoped3A : memref<!tpu.dma_semaphore, #tpu.memory_space<semaphore_mem>>)
      %dma_wait3A_127 = arith.constant 0 : i32
      %dma_wait3A_128 = arith.constant 0 : i32
      %dma_wait3A_129 = tpu.memref_slice %arg4[%arg0, %arg1, %dma_wait3A_127, %dma_wait3A_128] : memref<2x16x160x125xi32, #tpu.memory_space<hbm>> -> memref<1x1x160x125xi32, #tpu.memory_space<hbm>>
      %dma_wait3A_130 = tpu.memref_squeeze %dma_wait3A_129 : memref<1x1x160x125xi32, #tpu.memory_space<hbm>> -> memref<160x125xi32, #tpu.memory_space<hbm>>
      %dma_wait3A_131 = arith.constant 0 : i32
      %dma_wait3A_132 = arith.constant 0 : i32
      %dma_wait3A_133 = tpu.memref_slice %arg4[%arg0, %arg1, %dma_wait3A_131, %dma_wait3A_132] : memref<2x16x160x125xi32, #tpu.memory_space<hbm>> -> memref<1x1x160x125xi32, #tpu.memory_space<hbm>>
      %dma_wait3A_134 = tpu.memref_squeeze %dma_wait3A_133 : memref<1x1x160x125xi32, #tpu.memory_space<hbm>> -> memref<160x125xi32, #tpu.memory_space<hbm>>
      tpu.wait_dma2 semaphore(%run_scoped3A : memref<!tpu.dma_semaphore, #tpu.memory_space<semaphore_mem>>) src(%dma_wait3A_134 : memref<160x125xi32, #tpu.memory_space<hbm>>) dst(%arg8 : memref<160x125xi32, #tpu.memory_space<vmem>>)
      tpu.yield
    }) : () -> ()
    %mul3A = arith.constant 632 : i32
    %mul3A_0 = arith.muli %arg1, %mul3A : i32
    "tpu.region"() ({
      %run_scoped3A = tpu.sem_alloc : memref<!tpu.dma_semaphore, #tpu.memory_space<semaphore_mem>>
      %dma_start3A_119 = arith.constant 0 : i32
      %dma_start3A_120 = tpu.memref_slice %arg13[%mul3A_0, %dma_start3A_119] : memref<10112x64xf32, #tpu.memory_space<vmem_shared>> -> memref<632x64xf32, #tpu.memory_space<vmem_shared>>
      tpu.enqueue_dma source(%arg5 : memref<632x64xf32, #tpu.memory_space<hbm>>) target(%dma_start3A_120 : memref<632x64xf32, #tpu.memory_space<vmem_shared>>) target_semaphore(%run_scoped3A : memref<!tpu.dma_semaphore, #tpu.memory_space<semaphore_mem>>)
      %dma_wait3A_121 = arith.constant 0 : i32
      %dma_wait3A_122 = tpu.memref_slice %arg13[%mul3A_0, %dma_wait3A_121] : memref<10112x64xf32, #tpu.memory_space<vmem_shared>> -> memref<632x64xf32, #tpu.memory_space<vmem_shared>>
      tpu.wait_dma2 semaphore(%run_scoped3A : memref<!tpu.dma_semaphore, #tpu.memory_space<semaphore_mem>>) src(%arg5 : memref<632x64xf32, #tpu.memory_space<hbm>>) dst(%dma_wait3A_122 : memref<632x64xf32, #tpu.memory_space<vmem_shared>>)
      tpu.yield
    }) : () -> ()
    %barrier3A = arith.constant 0 : index
    tpu.barrier barrier_id(%barrier3A)
    %dma_start3A = arith.constant 0 : i32
    %dma_start3A_1 = arith.constant 0 : i32
    %dma_start3A_2 = tpu.memref_slice %arg7[%dma_start3A, %dma_start3A_1] : memref<160x125xi32, #tpu.memory_space<vmem>> -> memref<1x125xi32, #tpu.memory_space<vmem>>
    %dma_start3A_3 = tpu.memref_squeeze %dma_start3A_2 : memref<1x125xi32, #tpu.memory_space<vmem>> -> memref<125xi32, #tpu.memory_space<vmem>>
    %dma_start3A_4 = arith.constant 0 : i32
    %dma_start3A_5 = arith.constant 0 : i32
    %dma_start3A_6 = tpu.memref_slice %arg2[%dma_start3A_4, %dma_start3A_5] : memref<20000x64xf32, #tpu.memory_space<hbm>> -> memref<20000x64xf32, #tpu.memory_space<hbm>>
    tpu.enqueue_indirect_dma source(%dma_start3A_6 : memref<20000x64xf32, #tpu.memory_space<hbm>>) target(%arg9 : memref<125x64xf32, #tpu.memory_space<vmem>>) offsets(%dma_start3A_3 : memref<125xi32, #tpu.memory_space<vmem>>) semaphore(%arg14 : memref<!tpu.dma_semaphore, #tpu.memory_space<semaphore_mem>>)
    %dma_start3A_7 = arith.constant 1 : i32
    %dma_start3A_8 = arith.constant 0 : i32
    %dma_start3A_9 = tpu.memref_slice %arg7[%dma_start3A_7, %dma_start3A_8] : memref<160x125xi32, #tpu.memory_space<vmem>> -> memref<1x125xi32, #tpu.memory_space<vmem>>
    %dma_start3A_10 = tpu.memref_squeeze %dma_start3A_9 : memref<1x125xi32, #tpu.memory_space<vmem>> -> memref<125xi32, #tpu.memory_space<vmem>>
    %dma_start3A_11 = arith.constant 0 : i32
    %dma_start3A_12 = arith.constant 0 : i32
    %dma_start3A_13 = tpu.memref_slice %arg2[%dma_start3A_11, %dma_start3A_12] : memref<20000x64xf32, #tpu.memory_space<hbm>> -> memref<20000x64xf32, #tpu.memory_space<hbm>>
    tpu.enqueue_indirect_dma source(%dma_start3A_13 : memref<20000x64xf32, #tpu.memory_space<hbm>>) target(%arg10 : memref<125x64xf32, #tpu.memory_space<vmem>>) offsets(%dma_start3A_10 : memref<125xi32, #tpu.memory_space<vmem>>) semaphore(%arg15 : memref<!tpu.dma_semaphore, #tpu.memory_space<semaphore_mem>>)
    %dma_start3A_14 = arith.constant 2 : i32
    %dma_start3A_15 = arith.constant 0 : i32
    %dma_start3A_16 = tpu.memref_slice %arg7[%dma_start3A_14, %dma_start3A_15] : memref<160x125xi32, #tpu.memory_space<vmem>> -> memref<1x125xi32, #tpu.memory_space<vmem>>
    %dma_start3A_17 = tpu.memref_squeeze %dma_start3A_16 : memref<1x125xi32, #tpu.memory_space<vmem>> -> memref<125xi32, #tpu.memory_space<vmem>>
    %dma_start3A_18 = arith.constant 0 : i32
    %dma_start3A_19 = arith.constant 0 : i32
    %dma_start3A_20 = tpu.memref_slice %arg2[%dma_start3A_18, %dma_start3A_19] : memref<20000x64xf32, #tpu.memory_space<hbm>> -> memref<20000x64xf32, #tpu.memory_space<hbm>>
    tpu.enqueue_indirect_dma source(%dma_start3A_20 : memref<20000x64xf32, #tpu.memory_space<hbm>>) target(%arg11 : memref<125x64xf32, #tpu.memory_space<vmem>>) offsets(%dma_start3A_17 : memref<125xi32, #tpu.memory_space<vmem>>) semaphore(%arg16 : memref<!tpu.dma_semaphore, #tpu.memory_space<semaphore_mem>>)
    %dma_wait3A = arith.constant 0 : i32
    %dma_wait3A_21 = arith.constant 0 : i32
    %dma_wait3A_22 = tpu.memref_slice %arg7[%dma_wait3A, %dma_wait3A_21] : memref<160x125xi32, #tpu.memory_space<vmem>> -> memref<1x125xi32, #tpu.memory_space<vmem>>
    %dma_wait3A_23 = tpu.memref_squeeze %dma_wait3A_22 : memref<1x125xi32, #tpu.memory_space<vmem>> -> memref<125xi32, #tpu.memory_space<vmem>>
    %dma_wait3A_24 = arith.constant 0 : i32
    %dma_wait3A_25 = arith.constant 0 : i32
    %dma_wait3A_26 = tpu.memref_slice %arg2[%dma_wait3A_24, %dma_wait3A_25] : memref<20000x64xf32, #tpu.memory_space<hbm>> -> memref<20000x64xf32, #tpu.memory_space<hbm>>
    tpu.wait_indirect_dma semaphore(%arg14 : memref<!tpu.dma_semaphore, #tpu.memory_space<semaphore_mem>>) src(%dma_wait3A_26 : memref<20000x64xf32, #tpu.memory_space<hbm>>) dst(%arg9 : memref<125x64xf32, #tpu.memory_space<vmem>>)
    %dma_start3A_27 = arith.constant 0 : i32
    %dma_start3A_28 = arith.constant 0 : i32
    %dma_start3A_29 = tpu.memref_slice %arg8[%dma_start3A_27, %dma_start3A_28] : memref<160x125xi32, #tpu.memory_space<vmem>> -> memref<1x125xi32, #tpu.memory_space<vmem>>
    %dma_start3A_30 = tpu.memref_squeeze %dma_start3A_29 : memref<1x125xi32, #tpu.memory_space<vmem>> -> memref<125xi32, #tpu.memory_space<vmem>>
    %dma_start3A_31 = arith.constant 0 : i32
    %dma_start3A_32 = arith.constant 0 : i32
    %dma_start3A_33 = tpu.memref_slice %arg13[%dma_start3A_31, %dma_start3A_32] : memref<10112x64xf32, #tpu.memory_space<vmem_shared>> -> memref<10112x64xf32, #tpu.memory_space<vmem_shared>>
    tpu.enqueue_indirect_dma source(%arg9 : memref<125x64xf32, #tpu.memory_space<vmem>>) target(%dma_start3A_33 : memref<10112x64xf32, #tpu.memory_space<vmem_shared>>) offsets(%dma_start3A_30 : memref<125xi32, #tpu.memory_space<vmem>>) semaphore(%arg18 : memref<!tpu.dma_semaphore, #tpu.memory_space<semaphore_mem>>) {add = true}
    %dma_start3A_34 = arith.constant 3 : i32
    %dma_start3A_35 = arith.constant 0 : i32
    %dma_start3A_36 = tpu.memref_slice %arg7[%dma_start3A_34, %dma_start3A_35] : memref<160x125xi32, #tpu.memory_space<vmem>> -> memref<1x125xi32, #tpu.memory_space<vmem>>
    %dma_start3A_37 = tpu.memref_squeeze %dma_start3A_36 : memref<1x125xi32, #tpu.memory_space<vmem>> -> memref<125xi32, #tpu.memory_space<vmem>>
    %dma_start3A_38 = arith.constant 0 : i32
    %dma_start3A_39 = arith.constant 0 : i32
    %dma_start3A_40 = tpu.memref_slice %arg2[%dma_start3A_38, %dma_start3A_39] : memref<20000x64xf32, #tpu.memory_space<hbm>> -> memref<20000x64xf32, #tpu.memory_space<hbm>>
    tpu.enqueue_indirect_dma source(%dma_start3A_40 : memref<20000x64xf32, #tpu.memory_space<hbm>>) target(%arg12 : memref<125x64xf32, #tpu.memory_space<vmem>>) offsets(%dma_start3A_37 : memref<125xi32, #tpu.memory_space<vmem>>) semaphore(%arg17 : memref<!tpu.dma_semaphore, #tpu.memory_space<semaphore_mem>>)
    %scan3A = arith.constant 0 : i32
    %scan3A_41 = arith.constant 0 : i32
    %scan3A_42 = arith.constant 39 : i32
    %scan3A_43 = arith.addi %scan3A_41, %scan3A_42 : i32
    %scan3A_44 = arith.constant 1 : i32
    scf.for %scan3A_119 = %scan3A_41 to %scan3A_43 step %scan3A_44  : i32 {
      %mul3A_120 = arith.constant 4 : i32
      %mul3A_121 = arith.muli %mul3A_120, %scan3A_119 : i32
      %add3A = arith.constant 1 : i32
      %add3A_122 = arith.addi %mul3A_121, %add3A : i32
      %dma_wait3A_123 = arith.constant 0 : i32
      %dma_wait3A_124 = arith.constant 0 : i32
      %dma_wait3A_125 = tpu.memref_slice %arg7[%dma_wait3A_123, %dma_wait3A_124] : memref<160x125xi32, #tpu.memory_space<vmem>> -> memref<1x125xi32, #tpu.memory_space<vmem>>
      %dma_wait3A_126 = tpu.memref_squeeze %dma_wait3A_125 : memref<1x125xi32, #tpu.memory_space<vmem>> -> memref<125xi32, #tpu.memory_space<vmem>>
      %dma_wait3A_127 = arith.constant 0 : i32
      %dma_wait3A_128 = arith.constant 0 : i32
      %dma_wait3A_129 = tpu.memref_slice %arg2[%dma_wait3A_127, %dma_wait3A_128] : memref<20000x64xf32, #tpu.memory_space<hbm>> -> memref<20000x64xf32, #tpu.memory_space<hbm>>
      tpu.wait_indirect_dma semaphore(%arg15 : memref<!tpu.dma_semaphore, #tpu.memory_space<semaphore_mem>>) src(%dma_wait3A_129 : memref<20000x64xf32, #tpu.memory_space<hbm>>) dst(%arg10 : memref<125x64xf32, #tpu.memory_space<vmem>>)
      %add3A_130 = arith.constant 0 : i32
      %add3A_131 = arith.addi %add3A_122, %add3A_130 : i32
      %dma_start3A_132 = arith.constant 0 : i32
      %dma_start3A_133 = tpu.memref_slice %arg8[%add3A_131, %dma_start3A_132] : memref<160x125xi32, #tpu.memory_space<vmem>> -> memref<1x125xi32, #tpu.memory_space<vmem>>
      %dma_start3A_134 = tpu.memref_squeeze %dma_start3A_133 : memref<1x125xi32, #tpu.memory_space<vmem>> -> memref<125xi32, #tpu.memory_space<vmem>>
      %dma_start3A_135 = arith.constant 0 : i32
      %dma_start3A_136 = arith.constant 0 : i32
      %dma_start3A_137 = tpu.memref_slice %arg13[%dma_start3A_135, %dma_start3A_136] : memref<10112x64xf32, #tpu.memory_space<vmem_shared>> -> memref<10112x64xf32, #tpu.memory_space<vmem_shared>>
      tpu.enqueue_indirect_dma source(%arg10 : memref<125x64xf32, #tpu.memory_space<vmem>>) target(%dma_start3A_137 : memref<10112x64xf32, #tpu.memory_space<vmem_shared>>) offsets(%dma_start3A_134 : memref<125xi32, #tpu.memory_space<vmem>>) semaphore(%arg19 : memref<!tpu.dma_semaphore, #tpu.memory_space<semaphore_mem>>) {add = true}
      %dma_wait3A_138 = arith.constant 0 : i32
      %dma_wait3A_139 = arith.constant 0 : i32
      %dma_wait3A_140 = tpu.memref_slice %arg8[%dma_wait3A_138, %dma_wait3A_139] : memref<160x125xi32, #tpu.memory_space<vmem>> -> memref<1x125xi32, #tpu.memory_space<vmem>>
      %dma_wait3A_141 = tpu.memref_squeeze %dma_wait3A_140 : memref<1x125xi32, #tpu.memory_space<vmem>> -> memref<125xi32, #tpu.memory_space<vmem>>
      %dma_wait3A_142 = arith.constant 0 : i32
      %dma_wait3A_143 = arith.constant 0 : i32
      %dma_wait3A_144 = tpu.memref_slice %arg13[%dma_wait3A_142, %dma_wait3A_143] : memref<10112x64xf32, #tpu.memory_space<vmem_shared>> -> memref<10112x64xf32, #tpu.memory_space<vmem_shared>>
      tpu.wait_indirect_dma semaphore(%arg18 : memref<!tpu.dma_semaphore, #tpu.memory_space<semaphore_mem>>) src(%arg9 : memref<125x64xf32, #tpu.memory_space<vmem>>) dst(%dma_wait3A_144 : memref<10112x64xf32, #tpu.memory_space<vmem_shared>>)
      %add3A_145 = arith.constant 0 : i32
      %add3A_146 = arith.addi %add3A_122, %add3A_145 : i32
      %add3A_147 = arith.constant 3 : i32
      %add3A_148 = arith.addi %add3A_146, %add3A_147 : i32
      %dma_start3A_149 = arith.constant 0 : i32
      %dma_start3A_150 = tpu.memref_slice %arg7[%add3A_148, %dma_start3A_149] : memref<160x125xi32, #tpu.memory_space<vmem>> -> memref<1x125xi32, #tpu.memory_space<vmem>>
      %dma_start3A_151 = tpu.memref_squeeze %dma_start3A_150 : memref<1x125xi32, #tpu.memory_space<vmem>> -> memref<125xi32, #tpu.memory_space<vmem>>
      %dma_start3A_152 = arith.constant 0 : i32
      %dma_start3A_153 = arith.constant 0 : i32
      %dma_start3A_154 = tpu.memref_slice %arg2[%dma_start3A_152, %dma_start3A_153] : memref<20000x64xf32, #tpu.memory_space<hbm>> -> memref<20000x64xf32, #tpu.memory_space<hbm>>
      tpu.enqueue_indirect_dma source(%dma_start3A_154 : memref<20000x64xf32, #tpu.memory_space<hbm>>) target(%arg9 : memref<125x64xf32, #tpu.memory_space<vmem>>) offsets(%dma_start3A_151 : memref<125xi32, #tpu.memory_space<vmem>>) semaphore(%arg14 : memref<!tpu.dma_semaphore, #tpu.memory_space<semaphore_mem>>)
      %dma_wait3A_155 = arith.constant 0 : i32
      %dma_wait3A_156 = arith.constant 0 : i32
      %dma_wait3A_157 = tpu.memref_slice %arg7[%dma_wait3A_155, %dma_wait3A_156] : memref<160x125xi32, #tpu.memory_space<vmem>> -> memref<1x125xi32, #tpu.memory_space<vmem>>
      %dma_wait3A_158 = tpu.memref_squeeze %dma_wait3A_157 : memref<1x125xi32, #tpu.memory_space<vmem>> -> memref<125xi32, #tpu.memory_space<vmem>>
      %dma_wait3A_159 = arith.constant 0 : i32
      %dma_wait3A_160 = arith.constant 0 : i32
      %dma_wait3A_161 = tpu.memref_slice %arg2[%dma_wait3A_159, %dma_wait3A_160] : memref<20000x64xf32, #tpu.memory_space<hbm>> -> memref<20000x64xf32, #tpu.memory_space<hbm>>
      tpu.wait_indirect_dma semaphore(%arg16 : memref<!tpu.dma_semaphore, #tpu.memory_space<semaphore_mem>>) src(%dma_wait3A_161 : memref<20000x64xf32, #tpu.memory_space<hbm>>) dst(%arg11 : memref<125x64xf32, #tpu.memory_space<vmem>>)
      %add3A_162 = arith.constant 1 : i32
      %add3A_163 = arith.addi %add3A_122, %add3A_162 : i32
      %dma_start3A_164 = arith.constant 0 : i32
      %dma_start3A_165 = tpu.memref_slice %arg8[%add3A_163, %dma_start3A_164] : memref<160x125xi32, #tpu.memory_space<vmem>> -> memref<1x125xi32, #tpu.memory_space<vmem>>
      %dma_start3A_166 = tpu.memref_squeeze %dma_start3A_165 : memref<1x125xi32, #tpu.memory_space<vmem>> -> memref<125xi32, #tpu.memory_space<vmem>>
      %dma_start3A_167 = arith.constant 0 : i32
      %dma_start3A_168 = arith.constant 0 : i32
      %dma_start3A_169 = tpu.memref_slice %arg13[%dma_start3A_167, %dma_start3A_168] : memref<10112x64xf32, #tpu.memory_space<vmem_shared>> -> memref<10112x64xf32, #tpu.memory_space<vmem_shared>>
      tpu.enqueue_indirect_dma source(%arg11 : memref<125x64xf32, #tpu.memory_space<vmem>>) target(%dma_start3A_169 : memref<10112x64xf32, #tpu.memory_space<vmem_shared>>) offsets(%dma_start3A_166 : memref<125xi32, #tpu.memory_space<vmem>>) semaphore(%arg20 : memref<!tpu.dma_semaphore, #tpu.memory_space<semaphore_mem>>) {add = true}
      %dma_wait3A_170 = arith.constant 0 : i32
      %dma_wait3A_171 = arith.constant 0 : i32
      %dma_wait3A_172 = tpu.memref_slice %arg8[%dma_wait3A_170, %dma_wait3A_171] : memref<160x125xi32, #tpu.memory_space<vmem>> -> memref<1x125xi32, #tpu.memory_space<vmem>>
      %dma_wait3A_173 = tpu.memref_squeeze %dma_wait3A_172 : memref<1x125xi32, #tpu.memory_space<vmem>> -> memref<125xi32, #tpu.memory_space<vmem>>
      %dma_wait3A_174 = arith.constant 0 : i32
      %dma_wait3A_175 = arith.constant 0 : i32
      %dma_wait3A_176 = tpu.memref_slice %arg13[%dma_wait3A_174, %dma_wait3A_175] : memref<10112x64xf32, #tpu.memory_space<vmem_shared>> -> memref<10112x64xf32, #tpu.memory_space<vmem_shared>>
      tpu.wait_indirect_dma semaphore(%arg19 : memref<!tpu.dma_semaphore, #tpu.memory_space<semaphore_mem>>) src(%arg10 : memref<125x64xf32, #tpu.memory_space<vmem>>) dst(%dma_wait3A_176 : memref<10112x64xf32, #tpu.memory_space<vmem_shared>>)
      %add3A_177 = arith.constant 1 : i32
      %add3A_178 = arith.addi %add3A_122, %add3A_177 : i32
      %add3A_179 = arith.constant 3 : i32
      %add3A_180 = arith.addi %add3A_178, %add3A_179 : i32
      %dma_start3A_181 = arith.constant 0 : i32
      %dma_start3A_182 = tpu.memref_slice %arg7[%add3A_180, %dma_start3A_181] : memref<160x125xi32, #tpu.memory_space<vmem>> -> memref<1x125xi32, #tpu.memory_space<vmem>>
      %dma_start3A_183 = tpu.memref_squeeze %dma_start3A_182 : memref<1x125xi32, #tpu.memory_space<vmem>> -> memref<125xi32, #tpu.memory_space<vmem>>
      %dma_start3A_184 = arith.constant 0 : i32
      %dma_start3A_185 = arith.constant 0 : i32
      %dma_start3A_186 = tpu.memref_slice %arg2[%dma_start3A_184, %dma_start3A_185] : memref<20000x64xf32, #tpu.memory_space<hbm>> -> memref<20000x64xf32, #tpu.memory_space<hbm>>
      tpu.enqueue_indirect_dma source(%dma_start3A_186 : memref<20000x64xf32, #tpu.memory_space<hbm>>) target(%arg10 : memref<125x64xf32, #tpu.memory_space<vmem>>) offsets(%dma_start3A_183 : memref<125xi32, #tpu.memory_space<vmem>>) semaphore(%arg15 : memref<!tpu.dma_semaphore, #tpu.memory_space<semaphore_mem>>)
      %dma_wait3A_187 = arith.constant 0 : i32
      %dma_wait3A_188 = arith.constant 0 : i32
      %dma_wait3A_189 = tpu.memref_slice %arg7[%dma_wait3A_187, %dma_wait3A_188] : memref<160x125xi32, #tpu.memory_space<vmem>> -> memref<1x125xi32, #tpu.memory_space<vmem>>
      %dma_wait3A_190 = tpu.memref_squeeze %dma_wait3A_189 : memref<1x125xi32, #tpu.memory_space<vmem>> -> memref<125xi32, #tpu.memory_space<vmem>>
      %dma_wait3A_191 = arith.constant 0 : i32
      %dma_wait3A_192 = arith.constant 0 : i32
      %dma_wait3A_193 = tpu.memref_slice %arg2[%dma_wait3A_191, %dma_wait3A_192] : memref<20000x64xf32, #tpu.memory_space<hbm>> -> memref<20000x64xf32, #tpu.memory_space<hbm>>
      tpu.wait_indirect_dma semaphore(%arg17 : memref<!tpu.dma_semaphore, #tpu.memory_space<semaphore_mem>>) src(%dma_wait3A_193 : memref<20000x64xf32, #tpu.memory_space<hbm>>) dst(%arg12 : memref<125x64xf32, #tpu.memory_space<vmem>>)
      %add3A_194 = arith.constant 2 : i32
      %add3A_195 = arith.addi %add3A_122, %add3A_194 : i32
      %dma_start3A_196 = arith.constant 0 : i32
      %dma_start3A_197 = tpu.memref_slice %arg8[%add3A_195, %dma_start3A_196] : memref<160x125xi32, #tpu.memory_space<vmem>> -> memref<1x125xi32, #tpu.memory_space<vmem>>
      %dma_start3A_198 = tpu.memref_squeeze %dma_start3A_197 : memref<1x125xi32, #tpu.memory_space<vmem>> -> memref<125xi32, #tpu.memory_space<vmem>>
      %dma_start3A_199 = arith.constant 0 : i32
      %dma_start3A_200 = arith.constant 0 : i32
      %dma_start3A_201 = tpu.memref_slice %arg13[%dma_start3A_199, %dma_start3A_200] : memref<10112x64xf32, #tpu.memory_space<vmem_shared>> -> memref<10112x64xf32, #tpu.memory_space<vmem_shared>>
      tpu.enqueue_indirect_dma source(%arg12 : memref<125x64xf32, #tpu.memory_space<vmem>>) target(%dma_start3A_201 : memref<10112x64xf32, #tpu.memory_space<vmem_shared>>) offsets(%dma_start3A_198 : memref<125xi32, #tpu.memory_space<vmem>>) semaphore(%arg21 : memref<!tpu.dma_semaphore, #tpu.memory_space<semaphore_mem>>) {add = true}
      %dma_wait3A_202 = arith.constant 0 : i32
      %dma_wait3A_203 = arith.constant 0 : i32
      %dma_wait3A_204 = tpu.memref_slice %arg8[%dma_wait3A_202, %dma_wait3A_203] : memref<160x125xi32, #tpu.memory_space<vmem>> -> memref<1x125xi32, #tpu.memory_space<vmem>>
      %dma_wait3A_205 = tpu.memref_squeeze %dma_wait3A_204 : memref<1x125xi32, #tpu.memory_space<vmem>> -> memref<125xi32, #tpu.memory_space<vmem>>
      %dma_wait3A_206 = arith.constant 0 : i32
      %dma_wait3A_207 = arith.constant 0 : i32
      %dma_wait3A_208 = tpu.memref_slice %arg13[%dma_wait3A_206, %dma_wait3A_207] : memref<10112x64xf32, #tpu.memory_space<vmem_shared>> -> memref<10112x64xf32, #tpu.memory_space<vmem_shared>>
      tpu.wait_indirect_dma semaphore(%arg20 : memref<!tpu.dma_semaphore, #tpu.memory_space<semaphore_mem>>) src(%arg11 : memref<125x64xf32, #tpu.memory_space<vmem>>) dst(%dma_wait3A_208 : memref<10112x64xf32, #tpu.memory_space<vmem_shared>>)
      %add3A_209 = arith.constant 2 : i32
      %add3A_210 = arith.addi %add3A_122, %add3A_209 : i32
      %add3A_211 = arith.constant 3 : i32
      %add3A_212 = arith.addi %add3A_210, %add3A_211 : i32
      %dma_start3A_213 = arith.constant 0 : i32
      %dma_start3A_214 = tpu.memref_slice %arg7[%add3A_212, %dma_start3A_213] : memref<160x125xi32, #tpu.memory_space<vmem>> -> memref<1x125xi32, #tpu.memory_space<vmem>>
      %dma_start3A_215 = tpu.memref_squeeze %dma_start3A_214 : memref<1x125xi32, #tpu.memory_space<vmem>> -> memref<125xi32, #tpu.memory_space<vmem>>
      %dma_start3A_216 = arith.constant 0 : i32
      %dma_start3A_217 = arith.constant 0 : i32
      %dma_start3A_218 = tpu.memref_slice %arg2[%dma_start3A_216, %dma_start3A_217] : memref<20000x64xf32, #tpu.memory_space<hbm>> -> memref<20000x64xf32, #tpu.memory_space<hbm>>
      tpu.enqueue_indirect_dma source(%dma_start3A_218 : memref<20000x64xf32, #tpu.memory_space<hbm>>) target(%arg11 : memref<125x64xf32, #tpu.memory_space<vmem>>) offsets(%dma_start3A_215 : memref<125xi32, #tpu.memory_space<vmem>>) semaphore(%arg16 : memref<!tpu.dma_semaphore, #tpu.memory_space<semaphore_mem>>)
      %dma_wait3A_219 = arith.constant 0 : i32
      %dma_wait3A_220 = arith.constant 0 : i32
      %dma_wait3A_221 = tpu.memref_slice %arg7[%dma_wait3A_219, %dma_wait3A_220] : memref<160x125xi32, #tpu.memory_space<vmem>> -> memref<1x125xi32, #tpu.memory_space<vmem>>
      %dma_wait3A_222 = tpu.memref_squeeze %dma_wait3A_221 : memref<1x125xi32, #tpu.memory_space<vmem>> -> memref<125xi32, #tpu.memory_space<vmem>>
      %dma_wait3A_223 = arith.constant 0 : i32
      %dma_wait3A_224 = arith.constant 0 : i32
      %dma_wait3A_225 = tpu.memref_slice %arg2[%dma_wait3A_223, %dma_wait3A_224] : memref<20000x64xf32, #tpu.memory_space<hbm>> -> memref<20000x64xf32, #tpu.memory_space<hbm>>
      tpu.wait_indirect_dma semaphore(%arg14 : memref<!tpu.dma_semaphore, #tpu.memory_space<semaphore_mem>>) src(%dma_wait3A_225 : memref<20000x64xf32, #tpu.memory_space<hbm>>) dst(%arg9 : memref<125x64xf32, #tpu.memory_space<vmem>>)
      %add3A_226 = arith.constant 3 : i32
      %add3A_227 = arith.addi %add3A_122, %add3A_226 : i32
      %dma_start3A_228 = arith.constant 0 : i32
      %dma_start3A_229 = tpu.memref_slice %arg8[%add3A_227, %dma_start3A_228] : memref<160x125xi32, #tpu.memory_space<vmem>> -> memref<1x125xi32, #tpu.memory_space<vmem>>
      %dma_start3A_230 = tpu.memref_squeeze %dma_start3A_229 : memref<1x125xi32, #tpu.memory_space<vmem>> -> memref<125xi32, #tpu.memory_space<vmem>>
      %dma_start3A_231 = arith.constant 0 : i32
      %dma_start3A_232 = arith.constant 0 : i32
      %dma_start3A_233 = tpu.memref_slice %arg13[%dma_start3A_231, %dma_start3A_232] : memref<10112x64xf32, #tpu.memory_space<vmem_shared>> -> memref<10112x64xf32, #tpu.memory_space<vmem_shared>>
      tpu.enqueue_indirect_dma source(%arg9 : memref<125x64xf32, #tpu.memory_space<vmem>>) target(%dma_start3A_233 : memref<10112x64xf32, #tpu.memory_space<vmem_shared>>) offsets(%dma_start3A_230 : memref<125xi32, #tpu.memory_space<vmem>>) semaphore(%arg18 : memref<!tpu.dma_semaphore, #tpu.memory_space<semaphore_mem>>) {add = true}
      %dma_wait3A_234 = arith.constant 0 : i32
      %dma_wait3A_235 = arith.constant 0 : i32
      %dma_wait3A_236 = tpu.memref_slice %arg8[%dma_wait3A_234, %dma_wait3A_235] : memref<160x125xi32, #tpu.memory_space<vmem>> -> memref<1x125xi32, #tpu.memory_space<vmem>>
      %dma_wait3A_237 = tpu.memref_squeeze %dma_wait3A_236 : memref<1x125xi32, #tpu.memory_space<vmem>> -> memref<125xi32, #tpu.memory_space<vmem>>
      %dma_wait3A_238 = arith.constant 0 : i32
      %dma_wait3A_239 = arith.constant 0 : i32
      %dma_wait3A_240 = tpu.memref_slice %arg13[%dma_wait3A_238, %dma_wait3A_239] : memref<10112x64xf32, #tpu.memory_space<vmem_shared>> -> memref<10112x64xf32, #tpu.memory_space<vmem_shared>>
      tpu.wait_indirect_dma semaphore(%arg21 : memref<!tpu.dma_semaphore, #tpu.memory_space<semaphore_mem>>) src(%arg12 : memref<125x64xf32, #tpu.memory_space<vmem>>) dst(%dma_wait3A_240 : memref<10112x64xf32, #tpu.memory_space<vmem_shared>>)
      %add3A_241 = arith.constant 3 : i32
      %add3A_242 = arith.addi %add3A_122, %add3A_241 : i32
      %add3A_243 = arith.constant 3 : i32
      %add3A_244 = arith.addi %add3A_242, %add3A_243 : i32
      %dma_start3A_245 = arith.constant 0 : i32
      %dma_start3A_246 = tpu.memref_slice %arg7[%add3A_244, %dma_start3A_245] : memref<160x125xi32, #tpu.memory_space<vmem>> -> memref<1x125xi32, #tpu.memory_space<vmem>>
      %dma_start3A_247 = tpu.memref_squeeze %dma_start3A_246 : memref<1x125xi32, #tpu.memory_space<vmem>> -> memref<125xi32, #tpu.memory_space<vmem>>
      %dma_start3A_248 = arith.constant 0 : i32
      %dma_start3A_249 = arith.constant 0 : i32
      %dma_start3A_250 = tpu.memref_slice %arg2[%dma_start3A_248, %dma_start3A_249] : memref<20000x64xf32, #tpu.memory_space<hbm>> -> memref<20000x64xf32, #tpu.memory_space<hbm>>
      tpu.enqueue_indirect_dma source(%dma_start3A_250 : memref<20000x64xf32, #tpu.memory_space<hbm>>) target(%arg12 : memref<125x64xf32, #tpu.memory_space<vmem>>) offsets(%dma_start3A_247 : memref<125xi32, #tpu.memory_space<vmem>>) semaphore(%arg17 : memref<!tpu.dma_semaphore, #tpu.memory_space<semaphore_mem>>)
    }
    %scan3A_45 = arith.constant 39 : i32
    %dma_wait3A_46 = arith.constant 0 : i32
    %dma_wait3A_47 = arith.constant 0 : i32
    %dma_wait3A_48 = tpu.memref_slice %arg7[%dma_wait3A_46, %dma_wait3A_47] : memref<160x125xi32, #tpu.memory_space<vmem>> -> memref<1x125xi32, #tpu.memory_space<vmem>>
    %dma_wait3A_49 = tpu.memref_squeeze %dma_wait3A_48 : memref<1x125xi32, #tpu.memory_space<vmem>> -> memref<125xi32, #tpu.memory_space<vmem>>
    %dma_wait3A_50 = arith.constant 0 : i32
    %dma_wait3A_51 = arith.constant 0 : i32
    %dma_wait3A_52 = tpu.memref_slice %arg2[%dma_wait3A_50, %dma_wait3A_51] : memref<20000x64xf32, #tpu.memory_space<hbm>> -> memref<20000x64xf32, #tpu.memory_space<hbm>>
    tpu.wait_indirect_dma semaphore(%arg15 : memref<!tpu.dma_semaphore, #tpu.memory_space<semaphore_mem>>) src(%dma_wait3A_52 : memref<20000x64xf32, #tpu.memory_space<hbm>>) dst(%arg10 : memref<125x64xf32, #tpu.memory_space<vmem>>)
    %dma_start3A_53 = arith.constant 157 : i32
    %dma_start3A_54 = arith.constant 0 : i32
    %dma_start3A_55 = tpu.memref_slice %arg8[%dma_start3A_53, %dma_start3A_54] : memref<160x125xi32, #tpu.memory_space<vmem>> -> memref<1x125xi32, #tpu.memory_space<vmem>>
    %dma_start3A_56 = tpu.memref_squeeze %dma_start3A_55 : memref<1x125xi32, #tpu.memory_space<vmem>> -> memref<125xi32, #tpu.memory_space<vmem>>
    %dma_start3A_57 = arith.constant 0 : i32
    %dma_start3A_58 = arith.constant 0 : i32
    %dma_start3A_59 = tpu.memref_slice %arg13[%dma_start3A_57, %dma_start3A_58] : memref<10112x64xf32, #tpu.memory_space<vmem_shared>> -> memref<10112x64xf32, #tpu.memory_space<vmem_shared>>
    tpu.enqueue_indirect_dma source(%arg10 : memref<125x64xf32, #tpu.memory_space<vmem>>) target(%dma_start3A_59 : memref<10112x64xf32, #tpu.memory_space<vmem_shared>>) offsets(%dma_start3A_56 : memref<125xi32, #tpu.memory_space<vmem>>) semaphore(%arg19 : memref<!tpu.dma_semaphore, #tpu.memory_space<semaphore_mem>>) {add = true}
    %dma_wait3A_60 = arith.constant 0 : i32
    %dma_wait3A_61 = arith.constant 0 : i32
    %dma_wait3A_62 = tpu.memref_slice %arg8[%dma_wait3A_60, %dma_wait3A_61] : memref<160x125xi32, #tpu.memory_space<vmem>> -> memref<1x125xi32, #tpu.memory_space<vmem>>
    %dma_wait3A_63 = tpu.memref_squeeze %dma_wait3A_62 : memref<1x125xi32, #tpu.memory_space<vmem>> -> memref<125xi32, #tpu.memory_space<vmem>>
    %dma_wait3A_64 = arith.constant 0 : i32
    %dma_wait3A_65 = arith.constant 0 : i32
    %dma_wait3A_66 = tpu.memref_slice %arg13[%dma_wait3A_64, %dma_wait3A_65] : memref<10112x64xf32, #tpu.memory_space<vmem_shared>> -> memref<10112x64xf32, #tpu.memory_space<vmem_shared>>
    tpu.wait_indirect_dma semaphore(%arg18 : memref<!tpu.dma_semaphore, #tpu.memory_space<semaphore_mem>>) src(%arg9 : memref<125x64xf32, #tpu.memory_space<vmem>>) dst(%dma_wait3A_66 : memref<10112x64xf32, #tpu.memory_space<vmem_shared>>)
    %dma_wait3A_67 = arith.constant 0 : i32
    %dma_wait3A_68 = arith.constant 0 : i32
    %dma_wait3A_69 = tpu.memref_slice %arg7[%dma_wait3A_67, %dma_wait3A_68] : memref<160x125xi32, #tpu.memory_space<vmem>> -> memref<1x125xi32, #tpu.memory_space<vmem>>
    %dma_wait3A_70 = tpu.memref_squeeze %dma_wait3A_69 : memref<1x125xi32, #tpu.memory_space<vmem>> -> memref<125xi32, #tpu.memory_space<vmem>>
    %dma_wait3A_71 = arith.constant 0 : i32
    %dma_wait3A_72 = arith.constant 0 : i32
    %dma_wait3A_73 = tpu.memref_slice %arg2[%dma_wait3A_71, %dma_wait3A_72] : memref<20000x64xf32, #tpu.memory_space<hbm>> -> memref<20000x64xf32, #tpu.memory_space<hbm>>
    tpu.wait_indirect_dma semaphore(%arg16 : memref<!tpu.dma_semaphore, #tpu.memory_space<semaphore_mem>>) src(%dma_wait3A_73 : memref<20000x64xf32, #tpu.memory_space<hbm>>) dst(%arg11 : memref<125x64xf32, #tpu.memory_space<vmem>>)
    %dma_start3A_74 = arith.constant 158 : i32
    %dma_start3A_75 = arith.constant 0 : i32
    %dma_start3A_76 = tpu.memref_slice %arg8[%dma_start3A_74, %dma_start3A_75] : memref<160x125xi32, #tpu.memory_space<vmem>> -> memref<1x125xi32, #tpu.memory_space<vmem>>
    %dma_start3A_77 = tpu.memref_squeeze %dma_start3A_76 : memref<1x125xi32, #tpu.memory_space<vmem>> -> memref<125xi32, #tpu.memory_space<vmem>>
    %dma_start3A_78 = arith.constant 0 : i32
    %dma_start3A_79 = arith.constant 0 : i32
    %dma_start3A_80 = tpu.memref_slice %arg13[%dma_start3A_78, %dma_start3A_79] : memref<10112x64xf32, #tpu.memory_space<vmem_shared>> -> memref<10112x64xf32, #tpu.memory_space<vmem_shared>>
    tpu.enqueue_indirect_dma source(%arg11 : memref<125x64xf32, #tpu.memory_space<vmem>>) target(%dma_start3A_80 : memref<10112x64xf32, #tpu.memory_space<vmem_shared>>) offsets(%dma_start3A_77 : memref<125xi32, #tpu.memory_space<vmem>>) semaphore(%arg20 : memref<!tpu.dma_semaphore, #tpu.memory_space<semaphore_mem>>) {add = true}
    %dma_wait3A_81 = arith.constant 0 : i32
    %dma_wait3A_82 = arith.constant 0 : i32
    %dma_wait3A_83 = tpu.memref_slice %arg8[%dma_wait3A_81, %dma_wait3A_82] : memref<160x125xi32, #tpu.memory_space<vmem>> -> memref<1x125xi32, #tpu.memory_space<vmem>>
    %dma_wait3A_84 = tpu.memref_squeeze %dma_wait3A_83 : memref<1x125xi32, #tpu.memory_space<vmem>> -> memref<125xi32, #tpu.memory_space<vmem>>
    %dma_wait3A_85 = arith.constant 0 : i32
    %dma_wait3A_86 = arith.constant 0 : i32
    %dma_wait3A_87 = tpu.memref_slice %arg13[%dma_wait3A_85, %dma_wait3A_86] : memref<10112x64xf32, #tpu.memory_space<vmem_shared>> -> memref<10112x64xf32, #tpu.memory_space<vmem_shared>>
    tpu.wait_indirect_dma semaphore(%arg19 : memref<!tpu.dma_semaphore, #tpu.memory_space<semaphore_mem>>) src(%arg10 : memref<125x64xf32, #tpu.memory_space<vmem>>) dst(%dma_wait3A_87 : memref<10112x64xf32, #tpu.memory_space<vmem_shared>>)
    %dma_wait3A_88 = arith.constant 0 : i32
    %dma_wait3A_89 = arith.constant 0 : i32
    %dma_wait3A_90 = tpu.memref_slice %arg7[%dma_wait3A_88, %dma_wait3A_89] : memref<160x125xi32, #tpu.memory_space<vmem>> -> memref<1x125xi32, #tpu.memory_space<vmem>>
    %dma_wait3A_91 = tpu.memref_squeeze %dma_wait3A_90 : memref<1x125xi32, #tpu.memory_space<vmem>> -> memref<125xi32, #tpu.memory_space<vmem>>
    %dma_wait3A_92 = arith.constant 0 : i32
    %dma_wait3A_93 = arith.constant 0 : i32
    %dma_wait3A_94 = tpu.memref_slice %arg2[%dma_wait3A_92, %dma_wait3A_93] : memref<20000x64xf32, #tpu.memory_space<hbm>> -> memref<20000x64xf32, #tpu.memory_space<hbm>>
    tpu.wait_indirect_dma semaphore(%arg17 : memref<!tpu.dma_semaphore, #tpu.memory_space<semaphore_mem>>) src(%dma_wait3A_94 : memref<20000x64xf32, #tpu.memory_space<hbm>>) dst(%arg12 : memref<125x64xf32, #tpu.memory_space<vmem>>)
    %dma_start3A_95 = arith.constant 159 : i32
    %dma_start3A_96 = arith.constant 0 : i32
    %dma_start3A_97 = tpu.memref_slice %arg8[%dma_start3A_95, %dma_start3A_96] : memref<160x125xi32, #tpu.memory_space<vmem>> -> memref<1x125xi32, #tpu.memory_space<vmem>>
    %dma_start3A_98 = tpu.memref_squeeze %dma_start3A_97 : memref<1x125xi32, #tpu.memory_space<vmem>> -> memref<125xi32, #tpu.memory_space<vmem>>
    %dma_start3A_99 = arith.constant 0 : i32
    %dma_start3A_100 = arith.constant 0 : i32
    %dma_start3A_101 = tpu.memref_slice %arg13[%dma_start3A_99, %dma_start3A_100] : memref<10112x64xf32, #tpu.memory_space<vmem_shared>> -> memref<10112x64xf32, #tpu.memory_space<vmem_shared>>
    tpu.enqueue_indirect_dma source(%arg12 : memref<125x64xf32, #tpu.memory_space<vmem>>) target(%dma_start3A_101 : memref<10112x64xf32, #tpu.memory_space<vmem_shared>>) offsets(%dma_start3A_98 : memref<125xi32, #tpu.memory_space<vmem>>) semaphore(%arg21 : memref<!tpu.dma_semaphore, #tpu.memory_space<semaphore_mem>>) {add = true}
    %dma_wait3A_102 = arith.constant 0 : i32
    %dma_wait3A_103 = arith.constant 0 : i32
    %dma_wait3A_104 = tpu.memref_slice %arg8[%dma_wait3A_102, %dma_wait3A_103] : memref<160x125xi32, #tpu.memory_space<vmem>> -> memref<1x125xi32, #tpu.memory_space<vmem>>
    %dma_wait3A_105 = tpu.memref_squeeze %dma_wait3A_104 : memref<1x125xi32, #tpu.memory_space<vmem>> -> memref<125xi32, #tpu.memory_space<vmem>>
    %dma_wait3A_106 = arith.constant 0 : i32
    %dma_wait3A_107 = arith.constant 0 : i32
    %dma_wait3A_108 = tpu.memref_slice %arg13[%dma_wait3A_106, %dma_wait3A_107] : memref<10112x64xf32, #tpu.memory_space<vmem_shared>> -> memref<10112x64xf32, #tpu.memory_space<vmem_shared>>
    tpu.wait_indirect_dma semaphore(%arg20 : memref<!tpu.dma_semaphore, #tpu.memory_space<semaphore_mem>>) src(%arg11 : memref<125x64xf32, #tpu.memory_space<vmem>>) dst(%dma_wait3A_108 : memref<10112x64xf32, #tpu.memory_space<vmem_shared>>)
    %dma_wait3A_109 = arith.constant 0 : i32
    %dma_wait3A_110 = arith.constant 0 : i32
    %dma_wait3A_111 = tpu.memref_slice %arg8[%dma_wait3A_109, %dma_wait3A_110] : memref<160x125xi32, #tpu.memory_space<vmem>> -> memref<1x125xi32, #tpu.memory_space<vmem>>
    %dma_wait3A_112 = tpu.memref_squeeze %dma_wait3A_111 : memref<1x125xi32, #tpu.memory_space<vmem>> -> memref<125xi32, #tpu.memory_space<vmem>>
    %dma_wait3A_113 = arith.constant 0 : i32
    %dma_wait3A_114 = arith.constant 0 : i32
    %dma_wait3A_115 = tpu.memref_slice %arg13[%dma_wait3A_113, %dma_wait3A_114] : memref<10112x64xf32, #tpu.memory_space<vmem_shared>> -> memref<10112x64xf32, #tpu.memory_space<vmem_shared>>
    tpu.wait_indirect_dma semaphore(%arg21 : memref<!tpu.dma_semaphore, #tpu.memory_space<semaphore_mem>>) src(%arg12 : memref<125x64xf32, #tpu.memory_space<vmem>>) dst(%dma_wait3A_115 : memref<10112x64xf32, #tpu.memory_space<vmem_shared>>)
    %barrier3A_116 = arith.constant 0 : index
    tpu.barrier barrier_id(%barrier3A_116)
    %mul3A_117 = arith.constant 632 : i32
    %mul3A_118 = arith.muli %arg1, %mul3A_117 : i32
    "tpu.region"() ({
      %run_scoped3A = tpu.sem_alloc : memref<!tpu.dma_semaphore, #tpu.memory_space<semaphore_mem>>
      %dma_start3A_119 = arith.constant 0 : i32
      %dma_start3A_120 = tpu.memref_slice %arg6[%arg0, %mul3A_118, %dma_start3A_119] : memref<2x10112x64xf32, #tpu.memory_space<hbm>> -> memref<1x632x64xf32, #tpu.memory_space<hbm>>
      %dma_start3A_121 = tpu.memref_squeeze %dma_start3A_120 : memref<1x632x64xf32, #tpu.memory_space<hbm>> -> memref<632x64xf32, #tpu.memory_space<hbm>>
      %dma_start3A_122 = arith.constant 0 : i32
      %dma_start3A_123 = tpu.memref_slice %arg13[%mul3A_118, %dma_start3A_122] : memref<10112x64xf32, #tpu.memory_space<vmem_shared>> -> memref<632x64xf32, #tpu.memory_space<vmem_shared>>
      tpu.enqueue_dma source(%dma_start3A_123 : memref<632x64xf32, #tpu.memory_space<vmem_shared>>) target(%dma_start3A_121 : memref<632x64xf32, #tpu.memory_space<hbm>>) target_semaphore(%run_scoped3A : memref<!tpu.dma_semaphore, #tpu.memory_space<semaphore_mem>>)
      %dma_wait3A_124 = arith.constant 0 : i32
      %dma_wait3A_125 = tpu.memref_slice %arg6[%arg0, %mul3A_118, %dma_wait3A_124] : memref<2x10112x64xf32, #tpu.memory_space<hbm>> -> memref<1x632x64xf32, #tpu.memory_space<hbm>>
      %dma_wait3A_126 = tpu.memref_squeeze %dma_wait3A_125 : memref<1x632x64xf32, #tpu.memory_space<hbm>> -> memref<632x64xf32, #tpu.memory_space<hbm>>
      %dma_wait3A_127 = arith.constant 0 : i32
      %dma_wait3A_128 = tpu.memref_slice %arg13[%mul3A_118, %dma_wait3A_127] : memref<10112x64xf32, #tpu.memory_space<vmem_shared>> -> memref<632x64xf32, #tpu.memory_space<vmem_shared>>
      tpu.wait_dma2 semaphore(%run_scoped3A : memref<!tpu.dma_semaphore, #tpu.memory_space<semaphore_mem>>) src(%dma_wait3A_128 : memref<632x64xf32, #tpu.memory_space<vmem_shared>>) dst(%dma_wait3A_126 : memref<632x64xf32, #tpu.memory_space<hbm>>)
      tpu.yield
    }) : () -> ()
    return
  }
}

#map = affine_map<(d0, d1) -> (0, 0)>
#map1 = affine_map<(d0, d1) -> (0, 0, 0, 0)>
#map2 = affine_map<(d0, d1) -> (0, 0, 0)>
module attributes {stable_mosaic.version = 14 : i64} {
  func.func @_seg_body(%arg0: i32, %arg1: i32, %arg2: memref<20000x16xf32, #tpu.memory_space<hbm>>, %arg3: memref<2x16x160x125xi32, #tpu.memory_space<hbm>>, %arg4: memref<2x16x160x125xi32, #tpu.memory_space<hbm>>, %arg5: memref<632x16xf32, #tpu.memory_space<hbm>>, %arg6: memref<2x10112x16xf32, #tpu.memory_space<hbm>>, %arg7: memref<160x125xi32, #tpu.memory_space<vmem>>, %arg8: memref<160x125xi32, #tpu.memory_space<vmem>>, %arg9: memref<125x16xf32, #tpu.memory_space<vmem>>, %arg10: memref<125x16xf32, #tpu.memory_space<vmem>>, %arg11: memref<125x16xf32, #tpu.memory_space<vmem>>, %arg12: memref<125x16xf32, #tpu.memory_space<vmem>>, %arg13: memref<10112x16xf32, #tpu.memory_space<vmem_shared>>, %arg14: memref<!tpu.dma_semaphore, #tpu.memory_space<semaphore_mem>>, %arg15: memref<!tpu.dma_semaphore, #tpu.memory_space<semaphore_mem>>, %arg16: memref<!tpu.dma_semaphore, #tpu.memory_space<semaphore_mem>>, %arg17: memref<!tpu.dma_semaphore, #tpu.memory_space<semaphore_mem>>, %arg18: memref<!tpu.dma_semaphore, #tpu.memory_space<semaphore_mem>>, %arg19: memref<!tpu.dma_semaphore, #tpu.memory_space<semaphore_mem>>, %arg20: memref<!tpu.dma_semaphore, #tpu.memory_space<semaphore_mem>>, %arg21: memref<!tpu.dma_semaphore, #tpu.memory_space<semaphore_mem>>) attributes {dimension_semantics = [#tpu.dimension_semantics<core_parallel>, #tpu.dimension_semantics<subcore_parallel>], iteration_bounds = array<i64: 2, 16>, scalar_prefetch = 0 : i64, scratch_operands = 15 : i64, tpu.core_type = #tpu.core_type<sc_vector_subcore>, window_params = [{transform_indices = #map}, {transform_indices = #map1}, {transform_indices = #map1}, {transform_indices = #map}, {transform_indices = #map2}]} {
    "tpu.region"() ({
      %run_scoped3A = tpu.sem_alloc : memref<!tpu.dma_semaphore, #tpu.memory_space<semaphore_mem>>
      %dma_start3A_119 = arith.constant 0 : i32
      %dma_start3A_120 = arith.constant 0 : i32
      %dma_start3A_121 = tpu.memref_slice %arg3[%arg0, %arg1, %dma_start3A_119, %dma_start3A_120] : memref<2x16x160x125xi32, #tpu.memory_space<hbm>> -> memref<1x1x160x125xi32, #tpu.memory_space<hbm>>
      %dma_start3A_122 = tpu.memref_squeeze %dma_start3A_121 : memref<1x1x160x125xi32, #tpu.memory_space<hbm>> -> memref<160x125xi32, #tpu.memory_space<hbm>>
      %dma_start3A_123 = arith.constant 0 : i32
      %dma_start3A_124 = arith.constant 0 : i32
      %dma_start3A_125 = tpu.memref_slice %arg3[%arg0, %arg1, %dma_start3A_123, %dma_start3A_124] : memref<2x16x160x125xi32, #tpu.memory_space<hbm>> -> memref<1x1x160x125xi32, #tpu.memory_space<hbm>>
      %dma_start3A_126 = tpu.memref_squeeze %dma_start3A_125 : memref<1x1x160x125xi32, #tpu.memory_space<hbm>> -> memref<160x125xi32, #tpu.memory_space<hbm>>
      tpu.enqueue_dma source(%dma_start3A_126 : memref<160x125xi32, #tpu.memory_space<hbm>>) target(%arg7 : memref<160x125xi32, #tpu.memory_space<vmem>>) target_semaphore(%run_scoped3A : memref<!tpu.dma_semaphore, #tpu.memory_space<semaphore_mem>>)
      %dma_wait3A_127 = arith.constant 0 : i32
      %dma_wait3A_128 = arith.constant 0 : i32
      %dma_wait3A_129 = tpu.memref_slice %arg3[%arg0, %arg1, %dma_wait3A_127, %dma_wait3A_128] : memref<2x16x160x125xi32, #tpu.memory_space<hbm>> -> memref<1x1x160x125xi32, #tpu.memory_space<hbm>>
      %dma_wait3A_130 = tpu.memref_squeeze %dma_wait3A_129 : memref<1x1x160x125xi32, #tpu.memory_space<hbm>> -> memref<160x125xi32, #tpu.memory_space<hbm>>
      %dma_wait3A_131 = arith.constant 0 : i32
      %dma_wait3A_132 = arith.constant 0 : i32
      %dma_wait3A_133 = tpu.memref_slice %arg3[%arg0, %arg1, %dma_wait3A_131, %dma_wait3A_132] : memref<2x16x160x125xi32, #tpu.memory_space<hbm>> -> memref<1x1x160x125xi32, #tpu.memory_space<hbm>>
      %dma_wait3A_134 = tpu.memref_squeeze %dma_wait3A_133 : memref<1x1x160x125xi32, #tpu.memory_space<hbm>> -> memref<160x125xi32, #tpu.memory_space<hbm>>
      tpu.wait_dma2 semaphore(%run_scoped3A : memref<!tpu.dma_semaphore, #tpu.memory_space<semaphore_mem>>) src(%dma_wait3A_134 : memref<160x125xi32, #tpu.memory_space<hbm>>) dst(%arg7 : memref<160x125xi32, #tpu.memory_space<vmem>>)
      tpu.yield
    }) : () -> ()
    "tpu.region"() ({
      %run_scoped3A = tpu.sem_alloc : memref<!tpu.dma_semaphore, #tpu.memory_space<semaphore_mem>>
      %dma_start3A_119 = arith.constant 0 : i32
      %dma_start3A_120 = arith.constant 0 : i32
      %dma_start3A_121 = tpu.memref_slice %arg4[%arg0, %arg1, %dma_start3A_119, %dma_start3A_120] : memref<2x16x160x125xi32, #tpu.memory_space<hbm>> -> memref<1x1x160x125xi32, #tpu.memory_space<hbm>>
      %dma_start3A_122 = tpu.memref_squeeze %dma_start3A_121 : memref<1x1x160x125xi32, #tpu.memory_space<hbm>> -> memref<160x125xi32, #tpu.memory_space<hbm>>
      %dma_start3A_123 = arith.constant 0 : i32
      %dma_start3A_124 = arith.constant 0 : i32
      %dma_start3A_125 = tpu.memref_slice %arg4[%arg0, %arg1, %dma_start3A_123, %dma_start3A_124] : memref<2x16x160x125xi32, #tpu.memory_space<hbm>> -> memref<1x1x160x125xi32, #tpu.memory_space<hbm>>
      %dma_start3A_126 = tpu.memref_squeeze %dma_start3A_125 : memref<1x1x160x125xi32, #tpu.memory_space<hbm>> -> memref<160x125xi32, #tpu.memory_space<hbm>>
      tpu.enqueue_dma source(%dma_start3A_126 : memref<160x125xi32, #tpu.memory_space<hbm>>) target(%arg8 : memref<160x125xi32, #tpu.memory_space<vmem>>) target_semaphore(%run_scoped3A : memref<!tpu.dma_semaphore, #tpu.memory_space<semaphore_mem>>)
      %dma_wait3A_127 = arith.constant 0 : i32
      %dma_wait3A_128 = arith.constant 0 : i32
      %dma_wait3A_129 = tpu.memref_slice %arg4[%arg0, %arg1, %dma_wait3A_127, %dma_wait3A_128] : memref<2x16x160x125xi32, #tpu.memory_space<hbm>> -> memref<1x1x160x125xi32, #tpu.memory_space<hbm>>
      %dma_wait3A_130 = tpu.memref_squeeze %dma_wait3A_129 : memref<1x1x160x125xi32, #tpu.memory_space<hbm>> -> memref<160x125xi32, #tpu.memory_space<hbm>>
      %dma_wait3A_131 = arith.constant 0 : i32
      %dma_wait3A_132 = arith.constant 0 : i32
      %dma_wait3A_133 = tpu.memref_slice %arg4[%arg0, %arg1, %dma_wait3A_131, %dma_wait3A_132] : memref<2x16x160x125xi32, #tpu.memory_space<hbm>> -> memref<1x1x160x125xi32, #tpu.memory_space<hbm>>
      %dma_wait3A_134 = tpu.memref_squeeze %dma_wait3A_133 : memref<1x1x160x125xi32, #tpu.memory_space<hbm>> -> memref<160x125xi32, #tpu.memory_space<hbm>>
      tpu.wait_dma2 semaphore(%run_scoped3A : memref<!tpu.dma_semaphore, #tpu.memory_space<semaphore_mem>>) src(%dma_wait3A_134 : memref<160x125xi32, #tpu.memory_space<hbm>>) dst(%arg8 : memref<160x125xi32, #tpu.memory_space<vmem>>)
      tpu.yield
    }) : () -> ()
    %mul3A = arith.constant 632 : i32
    %mul3A_0 = arith.muli %arg1, %mul3A : i32
    "tpu.region"() ({
      %run_scoped3A = tpu.sem_alloc : memref<!tpu.dma_semaphore, #tpu.memory_space<semaphore_mem>>
      %dma_start3A_119 = arith.constant 0 : i32
      %dma_start3A_120 = tpu.memref_slice %arg13[%mul3A_0, %dma_start3A_119] : memref<10112x16xf32, #tpu.memory_space<vmem_shared>> -> memref<632x16xf32, #tpu.memory_space<vmem_shared>>
      tpu.enqueue_dma source(%arg5 : memref<632x16xf32, #tpu.memory_space<hbm>>) target(%dma_start3A_120 : memref<632x16xf32, #tpu.memory_space<vmem_shared>>) target_semaphore(%run_scoped3A : memref<!tpu.dma_semaphore, #tpu.memory_space<semaphore_mem>>)
      %dma_wait3A_121 = arith.constant 0 : i32
      %dma_wait3A_122 = tpu.memref_slice %arg13[%mul3A_0, %dma_wait3A_121] : memref<10112x16xf32, #tpu.memory_space<vmem_shared>> -> memref<632x16xf32, #tpu.memory_space<vmem_shared>>
      tpu.wait_dma2 semaphore(%run_scoped3A : memref<!tpu.dma_semaphore, #tpu.memory_space<semaphore_mem>>) src(%arg5 : memref<632x16xf32, #tpu.memory_space<hbm>>) dst(%dma_wait3A_122 : memref<632x16xf32, #tpu.memory_space<vmem_shared>>)
      tpu.yield
    }) : () -> ()
    %barrier3A = arith.constant 0 : index
    tpu.barrier barrier_id(%barrier3A)
    %dma_start3A = arith.constant 0 : i32
    %dma_start3A_1 = arith.constant 0 : i32
    %dma_start3A_2 = tpu.memref_slice %arg7[%dma_start3A, %dma_start3A_1] : memref<160x125xi32, #tpu.memory_space<vmem>> -> memref<1x125xi32, #tpu.memory_space<vmem>>
    %dma_start3A_3 = tpu.memref_squeeze %dma_start3A_2 : memref<1x125xi32, #tpu.memory_space<vmem>> -> memref<125xi32, #tpu.memory_space<vmem>>
    %dma_start3A_4 = arith.constant 0 : i32
    %dma_start3A_5 = arith.constant 0 : i32
    %dma_start3A_6 = tpu.memref_slice %arg2[%dma_start3A_4, %dma_start3A_5] : memref<20000x16xf32, #tpu.memory_space<hbm>> -> memref<20000x16xf32, #tpu.memory_space<hbm>>
    tpu.enqueue_indirect_dma source(%dma_start3A_6 : memref<20000x16xf32, #tpu.memory_space<hbm>>) target(%arg9 : memref<125x16xf32, #tpu.memory_space<vmem>>) offsets(%dma_start3A_3 : memref<125xi32, #tpu.memory_space<vmem>>) semaphore(%arg14 : memref<!tpu.dma_semaphore, #tpu.memory_space<semaphore_mem>>)
    %dma_start3A_7 = arith.constant 1 : i32
    %dma_start3A_8 = arith.constant 0 : i32
    %dma_start3A_9 = tpu.memref_slice %arg7[%dma_start3A_7, %dma_start3A_8] : memref<160x125xi32, #tpu.memory_space<vmem>> -> memref<1x125xi32, #tpu.memory_space<vmem>>
    %dma_start3A_10 = tpu.memref_squeeze %dma_start3A_9 : memref<1x125xi32, #tpu.memory_space<vmem>> -> memref<125xi32, #tpu.memory_space<vmem>>
    %dma_start3A_11 = arith.constant 0 : i32
    %dma_start3A_12 = arith.constant 0 : i32
    %dma_start3A_13 = tpu.memref_slice %arg2[%dma_start3A_11, %dma_start3A_12] : memref<20000x16xf32, #tpu.memory_space<hbm>> -> memref<20000x16xf32, #tpu.memory_space<hbm>>
    tpu.enqueue_indirect_dma source(%dma_start3A_13 : memref<20000x16xf32, #tpu.memory_space<hbm>>) target(%arg10 : memref<125x16xf32, #tpu.memory_space<vmem>>) offsets(%dma_start3A_10 : memref<125xi32, #tpu.memory_space<vmem>>) semaphore(%arg15 : memref<!tpu.dma_semaphore, #tpu.memory_space<semaphore_mem>>)
    %dma_start3A_14 = arith.constant 2 : i32
    %dma_start3A_15 = arith.constant 0 : i32
    %dma_start3A_16 = tpu.memref_slice %arg7[%dma_start3A_14, %dma_start3A_15] : memref<160x125xi32, #tpu.memory_space<vmem>> -> memref<1x125xi32, #tpu.memory_space<vmem>>
    %dma_start3A_17 = tpu.memref_squeeze %dma_start3A_16 : memref<1x125xi32, #tpu.memory_space<vmem>> -> memref<125xi32, #tpu.memory_space<vmem>>
    %dma_start3A_18 = arith.constant 0 : i32
    %dma_start3A_19 = arith.constant 0 : i32
    %dma_start3A_20 = tpu.memref_slice %arg2[%dma_start3A_18, %dma_start3A_19] : memref<20000x16xf32, #tpu.memory_space<hbm>> -> memref<20000x16xf32, #tpu.memory_space<hbm>>
    tpu.enqueue_indirect_dma source(%dma_start3A_20 : memref<20000x16xf32, #tpu.memory_space<hbm>>) target(%arg11 : memref<125x16xf32, #tpu.memory_space<vmem>>) offsets(%dma_start3A_17 : memref<125xi32, #tpu.memory_space<vmem>>) semaphore(%arg16 : memref<!tpu.dma_semaphore, #tpu.memory_space<semaphore_mem>>)
    %dma_wait3A = arith.constant 0 : i32
    %dma_wait3A_21 = arith.constant 0 : i32
    %dma_wait3A_22 = tpu.memref_slice %arg7[%dma_wait3A, %dma_wait3A_21] : memref<160x125xi32, #tpu.memory_space<vmem>> -> memref<1x125xi32, #tpu.memory_space<vmem>>
    %dma_wait3A_23 = tpu.memref_squeeze %dma_wait3A_22 : memref<1x125xi32, #tpu.memory_space<vmem>> -> memref<125xi32, #tpu.memory_space<vmem>>
    %dma_wait3A_24 = arith.constant 0 : i32
    %dma_wait3A_25 = arith.constant 0 : i32
    %dma_wait3A_26 = tpu.memref_slice %arg2[%dma_wait3A_24, %dma_wait3A_25] : memref<20000x16xf32, #tpu.memory_space<hbm>> -> memref<20000x16xf32, #tpu.memory_space<hbm>>
    tpu.wait_indirect_dma semaphore(%arg14 : memref<!tpu.dma_semaphore, #tpu.memory_space<semaphore_mem>>) src(%dma_wait3A_26 : memref<20000x16xf32, #tpu.memory_space<hbm>>) dst(%arg9 : memref<125x16xf32, #tpu.memory_space<vmem>>)
    %dma_start3A_27 = arith.constant 0 : i32
    %dma_start3A_28 = arith.constant 0 : i32
    %dma_start3A_29 = tpu.memref_slice %arg8[%dma_start3A_27, %dma_start3A_28] : memref<160x125xi32, #tpu.memory_space<vmem>> -> memref<1x125xi32, #tpu.memory_space<vmem>>
    %dma_start3A_30 = tpu.memref_squeeze %dma_start3A_29 : memref<1x125xi32, #tpu.memory_space<vmem>> -> memref<125xi32, #tpu.memory_space<vmem>>
    %dma_start3A_31 = arith.constant 0 : i32
    %dma_start3A_32 = arith.constant 0 : i32
    %dma_start3A_33 = tpu.memref_slice %arg13[%dma_start3A_31, %dma_start3A_32] : memref<10112x16xf32, #tpu.memory_space<vmem_shared>> -> memref<10112x16xf32, #tpu.memory_space<vmem_shared>>
    tpu.enqueue_indirect_dma source(%arg9 : memref<125x16xf32, #tpu.memory_space<vmem>>) target(%dma_start3A_33 : memref<10112x16xf32, #tpu.memory_space<vmem_shared>>) offsets(%dma_start3A_30 : memref<125xi32, #tpu.memory_space<vmem>>) semaphore(%arg18 : memref<!tpu.dma_semaphore, #tpu.memory_space<semaphore_mem>>) {add = true}
    %dma_start3A_34 = arith.constant 3 : i32
    %dma_start3A_35 = arith.constant 0 : i32
    %dma_start3A_36 = tpu.memref_slice %arg7[%dma_start3A_34, %dma_start3A_35] : memref<160x125xi32, #tpu.memory_space<vmem>> -> memref<1x125xi32, #tpu.memory_space<vmem>>
    %dma_start3A_37 = tpu.memref_squeeze %dma_start3A_36 : memref<1x125xi32, #tpu.memory_space<vmem>> -> memref<125xi32, #tpu.memory_space<vmem>>
    %dma_start3A_38 = arith.constant 0 : i32
    %dma_start3A_39 = arith.constant 0 : i32
    %dma_start3A_40 = tpu.memref_slice %arg2[%dma_start3A_38, %dma_start3A_39] : memref<20000x16xf32, #tpu.memory_space<hbm>> -> memref<20000x16xf32, #tpu.memory_space<hbm>>
    tpu.enqueue_indirect_dma source(%dma_start3A_40 : memref<20000x16xf32, #tpu.memory_space<hbm>>) target(%arg12 : memref<125x16xf32, #tpu.memory_space<vmem>>) offsets(%dma_start3A_37 : memref<125xi32, #tpu.memory_space<vmem>>) semaphore(%arg17 : memref<!tpu.dma_semaphore, #tpu.memory_space<semaphore_mem>>)
    %scan3A = arith.constant 0 : i32
    %scan3A_41 = arith.constant 0 : i32
    %scan3A_42 = arith.constant 39 : i32
    %scan3A_43 = arith.addi %scan3A_41, %scan3A_42 : i32
    %scan3A_44 = arith.constant 1 : i32
    scf.for %scan3A_119 = %scan3A_41 to %scan3A_43 step %scan3A_44  : i32 {
      %mul3A_120 = arith.constant 4 : i32
      %mul3A_121 = arith.muli %mul3A_120, %scan3A_119 : i32
      %add3A = arith.constant 1 : i32
      %add3A_122 = arith.addi %mul3A_121, %add3A : i32
      %dma_wait3A_123 = arith.constant 0 : i32
      %dma_wait3A_124 = arith.constant 0 : i32
      %dma_wait3A_125 = tpu.memref_slice %arg7[%dma_wait3A_123, %dma_wait3A_124] : memref<160x125xi32, #tpu.memory_space<vmem>> -> memref<1x125xi32, #tpu.memory_space<vmem>>
      %dma_wait3A_126 = tpu.memref_squeeze %dma_wait3A_125 : memref<1x125xi32, #tpu.memory_space<vmem>> -> memref<125xi32, #tpu.memory_space<vmem>>
      %dma_wait3A_127 = arith.constant 0 : i32
      %dma_wait3A_128 = arith.constant 0 : i32
      %dma_wait3A_129 = tpu.memref_slice %arg2[%dma_wait3A_127, %dma_wait3A_128] : memref<20000x16xf32, #tpu.memory_space<hbm>> -> memref<20000x16xf32, #tpu.memory_space<hbm>>
      tpu.wait_indirect_dma semaphore(%arg15 : memref<!tpu.dma_semaphore, #tpu.memory_space<semaphore_mem>>) src(%dma_wait3A_129 : memref<20000x16xf32, #tpu.memory_space<hbm>>) dst(%arg10 : memref<125x16xf32, #tpu.memory_space<vmem>>)
      %add3A_130 = arith.constant 0 : i32
      %add3A_131 = arith.addi %add3A_122, %add3A_130 : i32
      %dma_start3A_132 = arith.constant 0 : i32
      %dma_start3A_133 = tpu.memref_slice %arg8[%add3A_131, %dma_start3A_132] : memref<160x125xi32, #tpu.memory_space<vmem>> -> memref<1x125xi32, #tpu.memory_space<vmem>>
      %dma_start3A_134 = tpu.memref_squeeze %dma_start3A_133 : memref<1x125xi32, #tpu.memory_space<vmem>> -> memref<125xi32, #tpu.memory_space<vmem>>
      %dma_start3A_135 = arith.constant 0 : i32
      %dma_start3A_136 = arith.constant 0 : i32
      %dma_start3A_137 = tpu.memref_slice %arg13[%dma_start3A_135, %dma_start3A_136] : memref<10112x16xf32, #tpu.memory_space<vmem_shared>> -> memref<10112x16xf32, #tpu.memory_space<vmem_shared>>
      tpu.enqueue_indirect_dma source(%arg10 : memref<125x16xf32, #tpu.memory_space<vmem>>) target(%dma_start3A_137 : memref<10112x16xf32, #tpu.memory_space<vmem_shared>>) offsets(%dma_start3A_134 : memref<125xi32, #tpu.memory_space<vmem>>) semaphore(%arg19 : memref<!tpu.dma_semaphore, #tpu.memory_space<semaphore_mem>>) {add = true}
      %dma_wait3A_138 = arith.constant 0 : i32
      %dma_wait3A_139 = arith.constant 0 : i32
      %dma_wait3A_140 = tpu.memref_slice %arg8[%dma_wait3A_138, %dma_wait3A_139] : memref<160x125xi32, #tpu.memory_space<vmem>> -> memref<1x125xi32, #tpu.memory_space<vmem>>
      %dma_wait3A_141 = tpu.memref_squeeze %dma_wait3A_140 : memref<1x125xi32, #tpu.memory_space<vmem>> -> memref<125xi32, #tpu.memory_space<vmem>>
      %dma_wait3A_142 = arith.constant 0 : i32
      %dma_wait3A_143 = arith.constant 0 : i32
      %dma_wait3A_144 = tpu.memref_slice %arg13[%dma_wait3A_142, %dma_wait3A_143] : memref<10112x16xf32, #tpu.memory_space<vmem_shared>> -> memref<10112x16xf32, #tpu.memory_space<vmem_shared>>
      tpu.wait_indirect_dma semaphore(%arg18 : memref<!tpu.dma_semaphore, #tpu.memory_space<semaphore_mem>>) src(%arg9 : memref<125x16xf32, #tpu.memory_space<vmem>>) dst(%dma_wait3A_144 : memref<10112x16xf32, #tpu.memory_space<vmem_shared>>)
      %add3A_145 = arith.constant 0 : i32
      %add3A_146 = arith.addi %add3A_122, %add3A_145 : i32
      %add3A_147 = arith.constant 3 : i32
      %add3A_148 = arith.addi %add3A_146, %add3A_147 : i32
      %dma_start3A_149 = arith.constant 0 : i32
      %dma_start3A_150 = tpu.memref_slice %arg7[%add3A_148, %dma_start3A_149] : memref<160x125xi32, #tpu.memory_space<vmem>> -> memref<1x125xi32, #tpu.memory_space<vmem>>
      %dma_start3A_151 = tpu.memref_squeeze %dma_start3A_150 : memref<1x125xi32, #tpu.memory_space<vmem>> -> memref<125xi32, #tpu.memory_space<vmem>>
      %dma_start3A_152 = arith.constant 0 : i32
      %dma_start3A_153 = arith.constant 0 : i32
      %dma_start3A_154 = tpu.memref_slice %arg2[%dma_start3A_152, %dma_start3A_153] : memref<20000x16xf32, #tpu.memory_space<hbm>> -> memref<20000x16xf32, #tpu.memory_space<hbm>>
      tpu.enqueue_indirect_dma source(%dma_start3A_154 : memref<20000x16xf32, #tpu.memory_space<hbm>>) target(%arg9 : memref<125x16xf32, #tpu.memory_space<vmem>>) offsets(%dma_start3A_151 : memref<125xi32, #tpu.memory_space<vmem>>) semaphore(%arg14 : memref<!tpu.dma_semaphore, #tpu.memory_space<semaphore_mem>>)
      %dma_wait3A_155 = arith.constant 0 : i32
      %dma_wait3A_156 = arith.constant 0 : i32
      %dma_wait3A_157 = tpu.memref_slice %arg7[%dma_wait3A_155, %dma_wait3A_156] : memref<160x125xi32, #tpu.memory_space<vmem>> -> memref<1x125xi32, #tpu.memory_space<vmem>>
      %dma_wait3A_158 = tpu.memref_squeeze %dma_wait3A_157 : memref<1x125xi32, #tpu.memory_space<vmem>> -> memref<125xi32, #tpu.memory_space<vmem>>
      %dma_wait3A_159 = arith.constant 0 : i32
      %dma_wait3A_160 = arith.constant 0 : i32
      %dma_wait3A_161 = tpu.memref_slice %arg2[%dma_wait3A_159, %dma_wait3A_160] : memref<20000x16xf32, #tpu.memory_space<hbm>> -> memref<20000x16xf32, #tpu.memory_space<hbm>>
      tpu.wait_indirect_dma semaphore(%arg16 : memref<!tpu.dma_semaphore, #tpu.memory_space<semaphore_mem>>) src(%dma_wait3A_161 : memref<20000x16xf32, #tpu.memory_space<hbm>>) dst(%arg11 : memref<125x16xf32, #tpu.memory_space<vmem>>)
      %add3A_162 = arith.constant 1 : i32
      %add3A_163 = arith.addi %add3A_122, %add3A_162 : i32
      %dma_start3A_164 = arith.constant 0 : i32
      %dma_start3A_165 = tpu.memref_slice %arg8[%add3A_163, %dma_start3A_164] : memref<160x125xi32, #tpu.memory_space<vmem>> -> memref<1x125xi32, #tpu.memory_space<vmem>>
      %dma_start3A_166 = tpu.memref_squeeze %dma_start3A_165 : memref<1x125xi32, #tpu.memory_space<vmem>> -> memref<125xi32, #tpu.memory_space<vmem>>
      %dma_start3A_167 = arith.constant 0 : i32
      %dma_start3A_168 = arith.constant 0 : i32
      %dma_start3A_169 = tpu.memref_slice %arg13[%dma_start3A_167, %dma_start3A_168] : memref<10112x16xf32, #tpu.memory_space<vmem_shared>> -> memref<10112x16xf32, #tpu.memory_space<vmem_shared>>
      tpu.enqueue_indirect_dma source(%arg11 : memref<125x16xf32, #tpu.memory_space<vmem>>) target(%dma_start3A_169 : memref<10112x16xf32, #tpu.memory_space<vmem_shared>>) offsets(%dma_start3A_166 : memref<125xi32, #tpu.memory_space<vmem>>) semaphore(%arg20 : memref<!tpu.dma_semaphore, #tpu.memory_space<semaphore_mem>>) {add = true}
      %dma_wait3A_170 = arith.constant 0 : i32
      %dma_wait3A_171 = arith.constant 0 : i32
      %dma_wait3A_172 = tpu.memref_slice %arg8[%dma_wait3A_170, %dma_wait3A_171] : memref<160x125xi32, #tpu.memory_space<vmem>> -> memref<1x125xi32, #tpu.memory_space<vmem>>
      %dma_wait3A_173 = tpu.memref_squeeze %dma_wait3A_172 : memref<1x125xi32, #tpu.memory_space<vmem>> -> memref<125xi32, #tpu.memory_space<vmem>>
      %dma_wait3A_174 = arith.constant 0 : i32
      %dma_wait3A_175 = arith.constant 0 : i32
      %dma_wait3A_176 = tpu.memref_slice %arg13[%dma_wait3A_174, %dma_wait3A_175] : memref<10112x16xf32, #tpu.memory_space<vmem_shared>> -> memref<10112x16xf32, #tpu.memory_space<vmem_shared>>
      tpu.wait_indirect_dma semaphore(%arg19 : memref<!tpu.dma_semaphore, #tpu.memory_space<semaphore_mem>>) src(%arg10 : memref<125x16xf32, #tpu.memory_space<vmem>>) dst(%dma_wait3A_176 : memref<10112x16xf32, #tpu.memory_space<vmem_shared>>)
      %add3A_177 = arith.constant 1 : i32
      %add3A_178 = arith.addi %add3A_122, %add3A_177 : i32
      %add3A_179 = arith.constant 3 : i32
      %add3A_180 = arith.addi %add3A_178, %add3A_179 : i32
      %dma_start3A_181 = arith.constant 0 : i32
      %dma_start3A_182 = tpu.memref_slice %arg7[%add3A_180, %dma_start3A_181] : memref<160x125xi32, #tpu.memory_space<vmem>> -> memref<1x125xi32, #tpu.memory_space<vmem>>
      %dma_start3A_183 = tpu.memref_squeeze %dma_start3A_182 : memref<1x125xi32, #tpu.memory_space<vmem>> -> memref<125xi32, #tpu.memory_space<vmem>>
      %dma_start3A_184 = arith.constant 0 : i32
      %dma_start3A_185 = arith.constant 0 : i32
      %dma_start3A_186 = tpu.memref_slice %arg2[%dma_start3A_184, %dma_start3A_185] : memref<20000x16xf32, #tpu.memory_space<hbm>> -> memref<20000x16xf32, #tpu.memory_space<hbm>>
      tpu.enqueue_indirect_dma source(%dma_start3A_186 : memref<20000x16xf32, #tpu.memory_space<hbm>>) target(%arg10 : memref<125x16xf32, #tpu.memory_space<vmem>>) offsets(%dma_start3A_183 : memref<125xi32, #tpu.memory_space<vmem>>) semaphore(%arg15 : memref<!tpu.dma_semaphore, #tpu.memory_space<semaphore_mem>>)
      %dma_wait3A_187 = arith.constant 0 : i32
      %dma_wait3A_188 = arith.constant 0 : i32
      %dma_wait3A_189 = tpu.memref_slice %arg7[%dma_wait3A_187, %dma_wait3A_188] : memref<160x125xi32, #tpu.memory_space<vmem>> -> memref<1x125xi32, #tpu.memory_space<vmem>>
      %dma_wait3A_190 = tpu.memref_squeeze %dma_wait3A_189 : memref<1x125xi32, #tpu.memory_space<vmem>> -> memref<125xi32, #tpu.memory_space<vmem>>
      %dma_wait3A_191 = arith.constant 0 : i32
      %dma_wait3A_192 = arith.constant 0 : i32
      %dma_wait3A_193 = tpu.memref_slice %arg2[%dma_wait3A_191, %dma_wait3A_192] : memref<20000x16xf32, #tpu.memory_space<hbm>> -> memref<20000x16xf32, #tpu.memory_space<hbm>>
      tpu.wait_indirect_dma semaphore(%arg17 : memref<!tpu.dma_semaphore, #tpu.memory_space<semaphore_mem>>) src(%dma_wait3A_193 : memref<20000x16xf32, #tpu.memory_space<hbm>>) dst(%arg12 : memref<125x16xf32, #tpu.memory_space<vmem>>)
      %add3A_194 = arith.constant 2 : i32
      %add3A_195 = arith.addi %add3A_122, %add3A_194 : i32
      %dma_start3A_196 = arith.constant 0 : i32
      %dma_start3A_197 = tpu.memref_slice %arg8[%add3A_195, %dma_start3A_196] : memref<160x125xi32, #tpu.memory_space<vmem>> -> memref<1x125xi32, #tpu.memory_space<vmem>>
      %dma_start3A_198 = tpu.memref_squeeze %dma_start3A_197 : memref<1x125xi32, #tpu.memory_space<vmem>> -> memref<125xi32, #tpu.memory_space<vmem>>
      %dma_start3A_199 = arith.constant 0 : i32
      %dma_start3A_200 = arith.constant 0 : i32
      %dma_start3A_201 = tpu.memref_slice %arg13[%dma_start3A_199, %dma_start3A_200] : memref<10112x16xf32, #tpu.memory_space<vmem_shared>> -> memref<10112x16xf32, #tpu.memory_space<vmem_shared>>
      tpu.enqueue_indirect_dma source(%arg12 : memref<125x16xf32, #tpu.memory_space<vmem>>) target(%dma_start3A_201 : memref<10112x16xf32, #tpu.memory_space<vmem_shared>>) offsets(%dma_start3A_198 : memref<125xi32, #tpu.memory_space<vmem>>) semaphore(%arg21 : memref<!tpu.dma_semaphore, #tpu.memory_space<semaphore_mem>>) {add = true}
      %dma_wait3A_202 = arith.constant 0 : i32
      %dma_wait3A_203 = arith.constant 0 : i32
      %dma_wait3A_204 = tpu.memref_slice %arg8[%dma_wait3A_202, %dma_wait3A_203] : memref<160x125xi32, #tpu.memory_space<vmem>> -> memref<1x125xi32, #tpu.memory_space<vmem>>
      %dma_wait3A_205 = tpu.memref_squeeze %dma_wait3A_204 : memref<1x125xi32, #tpu.memory_space<vmem>> -> memref<125xi32, #tpu.memory_space<vmem>>
      %dma_wait3A_206 = arith.constant 0 : i32
      %dma_wait3A_207 = arith.constant 0 : i32
      %dma_wait3A_208 = tpu.memref_slice %arg13[%dma_wait3A_206, %dma_wait3A_207] : memref<10112x16xf32, #tpu.memory_space<vmem_shared>> -> memref<10112x16xf32, #tpu.memory_space<vmem_shared>>
      tpu.wait_indirect_dma semaphore(%arg20 : memref<!tpu.dma_semaphore, #tpu.memory_space<semaphore_mem>>) src(%arg11 : memref<125x16xf32, #tpu.memory_space<vmem>>) dst(%dma_wait3A_208 : memref<10112x16xf32, #tpu.memory_space<vmem_shared>>)
      %add3A_209 = arith.constant 2 : i32
      %add3A_210 = arith.addi %add3A_122, %add3A_209 : i32
      %add3A_211 = arith.constant 3 : i32
      %add3A_212 = arith.addi %add3A_210, %add3A_211 : i32
      %dma_start3A_213 = arith.constant 0 : i32
      %dma_start3A_214 = tpu.memref_slice %arg7[%add3A_212, %dma_start3A_213] : memref<160x125xi32, #tpu.memory_space<vmem>> -> memref<1x125xi32, #tpu.memory_space<vmem>>
      %dma_start3A_215 = tpu.memref_squeeze %dma_start3A_214 : memref<1x125xi32, #tpu.memory_space<vmem>> -> memref<125xi32, #tpu.memory_space<vmem>>
      %dma_start3A_216 = arith.constant 0 : i32
      %dma_start3A_217 = arith.constant 0 : i32
      %dma_start3A_218 = tpu.memref_slice %arg2[%dma_start3A_216, %dma_start3A_217] : memref<20000x16xf32, #tpu.memory_space<hbm>> -> memref<20000x16xf32, #tpu.memory_space<hbm>>
      tpu.enqueue_indirect_dma source(%dma_start3A_218 : memref<20000x16xf32, #tpu.memory_space<hbm>>) target(%arg11 : memref<125x16xf32, #tpu.memory_space<vmem>>) offsets(%dma_start3A_215 : memref<125xi32, #tpu.memory_space<vmem>>) semaphore(%arg16 : memref<!tpu.dma_semaphore, #tpu.memory_space<semaphore_mem>>)
      %dma_wait3A_219 = arith.constant 0 : i32
      %dma_wait3A_220 = arith.constant 0 : i32
      %dma_wait3A_221 = tpu.memref_slice %arg7[%dma_wait3A_219, %dma_wait3A_220] : memref<160x125xi32, #tpu.memory_space<vmem>> -> memref<1x125xi32, #tpu.memory_space<vmem>>
      %dma_wait3A_222 = tpu.memref_squeeze %dma_wait3A_221 : memref<1x125xi32, #tpu.memory_space<vmem>> -> memref<125xi32, #tpu.memory_space<vmem>>
      %dma_wait3A_223 = arith.constant 0 : i32
      %dma_wait3A_224 = arith.constant 0 : i32
      %dma_wait3A_225 = tpu.memref_slice %arg2[%dma_wait3A_223, %dma_wait3A_224] : memref<20000x16xf32, #tpu.memory_space<hbm>> -> memref<20000x16xf32, #tpu.memory_space<hbm>>
      tpu.wait_indirect_dma semaphore(%arg14 : memref<!tpu.dma_semaphore, #tpu.memory_space<semaphore_mem>>) src(%dma_wait3A_225 : memref<20000x16xf32, #tpu.memory_space<hbm>>) dst(%arg9 : memref<125x16xf32, #tpu.memory_space<vmem>>)
      %add3A_226 = arith.constant 3 : i32
      %add3A_227 = arith.addi %add3A_122, %add3A_226 : i32
      %dma_start3A_228 = arith.constant 0 : i32
      %dma_start3A_229 = tpu.memref_slice %arg8[%add3A_227, %dma_start3A_228] : memref<160x125xi32, #tpu.memory_space<vmem>> -> memref<1x125xi32, #tpu.memory_space<vmem>>
      %dma_start3A_230 = tpu.memref_squeeze %dma_start3A_229 : memref<1x125xi32, #tpu.memory_space<vmem>> -> memref<125xi32, #tpu.memory_space<vmem>>
      %dma_start3A_231 = arith.constant 0 : i32
      %dma_start3A_232 = arith.constant 0 : i32
      %dma_start3A_233 = tpu.memref_slice %arg13[%dma_start3A_231, %dma_start3A_232] : memref<10112x16xf32, #tpu.memory_space<vmem_shared>> -> memref<10112x16xf32, #tpu.memory_space<vmem_shared>>
      tpu.enqueue_indirect_dma source(%arg9 : memref<125x16xf32, #tpu.memory_space<vmem>>) target(%dma_start3A_233 : memref<10112x16xf32, #tpu.memory_space<vmem_shared>>) offsets(%dma_start3A_230 : memref<125xi32, #tpu.memory_space<vmem>>) semaphore(%arg18 : memref<!tpu.dma_semaphore, #tpu.memory_space<semaphore_mem>>) {add = true}
      %dma_wait3A_234 = arith.constant 0 : i32
      %dma_wait3A_235 = arith.constant 0 : i32
      %dma_wait3A_236 = tpu.memref_slice %arg8[%dma_wait3A_234, %dma_wait3A_235] : memref<160x125xi32, #tpu.memory_space<vmem>> -> memref<1x125xi32, #tpu.memory_space<vmem>>
      %dma_wait3A_237 = tpu.memref_squeeze %dma_wait3A_236 : memref<1x125xi32, #tpu.memory_space<vmem>> -> memref<125xi32, #tpu.memory_space<vmem>>
      %dma_wait3A_238 = arith.constant 0 : i32
      %dma_wait3A_239 = arith.constant 0 : i32
      %dma_wait3A_240 = tpu.memref_slice %arg13[%dma_wait3A_238, %dma_wait3A_239] : memref<10112x16xf32, #tpu.memory_space<vmem_shared>> -> memref<10112x16xf32, #tpu.memory_space<vmem_shared>>
      tpu.wait_indirect_dma semaphore(%arg21 : memref<!tpu.dma_semaphore, #tpu.memory_space<semaphore_mem>>) src(%arg12 : memref<125x16xf32, #tpu.memory_space<vmem>>) dst(%dma_wait3A_240 : memref<10112x16xf32, #tpu.memory_space<vmem_shared>>)
      %add3A_241 = arith.constant 3 : i32
      %add3A_242 = arith.addi %add3A_122, %add3A_241 : i32
      %add3A_243 = arith.constant 3 : i32
      %add3A_244 = arith.addi %add3A_242, %add3A_243 : i32
      %dma_start3A_245 = arith.constant 0 : i32
      %dma_start3A_246 = tpu.memref_slice %arg7[%add3A_244, %dma_start3A_245] : memref<160x125xi32, #tpu.memory_space<vmem>> -> memref<1x125xi32, #tpu.memory_space<vmem>>
      %dma_start3A_247 = tpu.memref_squeeze %dma_start3A_246 : memref<1x125xi32, #tpu.memory_space<vmem>> -> memref<125xi32, #tpu.memory_space<vmem>>
      %dma_start3A_248 = arith.constant 0 : i32
      %dma_start3A_249 = arith.constant 0 : i32
      %dma_start3A_250 = tpu.memref_slice %arg2[%dma_start3A_248, %dma_start3A_249] : memref<20000x16xf32, #tpu.memory_space<hbm>> -> memref<20000x16xf32, #tpu.memory_space<hbm>>
      tpu.enqueue_indirect_dma source(%dma_start3A_250 : memref<20000x16xf32, #tpu.memory_space<hbm>>) target(%arg12 : memref<125x16xf32, #tpu.memory_space<vmem>>) offsets(%dma_start3A_247 : memref<125xi32, #tpu.memory_space<vmem>>) semaphore(%arg17 : memref<!tpu.dma_semaphore, #tpu.memory_space<semaphore_mem>>)
    }
    %scan3A_45 = arith.constant 39 : i32
    %dma_wait3A_46 = arith.constant 0 : i32
    %dma_wait3A_47 = arith.constant 0 : i32
    %dma_wait3A_48 = tpu.memref_slice %arg7[%dma_wait3A_46, %dma_wait3A_47] : memref<160x125xi32, #tpu.memory_space<vmem>> -> memref<1x125xi32, #tpu.memory_space<vmem>>
    %dma_wait3A_49 = tpu.memref_squeeze %dma_wait3A_48 : memref<1x125xi32, #tpu.memory_space<vmem>> -> memref<125xi32, #tpu.memory_space<vmem>>
    %dma_wait3A_50 = arith.constant 0 : i32
    %dma_wait3A_51 = arith.constant 0 : i32
    %dma_wait3A_52 = tpu.memref_slice %arg2[%dma_wait3A_50, %dma_wait3A_51] : memref<20000x16xf32, #tpu.memory_space<hbm>> -> memref<20000x16xf32, #tpu.memory_space<hbm>>
    tpu.wait_indirect_dma semaphore(%arg15 : memref<!tpu.dma_semaphore, #tpu.memory_space<semaphore_mem>>) src(%dma_wait3A_52 : memref<20000x16xf32, #tpu.memory_space<hbm>>) dst(%arg10 : memref<125x16xf32, #tpu.memory_space<vmem>>)
    %dma_start3A_53 = arith.constant 157 : i32
    %dma_start3A_54 = arith.constant 0 : i32
    %dma_start3A_55 = tpu.memref_slice %arg8[%dma_start3A_53, %dma_start3A_54] : memref<160x125xi32, #tpu.memory_space<vmem>> -> memref<1x125xi32, #tpu.memory_space<vmem>>
    %dma_start3A_56 = tpu.memref_squeeze %dma_start3A_55 : memref<1x125xi32, #tpu.memory_space<vmem>> -> memref<125xi32, #tpu.memory_space<vmem>>
    %dma_start3A_57 = arith.constant 0 : i32
    %dma_start3A_58 = arith.constant 0 : i32
    %dma_start3A_59 = tpu.memref_slice %arg13[%dma_start3A_57, %dma_start3A_58] : memref<10112x16xf32, #tpu.memory_space<vmem_shared>> -> memref<10112x16xf32, #tpu.memory_space<vmem_shared>>
    tpu.enqueue_indirect_dma source(%arg10 : memref<125x16xf32, #tpu.memory_space<vmem>>) target(%dma_start3A_59 : memref<10112x16xf32, #tpu.memory_space<vmem_shared>>) offsets(%dma_start3A_56 : memref<125xi32, #tpu.memory_space<vmem>>) semaphore(%arg19 : memref<!tpu.dma_semaphore, #tpu.memory_space<semaphore_mem>>) {add = true}
    %dma_wait3A_60 = arith.constant 0 : i32
    %dma_wait3A_61 = arith.constant 0 : i32
    %dma_wait3A_62 = tpu.memref_slice %arg8[%dma_wait3A_60, %dma_wait3A_61] : memref<160x125xi32, #tpu.memory_space<vmem>> -> memref<1x125xi32, #tpu.memory_space<vmem>>
    %dma_wait3A_63 = tpu.memref_squeeze %dma_wait3A_62 : memref<1x125xi32, #tpu.memory_space<vmem>> -> memref<125xi32, #tpu.memory_space<vmem>>
    %dma_wait3A_64 = arith.constant 0 : i32
    %dma_wait3A_65 = arith.constant 0 : i32
    %dma_wait3A_66 = tpu.memref_slice %arg13[%dma_wait3A_64, %dma_wait3A_65] : memref<10112x16xf32, #tpu.memory_space<vmem_shared>> -> memref<10112x16xf32, #tpu.memory_space<vmem_shared>>
    tpu.wait_indirect_dma semaphore(%arg18 : memref<!tpu.dma_semaphore, #tpu.memory_space<semaphore_mem>>) src(%arg9 : memref<125x16xf32, #tpu.memory_space<vmem>>) dst(%dma_wait3A_66 : memref<10112x16xf32, #tpu.memory_space<vmem_shared>>)
    %dma_wait3A_67 = arith.constant 0 : i32
    %dma_wait3A_68 = arith.constant 0 : i32
    %dma_wait3A_69 = tpu.memref_slice %arg7[%dma_wait3A_67, %dma_wait3A_68] : memref<160x125xi32, #tpu.memory_space<vmem>> -> memref<1x125xi32, #tpu.memory_space<vmem>>
    %dma_wait3A_70 = tpu.memref_squeeze %dma_wait3A_69 : memref<1x125xi32, #tpu.memory_space<vmem>> -> memref<125xi32, #tpu.memory_space<vmem>>
    %dma_wait3A_71 = arith.constant 0 : i32
    %dma_wait3A_72 = arith.constant 0 : i32
    %dma_wait3A_73 = tpu.memref_slice %arg2[%dma_wait3A_71, %dma_wait3A_72] : memref<20000x16xf32, #tpu.memory_space<hbm>> -> memref<20000x16xf32, #tpu.memory_space<hbm>>
    tpu.wait_indirect_dma semaphore(%arg16 : memref<!tpu.dma_semaphore, #tpu.memory_space<semaphore_mem>>) src(%dma_wait3A_73 : memref<20000x16xf32, #tpu.memory_space<hbm>>) dst(%arg11 : memref<125x16xf32, #tpu.memory_space<vmem>>)
    %dma_start3A_74 = arith.constant 158 : i32
    %dma_start3A_75 = arith.constant 0 : i32
    %dma_start3A_76 = tpu.memref_slice %arg8[%dma_start3A_74, %dma_start3A_75] : memref<160x125xi32, #tpu.memory_space<vmem>> -> memref<1x125xi32, #tpu.memory_space<vmem>>
    %dma_start3A_77 = tpu.memref_squeeze %dma_start3A_76 : memref<1x125xi32, #tpu.memory_space<vmem>> -> memref<125xi32, #tpu.memory_space<vmem>>
    %dma_start3A_78 = arith.constant 0 : i32
    %dma_start3A_79 = arith.constant 0 : i32
    %dma_start3A_80 = tpu.memref_slice %arg13[%dma_start3A_78, %dma_start3A_79] : memref<10112x16xf32, #tpu.memory_space<vmem_shared>> -> memref<10112x16xf32, #tpu.memory_space<vmem_shared>>
    tpu.enqueue_indirect_dma source(%arg11 : memref<125x16xf32, #tpu.memory_space<vmem>>) target(%dma_start3A_80 : memref<10112x16xf32, #tpu.memory_space<vmem_shared>>) offsets(%dma_start3A_77 : memref<125xi32, #tpu.memory_space<vmem>>) semaphore(%arg20 : memref<!tpu.dma_semaphore, #tpu.memory_space<semaphore_mem>>) {add = true}
    %dma_wait3A_81 = arith.constant 0 : i32
    %dma_wait3A_82 = arith.constant 0 : i32
    %dma_wait3A_83 = tpu.memref_slice %arg8[%dma_wait3A_81, %dma_wait3A_82] : memref<160x125xi32, #tpu.memory_space<vmem>> -> memref<1x125xi32, #tpu.memory_space<vmem>>
    %dma_wait3A_84 = tpu.memref_squeeze %dma_wait3A_83 : memref<1x125xi32, #tpu.memory_space<vmem>> -> memref<125xi32, #tpu.memory_space<vmem>>
    %dma_wait3A_85 = arith.constant 0 : i32
    %dma_wait3A_86 = arith.constant 0 : i32
    %dma_wait3A_87 = tpu.memref_slice %arg13[%dma_wait3A_85, %dma_wait3A_86] : memref<10112x16xf32, #tpu.memory_space<vmem_shared>> -> memref<10112x16xf32, #tpu.memory_space<vmem_shared>>
    tpu.wait_indirect_dma semaphore(%arg19 : memref<!tpu.dma_semaphore, #tpu.memory_space<semaphore_mem>>) src(%arg10 : memref<125x16xf32, #tpu.memory_space<vmem>>) dst(%dma_wait3A_87 : memref<10112x16xf32, #tpu.memory_space<vmem_shared>>)
    %dma_wait3A_88 = arith.constant 0 : i32
    %dma_wait3A_89 = arith.constant 0 : i32
    %dma_wait3A_90 = tpu.memref_slice %arg7[%dma_wait3A_88, %dma_wait3A_89] : memref<160x125xi32, #tpu.memory_space<vmem>> -> memref<1x125xi32, #tpu.memory_space<vmem>>
    %dma_wait3A_91 = tpu.memref_squeeze %dma_wait3A_90 : memref<1x125xi32, #tpu.memory_space<vmem>> -> memref<125xi32, #tpu.memory_space<vmem>>
    %dma_wait3A_92 = arith.constant 0 : i32
    %dma_wait3A_93 = arith.constant 0 : i32
    %dma_wait3A_94 = tpu.memref_slice %arg2[%dma_wait3A_92, %dma_wait3A_93] : memref<20000x16xf32, #tpu.memory_space<hbm>> -> memref<20000x16xf32, #tpu.memory_space<hbm>>
    tpu.wait_indirect_dma semaphore(%arg17 : memref<!tpu.dma_semaphore, #tpu.memory_space<semaphore_mem>>) src(%dma_wait3A_94 : memref<20000x16xf32, #tpu.memory_space<hbm>>) dst(%arg12 : memref<125x16xf32, #tpu.memory_space<vmem>>)
    %dma_start3A_95 = arith.constant 159 : i32
    %dma_start3A_96 = arith.constant 0 : i32
    %dma_start3A_97 = tpu.memref_slice %arg8[%dma_start3A_95, %dma_start3A_96] : memref<160x125xi32, #tpu.memory_space<vmem>> -> memref<1x125xi32, #tpu.memory_space<vmem>>
    %dma_start3A_98 = tpu.memref_squeeze %dma_start3A_97 : memref<1x125xi32, #tpu.memory_space<vmem>> -> memref<125xi32, #tpu.memory_space<vmem>>
    %dma_start3A_99 = arith.constant 0 : i32
    %dma_start3A_100 = arith.constant 0 : i32
    %dma_start3A_101 = tpu.memref_slice %arg13[%dma_start3A_99, %dma_start3A_100] : memref<10112x16xf32, #tpu.memory_space<vmem_shared>> -> memref<10112x16xf32, #tpu.memory_space<vmem_shared>>
    tpu.enqueue_indirect_dma source(%arg12 : memref<125x16xf32, #tpu.memory_space<vmem>>) target(%dma_start3A_101 : memref<10112x16xf32, #tpu.memory_space<vmem_shared>>) offsets(%dma_start3A_98 : memref<125xi32, #tpu.memory_space<vmem>>) semaphore(%arg21 : memref<!tpu.dma_semaphore, #tpu.memory_space<semaphore_mem>>) {add = true}
    %dma_wait3A_102 = arith.constant 0 : i32
    %dma_wait3A_103 = arith.constant 0 : i32
    %dma_wait3A_104 = tpu.memref_slice %arg8[%dma_wait3A_102, %dma_wait3A_103] : memref<160x125xi32, #tpu.memory_space<vmem>> -> memref<1x125xi32, #tpu.memory_space<vmem>>
    %dma_wait3A_105 = tpu.memref_squeeze %dma_wait3A_104 : memref<1x125xi32, #tpu.memory_space<vmem>> -> memref<125xi32, #tpu.memory_space<vmem>>
    %dma_wait3A_106 = arith.constant 0 : i32
    %dma_wait3A_107 = arith.constant 0 : i32
    %dma_wait3A_108 = tpu.memref_slice %arg13[%dma_wait3A_106, %dma_wait3A_107] : memref<10112x16xf32, #tpu.memory_space<vmem_shared>> -> memref<10112x16xf32, #tpu.memory_space<vmem_shared>>
    tpu.wait_indirect_dma semaphore(%arg20 : memref<!tpu.dma_semaphore, #tpu.memory_space<semaphore_mem>>) src(%arg11 : memref<125x16xf32, #tpu.memory_space<vmem>>) dst(%dma_wait3A_108 : memref<10112x16xf32, #tpu.memory_space<vmem_shared>>)
    %dma_wait3A_109 = arith.constant 0 : i32
    %dma_wait3A_110 = arith.constant 0 : i32
    %dma_wait3A_111 = tpu.memref_slice %arg8[%dma_wait3A_109, %dma_wait3A_110] : memref<160x125xi32, #tpu.memory_space<vmem>> -> memref<1x125xi32, #tpu.memory_space<vmem>>
    %dma_wait3A_112 = tpu.memref_squeeze %dma_wait3A_111 : memref<1x125xi32, #tpu.memory_space<vmem>> -> memref<125xi32, #tpu.memory_space<vmem>>
    %dma_wait3A_113 = arith.constant 0 : i32
    %dma_wait3A_114 = arith.constant 0 : i32
    %dma_wait3A_115 = tpu.memref_slice %arg13[%dma_wait3A_113, %dma_wait3A_114] : memref<10112x16xf32, #tpu.memory_space<vmem_shared>> -> memref<10112x16xf32, #tpu.memory_space<vmem_shared>>
    tpu.wait_indirect_dma semaphore(%arg21 : memref<!tpu.dma_semaphore, #tpu.memory_space<semaphore_mem>>) src(%arg12 : memref<125x16xf32, #tpu.memory_space<vmem>>) dst(%dma_wait3A_115 : memref<10112x16xf32, #tpu.memory_space<vmem_shared>>)
    %barrier3A_116 = arith.constant 0 : index
    tpu.barrier barrier_id(%barrier3A_116)
    %mul3A_117 = arith.constant 632 : i32
    %mul3A_118 = arith.muli %arg1, %mul3A_117 : i32
    "tpu.region"() ({
      %run_scoped3A = tpu.sem_alloc : memref<!tpu.dma_semaphore, #tpu.memory_space<semaphore_mem>>
      %dma_start3A_119 = arith.constant 0 : i32
      %dma_start3A_120 = tpu.memref_slice %arg6[%arg0, %mul3A_118, %dma_start3A_119] : memref<2x10112x16xf32, #tpu.memory_space<hbm>> -> memref<1x632x16xf32, #tpu.memory_space<hbm>>
      %dma_start3A_121 = tpu.memref_squeeze %dma_start3A_120 : memref<1x632x16xf32, #tpu.memory_space<hbm>> -> memref<632x16xf32, #tpu.memory_space<hbm>>
      %dma_start3A_122 = arith.constant 0 : i32
      %dma_start3A_123 = tpu.memref_slice %arg13[%mul3A_118, %dma_start3A_122] : memref<10112x16xf32, #tpu.memory_space<vmem_shared>> -> memref<632x16xf32, #tpu.memory_space<vmem_shared>>
      tpu.enqueue_dma source(%dma_start3A_123 : memref<632x16xf32, #tpu.memory_space<vmem_shared>>) target(%dma_start3A_121 : memref<632x16xf32, #tpu.memory_space<hbm>>) target_semaphore(%run_scoped3A : memref<!tpu.dma_semaphore, #tpu.memory_space<semaphore_mem>>)
      %dma_wait3A_124 = arith.constant 0 : i32
      %dma_wait3A_125 = tpu.memref_slice %arg6[%arg0, %mul3A_118, %dma_wait3A_124] : memref<2x10112x16xf32, #tpu.memory_space<hbm>> -> memref<1x632x16xf32, #tpu.memory_space<hbm>>
      %dma_wait3A_126 = tpu.memref_squeeze %dma_wait3A_125 : memref<1x632x16xf32, #tpu.memory_space<hbm>> -> memref<632x16xf32, #tpu.memory_space<hbm>>
      %dma_wait3A_127 = arith.constant 0 : i32
      %dma_wait3A_128 = tpu.memref_slice %arg13[%mul3A_118, %dma_wait3A_127] : memref<10112x16xf32, #tpu.memory_space<vmem_shared>> -> memref<632x16xf32, #tpu.memory_space<vmem_shared>>
      tpu.wait_dma2 semaphore(%run_scoped3A : memref<!tpu.dma_semaphore, #tpu.memory_space<semaphore_mem>>) src(%dma_wait3A_128 : memref<632x16xf32, #tpu.memory_space<vmem_shared>>) dst(%dma_wait3A_126 : memref<632x16xf32, #tpu.memory_space<hbm>>)
      tpu.yield
    }) : () -> ()
    return
  }
}

module attributes {stable_mosaic.version = 14 : i64} {
  func.func @_dinv_body(%arg0: memref<2x10112x16xf32, #tpu.memory_space<vmem>>, %arg1: memref<20000x1xf32, #tpu.memory_space<vmem>>) attributes {dimension_semantics = [], scalar_prefetch = 0 : i64, scratch_operands = 0 : i64, tpu.core_type = #tpu.core_type<tc>} {
    %get3A = arith.constant 0 : index
    %get3A_0 = arith.constant 0 : index
    %get3A_1 = arith.constant 0 : index
    %get3A_2 = vector.load %arg0[%get3A, %get3A_0, %get3A_1] : memref<2x10112x16xf32, #tpu.memory_space<vmem>>, vector<1x10000x1xf32>
    %get3A_3 = vector.shape_cast %get3A_2 : vector<1x10000x1xf32> to vector<10000x1xf32>
    %get3A_4 = arith.constant 1 : index
    %get3A_5 = arith.constant 0 : index
    %get3A_6 = arith.constant 0 : index
    %get3A_7 = vector.load %arg0[%get3A_4, %get3A_5, %get3A_6] : memref<2x10112x16xf32, #tpu.memory_space<vmem>>, vector<1x10000x1xf32>
    %get3A_8 = vector.shape_cast %get3A_7 : vector<1x10000x1xf32> to vector<10000x1xf32>
    %concatenate3A = tpu.concatenate %get3A_3, %get3A_8 in 0 : vector<10000x1xf32>, vector<10000x1xf32> -> vector<20000x1xf32>
    %add3A = arith.constant 1.000000e+00 : f32
    %add3A_9 = vector.broadcast %add3A : f32 to vector<20000x1xf32>
    %add3A_10 = arith.addf %add3A_9, %concatenate3A : vector<20000x1xf32>
    %rsqrt3A = math.rsqrt %add3A_10 : vector<20000x1xf32>
    %swap3A = arith.constant 0 : index
    %swap3A_11 = arith.constant 0 : index
    %swap3A_12 = vector.load %arg1[%swap3A, %swap3A_11] : memref<20000x1xf32, #tpu.memory_space<vmem>>, vector<20000x1xf32>
    tpu.vector_store %arg1[%swap3A, %swap3A_11], %rsqrt3A {strides = array<i32>} : memref<20000x1xf32, #tpu.memory_space<vmem>>, vector<20000x1xf32>,
    return
  }
}

module attributes {stable_mosaic.version = 14 : i64} {
  func.func @_mm_body(%arg0: i32, %arg1: memref<2000x128xf32, #tpu.memory_space<vmem>>, %arg2: memref<128x64xf32, #tpu.memory_space<vmem>>, %arg3: memref<2000x1xf32, #tpu.memory_space<vmem>>, %arg4: memref<2000x64xf32, #tpu.memory_space<vmem>>) attributes {dimension_semantics = [#tpu.dimension_semantics<arbitrary>], iteration_bounds = array<i64: 10>, scalar_prefetch = 0 : i64, scratch_operands = 0 : i64, tpu.core_type = #tpu.core_type<tc>, window_params = [{transform_indices = @transform_0, window_bounds = array<i64: 2000, 128>}, {pipeline_mode = #tpu.pipeline_mode<synchronous>, transform_indices = @transform_1, window_bounds = array<i64: 128, 64>}, {transform_indices = @transform_2, window_bounds = array<i64: 2000, 1>}, {transform_indices = @transform_3, window_bounds = array<i64: 2000, 64>}]} {
    %get3A = arith.constant 0 : index
    %get3A_0 = arith.constant 0 : index
    %get3A_1 = vector.load %arg1[%get3A, %get3A_0] : memref<2000x128xf32, #tpu.memory_space<vmem>>, vector<2000x128xf32>
    %get3A_2 = arith.constant 0 : index
    %get3A_3 = arith.constant 0 : index
    %get3A_4 = vector.load %arg2[%get3A_2, %get3A_3] : memref<128x64xf32, #tpu.memory_space<vmem>>, vector<128x64xf32>
    %convert_element_type3A = arith.truncf %get3A_1 : vector<2000x128xf32> to vector<2000x128xbf16>
    %convert_element_type3A_5 = arith.truncf %get3A_4 : vector<128x64xf32> to vector<128x64xbf16>
    %dot_general3A = arith.constant dense<0.000000e+00> : vector<2000x64xf32>
    %dot_general3A_6 = tpu.matmul %convert_element_type3A, %convert_element_type3A_5, %dot_general3A {dimension_numbers = #tpu.dot_dimension_numbers<[1], [0], [0], [1], [0, 0, 1, 1], [], []>, transpose_lhs_hint = false} : vector<2000x128xbf16>, vector<128x64xbf16>, vector<2000x64xf32> -> vector<2000x64xf32>
    %get3A_7 = arith.constant 0 : index
    %get3A_8 = arith.constant 0 : index
    %get3A_9 = vector.load %arg3[%get3A_7, %get3A_8] : memref<2000x1xf32, #tpu.memory_space<vmem>>, vector<2000x1xf32>
    %mul3A = vector.broadcast %get3A_9 : vector<2000x1xf32> to vector<2000x64xf32>
    %mul3A_10 = arith.mulf %dot_general3A_6, %mul3A : vector<2000x64xf32>
    %swap3A = arith.constant 0 : index
    %swap3A_11 = arith.constant 0 : index
    %swap3A_12 = vector.load %arg4[%swap3A, %swap3A_11] : memref<2000x64xf32, #tpu.memory_space<vmem>>, vector<2000x64xf32>
    tpu.vector_store %arg4[%swap3A, %swap3A_11], %mul3A_10 {strides = array<i32>} : memref<2000x64xf32, #tpu.memory_space<vmem>>, vector<2000x64xf32>,
    return
  }
  func.func @transform_0(%arg0: i32) -> (i32, i32) {
    %c0_i32 = arith.constant 0 : i32
    %c0_i32_0 = arith.constant 0 : i32
    return %arg0, %c0_i32 : i32, i32
  }
  func.func @transform_1(%arg0: i32) -> (i32, i32) {
    %c0_i32 = arith.constant 0 : i32
    %c0_i32_0 = arith.constant 0 : i32
    %c0_i32_1 = arith.constant 0 : i32
    return %c0_i32, %c0_i32_0 : i32, i32
  }
  func.func @transform_2(%arg0: i32) -> (i32, i32) {
    %c0_i32 = arith.constant 0 : i32
    %c0_i32_0 = arith.constant 0 : i32
    return %arg0, %c0_i32 : i32, i32
  }
  func.func @transform_3(%arg0: i32) -> (i32, i32) {
    %c0_i32 = arith.constant 0 : i32
    %c0_i32_0 = arith.constant 0 : i32
    return %arg0, %c0_i32 : i32, i32
  }
}

module attributes {stable_mosaic.version = 14 : i64} {
  func.func @_combine_body(%arg0: i32, %arg1: memref<1x2000x64xf32, #tpu.memory_space<vmem>>, %arg2: memref<2000x64xf32, #tpu.memory_space<vmem>>, %arg3: memref<2000x1xf32, #tpu.memory_space<vmem>>, %arg4: memref<1x64xf32, #tpu.memory_space<vmem>>, %arg5: memref<2000x64xf32, #tpu.memory_space<vmem>>) attributes {dimension_semantics = [#tpu.dimension_semantics<arbitrary>], iteration_bounds = array<i64: 10>, scalar_prefetch = 0 : i64, scratch_operands = 0 : i64, tpu.core_type = #tpu.core_type<tc>, window_params = [{transform_indices = @transform_0, window_bounds = array<i64: 1, 2000, 64>}, {transform_indices = @transform_1, window_bounds = array<i64: 2000, 64>}, {transform_indices = @transform_2, window_bounds = array<i64: 2000, 1>}, {pipeline_mode = #tpu.pipeline_mode<synchronous>, transform_indices = @transform_3, window_bounds = array<i64: 1, 64>}, {transform_indices = @transform_4, window_bounds = array<i64: 2000, 64>}]} {
    %get3A = arith.constant 0 : index
    %get3A_0 = arith.constant 0 : index
    %get3A_1 = vector.load %arg3[%get3A, %get3A_0] : memref<2000x1xf32, #tpu.memory_space<vmem>>, vector<2000x1xf32>
    %get3A_2 = arith.constant 0 : index
    %get3A_3 = arith.constant 0 : index
    %get3A_4 = arith.constant 0 : index
    %get3A_5 = vector.load %arg1[%get3A_2, %get3A_3, %get3A_4] : memref<1x2000x64xf32, #tpu.memory_space<vmem>>, vector<1x2000x64xf32>
    %get3A_6 = vector.shape_cast %get3A_5 : vector<1x2000x64xf32> to vector<2000x64xf32>
    %get3A_7 = arith.constant 0 : index
    %get3A_8 = arith.constant 0 : index
    %get3A_9 = vector.load %arg2[%get3A_7, %get3A_8] : memref<2000x64xf32, #tpu.memory_space<vmem>>, vector<2000x64xf32>
    %add3A = arith.addf %get3A_6, %get3A_9 : vector<2000x64xf32>
    %mul3A = vector.broadcast %get3A_1 : vector<2000x1xf32> to vector<2000x64xf32>
    %mul3A_10 = arith.mulf %mul3A, %add3A : vector<2000x64xf32>
    %get3A_11 = arith.constant 0 : index
    %get3A_12 = arith.constant 0 : index
    %get3A_13 = vector.load %arg4[%get3A_11, %get3A_12] : memref<1x64xf32, #tpu.memory_space<vmem>>, vector<1x64xf32>
    %add3A_14 = vector.broadcast %get3A_13 : vector<1x64xf32> to vector<2000x64xf32>
    %add3A_15 = arith.addf %mul3A_10, %add3A_14 : vector<2000x64xf32>
    %max3A = arith.constant 0.000000e+00 : f32
    %max3A_16 = vector.broadcast %max3A : f32 to vector<2000x64xf32>
    %max3A_17 = arith.maximumf %add3A_15, %max3A_16 : vector<2000x64xf32>
    %bitcast_convert_type3A = tpu.bitcast %max3A_17 : vector<2000x64xf32> -> vector<2000x64xi32>
    %add3A_18 = arith.constant 32767 : i32
    %add3A_19 = vector.broadcast %add3A_18 : i32 to vector<2000x64xi32>
    %add3A_20 = arith.addi %bitcast_convert_type3A, %add3A_19 : vector<2000x64xi32>
    %shift_right_logical3A = arith.constant 16 : i32
    %shift_right_logical3A_21 = vector.broadcast %shift_right_logical3A : i32 to vector<2000x64xi32>
    %shift_right_logical3A_22 = arith.shrui %bitcast_convert_type3A, %shift_right_logical3A_21 : vector<2000x64xi32>
    %and3A = arith.constant 1 : i32
    %and3A_23 = vector.broadcast %and3A : i32 to vector<2000x64xi32>
    %and3A_24 = arith.andi %shift_right_logical3A_22, %and3A_23 : vector<2000x64xi32>
    %add3A_25 = arith.addi %add3A_20, %and3A_24 : vector<2000x64xi32>
    %and3A_26 = arith.constant -65536 : i32
    %and3A_27 = vector.broadcast %and3A_26 : i32 to vector<2000x64xi32>
    %and3A_28 = arith.andi %add3A_25, %and3A_27 : vector<2000x64xi32>
    %bitcast_convert_type3A_29 = tpu.bitcast %and3A_28 : vector<2000x64xi32> -> vector<2000x64xf32>
    %swap3A = arith.constant 0 : index
    %swap3A_30 = arith.constant 0 : index
    %swap3A_31 = vector.load %arg5[%swap3A, %swap3A_30] : memref<2000x64xf32, #tpu.memory_space<vmem>>, vector<2000x64xf32>
    tpu.vector_store %arg5[%swap3A, %swap3A_30], %bitcast_convert_type3A_29 {strides = array<i32>} : memref<2000x64xf32, #tpu.memory_space<vmem>>, vector<2000x64xf32>,
    return
  }
  func.func @transform_0(%arg0: i32) -> (i32, i32, i32) {
    %jit3A = arith.constant 5 : i32
    %div3A = arith.divsi %arg0, %jit3A : i32
    %sign3A = arith.constant 0 : i32
    %sign3A_0 = arith.cmpi sgt, %arg0, %sign3A : i32
    %sign3A_1 = arith.extui %sign3A_0 : i1 to i32
    %sign3A_2 = arith.constant 0 : i32
    %sign3A_3 = arith.cmpi slt, %arg0, %sign3A_2 : i32
    %sign3A_4 = arith.extui %sign3A_3 : i1 to i32
    %sign3A_5 = arith.subi %sign3A_1, %sign3A_4 : i32
    %sign3A_6 = arith.constant 0 : i32
    %sign3A_7 = arith.cmpi sgt, %jit3A, %sign3A_6 : i32
    %sign3A_8 = arith.extui %sign3A_7 : i1 to i32
    %sign3A_9 = arith.constant 0 : i32
    %sign3A_10 = arith.cmpi slt, %jit3A, %sign3A_9 : i32
    %sign3A_11 = arith.extui %sign3A_10 : i1 to i32
    %sign3A_12 = arith.subi %sign3A_8, %sign3A_11 : i32
    %ne3A = arith.cmpi ne, %sign3A_5, %sign3A_12 : i32
    %rem3A = arith.remsi %arg0, %jit3A : i32
    %ne3A_13 = arith.constant 0 : i32
    %ne3A_14 = arith.cmpi ne, %rem3A, %ne3A_13 : i32
    %and3A = arith.andi %ne3A, %ne3A_14 : i1
    %sub3A = arith.constant 1 : i32
    %sub3A_15 = arith.subi %div3A, %sub3A : i32
    %select_n3A = arith.select %and3A, %sub3A_15, %div3A : i32
    %jit3A_16 = arith.constant 5 : i32
    %eq3A = arith.constant 0 : i32
    %eq3A_17 = arith.cmpi eq, %jit3A_16, %eq3A : i32
    %jit3A_18 = arith.constant 1 : i32
    %select_n3A_19 = arith.select %eq3A_17, %jit3A_18, %jit3A_16 : i32
    %rem3A_20 = arith.remsi %arg0, %select_n3A_19 : i32
    %ne3A_21 = arith.constant 0 : i32
    %ne3A_22 = arith.cmpi ne, %rem3A_20, %ne3A_21 : i32
    %lt3A = arith.constant 0 : i32
    %lt3A_23 = arith.cmpi slt, %rem3A_20, %lt3A : i32
    %lt3A_24 = arith.constant 0 : i32
    %lt3A_25 = arith.cmpi slt, %select_n3A_19, %lt3A_24 : i32
    %ne3A_26 = arith.xori %lt3A_23, %lt3A_25 : i1
    %and3A_27 = arith.andi %ne3A_26, %ne3A_22 : i1
    %add3A = arith.addi %rem3A_20, %select_n3A_19 : i32
    %select_n3A_28 = arith.select %and3A_27, %add3A, %rem3A_20 : i32
    %c0_i32 = arith.constant 0 : i32
    %c0_i32_29 = arith.constant 0 : i32
    return %select_n3A, %select_n3A_28, %c0_i32 : i32, i32, i32
  }
  func.func @transform_1(%arg0: i32) -> (i32, i32) {
    %c0_i32 = arith.constant 0 : i32
    %c0_i32_0 = arith.constant 0 : i32
    return %arg0, %c0_i32 : i32, i32
  }
  func.func @transform_2(%arg0: i32) -> (i32, i32) {
    %c0_i32 = arith.constant 0 : i32
    %c0_i32_0 = arith.constant 0 : i32
    return %arg0, %c0_i32 : i32, i32
  }
  func.func @transform_3(%arg0: i32) -> (i32, i32) {
    %c0_i32 = arith.constant 0 : i32
    %c0_i32_0 = arith.constant 0 : i32
    %c0_i32_1 = arith.constant 0 : i32
    return %c0_i32, %c0_i32_0 : i32, i32
  }
  func.func @transform_4(%arg0: i32) -> (i32, i32) {
    %c0_i32 = arith.constant 0 : i32
    %c0_i32_0 = arith.constant 0 : i32
    return %arg0, %c0_i32 : i32, i32
  }
}

module attributes {stable_mosaic.version = 14 : i64} {
  func.func @_mm_body(%arg0: i32, %arg1: memref<2000x64xf32, #tpu.memory_space<vmem>>, %arg2: memref<64x32xf32, #tpu.memory_space<vmem>>, %arg3: memref<2000x1xf32, #tpu.memory_space<vmem>>, %arg4: memref<2000x32xf32, #tpu.memory_space<vmem>>) attributes {dimension_semantics = [#tpu.dimension_semantics<arbitrary>], iteration_bounds = array<i64: 10>, scalar_prefetch = 0 : i64, scratch_operands = 0 : i64, tpu.core_type = #tpu.core_type<tc>, window_params = [{transform_indices = @transform_0, window_bounds = array<i64: 2000, 64>}, {pipeline_mode = #tpu.pipeline_mode<synchronous>, transform_indices = @transform_1, window_bounds = array<i64: 64, 32>}, {transform_indices = @transform_2, window_bounds = array<i64: 2000, 1>}, {transform_indices = @transform_3, window_bounds = array<i64: 2000, 32>}]} {
    %get3A = arith.constant 0 : index
    %get3A_0 = arith.constant 0 : index
    %get3A_1 = vector.load %arg1[%get3A, %get3A_0] : memref<2000x64xf32, #tpu.memory_space<vmem>>, vector<2000x64xf32>
    %get3A_2 = arith.constant 0 : index
    %get3A_3 = arith.constant 0 : index
    %get3A_4 = vector.load %arg2[%get3A_2, %get3A_3] : memref<64x32xf32, #tpu.memory_space<vmem>>, vector<64x32xf32>
    %convert_element_type3A = arith.truncf %get3A_1 : vector<2000x64xf32> to vector<2000x64xbf16>
    %convert_element_type3A_5 = arith.truncf %get3A_4 : vector<64x32xf32> to vector<64x32xbf16>
    %dot_general3A = arith.constant dense<0.000000e+00> : vector<2000x32xf32>
    %dot_general3A_6 = tpu.matmul %convert_element_type3A, %convert_element_type3A_5, %dot_general3A {dimension_numbers = #tpu.dot_dimension_numbers<[1], [0], [0], [1], [0, 0, 1, 1], [], []>, transpose_lhs_hint = false} : vector<2000x64xbf16>, vector<64x32xbf16>, vector<2000x32xf32> -> vector<2000x32xf32>
    %get3A_7 = arith.constant 0 : index
    %get3A_8 = arith.constant 0 : index
    %get3A_9 = vector.load %arg3[%get3A_7, %get3A_8] : memref<2000x1xf32, #tpu.memory_space<vmem>>, vector<2000x1xf32>
    %mul3A = vector.broadcast %get3A_9 : vector<2000x1xf32> to vector<2000x32xf32>
    %mul3A_10 = arith.mulf %dot_general3A_6, %mul3A : vector<2000x32xf32>
    %swap3A = arith.constant 0 : index
    %swap3A_11 = arith.constant 0 : index
    %swap3A_12 = vector.load %arg4[%swap3A, %swap3A_11] : memref<2000x32xf32, #tpu.memory_space<vmem>>, vector<2000x32xf32>
    tpu.vector_store %arg4[%swap3A, %swap3A_11], %mul3A_10 {strides = array<i32>} : memref<2000x32xf32, #tpu.memory_space<vmem>>, vector<2000x32xf32>,
    return
  }
  func.func @transform_0(%arg0: i32) -> (i32, i32) {
    %c0_i32 = arith.constant 0 : i32
    %c0_i32_0 = arith.constant 0 : i32
    return %arg0, %c0_i32 : i32, i32
  }
  func.func @transform_1(%arg0: i32) -> (i32, i32) {
    %c0_i32 = arith.constant 0 : i32
    %c0_i32_0 = arith.constant 0 : i32
    %c0_i32_1 = arith.constant 0 : i32
    return %c0_i32, %c0_i32_0 : i32, i32
  }
  func.func @transform_2(%arg0: i32) -> (i32, i32) {
    %c0_i32 = arith.constant 0 : i32
    %c0_i32_0 = arith.constant 0 : i32
    return %arg0, %c0_i32 : i32, i32
  }
  func.func @transform_3(%arg0: i32) -> (i32, i32) {
    %c0_i32 = arith.constant 0 : i32
    %c0_i32_0 = arith.constant 0 : i32
    return %arg0, %c0_i32 : i32, i32
  }
}

module attributes {stable_mosaic.version = 14 : i64} {
  func.func @_combine_body(%arg0: i32, %arg1: memref<1x2000x32xf32, #tpu.memory_space<vmem>>, %arg2: memref<2000x32xf32, #tpu.memory_space<vmem>>, %arg3: memref<2000x1xf32, #tpu.memory_space<vmem>>, %arg4: memref<1x32xf32, #tpu.memory_space<vmem>>, %arg5: memref<2000x32xf32, #tpu.memory_space<vmem>>) attributes {dimension_semantics = [#tpu.dimension_semantics<arbitrary>], iteration_bounds = array<i64: 10>, scalar_prefetch = 0 : i64, scratch_operands = 0 : i64, tpu.core_type = #tpu.core_type<tc>, window_params = [{transform_indices = @transform_0, window_bounds = array<i64: 1, 2000, 32>}, {transform_indices = @transform_1, window_bounds = array<i64: 2000, 32>}, {transform_indices = @transform_2, window_bounds = array<i64: 2000, 1>}, {pipeline_mode = #tpu.pipeline_mode<synchronous>, transform_indices = @transform_3, window_bounds = array<i64: 1, 32>}, {transform_indices = @transform_4, window_bounds = array<i64: 2000, 32>}]} {
    %get3A = arith.constant 0 : index
    %get3A_0 = arith.constant 0 : index
    %get3A_1 = vector.load %arg3[%get3A, %get3A_0] : memref<2000x1xf32, #tpu.memory_space<vmem>>, vector<2000x1xf32>
    %get3A_2 = arith.constant 0 : index
    %get3A_3 = arith.constant 0 : index
    %get3A_4 = arith.constant 0 : index
    %get3A_5 = vector.load %arg1[%get3A_2, %get3A_3, %get3A_4] : memref<1x2000x32xf32, #tpu.memory_space<vmem>>, vector<1x2000x32xf32>
    %get3A_6 = vector.shape_cast %get3A_5 : vector<1x2000x32xf32> to vector<2000x32xf32>
    %get3A_7 = arith.constant 0 : index
    %get3A_8 = arith.constant 0 : index
    %get3A_9 = vector.load %arg2[%get3A_7, %get3A_8] : memref<2000x32xf32, #tpu.memory_space<vmem>>, vector<2000x32xf32>
    %add3A = arith.addf %get3A_6, %get3A_9 : vector<2000x32xf32>
    %mul3A = vector.broadcast %get3A_1 : vector<2000x1xf32> to vector<2000x32xf32>
    %mul3A_10 = arith.mulf %mul3A, %add3A : vector<2000x32xf32>
    %get3A_11 = arith.constant 0 : index
    %get3A_12 = arith.constant 0 : index
    %get3A_13 = vector.load %arg4[%get3A_11, %get3A_12] : memref<1x32xf32, #tpu.memory_space<vmem>>, vector<1x32xf32>
    %add3A_14 = vector.broadcast %get3A_13 : vector<1x32xf32> to vector<2000x32xf32>
    %add3A_15 = arith.addf %mul3A_10, %add3A_14 : vector<2000x32xf32>
    %max3A = arith.constant 0.000000e+00 : f32
    %max3A_16 = vector.broadcast %max3A : f32 to vector<2000x32xf32>
    %max3A_17 = arith.maximumf %add3A_15, %max3A_16 : vector<2000x32xf32>
    %bitcast_convert_type3A = tpu.bitcast %max3A_17 : vector<2000x32xf32> -> vector<2000x32xi32>
    %add3A_18 = arith.constant 32767 : i32
    %add3A_19 = vector.broadcast %add3A_18 : i32 to vector<2000x32xi32>
    %add3A_20 = arith.addi %bitcast_convert_type3A, %add3A_19 : vector<2000x32xi32>
    %shift_right_logical3A = arith.constant 16 : i32
    %shift_right_logical3A_21 = vector.broadcast %shift_right_logical3A : i32 to vector<2000x32xi32>
    %shift_right_logical3A_22 = arith.shrui %bitcast_convert_type3A, %shift_right_logical3A_21 : vector<2000x32xi32>
    %and3A = arith.constant 1 : i32
    %and3A_23 = vector.broadcast %and3A : i32 to vector<2000x32xi32>
    %and3A_24 = arith.andi %shift_right_logical3A_22, %and3A_23 : vector<2000x32xi32>
    %add3A_25 = arith.addi %add3A_20, %and3A_24 : vector<2000x32xi32>
    %and3A_26 = arith.constant -65536 : i32
    %and3A_27 = vector.broadcast %and3A_26 : i32 to vector<2000x32xi32>
    %and3A_28 = arith.andi %add3A_25, %and3A_27 : vector<2000x32xi32>
    %bitcast_convert_type3A_29 = tpu.bitcast %and3A_28 : vector<2000x32xi32> -> vector<2000x32xf32>
    %swap3A = arith.constant 0 : index
    %swap3A_30 = arith.constant 0 : index
    %swap3A_31 = vector.load %arg5[%swap3A, %swap3A_30] : memref<2000x32xf32, #tpu.memory_space<vmem>>, vector<2000x32xf32>
    tpu.vector_store %arg5[%swap3A, %swap3A_30], %bitcast_convert_type3A_29 {strides = array<i32>} : memref<2000x32xf32, #tpu.memory_space<vmem>>, vector<2000x32xf32>,
    return
  }
  func.func @transform_0(%arg0: i32) -> (i32, i32, i32) {
    %jit3A = arith.constant 5 : i32
    %div3A = arith.divsi %arg0, %jit3A : i32
    %sign3A = arith.constant 0 : i32
    %sign3A_0 = arith.cmpi sgt, %arg0, %sign3A : i32
    %sign3A_1 = arith.extui %sign3A_0 : i1 to i32
    %sign3A_2 = arith.constant 0 : i32
    %sign3A_3 = arith.cmpi slt, %arg0, %sign3A_2 : i32
    %sign3A_4 = arith.extui %sign3A_3 : i1 to i32
    %sign3A_5 = arith.subi %sign3A_1, %sign3A_4 : i32
    %sign3A_6 = arith.constant 0 : i32
    %sign3A_7 = arith.cmpi sgt, %jit3A, %sign3A_6 : i32
    %sign3A_8 = arith.extui %sign3A_7 : i1 to i32
    %sign3A_9 = arith.constant 0 : i32
    %sign3A_10 = arith.cmpi slt, %jit3A, %sign3A_9 : i32
    %sign3A_11 = arith.extui %sign3A_10 : i1 to i32
    %sign3A_12 = arith.subi %sign3A_8, %sign3A_11 : i32
    %ne3A = arith.cmpi ne, %sign3A_5, %sign3A_12 : i32
    %rem3A = arith.remsi %arg0, %jit3A : i32
    %ne3A_13 = arith.constant 0 : i32
    %ne3A_14 = arith.cmpi ne, %rem3A, %ne3A_13 : i32
    %and3A = arith.andi %ne3A, %ne3A_14 : i1
    %sub3A = arith.constant 1 : i32
    %sub3A_15 = arith.subi %div3A, %sub3A : i32
    %select_n3A = arith.select %and3A, %sub3A_15, %div3A : i32
    %jit3A_16 = arith.constant 5 : i32
    %eq3A = arith.constant 0 : i32
    %eq3A_17 = arith.cmpi eq, %jit3A_16, %eq3A : i32
    %jit3A_18 = arith.constant 1 : i32
    %select_n3A_19 = arith.select %eq3A_17, %jit3A_18, %jit3A_16 : i32
    %rem3A_20 = arith.remsi %arg0, %select_n3A_19 : i32
    %ne3A_21 = arith.constant 0 : i32
    %ne3A_22 = arith.cmpi ne, %rem3A_20, %ne3A_21 : i32
    %lt3A = arith.constant 0 : i32
    %lt3A_23 = arith.cmpi slt, %rem3A_20, %lt3A : i32
    %lt3A_24 = arith.constant 0 : i32
    %lt3A_25 = arith.cmpi slt, %select_n3A_19, %lt3A_24 : i32
    %ne3A_26 = arith.xori %lt3A_23, %lt3A_25 : i1
    %and3A_27 = arith.andi %ne3A_26, %ne3A_22 : i1
    %add3A = arith.addi %rem3A_20, %select_n3A_19 : i32
    %select_n3A_28 = arith.select %and3A_27, %add3A, %rem3A_20 : i32
    %c0_i32 = arith.constant 0 : i32
    %c0_i32_29 = arith.constant 0 : i32
    return %select_n3A, %select_n3A_28, %c0_i32 : i32, i32, i32
  }
  func.func @transform_1(%arg0: i32) -> (i32, i32) {
    %c0_i32 = arith.constant 0 : i32
    %c0_i32_0 = arith.constant 0 : i32
    return %arg0, %c0_i32 : i32, i32
  }
  func.func @transform_2(%arg0: i32) -> (i32, i32) {
    %c0_i32 = arith.constant 0 : i32
    %c0_i32_0 = arith.constant 0 : i32
    return %arg0, %c0_i32 : i32, i32
  }
  func.func @transform_3(%arg0: i32) -> (i32, i32) {
    %c0_i32 = arith.constant 0 : i32
    %c0_i32_0 = arith.constant 0 : i32
    %c0_i32_1 = arith.constant 0 : i32
    return %c0_i32, %c0_i32_0 : i32, i32
  }
  func.func @transform_4(%arg0: i32) -> (i32, i32) {
    %c0_i32 = arith.constant 0 : i32
    %c0_i32_0 = arith.constant 0 : i32
    return %arg0, %c0_i32 : i32, i32
  }
}

module attributes {stable_mosaic.version = 14 : i64} {
  func.func @_mm_body(%arg0: i32, %arg1: memref<2000x32xf32, #tpu.memory_space<vmem>>, %arg2: memref<32x16xf32, #tpu.memory_space<vmem>>, %arg3: memref<2000x1xf32, #tpu.memory_space<vmem>>, %arg4: memref<2000x16xf32, #tpu.memory_space<vmem>>) attributes {dimension_semantics = [#tpu.dimension_semantics<arbitrary>], iteration_bounds = array<i64: 10>, scalar_prefetch = 0 : i64, scratch_operands = 0 : i64, tpu.core_type = #tpu.core_type<tc>, window_params = [{transform_indices = @transform_0, window_bounds = array<i64: 2000, 32>}, {pipeline_mode = #tpu.pipeline_mode<synchronous>, transform_indices = @transform_1, window_bounds = array<i64: 32, 16>}, {transform_indices = @transform_2, window_bounds = array<i64: 2000, 1>}, {transform_indices = @transform_3, window_bounds = array<i64: 2000, 16>}]} {
    %get3A = arith.constant 0 : index
    %get3A_0 = arith.constant 0 : index
    %get3A_1 = vector.load %arg1[%get3A, %get3A_0] : memref<2000x32xf32, #tpu.memory_space<vmem>>, vector<2000x32xf32>
    %get3A_2 = arith.constant 0 : index
    %get3A_3 = arith.constant 0 : index
    %get3A_4 = vector.load %arg2[%get3A_2, %get3A_3] : memref<32x16xf32, #tpu.memory_space<vmem>>, vector<32x16xf32>
    %convert_element_type3A = arith.truncf %get3A_1 : vector<2000x32xf32> to vector<2000x32xbf16>
    %convert_element_type3A_5 = arith.truncf %get3A_4 : vector<32x16xf32> to vector<32x16xbf16>
    %dot_general3A = arith.constant dense<0.000000e+00> : vector<2000x16xf32>
    %dot_general3A_6 = tpu.matmul %convert_element_type3A, %convert_element_type3A_5, %dot_general3A {dimension_numbers = #tpu.dot_dimension_numbers<[1], [0], [0], [1], [0, 0, 1, 1], [], []>, transpose_lhs_hint = false} : vector<2000x32xbf16>, vector<32x16xbf16>, vector<2000x16xf32> -> vector<2000x16xf32>
    %get3A_7 = arith.constant 0 : index
    %get3A_8 = arith.constant 0 : index
    %get3A_9 = vector.load %arg3[%get3A_7, %get3A_8] : memref<2000x1xf32, #tpu.memory_space<vmem>>, vector<2000x1xf32>
    %mul3A = vector.broadcast %get3A_9 : vector<2000x1xf32> to vector<2000x16xf32>
    %mul3A_10 = arith.mulf %dot_general3A_6, %mul3A : vector<2000x16xf32>
    %swap3A = arith.constant 0 : index
    %swap3A_11 = arith.constant 0 : index
    %swap3A_12 = vector.load %arg4[%swap3A, %swap3A_11] : memref<2000x16xf32, #tpu.memory_space<vmem>>, vector<2000x16xf32>
    tpu.vector_store %arg4[%swap3A, %swap3A_11], %mul3A_10 {strides = array<i32>} : memref<2000x16xf32, #tpu.memory_space<vmem>>, vector<2000x16xf32>,
    return
  }
  func.func @transform_0(%arg0: i32) -> (i32, i32) {
    %c0_i32 = arith.constant 0 : i32
    %c0_i32_0 = arith.constant 0 : i32
    return %arg0, %c0_i32 : i32, i32
  }
  func.func @transform_1(%arg0: i32) -> (i32, i32) {
    %c0_i32 = arith.constant 0 : i32
    %c0_i32_0 = arith.constant 0 : i32
    %c0_i32_1 = arith.constant 0 : i32
    return %c0_i32, %c0_i32_0 : i32, i32
  }
  func.func @transform_2(%arg0: i32) -> (i32, i32) {
    %c0_i32 = arith.constant 0 : i32
    %c0_i32_0 = arith.constant 0 : i32
    return %arg0, %c0_i32 : i32, i32
  }
  func.func @transform_3(%arg0: i32) -> (i32, i32) {
    %c0_i32 = arith.constant 0 : i32
    %c0_i32_0 = arith.constant 0 : i32
    return %arg0, %c0_i32 : i32, i32
  }
}

module attributes {stable_mosaic.version = 14 : i64} {
  func.func @_combine_body(%arg0: i32, %arg1: memref<1x2000x16xf32, #tpu.memory_space<vmem>>, %arg2: memref<2000x16xf32, #tpu.memory_space<vmem>>, %arg3: memref<2000x1xf32, #tpu.memory_space<vmem>>, %arg4: memref<1x16xf32, #tpu.memory_space<vmem>>, %arg5: memref<2000x16xf32, #tpu.memory_space<vmem>>) attributes {dimension_semantics = [#tpu.dimension_semantics<arbitrary>], iteration_bounds = array<i64: 10>, scalar_prefetch = 0 : i64, scratch_operands = 0 : i64, tpu.core_type = #tpu.core_type<tc>, window_params = [{transform_indices = @transform_0, window_bounds = array<i64: 1, 2000, 16>}, {transform_indices = @transform_1, window_bounds = array<i64: 2000, 16>}, {transform_indices = @transform_2, window_bounds = array<i64: 2000, 1>}, {pipeline_mode = #tpu.pipeline_mode<synchronous>, transform_indices = @transform_3, window_bounds = array<i64: 1, 16>}, {transform_indices = @transform_4, window_bounds = array<i64: 2000, 16>}]} {
    %get3A = arith.constant 0 : index
    %get3A_0 = arith.constant 0 : index
    %get3A_1 = vector.load %arg3[%get3A, %get3A_0] : memref<2000x1xf32, #tpu.memory_space<vmem>>, vector<2000x1xf32>
    %get3A_2 = arith.constant 0 : index
    %get3A_3 = arith.constant 0 : index
    %get3A_4 = arith.constant 0 : index
    %get3A_5 = vector.load %arg1[%get3A_2, %get3A_3, %get3A_4] : memref<1x2000x16xf32, #tpu.memory_space<vmem>>, vector<1x2000x16xf32>
    %get3A_6 = vector.shape_cast %get3A_5 : vector<1x2000x16xf32> to vector<2000x16xf32>
    %get3A_7 = arith.constant 0 : index
    %get3A_8 = arith.constant 0 : index
    %get3A_9 = vector.load %arg2[%get3A_7, %get3A_8] : memref<2000x16xf32, #tpu.memory_space<vmem>>, vector<2000x16xf32>
    %add3A = arith.addf %get3A_6, %get3A_9 : vector<2000x16xf32>
    %mul3A = vector.broadcast %get3A_1 : vector<2000x1xf32> to vector<2000x16xf32>
    %mul3A_10 = arith.mulf %mul3A, %add3A : vector<2000x16xf32>
    %get3A_11 = arith.constant 0 : index
    %get3A_12 = arith.constant 0 : index
    %get3A_13 = vector.load %arg4[%get3A_11, %get3A_12] : memref<1x16xf32, #tpu.memory_space<vmem>>, vector<1x16xf32>
    %add3A_14 = vector.broadcast %get3A_13 : vector<1x16xf32> to vector<2000x16xf32>
    %add3A_15 = arith.addf %mul3A_10, %add3A_14 : vector<2000x16xf32>
    %bitcast_convert_type3A = tpu.bitcast %add3A_15 : vector<2000x16xf32> -> vector<2000x16xi32>
    %add3A_16 = arith.constant 32767 : i32
    %add3A_17 = vector.broadcast %add3A_16 : i32 to vector<2000x16xi32>
    %add3A_18 = arith.addi %bitcast_convert_type3A, %add3A_17 : vector<2000x16xi32>
    %shift_right_logical3A = arith.constant 16 : i32
    %shift_right_logical3A_19 = vector.broadcast %shift_right_logical3A : i32 to vector<2000x16xi32>
    %shift_right_logical3A_20 = arith.shrui %bitcast_convert_type3A, %shift_right_logical3A_19 : vector<2000x16xi32>
    %and3A = arith.constant 1 : i32
    %and3A_21 = vector.broadcast %and3A : i32 to vector<2000x16xi32>
    %and3A_22 = arith.andi %shift_right_logical3A_20, %and3A_21 : vector<2000x16xi32>
    %add3A_23 = arith.addi %add3A_18, %and3A_22 : vector<2000x16xi32>
    %and3A_24 = arith.constant -65536 : i32
    %and3A_25 = vector.broadcast %and3A_24 : i32 to vector<2000x16xi32>
    %and3A_26 = arith.andi %add3A_23, %and3A_25 : vector<2000x16xi32>
    %bitcast_convert_type3A_27 = tpu.bitcast %and3A_26 : vector<2000x16xi32> -> vector<2000x16xf32>
    %swap3A = arith.constant 0 : index
    %swap3A_28 = arith.constant 0 : index
    %swap3A_29 = vector.load %arg5[%swap3A, %swap3A_28] : memref<2000x16xf32, #tpu.memory_space<vmem>>, vector<2000x16xf32>
    tpu.vector_store %arg5[%swap3A, %swap3A_28], %bitcast_convert_type3A_27 {strides = array<i32>} : memref<2000x16xf32, #tpu.memory_space<vmem>>, vector<2000x16xf32>,
    return
  }
  func.func @transform_0(%arg0: i32) -> (i32, i32, i32) {
    %jit3A = arith.constant 5 : i32
    %div3A = arith.divsi %arg0, %jit3A : i32
    %sign3A = arith.constant 0 : i32
    %sign3A_0 = arith.cmpi sgt, %arg0, %sign3A : i32
    %sign3A_1 = arith.extui %sign3A_0 : i1 to i32
    %sign3A_2 = arith.constant 0 : i32
    %sign3A_3 = arith.cmpi slt, %arg0, %sign3A_2 : i32
    %sign3A_4 = arith.extui %sign3A_3 : i1 to i32
    %sign3A_5 = arith.subi %sign3A_1, %sign3A_4 : i32
    %sign3A_6 = arith.constant 0 : i32
    %sign3A_7 = arith.cmpi sgt, %jit3A, %sign3A_6 : i32
    %sign3A_8 = arith.extui %sign3A_7 : i1 to i32
    %sign3A_9 = arith.constant 0 : i32
    %sign3A_10 = arith.cmpi slt, %jit3A, %sign3A_9 : i32
    %sign3A_11 = arith.extui %sign3A_10 : i1 to i32
    %sign3A_12 = arith.subi %sign3A_8, %sign3A_11 : i32
    %ne3A = arith.cmpi ne, %sign3A_5, %sign3A_12 : i32
    %rem3A = arith.remsi %arg0, %jit3A : i32
    %ne3A_13 = arith.constant 0 : i32
    %ne3A_14 = arith.cmpi ne, %rem3A, %ne3A_13 : i32
    %and3A = arith.andi %ne3A, %ne3A_14 : i1
    %sub3A = arith.constant 1 : i32
    %sub3A_15 = arith.subi %div3A, %sub3A : i32
    %select_n3A = arith.select %and3A, %sub3A_15, %div3A : i32
    %jit3A_16 = arith.constant 5 : i32
    %eq3A = arith.constant 0 : i32
    %eq3A_17 = arith.cmpi eq, %jit3A_16, %eq3A : i32
    %jit3A_18 = arith.constant 1 : i32
    %select_n3A_19 = arith.select %eq3A_17, %jit3A_18, %jit3A_16 : i32
    %rem3A_20 = arith.remsi %arg0, %select_n3A_19 : i32
    %ne3A_21 = arith.constant 0 : i32
    %ne3A_22 = arith.cmpi ne, %rem3A_20, %ne3A_21 : i32
    %lt3A = arith.constant 0 : i32
    %lt3A_23 = arith.cmpi slt, %rem3A_20, %lt3A : i32
    %lt3A_24 = arith.constant 0 : i32
    %lt3A_25 = arith.cmpi slt, %select_n3A_19, %lt3A_24 : i32
    %ne3A_26 = arith.xori %lt3A_23, %lt3A_25 : i1
    %and3A_27 = arith.andi %ne3A_26, %ne3A_22 : i1
    %add3A = arith.addi %rem3A_20, %select_n3A_19 : i32
    %select_n3A_28 = arith.select %and3A_27, %add3A, %rem3A_20 : i32
    %c0_i32 = arith.constant 0 : i32
    %c0_i32_29 = arith.constant 0 : i32
    return %select_n3A, %select_n3A_28, %c0_i32 : i32, i32, i32
  }
  func.func @transform_1(%arg0: i32) -> (i32, i32) {
    %c0_i32 = arith.constant 0 : i32
    %c0_i32_0 = arith.constant 0 : i32
    return %arg0, %c0_i32 : i32, i32
  }
  func.func @transform_2(%arg0: i32) -> (i32, i32) {
    %c0_i32 = arith.constant 0 : i32
    %c0_i32_0 = arith.constant 0 : i32
    return %arg0, %c0_i32 : i32, i32
  }
  func.func @transform_3(%arg0: i32) -> (i32, i32) {
    %c0_i32 = arith.constant 0 : i32
    %c0_i32_0 = arith.constant 0 : i32
    %c0_i32_1 = arith.constant 0 : i32
    return %c0_i32, %c0_i32_0 : i32, i32
  }
  func.func @transform_4(%arg0: i32) -> (i32, i32) {
    %c0_i32 = arith.constant 0 : i32
    %c0_i32_0 = arith.constant 0 : i32
    return %arg0, %c0_i32 : i32, i32
  }
}

module attributes {stable_mosaic.version = 14 : i64} {
  func.func @_tail_body(%arg0: memref<100x100x16xf32, #tpu.memory_space<vmem>>, %arg1: memref<100x100x16xf32, #tpu.memory_space<vmem>>, %arg2: memref<100x1xf32, #tpu.memory_space<vmem>>, %arg3: memref<16x16xf32, #tpu.memory_space<vmem>>, %arg4: memref<16x16x16xf32, #tpu.memory_space<vmem>>, %arg5: memref<32x16xf32, #tpu.memory_space<vmem>>, %arg6: memref<1x16xf32, #tpu.memory_space<vmem>>, %arg7: memref<16x16xf32, #tpu.memory_space<vmem>>, %arg8: memref<1x16xf32, #tpu.memory_space<vmem>>, %arg9: memref<16x1xf32, #tpu.memory_space<vmem>>, %arg10: memref<1x1xf32, #tpu.memory_space<vmem>>, %arg11: memref<100x1xf32, #tpu.memory_space<vmem>>) attributes {dimension_semantics = [], scalar_prefetch = 0 : i64, scratch_operands = 0 : i64, tpu.core_type = #tpu.core_type<tc>} {
    %get3A = arith.constant 0 : index
    %get3A_0 = arith.constant 0 : index
    %get3A_1 = vector.load %arg2[%get3A, %get3A_0] : memref<100x1xf32, #tpu.memory_space<vmem>>, vector<100x1xf32>
    %get3A_2 = arith.constant 0 : index
    %get3A_3 = arith.constant 0 : index
    %get3A_4 = arith.constant 0 : index
    %get3A_5 = vector.load %arg0[%get3A_2, %get3A_3, %get3A_4] : memref<100x100x16xf32, #tpu.memory_space<vmem>>, vector<100x100x16xf32>
    %reshape3A = vector.shape_cast %get3A_5 : vector<100x100x16xf32> to vector<10000x16xf32>
    %get3A_6 = arith.constant 0 : index
    %get3A_7 = arith.constant 0 : index
    %get3A_8 = vector.load %arg3[%get3A_6, %get3A_7] : memref<16x16xf32, #tpu.memory_space<vmem>>, vector<16x16xf32>
    %convert_element_type3A = arith.truncf %reshape3A : vector<10000x16xf32> to vector<10000x16xbf16>
    %convert_element_type3A_9 = arith.truncf %get3A_8 : vector<16x16xf32> to vector<16x16xbf16>
    %dot_general3A = arith.constant dense<0.000000e+00> : vector<10000x16xf32>
    %dot_general3A_10 = tpu.matmul %convert_element_type3A, %convert_element_type3A_9, %dot_general3A {dimension_numbers = #tpu.dot_dimension_numbers<[1], [0], [0], [1], [0, 0, 1, 1], [], []>, transpose_lhs_hint = false} : vector<10000x16xbf16>, vector<16x16xbf16>, vector<10000x16xf32> -> vector<10000x16xf32>
    %reshape3A_11 = vector.shape_cast %dot_general3A_10 : vector<10000x16xf32> to vector<100x100x16xf32>
    %reduce_sum3A = arith.constant dense<0.000000e+00> : vector<100x16xf32>
    %reduce_sum3A_12 = vector.multi_reduction <add>, %reshape3A_11, %reduce_sum3A [1] : vector<100x100x16xf32> to vector<100x16xf32>
    %div3A = vector.broadcast %get3A_1 : vector<100x1xf32> to vector<100x16xf32>
    %div3A_13 = arith.divf %reduce_sum3A_12, %div3A : vector<100x16xf32>
    %tanh3A = math.tanh %div3A_13 : vector<100x16xf32>
    %bitcast_convert_type3A = tpu.bitcast %tanh3A : vector<100x16xf32> -> vector<100x16xi32>
    %add3A = arith.constant 32767 : i32
    %add3A_14 = vector.broadcast %add3A : i32 to vector<100x16xi32>
    %add3A_15 = arith.addi %bitcast_convert_type3A, %add3A_14 : vector<100x16xi32>
    %shift_right_logical3A = arith.constant 16 : i32
    %shift_right_logical3A_16 = vector.broadcast %shift_right_logical3A : i32 to vector<100x16xi32>
    %shift_right_logical3A_17 = arith.shrui %bitcast_convert_type3A, %shift_right_logical3A_16 : vector<100x16xi32>
    %and3A = arith.constant 1 : i32
    %and3A_18 = vector.broadcast %and3A : i32 to vector<100x16xi32>
    %and3A_19 = arith.andi %shift_right_logical3A_17, %and3A_18 : vector<100x16xi32>
    %add3A_20 = arith.addi %add3A_15, %and3A_19 : vector<100x16xi32>
    %and3A_21 = arith.constant -65536 : i32
    %and3A_22 = vector.broadcast %and3A_21 : i32 to vector<100x16xi32>
    %and3A_23 = arith.andi %add3A_20, %and3A_22 : vector<100x16xi32>
    %bitcast_convert_type3A_24 = tpu.bitcast %and3A_23 : vector<100x16xi32> -> vector<100x16xf32>
    %broadcast_in_dim3A = vector.shape_cast %bitcast_convert_type3A_24 : vector<100x16xf32> to vector<100x1x16xf32>
    %mul3A = vector.broadcast %broadcast_in_dim3A : vector<100x1x16xf32> to vector<100x100x16xf32>
    %mul3A_25 = arith.mulf %get3A_5, %mul3A : vector<100x100x16xf32>
    %reduce_sum3A_26 = arith.constant dense<0.000000e+00> : vector<100x100xf32>
    %reduce_sum3A_27 = vector.multi_reduction <add>, %mul3A_25, %reduce_sum3A_26 [2] : vector<100x100x16xf32> to vector<100x100xf32>
    %logistic3A = arith.negf %reduce_sum3A_27 : vector<100x100xf32>
    %logistic3A_28 = math.exp %logistic3A : vector<100x100xf32>
    %logistic3A_29 = arith.constant 1.000000e+00 : f32
    %logistic3A_30 = vector.broadcast %logistic3A_29 : f32 to vector<100x100xf32>
    %logistic3A_31 = arith.addf %logistic3A_30, %logistic3A_28 : vector<100x100xf32>
    %logistic3A_32 = arith.divf %logistic3A_30, %logistic3A_31 : vector<100x100xf32>
    %bitcast_convert_type3A_33 = tpu.bitcast %logistic3A_32 : vector<100x100xf32> -> vector<100x100xi32>
    %add3A_34 = arith.constant 32767 : i32
    %add3A_35 = vector.broadcast %add3A_34 : i32 to vector<100x100xi32>
    %add3A_36 = arith.addi %bitcast_convert_type3A_33, %add3A_35 : vector<100x100xi32>
    %shift_right_logical3A_37 = arith.constant 16 : i32
    %shift_right_logical3A_38 = vector.broadcast %shift_right_logical3A_37 : i32 to vector<100x100xi32>
    %shift_right_logical3A_39 = arith.shrui %bitcast_convert_type3A_33, %shift_right_logical3A_38 : vector<100x100xi32>
    %and3A_40 = arith.constant 1 : i32
    %and3A_41 = vector.broadcast %and3A_40 : i32 to vector<100x100xi32>
    %and3A_42 = arith.andi %shift_right_logical3A_39, %and3A_41 : vector<100x100xi32>
    %add3A_43 = arith.addi %add3A_36, %and3A_42 : vector<100x100xi32>
    %and3A_44 = arith.constant -65536 : i32
    %and3A_45 = vector.broadcast %and3A_44 : i32 to vector<100x100xi32>
    %and3A_46 = arith.andi %add3A_43, %and3A_45 : vector<100x100xi32>
    %bitcast_convert_type3A_47 = tpu.bitcast %and3A_46 : vector<100x100xi32> -> vector<100x100xf32>
    %broadcast_in_dim3A_48 = vector.shape_cast %bitcast_convert_type3A_47 : vector<100x100xf32> to vector<100x100x1xf32>
    %mul3A_49 = vector.broadcast %broadcast_in_dim3A_48 : vector<100x100x1xf32> to vector<100x100x16xf32>
    %mul3A_50 = arith.mulf %get3A_5, %mul3A_49 : vector<100x100x16xf32>
    %reduce_sum3A_51 = arith.constant dense<0.000000e+00> : vector<100x16xf32>
    %reduce_sum3A_52 = vector.multi_reduction <add>, %mul3A_50, %reduce_sum3A_51 [1] : vector<100x100x16xf32> to vector<100x16xf32>
    %get3A_53 = arith.constant 0 : index
    %get3A_54 = arith.constant 0 : index
    %get3A_55 = arith.constant 0 : index
    %get3A_56 = vector.load %arg1[%get3A_53, %get3A_54, %get3A_55] : memref<100x100x16xf32, #tpu.memory_space<vmem>>, vector<100x100x16xf32>
    %reshape3A_57 = vector.shape_cast %get3A_56 : vector<100x100x16xf32> to vector<10000x16xf32>
    %get3A_58 = arith.constant 0 : index
    %get3A_59 = arith.constant 0 : index
    %get3A_60 = vector.load %arg3[%get3A_58, %get3A_59] : memref<16x16xf32, #tpu.memory_space<vmem>>, vector<16x16xf32>
    %convert_element_type3A_61 = arith.truncf %reshape3A_57 : vector<10000x16xf32> to vector<10000x16xbf16>
    %convert_element_type3A_62 = arith.truncf %get3A_60 : vector<16x16xf32> to vector<16x16xbf16>
    %dot_general3A_63 = arith.constant dense<0.000000e+00> : vector<10000x16xf32>
    %dot_general3A_64 = tpu.matmul %convert_element_type3A_61, %convert_element_type3A_62, %dot_general3A_63 {dimension_numbers = #tpu.dot_dimension_numbers<[1], [0], [0], [1], [0, 0, 1, 1], [], []>, transpose_lhs_hint = false} : vector<10000x16xbf16>, vector<16x16xbf16>, vector<10000x16xf32> -> vector<10000x16xf32>
    %reshape3A_65 = vector.shape_cast %dot_general3A_64 : vector<10000x16xf32> to vector<100x100x16xf32>
    %reduce_sum3A_66 = arith.constant dense<0.000000e+00> : vector<100x16xf32>
    %reduce_sum3A_67 = vector.multi_reduction <add>, %reshape3A_65, %reduce_sum3A_66 [1] : vector<100x100x16xf32> to vector<100x16xf32>
    %div3A_68 = vector.broadcast %get3A_1 : vector<100x1xf32> to vector<100x16xf32>
    %div3A_69 = arith.divf %reduce_sum3A_67, %div3A_68 : vector<100x16xf32>
    %tanh3A_70 = math.tanh %div3A_69 : vector<100x16xf32>
    %bitcast_convert_type3A_71 = tpu.bitcast %tanh3A_70 : vector<100x16xf32> -> vector<100x16xi32>
    %add3A_72 = arith.constant 32767 : i32
    %add3A_73 = vector.broadcast %add3A_72 : i32 to vector<100x16xi32>
    %add3A_74 = arith.addi %bitcast_convert_type3A_71, %add3A_73 : vector<100x16xi32>
    %shift_right_logical3A_75 = arith.constant 16 : i32
    %shift_right_logical3A_76 = vector.broadcast %shift_right_logical3A_75 : i32 to vector<100x16xi32>
    %shift_right_logical3A_77 = arith.shrui %bitcast_convert_type3A_71, %shift_right_logical3A_76 : vector<100x16xi32>
    %and3A_78 = arith.constant 1 : i32
    %and3A_79 = vector.broadcast %and3A_78 : i32 to vector<100x16xi32>
    %and3A_80 = arith.andi %shift_right_logical3A_77, %and3A_79 : vector<100x16xi32>
    %add3A_81 = arith.addi %add3A_74, %and3A_80 : vector<100x16xi32>
    %and3A_82 = arith.constant -65536 : i32
    %and3A_83 = vector.broadcast %and3A_82 : i32 to vector<100x16xi32>
    %and3A_84 = arith.andi %add3A_81, %and3A_83 : vector<100x16xi32>
    %bitcast_convert_type3A_85 = tpu.bitcast %and3A_84 : vector<100x16xi32> -> vector<100x16xf32>
    %broadcast_in_dim3A_86 = vector.shape_cast %bitcast_convert_type3A_85 : vector<100x16xf32> to vector<100x1x16xf32>
    %mul3A_87 = vector.broadcast %broadcast_in_dim3A_86 : vector<100x1x16xf32> to vector<100x100x16xf32>
    %mul3A_88 = arith.mulf %get3A_56, %mul3A_87 : vector<100x100x16xf32>
    %reduce_sum3A_89 = arith.constant dense<0.000000e+00> : vector<100x100xf32>
    %reduce_sum3A_90 = vector.multi_reduction <add>, %mul3A_88, %reduce_sum3A_89 [2] : vector<100x100x16xf32> to vector<100x100xf32>
    %logistic3A_91 = arith.negf %reduce_sum3A_90 : vector<100x100xf32>
    %logistic3A_92 = math.exp %logistic3A_91 : vector<100x100xf32>
    %logistic3A_93 = arith.constant 1.000000e+00 : f32
    %logistic3A_94 = vector.broadcast %logistic3A_93 : f32 to vector<100x100xf32>
    %logistic3A_95 = arith.addf %logistic3A_94, %logistic3A_92 : vector<100x100xf32>
    %logistic3A_96 = arith.divf %logistic3A_94, %logistic3A_95 : vector<100x100xf32>
    %bitcast_convert_type3A_97 = tpu.bitcast %logistic3A_96 : vector<100x100xf32> -> vector<100x100xi32>
    %add3A_98 = arith.constant 32767 : i32
    %add3A_99 = vector.broadcast %add3A_98 : i32 to vector<100x100xi32>
    %add3A_100 = arith.addi %bitcast_convert_type3A_97, %add3A_99 : vector<100x100xi32>
    %shift_right_logical3A_101 = arith.constant 16 : i32
    %shift_right_logical3A_102 = vector.broadcast %shift_right_logical3A_101 : i32 to vector<100x100xi32>
    %shift_right_logical3A_103 = arith.shrui %bitcast_convert_type3A_97, %shift_right_logical3A_102 : vector<100x100xi32>
    %and3A_104 = arith.constant 1 : i32
    %and3A_105 = vector.broadcast %and3A_104 : i32 to vector<100x100xi32>
    %and3A_106 = arith.andi %shift_right_logical3A_103, %and3A_105 : vector<100x100xi32>
    %add3A_107 = arith.addi %add3A_100, %and3A_106 : vector<100x100xi32>
    %and3A_108 = arith.constant -65536 : i32
    %and3A_109 = vector.broadcast %and3A_108 : i32 to vector<100x100xi32>
    %and3A_110 = arith.andi %add3A_107, %and3A_109 : vector<100x100xi32>
    %bitcast_convert_type3A_111 = tpu.bitcast %and3A_110 : vector<100x100xi32> -> vector<100x100xf32>
    %broadcast_in_dim3A_112 = vector.shape_cast %bitcast_convert_type3A_111 : vector<100x100xf32> to vector<100x100x1xf32>
    %mul3A_113 = vector.broadcast %broadcast_in_dim3A_112 : vector<100x100x1xf32> to vector<100x100x16xf32>
    %mul3A_114 = arith.mulf %get3A_56, %mul3A_113 : vector<100x100x16xf32>
    %reduce_sum3A_115 = arith.constant dense<0.000000e+00> : vector<100x16xf32>
    %reduce_sum3A_116 = vector.multi_reduction <add>, %mul3A_114, %reduce_sum3A_115 [1] : vector<100x100x16xf32> to vector<100x16xf32>
    %broadcast_in_dim3A_117 = vector.shape_cast %reduce_sum3A_52 : vector<100x16xf32> to vector<100x16x1xf32>
    %broadcast_in_dim3A_118 = vector.shape_cast %reduce_sum3A_116 : vector<100x16xf32> to vector<100x1x16xf32>
    %mul3A_119 = vector.broadcast %broadcast_in_dim3A_117 : vector<100x16x1xf32> to vector<100x16x16xf32>
    %mul3A_120 = vector.broadcast %broadcast_in_dim3A_118 : vector<100x1x16xf32> to vector<100x16x16xf32>
    %mul3A_121 = arith.mulf %mul3A_119, %mul3A_120 : vector<100x16x16xf32>
    %bitcast_convert_type3A_122 = tpu.bitcast %mul3A_121 : vector<100x16x16xf32> -> vector<100x16x16xi32>
    %add3A_123 = arith.constant 32767 : i32
    %add3A_124 = vector.broadcast %add3A_123 : i32 to vector<100x16x16xi32>
    %add3A_125 = arith.addi %bitcast_convert_type3A_122, %add3A_124 : vector<100x16x16xi32>
    %shift_right_logical3A_126 = arith.constant 16 : i32
    %shift_right_logical3A_127 = vector.broadcast %shift_right_logical3A_126 : i32 to vector<100x16x16xi32>
    %shift_right_logical3A_128 = arith.shrui %bitcast_convert_type3A_122, %shift_right_logical3A_127 : vector<100x16x16xi32>
    %and3A_129 = arith.constant 1 : i32
    %and3A_130 = vector.broadcast %and3A_129 : i32 to vector<100x16x16xi32>
    %and3A_131 = arith.andi %shift_right_logical3A_128, %and3A_130 : vector<100x16x16xi32>
    %add3A_132 = arith.addi %add3A_125, %and3A_131 : vector<100x16x16xi32>
    %and3A_133 = arith.constant -65536 : i32
    %and3A_134 = vector.broadcast %and3A_133 : i32 to vector<100x16x16xi32>
    %and3A_135 = arith.andi %add3A_132, %and3A_134 : vector<100x16x16xi32>
    %bitcast_convert_type3A_136 = tpu.bitcast %and3A_135 : vector<100x16x16xi32> -> vector<100x16x16xf32>
    %get3A_137 = arith.constant 0 : index
    %get3A_138 = arith.constant 0 : index
    %get3A_139 = arith.constant 0 : index
    %get3A_140 = vector.load %arg4[%get3A_137, %get3A_138, %get3A_139] : memref<16x16x16xf32, #tpu.memory_space<vmem>>, vector<1x16x16xf32>
    %get3A_141 = vector.shape_cast %get3A_140 : vector<1x16x16xf32> to vector<16x16xf32>
    %bitcast_convert_type3A_142 = tpu.bitcast %get3A_141 : vector<16x16xf32> -> vector<16x16xi32>
    %add3A_143 = arith.constant 32767 : i32
    %add3A_144 = vector.broadcast %add3A_143 : i32 to vector<16x16xi32>
    %add3A_145 = arith.addi %bitcast_convert_type3A_142, %add3A_144 : vector<16x16xi32>
    %shift_right_logical3A_146 = arith.constant 16 : i32
    %shift_right_logical3A_147 = vector.broadcast %shift_right_logical3A_146 : i32 to vector<16x16xi32>
    %shift_right_logical3A_148 = arith.shrui %bitcast_convert_type3A_142, %shift_right_logical3A_147 : vector<16x16xi32>
    %and3A_149 = arith.constant 1 : i32
    %and3A_150 = vector.broadcast %and3A_149 : i32 to vector<16x16xi32>
    %and3A_151 = arith.andi %shift_right_logical3A_148, %and3A_150 : vector<16x16xi32>
    %add3A_152 = arith.addi %add3A_145, %and3A_151 : vector<16x16xi32>
    %and3A_153 = arith.constant -65536 : i32
    %and3A_154 = vector.broadcast %and3A_153 : i32 to vector<16x16xi32>
    %and3A_155 = arith.andi %add3A_152, %and3A_154 : vector<16x16xi32>
    %bitcast_convert_type3A_156 = tpu.bitcast %and3A_155 : vector<16x16xi32> -> vector<16x16xf32>
    %broadcast_in_dim3A_157 = vector.shape_cast %bitcast_convert_type3A_156 : vector<16x16xf32> to vector<1x16x16xf32>
    %mul3A_158 = vector.broadcast %broadcast_in_dim3A_157 : vector<1x16x16xf32> to vector<100x16x16xf32>
    %mul3A_159 = arith.mulf %bitcast_convert_type3A_136, %mul3A_158 : vector<100x16x16xf32>
    %reduce_sum3A_160 = arith.constant dense<0.000000e+00> : vector<100x16xf32>
    %reduce_sum3A_161 = vector.multi_reduction <add>, %mul3A_159, %reduce_sum3A_160 [2] : vector<100x16x16xf32> to vector<100x16xf32>
    %reduce_sum3A_162 = arith.constant dense<0.000000e+00> : vector<100xf32>
    %reduce_sum3A_163 = vector.multi_reduction <add>, %reduce_sum3A_161, %reduce_sum3A_162 [1] : vector<100x16xf32> to vector<100xf32>
    %broadcast_in_dim3A_164 = vector.shape_cast %reduce_sum3A_163 : vector<100xf32> to vector<100x1xf32>
    %get3A_165 = arith.constant 1 : index
    %get3A_166 = arith.constant 0 : index
    %get3A_167 = arith.constant 0 : index
    %get3A_168 = vector.load %arg4[%get3A_165, %get3A_166, %get3A_167] : memref<16x16x16xf32, #tpu.memory_space<vmem>>, vector<1x16x16xf32>
    %get3A_169 = vector.shape_cast %get3A_168 : vector<1x16x16xf32> to vector<16x16xf32>
    %bitcast_convert_type3A_170 = tpu.bitcast %get3A_169 : vector<16x16xf32> -> vector<16x16xi32>
    %add3A_171 = arith.constant 32767 : i32
    %add3A_172 = vector.broadcast %add3A_171 : i32 to vector<16x16xi32>
    %add3A_173 = arith.addi %bitcast_convert_type3A_170, %add3A_172 : vector<16x16xi32>
    %shift_right_logical3A_174 = arith.constant 16 : i32
    %shift_right_logical3A_175 = vector.broadcast %shift_right_logical3A_174 : i32 to vector<16x16xi32>
    %shift_right_logical3A_176 = arith.shrui %bitcast_convert_type3A_170, %shift_right_logical3A_175 : vector<16x16xi32>
    %and3A_177 = arith.constant 1 : i32
    %and3A_178 = vector.broadcast %and3A_177 : i32 to vector<16x16xi32>
    %and3A_179 = arith.andi %shift_right_logical3A_176, %and3A_178 : vector<16x16xi32>
    %add3A_180 = arith.addi %add3A_173, %and3A_179 : vector<16x16xi32>
    %and3A_181 = arith.constant -65536 : i32
    %and3A_182 = vector.broadcast %and3A_181 : i32 to vector<16x16xi32>
    %and3A_183 = arith.andi %add3A_180, %and3A_182 : vector<16x16xi32>
    %bitcast_convert_type3A_184 = tpu.bitcast %and3A_183 : vector<16x16xi32> -> vector<16x16xf32>
    %broadcast_in_dim3A_185 = vector.shape_cast %bitcast_convert_type3A_184 : vector<16x16xf32> to vector<1x16x16xf32>
    %mul3A_186 = vector.broadcast %broadcast_in_dim3A_185 : vector<1x16x16xf32> to vector<100x16x16xf32>
    %mul3A_187 = arith.mulf %bitcast_convert_type3A_136, %mul3A_186 : vector<100x16x16xf32>
    %reduce_sum3A_188 = arith.constant dense<0.000000e+00> : vector<100x16xf32>
    %reduce_sum3A_189 = vector.multi_reduction <add>, %mul3A_187, %reduce_sum3A_188 [2] : vector<100x16x16xf32> to vector<100x16xf32>
    %reduce_sum3A_190 = arith.constant dense<0.000000e+00> : vector<100xf32>
    %reduce_sum3A_191 = vector.multi_reduction <add>, %reduce_sum3A_189, %reduce_sum3A_190 [1] : vector<100x16xf32> to vector<100xf32>
    %broadcast_in_dim3A_192 = vector.shape_cast %reduce_sum3A_191 : vector<100xf32> to vector<100x1xf32>
    %get3A_193 = arith.constant 2 : index
    %get3A_194 = arith.constant 0 : index
    %get3A_195 = arith.constant 0 : index
    %get3A_196 = vector.load %arg4[%get3A_193, %get3A_194, %get3A_195] : memref<16x16x16xf32, #tpu.memory_space<vmem>>, vector<1x16x16xf32>
    %get3A_197 = vector.shape_cast %get3A_196 : vector<1x16x16xf32> to vector<16x16xf32>
    %bitcast_convert_type3A_198 = tpu.bitcast %get3A_197 : vector<16x16xf32> -> vector<16x16xi32>
    %add3A_199 = arith.constant 32767 : i32
    %add3A_200 = vector.broadcast %add3A_199 : i32 to vector<16x16xi32>
    %add3A_201 = arith.addi %bitcast_convert_type3A_198, %add3A_200 : vector<16x16xi32>
    %shift_right_logical3A_202 = arith.constant 16 : i32
    %shift_right_logical3A_203 = vector.broadcast %shift_right_logical3A_202 : i32 to vector<16x16xi32>
    %shift_right_logical3A_204 = arith.shrui %bitcast_convert_type3A_198, %shift_right_logical3A_203 : vector<16x16xi32>
    %and3A_205 = arith.constant 1 : i32
    %and3A_206 = vector.broadcast %and3A_205 : i32 to vector<16x16xi32>
    %and3A_207 = arith.andi %shift_right_logical3A_204, %and3A_206 : vector<16x16xi32>
    %add3A_208 = arith.addi %add3A_201, %and3A_207 : vector<16x16xi32>
    %and3A_209 = arith.constant -65536 : i32
    %and3A_210 = vector.broadcast %and3A_209 : i32 to vector<16x16xi32>
    %and3A_211 = arith.andi %add3A_208, %and3A_210 : vector<16x16xi32>
    %bitcast_convert_type3A_212 = tpu.bitcast %and3A_211 : vector<16x16xi32> -> vector<16x16xf32>
    %broadcast_in_dim3A_213 = vector.shape_cast %bitcast_convert_type3A_212 : vector<16x16xf32> to vector<1x16x16xf32>
    %mul3A_214 = vector.broadcast %broadcast_in_dim3A_213 : vector<1x16x16xf32> to vector<100x16x16xf32>
    %mul3A_215 = arith.mulf %bitcast_convert_type3A_136, %mul3A_214 : vector<100x16x16xf32>
    %reduce_sum3A_216 = arith.constant dense<0.000000e+00> : vector<100x16xf32>
    %reduce_sum3A_217 = vector.multi_reduction <add>, %mul3A_215, %reduce_sum3A_216 [2] : vector<100x16x16xf32> to vector<100x16xf32>
    %reduce_sum3A_218 = arith.constant dense<0.000000e+00> : vector<100xf32>
    %reduce_sum3A_219 = vector.multi_reduction <add>, %reduce_sum3A_217, %reduce_sum3A_218 [1] : vector<100x16xf32> to vector<100xf32>
    %broadcast_in_dim3A_220 = vector.shape_cast %reduce_sum3A_219 : vector<100xf32> to vector<100x1xf32>
    %get3A_221 = arith.constant 3 : index
    %get3A_222 = arith.constant 0 : index
    %get3A_223 = arith.constant 0 : index
    %get3A_224 = vector.load %arg4[%get3A_221, %get3A_222, %get3A_223] : memref<16x16x16xf32, #tpu.memory_space<vmem>>, vector<1x16x16xf32>
    %get3A_225 = vector.shape_cast %get3A_224 : vector<1x16x16xf32> to vector<16x16xf32>
    %bitcast_convert_type3A_226 = tpu.bitcast %get3A_225 : vector<16x16xf32> -> vector<16x16xi32>
    %add3A_227 = arith.constant 32767 : i32
    %add3A_228 = vector.broadcast %add3A_227 : i32 to vector<16x16xi32>
    %add3A_229 = arith.addi %bitcast_convert_type3A_226, %add3A_228 : vector<16x16xi32>
    %shift_right_logical3A_230 = arith.constant 16 : i32
    %shift_right_logical3A_231 = vector.broadcast %shift_right_logical3A_230 : i32 to vector<16x16xi32>
    %shift_right_logical3A_232 = arith.shrui %bitcast_convert_type3A_226, %shift_right_logical3A_231 : vector<16x16xi32>
    %and3A_233 = arith.constant 1 : i32
    %and3A_234 = vector.broadcast %and3A_233 : i32 to vector<16x16xi32>
    %and3A_235 = arith.andi %shift_right_logical3A_232, %and3A_234 : vector<16x16xi32>
    %add3A_236 = arith.addi %add3A_229, %and3A_235 : vector<16x16xi32>
    %and3A_237 = arith.constant -65536 : i32
    %and3A_238 = vector.broadcast %and3A_237 : i32 to vector<16x16xi32>
    %and3A_239 = arith.andi %add3A_236, %and3A_238 : vector<16x16xi32>
    %bitcast_convert_type3A_240 = tpu.bitcast %and3A_239 : vector<16x16xi32> -> vector<16x16xf32>
    %broadcast_in_dim3A_241 = vector.shape_cast %bitcast_convert_type3A_240 : vector<16x16xf32> to vector<1x16x16xf32>
    %mul3A_242 = vector.broadcast %broadcast_in_dim3A_241 : vector<1x16x16xf32> to vector<100x16x16xf32>
    %mul3A_243 = arith.mulf %bitcast_convert_type3A_136, %mul3A_242 : vector<100x16x16xf32>
    %reduce_sum3A_244 = arith.constant dense<0.000000e+00> : vector<100x16xf32>
    %reduce_sum3A_245 = vector.multi_reduction <add>, %mul3A_243, %reduce_sum3A_244 [2] : vector<100x16x16xf32> to vector<100x16xf32>
    %reduce_sum3A_246 = arith.constant dense<0.000000e+00> : vector<100xf32>
    %reduce_sum3A_247 = vector.multi_reduction <add>, %reduce_sum3A_245, %reduce_sum3A_246 [1] : vector<100x16xf32> to vector<100xf32>
    %broadcast_in_dim3A_248 = vector.shape_cast %reduce_sum3A_247 : vector<100xf32> to vector<100x1xf32>
    %get3A_249 = arith.constant 4 : index
    %get3A_250 = arith.constant 0 : index
    %get3A_251 = arith.constant 0 : index
    %get3A_252 = vector.load %arg4[%get3A_249, %get3A_250, %get3A_251] : memref<16x16x16xf32, #tpu.memory_space<vmem>>, vector<1x16x16xf32>
    %get3A_253 = vector.shape_cast %get3A_252 : vector<1x16x16xf32> to vector<16x16xf32>
    %bitcast_convert_type3A_254 = tpu.bitcast %get3A_253 : vector<16x16xf32> -> vector<16x16xi32>
    %add3A_255 = arith.constant 32767 : i32
    %add3A_256 = vector.broadcast %add3A_255 : i32 to vector<16x16xi32>
    %add3A_257 = arith.addi %bitcast_convert_type3A_254, %add3A_256 : vector<16x16xi32>
    %shift_right_logical3A_258 = arith.constant 16 : i32
    %shift_right_logical3A_259 = vector.broadcast %shift_right_logical3A_258 : i32 to vector<16x16xi32>
    %shift_right_logical3A_260 = arith.shrui %bitcast_convert_type3A_254, %shift_right_logical3A_259 : vector<16x16xi32>
    %and3A_261 = arith.constant 1 : i32
    %and3A_262 = vector.broadcast %and3A_261 : i32 to vector<16x16xi32>
    %and3A_263 = arith.andi %shift_right_logical3A_260, %and3A_262 : vector<16x16xi32>
    %add3A_264 = arith.addi %add3A_257, %and3A_263 : vector<16x16xi32>
    %and3A_265 = arith.constant -65536 : i32
    %and3A_266 = vector.broadcast %and3A_265 : i32 to vector<16x16xi32>
    %and3A_267 = arith.andi %add3A_264, %and3A_266 : vector<16x16xi32>
    %bitcast_convert_type3A_268 = tpu.bitcast %and3A_267 : vector<16x16xi32> -> vector<16x16xf32>
    %broadcast_in_dim3A_269 = vector.shape_cast %bitcast_convert_type3A_268 : vector<16x16xf32> to vector<1x16x16xf32>
    %mul3A_270 = vector.broadcast %broadcast_in_dim3A_269 : vector<1x16x16xf32> to vector<100x16x16xf32>
    %mul3A_271 = arith.mulf %bitcast_convert_type3A_136, %mul3A_270 : vector<100x16x16xf32>
    %reduce_sum3A_272 = arith.constant dense<0.000000e+00> : vector<100x16xf32>
    %reduce_sum3A_273 = vector.multi_reduction <add>, %mul3A_271, %reduce_sum3A_272 [2] : vector<100x16x16xf32> to vector<100x16xf32>
    %reduce_sum3A_274 = arith.constant dense<0.000000e+00> : vector<100xf32>
    %reduce_sum3A_275 = vector.multi_reduction <add>, %reduce_sum3A_273, %reduce_sum3A_274 [1] : vector<100x16xf32> to vector<100xf32>
    %broadcast_in_dim3A_276 = vector.shape_cast %reduce_sum3A_275 : vector<100xf32> to vector<100x1xf32>
    %get3A_277 = arith.constant 5 : index
    %get3A_278 = arith.constant 0 : index
    %get3A_279 = arith.constant 0 : index
    %get3A_280 = vector.load %arg4[%get3A_277, %get3A_278, %get3A_279] : memref<16x16x16xf32, #tpu.memory_space<vmem>>, vector<1x16x16xf32>
    %get3A_281 = vector.shape_cast %get3A_280 : vector<1x16x16xf32> to vector<16x16xf32>
    %bitcast_convert_type3A_282 = tpu.bitcast %get3A_281 : vector<16x16xf32> -> vector<16x16xi32>
    %add3A_283 = arith.constant 32767 : i32
    %add3A_284 = vector.broadcast %add3A_283 : i32 to vector<16x16xi32>
    %add3A_285 = arith.addi %bitcast_convert_type3A_282, %add3A_284 : vector<16x16xi32>
    %shift_right_logical3A_286 = arith.constant 16 : i32
    %shift_right_logical3A_287 = vector.broadcast %shift_right_logical3A_286 : i32 to vector<16x16xi32>
    %shift_right_logical3A_288 = arith.shrui %bitcast_convert_type3A_282, %shift_right_logical3A_287 : vector<16x16xi32>
    %and3A_289 = arith.constant 1 : i32
    %and3A_290 = vector.broadcast %and3A_289 : i32 to vector<16x16xi32>
    %and3A_291 = arith.andi %shift_right_logical3A_288, %and3A_290 : vector<16x16xi32>
    %add3A_292 = arith.addi %add3A_285, %and3A_291 : vector<16x16xi32>
    %and3A_293 = arith.constant -65536 : i32
    %and3A_294 = vector.broadcast %and3A_293 : i32 to vector<16x16xi32>
    %and3A_295 = arith.andi %add3A_292, %and3A_294 : vector<16x16xi32>
    %bitcast_convert_type3A_296 = tpu.bitcast %and3A_295 : vector<16x16xi32> -> vector<16x16xf32>
    %broadcast_in_dim3A_297 = vector.shape_cast %bitcast_convert_type3A_296 : vector<16x16xf32> to vector<1x16x16xf32>
    %mul3A_298 = vector.broadcast %broadcast_in_dim3A_297 : vector<1x16x16xf32> to vector<100x16x16xf32>
    %mul3A_299 = arith.mulf %bitcast_convert_type3A_136, %mul3A_298 : vector<100x16x16xf32>
    %reduce_sum3A_300 = arith.constant dense<0.000000e+00> : vector<100x16xf32>
    %reduce_sum3A_301 = vector.multi_reduction <add>, %mul3A_299, %reduce_sum3A_300 [2] : vector<100x16x16xf32> to vector<100x16xf32>
    %reduce_sum3A_302 = arith.constant dense<0.000000e+00> : vector<100xf32>
    %reduce_sum3A_303 = vector.multi_reduction <add>, %reduce_sum3A_301, %reduce_sum3A_302 [1] : vector<100x16xf32> to vector<100xf32>
    %broadcast_in_dim3A_304 = vector.shape_cast %reduce_sum3A_303 : vector<100xf32> to vector<100x1xf32>
    %get3A_305 = arith.constant 6 : index
    %get3A_306 = arith.constant 0 : index
    %get3A_307 = arith.constant 0 : index
    %get3A_308 = vector.load %arg4[%get3A_305, %get3A_306, %get3A_307] : memref<16x16x16xf32, #tpu.memory_space<vmem>>, vector<1x16x16xf32>
    %get3A_309 = vector.shape_cast %get3A_308 : vector<1x16x16xf32> to vector<16x16xf32>
    %bitcast_convert_type3A_310 = tpu.bitcast %get3A_309 : vector<16x16xf32> -> vector<16x16xi32>
    %add3A_311 = arith.constant 32767 : i32
    %add3A_312 = vector.broadcast %add3A_311 : i32 to vector<16x16xi32>
    %add3A_313 = arith.addi %bitcast_convert_type3A_310, %add3A_312 : vector<16x16xi32>
    %shift_right_logical3A_314 = arith.constant 16 : i32
    %shift_right_logical3A_315 = vector.broadcast %shift_right_logical3A_314 : i32 to vector<16x16xi32>
    %shift_right_logical3A_316 = arith.shrui %bitcast_convert_type3A_310, %shift_right_logical3A_315 : vector<16x16xi32>
    %and3A_317 = arith.constant 1 : i32
    %and3A_318 = vector.broadcast %and3A_317 : i32 to vector<16x16xi32>
    %and3A_319 = arith.andi %shift_right_logical3A_316, %and3A_318 : vector<16x16xi32>
    %add3A_320 = arith.addi %add3A_313, %and3A_319 : vector<16x16xi32>
    %and3A_321 = arith.constant -65536 : i32
    %and3A_322 = vector.broadcast %and3A_321 : i32 to vector<16x16xi32>
    %and3A_323 = arith.andi %add3A_320, %and3A_322 : vector<16x16xi32>
    %bitcast_convert_type3A_324 = tpu.bitcast %and3A_323 : vector<16x16xi32> -> vector<16x16xf32>
    %broadcast_in_dim3A_325 = vector.shape_cast %bitcast_convert_type3A_324 : vector<16x16xf32> to vector<1x16x16xf32>
    %mul3A_326 = vector.broadcast %broadcast_in_dim3A_325 : vector<1x16x16xf32> to vector<100x16x16xf32>
    %mul3A_327 = arith.mulf %bitcast_convert_type3A_136, %mul3A_326 : vector<100x16x16xf32>
    %reduce_sum3A_328 = arith.constant dense<0.000000e+00> : vector<100x16xf32>
    %reduce_sum3A_329 = vector.multi_reduction <add>, %mul3A_327, %reduce_sum3A_328 [2] : vector<100x16x16xf32> to vector<100x16xf32>
    %reduce_sum3A_330 = arith.constant dense<0.000000e+00> : vector<100xf32>
    %reduce_sum3A_331 = vector.multi_reduction <add>, %reduce_sum3A_329, %reduce_sum3A_330 [1] : vector<100x16xf32> to vector<100xf32>
    %broadcast_in_dim3A_332 = vector.shape_cast %reduce_sum3A_331 : vector<100xf32> to vector<100x1xf32>
    %get3A_333 = arith.constant 7 : index
    %get3A_334 = arith.constant 0 : index
    %get3A_335 = arith.constant 0 : index
    %get3A_336 = vector.load %arg4[%get3A_333, %get3A_334, %get3A_335] : memref<16x16x16xf32, #tpu.memory_space<vmem>>, vector<1x16x16xf32>
    %get3A_337 = vector.shape_cast %get3A_336 : vector<1x16x16xf32> to vector<16x16xf32>
    %bitcast_convert_type3A_338 = tpu.bitcast %get3A_337 : vector<16x16xf32> -> vector<16x16xi32>
    %add3A_339 = arith.constant 32767 : i32
    %add3A_340 = vector.broadcast %add3A_339 : i32 to vector<16x16xi32>
    %add3A_341 = arith.addi %bitcast_convert_type3A_338, %add3A_340 : vector<16x16xi32>
    %shift_right_logical3A_342 = arith.constant 16 : i32
    %shift_right_logical3A_343 = vector.broadcast %shift_right_logical3A_342 : i32 to vector<16x16xi32>
    %shift_right_logical3A_344 = arith.shrui %bitcast_convert_type3A_338, %shift_right_logical3A_343 : vector<16x16xi32>
    %and3A_345 = arith.constant 1 : i32
    %and3A_346 = vector.broadcast %and3A_345 : i32 to vector<16x16xi32>
    %and3A_347 = arith.andi %shift_right_logical3A_344, %and3A_346 : vector<16x16xi32>
    %add3A_348 = arith.addi %add3A_341, %and3A_347 : vector<16x16xi32>
    %and3A_349 = arith.constant -65536 : i32
    %and3A_350 = vector.broadcast %and3A_349 : i32 to vector<16x16xi32>
    %and3A_351 = arith.andi %add3A_348, %and3A_350 : vector<16x16xi32>
    %bitcast_convert_type3A_352 = tpu.bitcast %and3A_351 : vector<16x16xi32> -> vector<16x16xf32>
    %broadcast_in_dim3A_353 = vector.shape_cast %bitcast_convert_type3A_352 : vector<16x16xf32> to vector<1x16x16xf32>
    %mul3A_354 = vector.broadcast %broadcast_in_dim3A_353 : vector<1x16x16xf32> to vector<100x16x16xf32>
    %mul3A_355 = arith.mulf %bitcast_convert_type3A_136, %mul3A_354 : vector<100x16x16xf32>
    %reduce_sum3A_356 = arith.constant dense<0.000000e+00> : vector<100x16xf32>
    %reduce_sum3A_357 = vector.multi_reduction <add>, %mul3A_355, %reduce_sum3A_356 [2] : vector<100x16x16xf32> to vector<100x16xf32>
    %reduce_sum3A_358 = arith.constant dense<0.000000e+00> : vector<100xf32>
    %reduce_sum3A_359 = vector.multi_reduction <add>, %reduce_sum3A_357, %reduce_sum3A_358 [1] : vector<100x16xf32> to vector<100xf32>
    %broadcast_in_dim3A_360 = vector.shape_cast %reduce_sum3A_359 : vector<100xf32> to vector<100x1xf32>
    %get3A_361 = arith.constant 8 : index
    %get3A_362 = arith.constant 0 : index
    %get3A_363 = arith.constant 0 : index
    %get3A_364 = vector.load %arg4[%get3A_361, %get3A_362, %get3A_363] : memref<16x16x16xf32, #tpu.memory_space<vmem>>, vector<1x16x16xf32>
    %get3A_365 = vector.shape_cast %get3A_364 : vector<1x16x16xf32> to vector<16x16xf32>
    %bitcast_convert_type3A_366 = tpu.bitcast %get3A_365 : vector<16x16xf32> -> vector<16x16xi32>
    %add3A_367 = arith.constant 32767 : i32
    %add3A_368 = vector.broadcast %add3A_367 : i32 to vector<16x16xi32>
    %add3A_369 = arith.addi %bitcast_convert_type3A_366, %add3A_368 : vector<16x16xi32>
    %shift_right_logical3A_370 = arith.constant 16 : i32
    %shift_right_logical3A_371 = vector.broadcast %shift_right_logical3A_370 : i32 to vector<16x16xi32>
    %shift_right_logical3A_372 = arith.shrui %bitcast_convert_type3A_366, %shift_right_logical3A_371 : vector<16x16xi32>
    %and3A_373 = arith.constant 1 : i32
    %and3A_374 = vector.broadcast %and3A_373 : i32 to vector<16x16xi32>
    %and3A_375 = arith.andi %shift_right_logical3A_372, %and3A_374 : vector<16x16xi32>
    %add3A_376 = arith.addi %add3A_369, %and3A_375 : vector<16x16xi32>
    %and3A_377 = arith.constant -65536 : i32
    %and3A_378 = vector.broadcast %and3A_377 : i32 to vector<16x16xi32>
    %and3A_379 = arith.andi %add3A_376, %and3A_378 : vector<16x16xi32>
    %bitcast_convert_type3A_380 = tpu.bitcast %and3A_379 : vector<16x16xi32> -> vector<16x16xf32>
    %broadcast_in_dim3A_381 = vector.shape_cast %bitcast_convert_type3A_380 : vector<16x16xf32> to vector<1x16x16xf32>
    %mul3A_382 = vector.broadcast %broadcast_in_dim3A_381 : vector<1x16x16xf32> to vector<100x16x16xf32>
    %mul3A_383 = arith.mulf %bitcast_convert_type3A_136, %mul3A_382 : vector<100x16x16xf32>
    %reduce_sum3A_384 = arith.constant dense<0.000000e+00> : vector<100x16xf32>
    %reduce_sum3A_385 = vector.multi_reduction <add>, %mul3A_383, %reduce_sum3A_384 [2] : vector<100x16x16xf32> to vector<100x16xf32>
    %reduce_sum3A_386 = arith.constant dense<0.000000e+00> : vector<100xf32>
    %reduce_sum3A_387 = vector.multi_reduction <add>, %reduce_sum3A_385, %reduce_sum3A_386 [1] : vector<100x16xf32> to vector<100xf32>
    %broadcast_in_dim3A_388 = vector.shape_cast %reduce_sum3A_387 : vector<100xf32> to vector<100x1xf32>
    %get3A_389 = arith.constant 9 : index
    %get3A_390 = arith.constant 0 : index
    %get3A_391 = arith.constant 0 : index
    %get3A_392 = vector.load %arg4[%get3A_389, %get3A_390, %get3A_391] : memref<16x16x16xf32, #tpu.memory_space<vmem>>, vector<1x16x16xf32>
    %get3A_393 = vector.shape_cast %get3A_392 : vector<1x16x16xf32> to vector<16x16xf32>
    %bitcast_convert_type3A_394 = tpu.bitcast %get3A_393 : vector<16x16xf32> -> vector<16x16xi32>
    %add3A_395 = arith.constant 32767 : i32
    %add3A_396 = vector.broadcast %add3A_395 : i32 to vector<16x16xi32>
    %add3A_397 = arith.addi %bitcast_convert_type3A_394, %add3A_396 : vector<16x16xi32>
    %shift_right_logical3A_398 = arith.constant 16 : i32
    %shift_right_logical3A_399 = vector.broadcast %shift_right_logical3A_398 : i32 to vector<16x16xi32>
    %shift_right_logical3A_400 = arith.shrui %bitcast_convert_type3A_394, %shift_right_logical3A_399 : vector<16x16xi32>
    %and3A_401 = arith.constant 1 : i32
    %and3A_402 = vector.broadcast %and3A_401 : i32 to vector<16x16xi32>
    %and3A_403 = arith.andi %shift_right_logical3A_400, %and3A_402 : vector<16x16xi32>
    %add3A_404 = arith.addi %add3A_397, %and3A_403 : vector<16x16xi32>
    %and3A_405 = arith.constant -65536 : i32
    %and3A_406 = vector.broadcast %and3A_405 : i32 to vector<16x16xi32>
    %and3A_407 = arith.andi %add3A_404, %and3A_406 : vector<16x16xi32>
    %bitcast_convert_type3A_408 = tpu.bitcast %and3A_407 : vector<16x16xi32> -> vector<16x16xf32>
    %broadcast_in_dim3A_409 = vector.shape_cast %bitcast_convert_type3A_408 : vector<16x16xf32> to vector<1x16x16xf32>
    %mul3A_410 = vector.broadcast %broadcast_in_dim3A_409 : vector<1x16x16xf32> to vector<100x16x16xf32>
    %mul3A_411 = arith.mulf %bitcast_convert_type3A_136, %mul3A_410 : vector<100x16x16xf32>
    %reduce_sum3A_412 = arith.constant dense<0.000000e+00> : vector<100x16xf32>
    %reduce_sum3A_413 = vector.multi_reduction <add>, %mul3A_411, %reduce_sum3A_412 [2] : vector<100x16x16xf32> to vector<100x16xf32>
    %reduce_sum3A_414 = arith.constant dense<0.000000e+00> : vector<100xf32>
    %reduce_sum3A_415 = vector.multi_reduction <add>, %reduce_sum3A_413, %reduce_sum3A_414 [1] : vector<100x16xf32> to vector<100xf32>
    %broadcast_in_dim3A_416 = vector.shape_cast %reduce_sum3A_415 : vector<100xf32> to vector<100x1xf32>
    %get3A_417 = arith.constant 10 : index
    %get3A_418 = arith.constant 0 : index
    %get3A_419 = arith.constant 0 : index
    %get3A_420 = vector.load %arg4[%get3A_417, %get3A_418, %get3A_419] : memref<16x16x16xf32, #tpu.memory_space<vmem>>, vector<1x16x16xf32>
    %get3A_421 = vector.shape_cast %get3A_420 : vector<1x16x16xf32> to vector<16x16xf32>
    %bitcast_convert_type3A_422 = tpu.bitcast %get3A_421 : vector<16x16xf32> -> vector<16x16xi32>
    %add3A_423 = arith.constant 32767 : i32
    %add3A_424 = vector.broadcast %add3A_423 : i32 to vector<16x16xi32>
    %add3A_425 = arith.addi %bitcast_convert_type3A_422, %add3A_424 : vector<16x16xi32>
    %shift_right_logical3A_426 = arith.constant 16 : i32
    %shift_right_logical3A_427 = vector.broadcast %shift_right_logical3A_426 : i32 to vector<16x16xi32>
    %shift_right_logical3A_428 = arith.shrui %bitcast_convert_type3A_422, %shift_right_logical3A_427 : vector<16x16xi32>
    %and3A_429 = arith.constant 1 : i32
    %and3A_430 = vector.broadcast %and3A_429 : i32 to vector<16x16xi32>
    %and3A_431 = arith.andi %shift_right_logical3A_428, %and3A_430 : vector<16x16xi32>
    %add3A_432 = arith.addi %add3A_425, %and3A_431 : vector<16x16xi32>
    %and3A_433 = arith.constant -65536 : i32
    %and3A_434 = vector.broadcast %and3A_433 : i32 to vector<16x16xi32>
    %and3A_435 = arith.andi %add3A_432, %and3A_434 : vector<16x16xi32>
    %bitcast_convert_type3A_436 = tpu.bitcast %and3A_435 : vector<16x16xi32> -> vector<16x16xf32>
    %broadcast_in_dim3A_437 = vector.shape_cast %bitcast_convert_type3A_436 : vector<16x16xf32> to vector<1x16x16xf32>
    %mul3A_438 = vector.broadcast %broadcast_in_dim3A_437 : vector<1x16x16xf32> to vector<100x16x16xf32>
    %mul3A_439 = arith.mulf %bitcast_convert_type3A_136, %mul3A_438 : vector<100x16x16xf32>
    %reduce_sum3A_440 = arith.constant dense<0.000000e+00> : vector<100x16xf32>
    %reduce_sum3A_441 = vector.multi_reduction <add>, %mul3A_439, %reduce_sum3A_440 [2] : vector<100x16x16xf32> to vector<100x16xf32>
    %reduce_sum3A_442 = arith.constant dense<0.000000e+00> : vector<100xf32>
    %reduce_sum3A_443 = vector.multi_reduction <add>, %reduce_sum3A_441, %reduce_sum3A_442 [1] : vector<100x16xf32> to vector<100xf32>
    %broadcast_in_dim3A_444 = vector.shape_cast %reduce_sum3A_443 : vector<100xf32> to vector<100x1xf32>
    %get3A_445 = arith.constant 11 : index
    %get3A_446 = arith.constant 0 : index
    %get3A_447 = arith.constant 0 : index
    %get3A_448 = vector.load %arg4[%get3A_445, %get3A_446, %get3A_447] : memref<16x16x16xf32, #tpu.memory_space<vmem>>, vector<1x16x16xf32>
    %get3A_449 = vector.shape_cast %get3A_448 : vector<1x16x16xf32> to vector<16x16xf32>
    %bitcast_convert_type3A_450 = tpu.bitcast %get3A_449 : vector<16x16xf32> -> vector<16x16xi32>
    %add3A_451 = arith.constant 32767 : i32
    %add3A_452 = vector.broadcast %add3A_451 : i32 to vector<16x16xi32>
    %add3A_453 = arith.addi %bitcast_convert_type3A_450, %add3A_452 : vector<16x16xi32>
    %shift_right_logical3A_454 = arith.constant 16 : i32
    %shift_right_logical3A_455 = vector.broadcast %shift_right_logical3A_454 : i32 to vector<16x16xi32>
    %shift_right_logical3A_456 = arith.shrui %bitcast_convert_type3A_450, %shift_right_logical3A_455 : vector<16x16xi32>
    %and3A_457 = arith.constant 1 : i32
    %and3A_458 = vector.broadcast %and3A_457 : i32 to vector<16x16xi32>
    %and3A_459 = arith.andi %shift_right_logical3A_456, %and3A_458 : vector<16x16xi32>
    %add3A_460 = arith.addi %add3A_453, %and3A_459 : vector<16x16xi32>
    %and3A_461 = arith.constant -65536 : i32
    %and3A_462 = vector.broadcast %and3A_461 : i32 to vector<16x16xi32>
    %and3A_463 = arith.andi %add3A_460, %and3A_462 : vector<16x16xi32>
    %bitcast_convert_type3A_464 = tpu.bitcast %and3A_463 : vector<16x16xi32> -> vector<16x16xf32>
    %broadcast_in_dim3A_465 = vector.shape_cast %bitcast_convert_type3A_464 : vector<16x16xf32> to vector<1x16x16xf32>
    %mul3A_466 = vector.broadcast %broadcast_in_dim3A_465 : vector<1x16x16xf32> to vector<100x16x16xf32>
    %mul3A_467 = arith.mulf %bitcast_convert_type3A_136, %mul3A_466 : vector<100x16x16xf32>
    %reduce_sum3A_468 = arith.constant dense<0.000000e+00> : vector<100x16xf32>
    %reduce_sum3A_469 = vector.multi_reduction <add>, %mul3A_467, %reduce_sum3A_468 [2] : vector<100x16x16xf32> to vector<100x16xf32>
    %reduce_sum3A_470 = arith.constant dense<0.000000e+00> : vector<100xf32>
    %reduce_sum3A_471 = vector.multi_reduction <add>, %reduce_sum3A_469, %reduce_sum3A_470 [1] : vector<100x16xf32> to vector<100xf32>
    %broadcast_in_dim3A_472 = vector.shape_cast %reduce_sum3A_471 : vector<100xf32> to vector<100x1xf32>
    %get3A_473 = arith.constant 12 : index
    %get3A_474 = arith.constant 0 : index
    %get3A_475 = arith.constant 0 : index
    %get3A_476 = vector.load %arg4[%get3A_473, %get3A_474, %get3A_475] : memref<16x16x16xf32, #tpu.memory_space<vmem>>, vector<1x16x16xf32>
    %get3A_477 = vector.shape_cast %get3A_476 : vector<1x16x16xf32> to vector<16x16xf32>
    %bitcast_convert_type3A_478 = tpu.bitcast %get3A_477 : vector<16x16xf32> -> vector<16x16xi32>
    %add3A_479 = arith.constant 32767 : i32
    %add3A_480 = vector.broadcast %add3A_479 : i32 to vector<16x16xi32>
    %add3A_481 = arith.addi %bitcast_convert_type3A_478, %add3A_480 : vector<16x16xi32>
    %shift_right_logical3A_482 = arith.constant 16 : i32
    %shift_right_logical3A_483 = vector.broadcast %shift_right_logical3A_482 : i32 to vector<16x16xi32>
    %shift_right_logical3A_484 = arith.shrui %bitcast_convert_type3A_478, %shift_right_logical3A_483 : vector<16x16xi32>
    %and3A_485 = arith.constant 1 : i32
    %and3A_486 = vector.broadcast %and3A_485 : i32 to vector<16x16xi32>
    %and3A_487 = arith.andi %shift_right_logical3A_484, %and3A_486 : vector<16x16xi32>
    %add3A_488 = arith.addi %add3A_481, %and3A_487 : vector<16x16xi32>
    %and3A_489 = arith.constant -65536 : i32
    %and3A_490 = vector.broadcast %and3A_489 : i32 to vector<16x16xi32>
    %and3A_491 = arith.andi %add3A_488, %and3A_490 : vector<16x16xi32>
    %bitcast_convert_type3A_492 = tpu.bitcast %and3A_491 : vector<16x16xi32> -> vector<16x16xf32>
    %broadcast_in_dim3A_493 = vector.shape_cast %bitcast_convert_type3A_492 : vector<16x16xf32> to vector<1x16x16xf32>
    %mul3A_494 = vector.broadcast %broadcast_in_dim3A_493 : vector<1x16x16xf32> to vector<100x16x16xf32>
    %mul3A_495 = arith.mulf %bitcast_convert_type3A_136, %mul3A_494 : vector<100x16x16xf32>
    %reduce_sum3A_496 = arith.constant dense<0.000000e+00> : vector<100x16xf32>
    %reduce_sum3A_497 = vector.multi_reduction <add>, %mul3A_495, %reduce_sum3A_496 [2] : vector<100x16x16xf32> to vector<100x16xf32>
    %reduce_sum3A_498 = arith.constant dense<0.000000e+00> : vector<100xf32>
    %reduce_sum3A_499 = vector.multi_reduction <add>, %reduce_sum3A_497, %reduce_sum3A_498 [1] : vector<100x16xf32> to vector<100xf32>
    %broadcast_in_dim3A_500 = vector.shape_cast %reduce_sum3A_499 : vector<100xf32> to vector<100x1xf32>
    %get3A_501 = arith.constant 13 : index
    %get3A_502 = arith.constant 0 : index
    %get3A_503 = arith.constant 0 : index
    %get3A_504 = vector.load %arg4[%get3A_501, %get3A_502, %get3A_503] : memref<16x16x16xf32, #tpu.memory_space<vmem>>, vector<1x16x16xf32>
    %get3A_505 = vector.shape_cast %get3A_504 : vector<1x16x16xf32> to vector<16x16xf32>
    %bitcast_convert_type3A_506 = tpu.bitcast %get3A_505 : vector<16x16xf32> -> vector<16x16xi32>
    %add3A_507 = arith.constant 32767 : i32
    %add3A_508 = vector.broadcast %add3A_507 : i32 to vector<16x16xi32>
    %add3A_509 = arith.addi %bitcast_convert_type3A_506, %add3A_508 : vector<16x16xi32>
    %shift_right_logical3A_510 = arith.constant 16 : i32
    %shift_right_logical3A_511 = vector.broadcast %shift_right_logical3A_510 : i32 to vector<16x16xi32>
    %shift_right_logical3A_512 = arith.shrui %bitcast_convert_type3A_506, %shift_right_logical3A_511 : vector<16x16xi32>
    %and3A_513 = arith.constant 1 : i32
    %and3A_514 = vector.broadcast %and3A_513 : i32 to vector<16x16xi32>
    %and3A_515 = arith.andi %shift_right_logical3A_512, %and3A_514 : vector<16x16xi32>
    %add3A_516 = arith.addi %add3A_509, %and3A_515 : vector<16x16xi32>
    %and3A_517 = arith.constant -65536 : i32
    %and3A_518 = vector.broadcast %and3A_517 : i32 to vector<16x16xi32>
    %and3A_519 = arith.andi %add3A_516, %and3A_518 : vector<16x16xi32>
    %bitcast_convert_type3A_520 = tpu.bitcast %and3A_519 : vector<16x16xi32> -> vector<16x16xf32>
    %broadcast_in_dim3A_521 = vector.shape_cast %bitcast_convert_type3A_520 : vector<16x16xf32> to vector<1x16x16xf32>
    %mul3A_522 = vector.broadcast %broadcast_in_dim3A_521 : vector<1x16x16xf32> to vector<100x16x16xf32>
    %mul3A_523 = arith.mulf %bitcast_convert_type3A_136, %mul3A_522 : vector<100x16x16xf32>
    %reduce_sum3A_524 = arith.constant dense<0.000000e+00> : vector<100x16xf32>
    %reduce_sum3A_525 = vector.multi_reduction <add>, %mul3A_523, %reduce_sum3A_524 [2] : vector<100x16x16xf32> to vector<100x16xf32>
    %reduce_sum3A_526 = arith.constant dense<0.000000e+00> : vector<100xf32>
    %reduce_sum3A_527 = vector.multi_reduction <add>, %reduce_sum3A_525, %reduce_sum3A_526 [1] : vector<100x16xf32> to vector<100xf32>
    %broadcast_in_dim3A_528 = vector.shape_cast %reduce_sum3A_527 : vector<100xf32> to vector<100x1xf32>
    %get3A_529 = arith.constant 14 : index
    %get3A_530 = arith.constant 0 : index
    %get3A_531 = arith.constant 0 : index
    %get3A_532 = vector.load %arg4[%get3A_529, %get3A_530, %get3A_531] : memref<16x16x16xf32, #tpu.memory_space<vmem>>, vector<1x16x16xf32>
    %get3A_533 = vector.shape_cast %get3A_532 : vector<1x16x16xf32> to vector<16x16xf32>
    %bitcast_convert_type3A_534 = tpu.bitcast %get3A_533 : vector<16x16xf32> -> vector<16x16xi32>
    %add3A_535 = arith.constant 32767 : i32
    %add3A_536 = vector.broadcast %add3A_535 : i32 to vector<16x16xi32>
    %add3A_537 = arith.addi %bitcast_convert_type3A_534, %add3A_536 : vector<16x16xi32>
    %shift_right_logical3A_538 = arith.constant 16 : i32
    %shift_right_logical3A_539 = vector.broadcast %shift_right_logical3A_538 : i32 to vector<16x16xi32>
    %shift_right_logical3A_540 = arith.shrui %bitcast_convert_type3A_534, %shift_right_logical3A_539 : vector<16x16xi32>
    %and3A_541 = arith.constant 1 : i32
    %and3A_542 = vector.broadcast %and3A_541 : i32 to vector<16x16xi32>
    %and3A_543 = arith.andi %shift_right_logical3A_540, %and3A_542 : vector<16x16xi32>
    %add3A_544 = arith.addi %add3A_537, %and3A_543 : vector<16x16xi32>
    %and3A_545 = arith.constant -65536 : i32
    %and3A_546 = vector.broadcast %and3A_545 : i32 to vector<16x16xi32>
    %and3A_547 = arith.andi %add3A_544, %and3A_546 : vector<16x16xi32>
    %bitcast_convert_type3A_548 = tpu.bitcast %and3A_547 : vector<16x16xi32> -> vector<16x16xf32>
    %broadcast_in_dim3A_549 = vector.shape_cast %bitcast_convert_type3A_548 : vector<16x16xf32> to vector<1x16x16xf32>
    %mul3A_550 = vector.broadcast %broadcast_in_dim3A_549 : vector<1x16x16xf32> to vector<100x16x16xf32>
    %mul3A_551 = arith.mulf %bitcast_convert_type3A_136, %mul3A_550 : vector<100x16x16xf32>
    %reduce_sum3A_552 = arith.constant dense<0.000000e+00> : vector<100x16xf32>
    %reduce_sum3A_553 = vector.multi_reduction <add>, %mul3A_551, %reduce_sum3A_552 [2] : vector<100x16x16xf32> to vector<100x16xf32>
    %reduce_sum3A_554 = arith.constant dense<0.000000e+00> : vector<100xf32>
    %reduce_sum3A_555 = vector.multi_reduction <add>, %reduce_sum3A_553, %reduce_sum3A_554 [1] : vector<100x16xf32> to vector<100xf32>
    %broadcast_in_dim3A_556 = vector.shape_cast %reduce_sum3A_555 : vector<100xf32> to vector<100x1xf32>
    %get3A_557 = arith.constant 15 : index
    %get3A_558 = arith.constant 0 : index
    %get3A_559 = arith.constant 0 : index
    %get3A_560 = vector.load %arg4[%get3A_557, %get3A_558, %get3A_559] : memref<16x16x16xf32, #tpu.memory_space<vmem>>, vector<1x16x16xf32>
    %get3A_561 = vector.shape_cast %get3A_560 : vector<1x16x16xf32> to vector<16x16xf32>
    %bitcast_convert_type3A_562 = tpu.bitcast %get3A_561 : vector<16x16xf32> -> vector<16x16xi32>
    %add3A_563 = arith.constant 32767 : i32
    %add3A_564 = vector.broadcast %add3A_563 : i32 to vector<16x16xi32>
    %add3A_565 = arith.addi %bitcast_convert_type3A_562, %add3A_564 : vector<16x16xi32>
    %shift_right_logical3A_566 = arith.constant 16 : i32
    %shift_right_logical3A_567 = vector.broadcast %shift_right_logical3A_566 : i32 to vector<16x16xi32>
    %shift_right_logical3A_568 = arith.shrui %bitcast_convert_type3A_562, %shift_right_logical3A_567 : vector<16x16xi32>
    %and3A_569 = arith.constant 1 : i32
    %and3A_570 = vector.broadcast %and3A_569 : i32 to vector<16x16xi32>
    %and3A_571 = arith.andi %shift_right_logical3A_568, %and3A_570 : vector<16x16xi32>
    %add3A_572 = arith.addi %add3A_565, %and3A_571 : vector<16x16xi32>
    %and3A_573 = arith.constant -65536 : i32
    %and3A_574 = vector.broadcast %and3A_573 : i32 to vector<16x16xi32>
    %and3A_575 = arith.andi %add3A_572, %and3A_574 : vector<16x16xi32>
    %bitcast_convert_type3A_576 = tpu.bitcast %and3A_575 : vector<16x16xi32> -> vector<16x16xf32>
    %broadcast_in_dim3A_577 = vector.shape_cast %bitcast_convert_type3A_576 : vector<16x16xf32> to vector<1x16x16xf32>
    %mul3A_578 = vector.broadcast %broadcast_in_dim3A_577 : vector<1x16x16xf32> to vector<100x16x16xf32>
    %mul3A_579 = arith.mulf %bitcast_convert_type3A_136, %mul3A_578 : vector<100x16x16xf32>
    %reduce_sum3A_580 = arith.constant dense<0.000000e+00> : vector<100x16xf32>
    %reduce_sum3A_581 = vector.multi_reduction <add>, %mul3A_579, %reduce_sum3A_580 [2] : vector<100x16x16xf32> to vector<100x16xf32>
    %reduce_sum3A_582 = arith.constant dense<0.000000e+00> : vector<100xf32>
    %reduce_sum3A_583 = vector.multi_reduction <add>, %reduce_sum3A_581, %reduce_sum3A_582 [1] : vector<100x16xf32> to vector<100xf32>
    %broadcast_in_dim3A_584 = vector.shape_cast %reduce_sum3A_583 : vector<100xf32> to vector<100x1xf32>
    %concatenate3A = tpu.concatenate %broadcast_in_dim3A_164, %broadcast_in_dim3A_192, %broadcast_in_dim3A_220, %broadcast_in_dim3A_248, %broadcast_in_dim3A_276, %broadcast_in_dim3A_304, %broadcast_in_dim3A_332, %broadcast_in_dim3A_360, %broadcast_in_dim3A_388, %broadcast_in_dim3A_416, %broadcast_in_dim3A_444, %broadcast_in_dim3A_472, %broadcast_in_dim3A_500, %broadcast_in_dim3A_528, %broadcast_in_dim3A_556, %broadcast_in_dim3A_584 in 1 : vector<100x1xf32>, vector<100x1xf32>, vector<100x1xf32>, vector<100x1xf32>, vector<100x1xf32>, vector<100x1xf32>, vector<100x1xf32>, vector<100x1xf32>, vector<100x1xf32>, vector<100x1xf32>, vector<100x1xf32>, vector<100x1xf32>, vector<100x1xf32>, vector<100x1xf32>, vector<100x1xf32>, vector<100x1xf32> -> vector<100x16xf32>
    %concatenate3A_585 = tpu.concatenate %reduce_sum3A_52, %reduce_sum3A_116 in 1 : vector<100x16xf32>, vector<100x16xf32> -> vector<100x32xf32>
    %get3A_586 = arith.constant 0 : index
    %get3A_587 = arith.constant 0 : index
    %get3A_588 = vector.load %arg5[%get3A_586, %get3A_587] : memref<32x16xf32, #tpu.memory_space<vmem>>, vector<32x16xf32>
    %convert_element_type3A_589 = arith.truncf %concatenate3A_585 : vector<100x32xf32> to vector<100x32xbf16>
    %convert_element_type3A_590 = arith.truncf %get3A_588 : vector<32x16xf32> to vector<32x16xbf16>
    %dot_general3A_591 = arith.constant dense<0.000000e+00> : vector<100x16xf32>
    %dot_general3A_592 = tpu.matmul %convert_element_type3A_589, %convert_element_type3A_590, %dot_general3A_591 {dimension_numbers = #tpu.dot_dimension_numbers<[1], [0], [0], [1], [0, 0, 1, 1], [], []>, transpose_lhs_hint = false} : vector<100x32xbf16>, vector<32x16xbf16>, vector<100x16xf32> -> vector<100x16xf32>
    %add3A_593 = arith.addf %concatenate3A, %dot_general3A_592 : vector<100x16xf32>
    %get3A_594 = arith.constant 0 : index
    %get3A_595 = arith.constant 0 : index
    %get3A_596 = vector.load %arg6[%get3A_594, %get3A_595] : memref<1x16xf32, #tpu.memory_space<vmem>>, vector<1x16xf32>
    %add3A_597 = vector.broadcast %get3A_596 : vector<1x16xf32> to vector<100x16xf32>
    %add3A_598 = arith.addf %add3A_593, %add3A_597 : vector<100x16xf32>
    %max3A = arith.constant 0.000000e+00 : f32
    %max3A_599 = vector.broadcast %max3A : f32 to vector<100x16xf32>
    %max3A_600 = arith.maximumf %add3A_598, %max3A_599 : vector<100x16xf32>
    %get3A_601 = arith.constant 0 : index
    %get3A_602 = arith.constant 0 : index
    %get3A_603 = vector.load %arg7[%get3A_601, %get3A_602] : memref<16x16xf32, #tpu.memory_space<vmem>>, vector<16x16xf32>
    %convert_element_type3A_604 = arith.truncf %max3A_600 : vector<100x16xf32> to vector<100x16xbf16>
    %convert_element_type3A_605 = arith.truncf %get3A_603 : vector<16x16xf32> to vector<16x16xbf16>
    %dot_general3A_606 = arith.constant dense<0.000000e+00> : vector<100x16xf32>
    %dot_general3A_607 = tpu.matmul %convert_element_type3A_604, %convert_element_type3A_605, %dot_general3A_606 {dimension_numbers = #tpu.dot_dimension_numbers<[1], [0], [0], [1], [0, 0, 1, 1], [], []>, transpose_lhs_hint = false} : vector<100x16xbf16>, vector<16x16xbf16>, vector<100x16xf32> -> vector<100x16xf32>
    %get3A_608 = arith.constant 0 : index
    %get3A_609 = arith.constant 0 : index
    %get3A_610 = vector.load %arg8[%get3A_608, %get3A_609] : memref<1x16xf32, #tpu.memory_space<vmem>>, vector<1x16xf32>
    %add3A_611 = vector.broadcast %get3A_610 : vector<1x16xf32> to vector<100x16xf32>
    %add3A_612 = arith.addf %dot_general3A_607, %add3A_611 : vector<100x16xf32>
    %max3A_613 = arith.constant 0.000000e+00 : f32
    %max3A_614 = vector.broadcast %max3A_613 : f32 to vector<100x16xf32>
    %max3A_615 = arith.maximumf %add3A_612, %max3A_614 : vector<100x16xf32>
    %get3A_616 = arith.constant 0 : index
    %get3A_617 = arith.constant 0 : index
    %get3A_618 = vector.load %arg9[%get3A_616, %get3A_617] : memref<16x1xf32, #tpu.memory_space<vmem>>, vector<16x1xf32>
    %convert_element_type3A_619 = arith.truncf %max3A_615 : vector<100x16xf32> to vector<100x16xbf16>
    %convert_element_type3A_620 = arith.truncf %get3A_618 : vector<16x1xf32> to vector<16x1xbf16>
    %dot_general3A_621 = arith.constant dense<0.000000e+00> : vector<100x1xf32>
    %dot_general3A_622 = tpu.matmul %convert_element_type3A_619, %convert_element_type3A_620, %dot_general3A_621 {dimension_numbers = #tpu.dot_dimension_numbers<[1], [0], [0], [1], [0, 0, 1, 1], [], []>, transpose_lhs_hint = false} : vector<100x16xbf16>, vector<16x1xbf16>, vector<100x1xf32> -> vector<100x1xf32>
    %get3A_623 = arith.constant 0 : index
    %get3A_624 = arith.constant 0 : index
    %get3A_625 = vector.load %arg10[%get3A_623, %get3A_624] : memref<1x1xf32, #tpu.memory_space<vmem>>, vector<1x1xf32>
    %add3A_626 = vector.broadcast %get3A_625 : vector<1x1xf32> to vector<100x1xf32>
    %add3A_627 = arith.addf %dot_general3A_622, %add3A_626 : vector<100x1xf32>
    %logistic3A_628 = arith.negf %add3A_627 : vector<100x1xf32>
    %logistic3A_629 = math.exp %logistic3A_628 : vector<100x1xf32>
    %logistic3A_630 = arith.constant 1.000000e+00 : f32
    %logistic3A_631 = vector.broadcast %logistic3A_630 : f32 to vector<100x1xf32>
    %logistic3A_632 = arith.addf %logistic3A_631, %logistic3A_629 : vector<100x1xf32>
    %logistic3A_633 = arith.divf %logistic3A_631, %logistic3A_632 : vector<100x1xf32>
    %neg3A = arith.constant 0.000000e+00 : f32
    %neg3A_634 = vector.broadcast %neg3A : f32 to vector<100x1xf32>
    %neg3A_635 = arith.subf %neg3A_634, %get3A_1 : vector<100x1xf32>
    %log3A = math.log %logistic3A_633 : vector<100x1xf32>
    %mul3A_636 = arith.mulf %neg3A_635, %log3A : vector<100x1xf32>
    %swap3A = arith.constant 0 : index
    %swap3A_637 = arith.constant 0 : index
    %swap3A_638 = vector.load %arg11[%swap3A, %swap3A_637] : memref<100x1xf32, #tpu.memory_space<vmem>>, vector<100x1xf32>
    tpu.vector_store %arg11[%swap3A, %swap3A_637], %mul3A_636 {strides = array<i32>} : memref<100x1xf32, #tpu.memory_space<vmem>>, vector<100x1xf32>,
    return
  }
}

</mosaic_0001>

<sc_bundles>
// kernel: kernel.14.cloned.1.call-start
scs
__scs_entry_jumppad:
0x0: {  	(pc) =	sbr.rel $0x88, $3  }
0x1: {  	(tag) =	ssettag $0x0;
	lr =	simm.s32 $0x1  }
0x2: {  	[smem:$0x3F8E] =	sst lr;
	_ =	strace $0xD0000000  }
0x3: {  	_ = 	snop  }
0x4: {  	_ = 	snop  }
0x5: {  	_ = 	snop  }
0x6: {  	_ = 	snop  }
0x7: {  	_ = 	snop  }
__scs_overlays_trampoline_lowered:
0x8: {  	[smem:$0x3F9D] =	sst s0  }
0x9: {  	[smem:$0x3F9E] =	sst s1  }
0xa: {  	[smem:$0x3F9F] =	sst s2  }
0xb: {  	[smem:$0x3FA0] =	sst s3  }
0xc: {  	[smem:$0x3FA1] =	sst s4  }
0xd: {  	[smem:$0x3FA2] =	sst s5  }
0xe: {  	[smem:$0x3FA3] =	sst s6  }
0xf: {  	[smem:$0x3FA4] =	sst s7  }
0x10: {  	[smem:$0x3FA5] =	sst s8  }
0x11: {  	[smem:$0x3FA6] =	sst s9;
	s0 =	simm.s32 @!p0 $0x0  }
0x12: {  	s1 =	sld [smem:$0x3F8C];
	s0 =	simm.s32 @p0 $0x1  }
0x13: {  	[smem:$0x3FA7] =	sst s0;
	s0 =	simm.s32 @!p1 $0x0  }
0x14: {  	s2 =	sld [smem:$0x3F8B];
	s0 =	simm.s32 @p1 $0x1  }
0x15: {  	[smem:$0x3FA8] =	sst s0;
	s0 =	simm.s32 @!p2 $0x0  }
0x16: {  	s3 =	sld [smem:$0x3FDB];
	s0 =	simm.s32 @p2 $0x1  }
0x17: {  	s4 =	simm.s32 $0x1BF5;
	[smem:$0x3FAA] =	sst s0  }
0x18: {  	s0 =	sld [smem:$0x3F8D];
	_ =	swait.ge [sflag:s4], $0x0  }
0x19: {  	s7 =	sld [smem:$0x3F8E]  }
0x1a: {  	s8 =	sadd.s32 $0xFFFFE003, lr  }
0x1b: {  	s9 =	sadd.s32 $0xFFFFFEF7, lr;
	s5 =	simm.s32 $0xFFFFFFFF;
	p2 =	slt.u32 s8, $0xFFFFF086  }
0x1c: {  	p1 =	slt.u32 s9, $0xF7A;
	s5 =	simm.s32 @!p2 $0x0  }
0x1d: {  	s5 =	simm.s32 @p1 $0x1;
	p0 =	seq.s32 s7, s2  }
0x1e: {  	s7 =	smul.u32 @!p0 $0xF7A, s2;
	p2 =	seq.s32 @!p0 s5, $0x0  }
0x1f: {  	s9 =	smul.u32 $0xF7A, s1;
	s8 =	simm.s32 @!p0 $0x1BF5;
	p2 =	por !p2, p0  }
0x20: {  	[sflag:s8] =	ssyncset.s32 @!p0 $0xFFFFF086;
	s6 =	sadd.s32 @!p0 s3, s7;
	s7 =	simm.s32 @!p0 $0x108  }
0x21: {  	s3 =	sadd.s32 s3, s9;
	s6 =	sadd.s32 @!p0 $0x88, s6;
	s7 =	simm.s32 @p2 $0x1082  }
0x22: {  	[simem:s7], [sflag:s8] =	dma.local @!p0 [hbm:s6], $0xF7A  }
0x23: {  	s9 =	sor.u32 $0xD0000000, s2;
	s6 =	simm.s32 $0x108;
	_ =	swait.ge @!p0 [sflag:s8], $0x0  }
0x24: {  	s3 =	sadd.s32 $0x88, s3;
	s6 =	simm.s32 @!p1 $0x1082;
	[sflag:s4] =	ssyncset.s32 $0xFFFFF086  }
0x25: {  	[simem:s6], [sflag:s4] =	dma.local [hbm:s3], $0xF7A  }
0x26: {  	[smem:$0x3F8E] =	sst s1;
	(tag) =	ssettag s2;
	_ =	strace s9  }
0x27: {  	s1 =	sld [smem:$0x3F9E]  }
0x28: {  	s2 =	sld [smem:$0x3F9F]  }
0x29: {  	s4 =	sld [smem:$0x3FA1]  }
0x2a: {  	p0 =	seq.s32 s5, $0x0;
	s5 =	sld [smem:$0x3FA2]  }
0x2b: {  	s6 =	sld [smem:$0x3FA3]  }
0x2c: {  	s7 =	sld [smem:$0x3FA4]  }
0x2d: {  	s3 =	simm.s32 $0x108;
	s8 =	sld [smem:$0x3FA5]  }
0x2e: {  	s3 =	simm.s32 @!p0 $0x1082;
	s9 =	sld [smem:$0x3FA6]  }
0x2f: {  	lr =	sadd.s32 s0, s3;
	s0 =	sld [smem:$0x3F9D]  }
0x30: {  	s3 =	sld [smem:$0x3FA0]  }
0x31: {  	[smem:$0x3FA9] =	sst s10  }
0x32: {  	s10 =	sld [smem:$0x3FA7];
	_ =	sdelay $0x3  }
0x33: {  	p0 =	seq.s32 s10, $0x1;
	s10 =	sld [smem:$0x3FA9];
	_ =	sdelay $0x3  }
0x34: {  	[smem:$0x3FA9] =	sst s10  }
0x35: {  	s10 =	sld [smem:$0x3FA8];
	_ =	sdelay $0x3  }
0x36: {  	p1 =	seq.s32 s10, $0x1;
	s10 =	sld [smem:$0x3FA9];
	_ =	sdelay $0x3  }
0x37: {  	[smem:$0x3FA9] =	sst s10  }
0x38: {  	s10 =	sld [smem:$0x3FAA]  }
0x39: {  	_ = 	snop;
	(pc) =	sbr.ind lr, $3  }
0x3a: {  	_ = 	snop  }
0x3b: {  	_ = 	snop  }
0x3c: {  	p2 =	seq.s32 s10, $0x1;
	s10 =	sld [smem:$0x3FA9]  }
0x3d: {  	_ =	shalt  }
0x3e: {  	_ =	shalt  }
0x3f: {  	_ =	shalt  }
0x40: {  	_ =	shalt  }
0x41: {  	_ =	shalt  }
0x42: {  	_ =	shalt  }
0x43: {  	_ =	shalt  }
0x44: {  	_ =	shalt  }
0x45: {  	_ =	shalt  }
0x46: {  	_ =	shalt  }
0x47: {  	_ =	shalt  }
0x48: {  	_ =	shalt  }
0x49: {  	_ =	shalt  }
0x4a: {  	_ =	shalt  }
0x4b: {  	_ =	shalt  }
0x4c: {  	_ =	shalt  }
0x4d: {  	_ =	shalt  }
0x4e: {  	_ =	shalt  }
0x4f: {  	_ =	shalt  }
0x50: {  	_ =	shalt  }
0x51: {  	_ =	shalt  }
0x52: {  	_ =	shalt  }
0x53: {  	_ =	shalt  }
0x54: {  	_ =	shalt  }
0x55: {  	_ =	shalt  }
0x56: {  	_ =	shalt  }
0x57: {  	_ =	shalt  }
0x58: {  	_ =	shalt  }
0x59: {  	_ =	shalt  }
0x5a: {  	_ =	shalt  }
0x5b: {  	_ =	shalt  }
0x5c: {  	_ =	shalt  }
0x5d: {  	_ =	shalt  }
0x5e: {  	_ =	shalt  }
0x5f: {  	_ =	shalt  }
0x60: {  	_ =	shalt  }
0x61: {  	_ =	shalt  }
0x62: {  	_ =	shalt  }
0x63: {  	_ =	shalt  }
0x64: {  	_ =	shalt  }
0x65: {  	_ =	shalt  }
0x66: {  	_ =	shalt  }
0x67: {  	_ =	shalt  }
0x68: {  	_ =	shalt  }
0x69: {  	_ =	shalt  }
0x6a: {  	_ =	shalt  }
0x6b: {  	_ =	shalt  }
0x6c: {  	_ =	shalt  }
0x6d: {  	_ =	shalt  }
0x6e: {  	_ =	shalt  }
0x6f: {  	_ =	shalt  }
0x70: {  	_ =	shalt  }
0x71: {  	_ =	shalt  }
0x72: {  	_ =	shalt  }
0x73: {  	_ =	shalt  }
0x74: {  	_ =	shalt  }
0x75: {  	_ =	shalt  }
0x76: {  	_ =	shalt  }
0x77: {  	_ =	shalt  }
0x78: {  	_ =	shalt  }
0x79: {  	_ =	shalt  }
0x7a: {  	_ =	shalt  }
0x7b: {  	_ =	shalt  }
0x7c: {  	_ =	shalt  }
0x7d: {  	_ =	shalt  }
0x7e: {  	_ =	shalt  }
0x7f: {  	_ =	shalt  }
0x80: {  	_ =	shalt  }
0x81: {  	_ =	shalt  }
0x82: {  	_ =	shalt  }
0x83: {  	_ =	shalt  }
0x84: {  	_ =	shalt  }
0x85: {  	_ =	shalt  }
0x86: {  	_ =	shalt  }
0x87: {  	_ =	shalt  }
.Lfunc_end0:
.L_simem_size_0:
called_computation_lowered:
.L_overlay_start_0:
0x88: {  	s2 =	sld [smem:$0x3FD9]  }
0x89: {  	s3 =	sld [smem:$0x3FFE];
	_ =	sdelay $0x1  }
0x8a: {  	s1 =	srdreg.scid  }
0x8b: {  	s0 =	sand.u32 $0x1, s1  }
0x8c: {  	s16 =	sshll.u32 s0, $0xA;
	s2 =	sadd.s32 s3, s2  }
0x8d: {  	s2 =	sadd.s32 s2, s16  }
0x8e: {  	[smem:$0x3FB5] =	sst s2  }
0x8f: {  	_ = 	snop  }
0x90: {  	(tm) =	ssettm $0x1  }
0x91: {  	s17 =	sld [smem:$0x3FFB];
	_ =	sdelay $0x3  }
0x92: {  	_ =	strace s17  }
0x93: {  	s2 =	sld [smem:$0x3FFC];
	_ =	sdelay $0x3  }
0x94: {  	_ =	strace s2  }
0x95: {  	s2 =	sld [smem:$0x3FFD];
	_ =	sdelay $0x3  }
0x96: {  	_ =	strace s2  }
0x97: {  	_ =	strace $0x8FFFFFFF  }
0x98: {  	s18 =	sld [smem:$0x3FDB];
	_ =	sdelay $0x1  }
0x99: {  	s19 =	simm.s32 $_scs_section_size  }
0x9a: {  	s4 =	simm.s32 $_size__tile_overlayer_lowered;
	s5 =	simm.s32 $_tile_overlayer_lowered  }
0x9b: {  	s22 =	simm.s32 $0x1BFF;
	s21 =	sshll.u32 s5, $0x1;
	s2 =	sadd.s32 s19, s18  }
0x9c: {  	s6 =	simm.s32 $0x0;
	s20 =	sshll.u32 s4, $0x1;
	s4 =	sadd.s32 s21, s2  }
0x9d: {  	[timem:s6], [sflag:s22] =	dma.local [hbm:s4], s20  }
0x9e: {  	_ =	swait.ge [sflag:s22], s20  }
0x9f: {  	s3 =	ssub.s32 $0x0, s20;
	[sflag:s22] =	ssyncset.done $0x0  }
0xa0: {  	[sflag:s22] =	ssyncadd.s32 s3;
	_ =	sdelay $0x1  }
0xa1: {  	s23 =	simm.s32 $0x1B8B  }
0xa2: {  	_ =	swait.ge [sflag:s23], $0x1  }
0xa3: {  	[sflag:s23] =	ssyncset.done $0x0  }
0xa4: {  	s25 =	simm.s32 $0x1B8E;
	s24 =	sld [smem:$0x3FFE];
	[sflag:s23] =	ssyncadd.s32 $0xFFFFFFFF  }
0xa5: {  	s26 =	simm.s32 $execute0_lowered;
	[smem:$0x3FD2] =	sst s25  }
0xa6: {  	s4 =	sshll.u32 s26, $0x1;
	_ =	strace $0x80000046;
	[dreg:$0x1] =	wrdreg $0xFFFFFFFF  }
0xa7: {  	s28 =	simm.s32 $_size_execute0_lowered;
	s2 =	sadd.s32 s2, s4;
	[dreg:$0x0] =	wrdreg $0x0  }
0xa8: {  	s4 =	sshll.u32 s28, $0x1;
	[dreg:$0x2] =	wrdreg s2  }
0xa9: {  	[dreg:$0x3] =	wrdreg s4  }
0xaa: {  	[dreg:$0x4] =	wrdreg $0xC0  }
0xab: {  	_ =	task [dreg:s6], $0x5FFFF  }
0xac: {  	[dreg:$0x1] =	wrdreg $0xFFFFFFFF  }
0xad: {  	[dreg:$0x0] =	wrdreg $0x60  }
0xae: {  	[dreg:$0x2] =	wrdreg s24  }
0xaf: {  	[dreg:$0x3] =	wrdreg $0x57D00  }
0xb0: {  	[dreg:$0x4] =	wrdreg $0x9  }
0xb1: {  	_ =	task.clear_ibuf [dreg:s6], $0x5FFFF;
	_ =	strace $0x90000046  }
0xb2: {  	s29 =	simm.s32 $0x9;
	_ =	strace $0x80000048  }
0xb3: {  	_ =	swait.ge [sflag:s29], $0x1  }
0xb4: {  	[sflag:s29] =	ssyncadd.s32 $0xFFFFFFFF  }
0xb5: {  	_ =	strace $0x90000048  }
0xb6: {  	_ =	sfence  }
0xb7: {  	s30 =	sld [smem:$0x0];
	_ =	sdelay $0x2  }
0xb8: {  	s31 =	sshll.u32 s1, $0xD;
	s1 =	sshrl.u32 s1, $0x2  }
0xb9: {  	s3 =	sand.u32 $0x4000, s31;
	s1 =	sadd.s32 s1, s30  }
0xba: {  	s0 =	sor.u32 s3, s0;
	s1 =	sshll.u32 s1, $0x11  }
0xbb: {  	s0 =	sor.u32 s1, s0  }
0xbc: {  	s0 =	sadd.s32 $0x8F2B, s0  }
0xbd: {  	[sflag:s0] =	ssyncadd.remote.s32 $0x1  }
0xbe: {  	_ =	sfence.sel $0xFFFF  }
0xbf: {  	[dreg:$0x0] =	wrdreg $0xFFFFFFFF;
	(pc) =	sbr.abs _section_cstart, $3  }
0xc0: {  	[dreg:$0x1] =	wrdreg $0xFFFFFFFF  }
0xc1: {  	_ =	task.clear_ibuf [dreg:s6], $0x2FFFF;
	_ =	strace $0x9FFFFFFF  }
0xc2: {  	(tm) =	ssettm $0x7FFFFFFF  }
0xc3: {  	_ =	shalt  }
tec
execute0_lowered:
.L_overlay_start_1:
0x0: {  	(tag) =	ssettag $0x1  }
0x1: {  	s0 =	srdreg.scid;
	s6 =	rddreg [dreg:$0x0]  }
0x2: {  	s2 =	rddreg [dreg:$0x1];
	s4 =	sand.u32 $0x1, s0  }
0x3: {  	s0 =	stileid.u32;
	s5 =	smul.u32 $0x50000, s4  }
0x4: {  	s1 =	rddreg [dreg:$0x2];
	s3 =	simm.s32 $0x0;
	s7 =	smul.u32 $0x5000, s0  }
0x5: {  	s13 =	simm.s32 $0x7D;
	s14 =	simm.s32 $0x1;
	s8 =	smul.u32 $0x2780, s0  }
0x6: {  	s15 =	simm.s32 $0x0;
	[smem:$0x7FF] =	sst s3;
	s28 =	smul.u32 $0x27800, s4  }
0x7: {  	_ =	strace $0x80000047;
	s30 =	ssub.s32 $0x2, s4;
	s4 =	sadd.s32 $0x17200, s6  }
0x8: {  	s31 =	sshll.u32 s0, $0x6;
	s11 =	sshrl.u32 s30, $0x1;
	s5 =	sadd.s32 s7, s5  }
0x9: {  	s29 =	sadd.s32 s8, s28;
	s11 =	ssub.s32 s30, s11;
	s12 =	sadd.s32 s8, s2  }
0xa: {  	s5 =	sshrl.u32 s5, $0x3;
	s10 =	sshrl.u32 s29, $0x3;
	s8 =	smax.u32 s11, $0x1  }
0xb: {  	s11 =	sor.u32 $0x1C02, s31;
	s12 =	sshrl.u32 s12, $0x3;
	s9 =	sadd.s32 s5, s6  }
0xc: {  	s5 =	sadd.s32 $0x16C00, s6;
	s10 =	sadd.s32 s10, s6;
	s6 =	sadd.s32 $0x2C00, s9  }
0xd: {  	s7 =	sadd.s32 $0x17400, s10;
	s9 =	simm.s32 $0x2;
	s10 =	simm.s32 $0x5000  }
.LBB2_1:
0xe: {  	[tilespmem:s3], [sflag:$0x2] =	stream.linear.gather [hbm4b:s6+s3], $0x5000, $0x38;
	[tilespmem:$0x7F50] =	vst v63  }
0xf: {  	_ =	swait.ge [sflag:s9], $0x5000  }
0x10: {  	[sflag:s9] =	ssyncset.done $0x0  }
0x11: {  	[sflag:s9] =	ssyncadd.s32 $0xFFFFB000  }
0x12: {  	[tilespmem:s10], [sflag:$0x2] =	stream.linear.gather [hbm4b:s4+s3], $0x7D0, $0x38;
	[tilespmem:$0x7F50] =	vst v63  }
0x13: {  	_ =	swait.ge [sflag:s9], $0x7D0  }
0x14: {  	[sflag:s9] =	ssyncset.done $0x0  }
0x15: {  	[sflag:s9] =	ssyncadd.s32 $0xFFFFF830  }
0x16: {  	[spmem:s12], [sflag:s11] =	dma.local [hbm:s5], $0x4F0  }
0x17: {  	_ =	swait.ge [sflag:s9], $0x4F0  }
0x18: {  	[sflag:s9] =	ssyncset.done $0x0  }
0x19: {  	[sflag:s9] =	ssyncadd.s32 $0xFFFFFB10  }
0x1a: {  	s16 =	simm.s32 $0x0;
	[bflag:$0x0] =	sbarrier.arrive $0xFFFF  }
0x1b: {  	[spmem:s2] =	stream.indirect.scatter.add.f32 [tilespmem:s10], [sflag:$0x1], $0x10, s16, s13, $0xb8;
	[tilespmem:$0x7F50] =	vst v63  }
0x1c: {  	s24 =	simm.s32 $0x80  }
0x1d: {  	[spmem:s2] =	stream.indirect.scatter.add.f32 [tilespmem:s10], [sflag:$0x1], $0x10, s24, s13, $0xb8;
	[tilespmem:$0x7F50] =	vst v63  }
0x1e: {  	s25 =	simm.s32 $0x100  }
0x1f: {  	[spmem:s2] =	stream.indirect.scatter.add.f32 [tilespmem:s10], [sflag:$0x1], $0x10, s25, s13, $0xb8;
	[tilespmem:$0x7F50] =	vst v63  }
0x20: {  	s26 =	simm.s32 $0x180  }
0x21: {  	[spmem:s2] =	stream.indirect.scatter.add.f32 [tilespmem:s10], [sflag:$0x1], $0x10, s26, s13, $0xb8;
	[tilespmem:$0x7F50] =	vst v63  }
0x22: {  	s28 =	simm.s32 $0x200  }
0x23: {  	[spmem:s2] =	stream.indirect.scatter.add.f32 [tilespmem:s10], [sflag:$0x1], $0x10, s28, s13, $0xb8;
	[tilespmem:$0x7F50] =	vst v63  }
0x24: {  	s29 =	simm.s32 $0x280  }
0x25: {  	[spmem:s2] =	stream.indirect.scatter.add.f32 [tilespmem:s10], [sflag:$0x1], $0x10, s29, s13, $0xb8;
	[tilespmem:$0x7F50] =	vst v63  }
0x26: {  	s30 =	simm.s32 $0x300  }
0x27: {  	[spmem:s2] =	stream.indirect.scatter.add.f32 [tilespmem:s10], [sflag:$0x1], $0x10, s30, s13, $0xb8;
	[tilespmem:$0x7F50] =	vst v63  }
0x28: {  	s31 =	simm.s32 $0x380  }
0x29: {  	[spmem:s2] =	stream.indirect.scatter.add.f32 [tilespmem:s10], [sflag:$0x1], $0x10, s31, s13, $0xb8;
	[tilespmem:$0x7F50] =	vst v63  }
0x2a: {  	_ =	swait.ge [sflag:s14], $0x7D0  }
0x2b: {  	[sflag:s14] =	ssyncset.done $0x0  }
0x2c: {  	[sflag:s14] =	ssyncadd.s32 $0xFFFFF830  }
0x2d: {  	_ =	swait.ge [sflag:s14], $0x7D0  }
0x2e: {  	[sflag:s14] =	ssyncset.done $0x0  }
0x2f: {  	[sflag:s14] =	ssyncadd.s32 $0xFFFFF830  }
0x30: {  	_ =	swait.ge [sflag:s14], $0x7D0  }
0x31: {  	[sflag:s14] =	ssyncset.done $0x0  }
0x32: {  	[sflag:s14] =	ssyncadd.s32 $0xFFFFF830  }
0x33: {  	_ =	swait.ge [sflag:s14], $0x7D0  }
0x34: {  	[sflag:s14] =	ssyncset.done $0x0  }
0x35: {  	[sflag:s14] =	ssyncadd.s32 $0xFFFFF830  }
0x36: {  	_ =	swait.ge [sflag:s14], $0x7D0  }
0x37: {  	[sflag:s14] =	ssyncset.done $0x0  }
0x38: {  	[sflag:s14] =	ssyncadd.s32 $0xFFFFF830  }
0x39: {  	_ =	swait.ge [sflag:s14], $0x7D0  }
0x3a: {  	[sflag:s14] =	ssyncset.done $0x0  }
0x3b: {  	[sflag:s14] =	ssyncadd.s32 $0xFFFFF830  }
0x3c: {  	_ =	swait.ge [sflag:s14], $0x7D0  }
0x3d: {  	[sflag:s14] =	ssyncset.done $0x0  }
0x3e: {  	[sflag:s14] =	ssyncadd.s32 $0xFFFFF830  }
0x3f: {  	_ =	swait.ge [sflag:s14], $0x7D0  }
0x40: {  	s18 =	simm.s32 $0x2000;
	s16 =	simm.s32 $0x1000;
	[sflag:s14] =	ssyncset.done $0x0  }
.LBB2_2:
0x41: {  	s19 =	sshra.s32 s16, $0x2  }
0x42: {  	[sflag:s14] =	ssyncadd.s32 $0xFFFFF830;
	s16 =	smov.u32 s18;
	s17 =	sadd.s32 $0x1000, s18  }
0x43: {  	[spmem:s2] =	stream.indirect.scatter.add.f32 [tilespmem:s10], [sflag:$0x1], $0x10, s19, s13, $0xb8;
	[tilespmem:$0x7F50] =	vst v63  }
0x44: {  	p0 =	sne.s32 s18, $0x13000;
	s18 =	sadd.s32 $0x80, s19  }
0x45: {  	[spmem:s2] =	stream.indirect.scatter.add.f32 [tilespmem:s10], [sflag:$0x1], $0x10, s18, s13, $0xb8;
	[tilespmem:$0x7F50] =	vst v63  }
0x46: {  	s18 =	sadd.s32 $0x100, s19  }
0x47: {  	[spmem:s2] =	stream.indirect.scatter.add.f32 [tilespmem:s10], [sflag:$0x1], $0x10, s18, s13, $0xb8;
	[tilespmem:$0x7F50] =	vst v63  }
0x48: {  	s18 =	sadd.s32 $0x180, s19  }
0x49: {  	[spmem:s2] =	stream.indirect.scatter.add.f32 [tilespmem:s10], [sflag:$0x1], $0x10, s18, s13, $0xb8;
	[tilespmem:$0x7F50] =	vst v63  }
0x4a: {  	s18 =	sadd.s32 $0x200, s19  }
0x4b: {  	[spmem:s2] =	stream.indirect.scatter.add.f32 [tilespmem:s10], [sflag:$0x1], $0x10, s18, s13, $0xb8;
	[tilespmem:$0x7F50] =	vst v63  }
0x4c: {  	s18 =	sadd.s32 $0x280, s19  }
0x4d: {  	[spmem:s2] =	stream.indirect.scatter.add.f32 [tilespmem:s10], [sflag:$0x1], $0x10, s18, s13, $0xb8;
	[tilespmem:$0x7F50] =	vst v63  }
0x4e: {  	s18 =	sadd.s32 $0x300, s19  }
0x4f: {  	[spmem:s2] =	stream.indirect.scatter.add.f32 [tilespmem:s10], [sflag:$0x1], $0x10, s18, s13, $0xb8;
	[tilespmem:$0x7F50] =	vst v63  }
0x50: {  	s18 =	sadd.s32 $0x380, s19  }
0x51: {  	[spmem:s2] =	stream.indirect.scatter.add.f32 [tilespmem:s10], [sflag:$0x1], $0x10, s18, s13, $0xb8;
	[tilespmem:$0x7F50] =	vst v63  }
0x52: {  	_ =	swait.ge [sflag:s14], $0x7D0  }
0x53: {  	[sflag:s14] =	ssyncset.done $0x0  }
0x54: {  	[sflag:s14] =	ssyncadd.s32 $0xFFFFF830  }
0x55: {  	_ =	swait.ge [sflag:s14], $0x7D0  }
0x56: {  	[sflag:s14] =	ssyncset.done $0x0  }
0x57: {  	[sflag:s14] =	ssyncadd.s32 $0xFFFFF830  }
0x58: {  	_ =	swait.ge [sflag:s14], $0x7D0  }
0x59: {  	[sflag:s14] =	ssyncset.done $0x0  }
0x5a: {  	[sflag:s14] =	ssyncadd.s32 $0xFFFFF830  }
0x5b: {  	_ =	swait.ge [sflag:s14], $0x7D0  }
0x5c: {  	[sflag:s14] =	ssyncset.done $0x0  }
0x5d: {  	[sflag:s14] =	ssyncadd.s32 $0xFFFFF830  }
0x5e: {  	_ =	swait.ge [sflag:s14], $0x7D0  }
0x5f: {  	[sflag:s14] =	ssyncset.done $0x0  }
0x60: {  	[sflag:s14] =	ssyncadd.s32 $0xFFFFF830  }
0x61: {  	_ =	swait.ge [sflag:s14], $0x7D0  }
0x62: {  	[sflag:s14] =	ssyncset.done $0x0  }
0x63: {  	[sflag:s14] =	ssyncadd.s32 $0xFFFFF830  }
.Ltmp0:
0x64: {  	_ =	swait.ge [sflag:s14], $0x7D0;
	(pc) =	sbr.rel @p0 .LBB2_2-.Ltmp0, $4  }
0x65: {  	[sflag:s14] =	ssyncset.done $0x0  }
0x66: {  	[sflag:s14] =	ssyncadd.s32 $0xFFFFF830  }
0x67: {  	_ =	swait.ge [sflag:s14], $0x7D0  }
0x68: {  	s18 =	smov.u32 s17;
	[sflag:s14] =	ssyncset.done $0x0  }
0x69: {  	s16 =	sshra.s32 s16, $0x2;
	[sflag:s14] =	ssyncadd.s32 $0xFFFFF830  }
0x6a: {  	[spmem:s2] =	stream.indirect.scatter.add.f32 [tilespmem:s10], [sflag:$0x1], $0x10, s16, s13, $0xb8;
	[tilespmem:$0x7F50] =	vst v63  }
0x6b: {  	s17 =	sadd.s32 $0x80, s16  }
0x6c: {  	[spmem:s2] =	stream.indirect.scatter.add.f32 [tilespmem:s10], [sflag:$0x1], $0x10, s17, s13, $0xb8;
	[tilespmem:$0x7F50] =	vst v63  }
0x6d: {  	s26 =	sadd.s32 $0x100, s16  }
0x6e: {  	[spmem:s2] =	stream.indirect.scatter.add.f32 [tilespmem:s10], [sflag:$0x1], $0x10, s26, s13, $0xb8;
	[tilespmem:$0x7F50] =	vst v63  }
0x6f: {  	s28 =	sadd.s32 $0x180, s16  }
0x70: {  	[spmem:s2] =	stream.indirect.scatter.add.f32 [tilespmem:s10], [sflag:$0x1], $0x10, s28, s13, $0xb8;
	[tilespmem:$0x7F50] =	vst v63  }
0x71: {  	s29 =	sadd.s32 $0x200, s16  }
0x72: {  	[spmem:s2] =	stream.indirect.scatter.add.f32 [tilespmem:s10], [sflag:$0x1], $0x10, s29, s13, $0xb8;
	[tilespmem:$0x7F50] =	vst v63  }
0x73: {  	s30 =	sadd.s32 $0x280, s16  }
0x74: {  	[spmem:s2] =	stream.indirect.scatter.add.f32 [tilespmem:s10], [sflag:$0x1], $0x10, s30, s13, $0xb8;
	[tilespmem:$0x7F50] =	vst v63  }
0x75: {  	s31 =	sadd.s32 $0x300, s16  }
0x76: {  	[spmem:s2] =	stream.indirect.scatter.add.f32 [tilespmem:s10], [sflag:$0x1], $0x10, s31, s13, $0xb8;
	[tilespmem:$0x7F50] =	vst v63  }
0x77: {  	s16 =	sadd.s32 $0x380, s16  }
0x78: {  	[spmem:s2] =	stream.indirect.scatter.add.f32 [tilespmem:s10], [sflag:$0x1], $0x10, s16, s13, $0xb8;
	[tilespmem:$0x7F50] =	vst v63  }
0x79: {  	_ =	swait.ge [sflag:s14], $0x7D0  }
0x7a: {  	[sflag:s14] =	ssyncset.done $0x0  }
0x7b: {  	[sflag:s14] =	ssyncadd.s32 $0xFFFFF830  }
0x7c: {  	_ =	swait.ge [sflag:s14], $0x7D0  }
0x7d: {  	[sflag:s14] =	ssyncset.done $0x0  }
0x7e: {  	[sflag:s14] =	ssyncadd.s32 $0xFFFFF830  }
0x7f: {  	_ =	swait.ge [sflag:s14], $0x7D0  }
0x80: {  	[sflag:s14] =	ssyncset.done $0x0  }
0x81: {  	[sflag:s14] =	ssyncadd.s32 $0xFFFFF830  }
0x82: {  	_ =	swait.ge [sflag:s14], $0x7D0  }
0x83: {  	[sflag:s14] =	ssyncset.done $0x0  }
0x84: {  	[sflag:s14] =	ssyncadd.s32 $0xFFFFF830  }
0x85: {  	_ =	swait.ge [sflag:s14], $0x7D0  }
0x86: {  	[sflag:s14] =	ssyncset.done $0x0  }
0x87: {  	[sflag:s14] =	ssyncadd.s32 $0xFFFFF830  }
0x88: {  	_ =	swait.ge [sflag:s14], $0x7D0  }
0x89: {  	[sflag:s14] =	ssyncset.done $0x0  }
0x8a: {  	[sflag:s14] =	ssyncadd.s32 $0xFFFFF830  }
0x8b: {  	_ =	swait.ge [sflag:s14], $0x7D0  }
0x8c: {  	[sflag:s14] =	ssyncset.done $0x0  }
0x8d: {  	[sflag:s14] =	ssyncadd.s32 $0xFFFFF830  }
0x8e: {  	_ =	swait.ge [sflag:s14], $0x7D0  }
0x8f: {  	s15 =	sadd.s32 $0x1, s15;
	[sflag:s14] =	ssyncset.done $0x0  }
0x90: {  	p0 =	sne.s32 s15, s8;
	[sflag:s14] =	ssyncadd.s32 $0xFFFFF830  }
.Ltmp1:
0x91: {  	[bflag:$0x0] =	sbarrier.arrive $0xFFFF;
	(pc) =	sbr.rel @p0 .LBB2_1-.Ltmp1, $4  }
0x92: {  	[hbm:s7], [sflag:s11] =	dma.local [spmem:s12], $0x4F0  }
0x93: {  	_ =	swait.ge [sflag:s9], $0x4F0  }
0x94: {  	[sflag:s9] =	ssyncset.done $0x0  }
0x95: {  	[sflag:s9] =	ssyncadd.s32 $0xFFFFFB10  }
0x96: {  	_ =	sfence.sel $0x180000  }
0x97: {  	[bflag:$0x0] =	sbarrier.arrive $0xFFFF  }
0x98: {  	p0 =	sne.s32 s0, $0x0;
	_ =	strace $0x90000047  }
0x99: {  	s0 =	sadd.s32 @!p0 $0x100000, s1;
	[bflag:$0x2] =	sbarrier.arrive $0xFFFF  }
0x9a: {  	[sflag:s0] =	ssyncadd.tile.s32 @!p0 $0x1;
	_ =	shalt  }
.Lfunc_end2:
_tile_overlayer_lowered:
.L_overlay_start_2:
0x9b: {  	(tag) =	ssettag $0x2  }
0x9c: {  	s0 =	rddreg [dreg:$0x0];
	s2 =	stileid.u32  }
0x9d: {  	s1 =	rddreg [dreg:$0x1];
	p0 =	sne.s32 s2, $0x0  }
0x9e: {  	s3 =	rddreg [dreg:$0x2];
	[bflag:$0x3] =	sbarrier.arrive $0xFFFF;
	s2 =	simm.s32 @!p0 $0x1C02  }
0x9f: {  	[timem:s3], [sflag:s2] =	dma.local @!p0 [hbm:s0], s1  }
0xa0: {  	s0 =	simm.s32 @!p0 $0x2  }
0xa1: {  	_ =	swait.ge @!p0 [sflag:s0], s1  }
0xa2: {  	s1 =	ssub.s32 @!p0 $0x0, s1;
	[sflag:s0] =	ssyncset.done @!p0 $0x0  }
0xa3: {  	[sflag:s0] =	ssyncadd.s32 @!p0 s1  }
0xa4: {  	[bflag:$0x3] =	sbarrier.arrive $0xFFFF  }
0xa5: {  	_ =	shalt  }

// kernel: kernel.17.cloned.1.call-start
scs
__scs_entry_jumppad:
0x0: {  	(pc) =	sbr.rel $0x88, $3  }
0x1: {  	(tag) =	ssettag $0x0;
	lr =	simm.s32 $0x1  }
0x2: {  	[smem:$0x3F8E] =	sst lr;
	_ =	strace $0xD0000000  }
0x3: {  	_ = 	snop  }
0x4: {  	_ = 	snop  }
0x5: {  	_ = 	snop  }
0x6: {  	_ = 	snop  }
0x7: {  	_ = 	snop  }
__scs_overlays_trampoline_lowered:
0x8: {  	[smem:$0x3F9D] =	sst s0  }
0x9: {  	[smem:$0x3F9E] =	sst s1  }
0xa: {  	[smem:$0x3F9F] =	sst s2  }
0xb: {  	[smem:$0x3FA0] =	sst s3  }
0xc: {  	[smem:$0x3FA1] =	sst s4  }
0xd: {  	[smem:$0x3FA2] =	sst s5  }
0xe: {  	[smem:$0x3FA3] =	sst s6  }
0xf: {  	[smem:$0x3FA4] =	sst s7  }
0x10: {  	[smem:$0x3FA5] =	sst s8  }
0x11: {  	[smem:$0x3FA6] =	sst s9;
	s0 =	simm.s32 @!p0 $0x0  }
0x12: {  	s1 =	sld [smem:$0x3F8C];
	s0 =	simm.s32 @p0 $0x1  }
0x13: {  	[smem:$0x3FA7] =	sst s0;
	s0 =	simm.s32 @!p1 $0x0  }
0x14: {  	s2 =	sld [smem:$0x3F8B];
	s0 =	simm.s32 @p1 $0x1  }
0x15: {  	[smem:$0x3FA8] =	sst s0;
	s0 =	simm.s32 @!p2 $0x0  }
0x16: {  	s3 =	sld [smem:$0x3FDB];
	s0 =	simm.s32 @p2 $0x1  }
0x17: {  	s4 =	simm.s32 $0x1BF5;
	[smem:$0x3FAA] =	sst s0  }
0x18: {  	s0 =	sld [smem:$0x3F8D];
	_ =	swait.ge [sflag:s4], $0x0  }
0x19: {  	s7 =	sld [smem:$0x3F8E]  }
0x1a: {  	s8 =	sadd.s32 $0xFFFFE003, lr  }
0x1b: {  	s9 =	sadd.s32 $0xFFFFFEF7, lr;
	s5 =	simm.s32 $0xFFFFFFFF;
	p2 =	slt.u32 s8, $0xFFFFF086  }
0x1c: {  	p1 =	slt.u32 s9, $0xF7A;
	s5 =	simm.s32 @!p2 $0x0  }
0x1d: {  	s5 =	simm.s32 @p1 $0x1;
	p0 =	seq.s32 s7, s2  }
0x1e: {  	s7 =	smul.u32 @!p0 $0xF7A, s2;
	p2 =	seq.s32 @!p0 s5, $0x0  }
0x1f: {  	s9 =	smul.u32 $0xF7A, s1;
	s8 =	simm.s32 @!p0 $0x1BF5;
	p2 =	por !p2, p0  }
0x20: {  	[sflag:s8] =	ssyncset.s32 @!p0 $0xFFFFF086;
	s6 =	sadd.s32 @!p0 s3, s7;
	s7 =	simm.s32 @!p0 $0x108  }
0x21: {  	s3 =	sadd.s32 s3, s9;
	s6 =	sadd.s32 @!p0 $0x88, s6;
	s7 =	simm.s32 @p2 $0x1082  }
0x22: {  	[simem:s7], [sflag:s8] =	dma.local @!p0 [hbm:s6], $0xF7A  }
0x23: {  	s9 =	sor.u32 $0xD0000000, s2;
	s6 =	simm.s32 $0x108;
	_ =	swait.ge @!p0 [sflag:s8], $0x0  }
0x24: {  	s3 =	sadd.s32 $0x88, s3;
	s6 =	simm.s32 @!p1 $0x1082;
	[sflag:s4] =	ssyncset.s32 $0xFFFFF086  }
0x25: {  	[simem:s6], [sflag:s4] =	dma.local [hbm:s3], $0xF7A  }
0x26: {  	[smem:$0x3F8E] =	sst s1;
	(tag) =	ssettag s2;
	_ =	strace s9  }
0x27: {  	s1 =	sld [smem:$0x3F9E]  }
0x28: {  	s2 =	sld [smem:$0x3F9F]  }
0x29: {  	s4 =	sld [smem:$0x3FA1]  }
0x2a: {  	p0 =	seq.s32 s5, $0x0;
	s5 =	sld [smem:$0x3FA2]  }
0x2b: {  	s6 =	sld [smem:$0x3FA3]  }
0x2c: {  	s7 =	sld [smem:$0x3FA4]  }
0x2d: {  	s3 =	simm.s32 $0x108;
	s8 =	sld [smem:$0x3FA5]  }
0x2e: {  	s3 =	simm.s32 @!p0 $0x1082;
	s9 =	sld [smem:$0x3FA6]  }
0x2f: {  	lr =	sadd.s32 s0, s3;
	s0 =	sld [smem:$0x3F9D]  }
0x30: {  	s3 =	sld [smem:$0x3FA0]  }
0x31: {  	[smem:$0x3FA9] =	sst s10  }
0x32: {  	s10 =	sld [smem:$0x3FA7];
	_ =	sdelay $0x3  }
0x33: {  	p0 =	seq.s32 s10, $0x1;
	s10 =	sld [smem:$0x3FA9];
	_ =	sdelay $0x3  }
0x34: {  	[smem:$0x3FA9] =	sst s10  }
0x35: {  	s10 =	sld [smem:$0x3FA8];
	_ =	sdelay $0x3  }
0x36: {  	p1 =	seq.s32 s10, $0x1;
	s10 =	sld [smem:$0x3FA9];
	_ =	sdelay $0x3  }
0x37: {  	[smem:$0x3FA9] =	sst s10  }
0x38: {  	s10 =	sld [smem:$0x3FAA]  }
0x39: {  	_ = 	snop;
	(pc) =	sbr.ind lr, $3  }
0x3a: {  	_ = 	snop  }
0x3b: {  	_ = 	snop  }
0x3c: {  	p2 =	seq.s32 s10, $0x1;
	s10 =	sld [smem:$0x3FA9]  }
0x3d: {  	_ =	shalt  }
0x3e: {  	_ =	shalt  }
0x3f: {  	_ =	shalt  }
0x40: {  	_ =	shalt  }
0x41: {  	_ =	shalt  }
0x42: {  	_ =	shalt  }
0x43: {  	_ =	shalt  }
0x44: {  	_ =	shalt  }
0x45: {  	_ =	shalt  }
0x46: {  	_ =	shalt  }
0x47: {  	_ =	shalt  }
0x48: {  	_ =	shalt  }
0x49: {  	_ =	shalt  }
0x4a: {  	_ =	shalt  }
0x4b: {  	_ =	shalt  }
0x4c: {  	_ =	shalt  }
0x4d: {  	_ =	shalt  }
0x4e: {  	_ =	shalt  }
0x4f: {  	_ =	shalt  }
0x50: {  	_ =	shalt  }
0x51: {  	_ =	shalt  }
0x52: {  	_ =	shalt  }
0x53: {  	_ =	shalt  }
0x54: {  	_ =	shalt  }
0x55: {  	_ =	shalt  }
0x56: {  	_ =	shalt  }
0x57: {  	_ =	shalt  }
0x58: {  	_ =	shalt  }
0x59: {  	_ =	shalt  }
0x5a: {  	_ =	shalt  }
0x5b: {  	_ =	shalt  }
0x5c: {  	_ =	shalt  }
0x5d: {  	_ =	shalt  }
0x5e: {  	_ =	shalt  }
0x5f: {  	_ =	shalt  }
0x60: {  	_ =	shalt  }
0x61: {  	_ =	shalt  }
0x62: {  	_ =	shalt  }
0x63: {  	_ =	shalt  }
0x64: {  	_ =	shalt  }
0x65: {  	_ =	shalt  }
0x66: {  	_ =	shalt  }
0x67: {  	_ =	shalt  }
0x68: {  	_ =	shalt  }
0x69: {  	_ =	shalt  }
0x6a: {  	_ =	shalt  }
0x6b: {  	_ =	shalt  }
0x6c: {  	_ =	shalt  }
0x6d: {  	_ =	shalt  }
0x6e: {  	_ =	shalt  }
0x6f: {  	_ =	shalt  }
0x70: {  	_ =	shalt  }
0x71: {  	_ =	shalt  }
0x72: {  	_ =	shalt  }
0x73: {  	_ =	shalt  }
0x74: {  	_ =	shalt  }
0x75: {  	_ =	shalt  }
0x76: {  	_ =	shalt  }
0x77: {  	_ =	shalt  }
0x78: {  	_ =	shalt  }
0x79: {  	_ =	shalt  }
0x7a: {  	_ =	shalt  }
0x7b: {  	_ =	shalt  }
0x7c: {  	_ =	shalt  }
0x7d: {  	_ =	shalt  }
0x7e: {  	_ =	shalt  }
0x7f: {  	_ =	shalt  }
0x80: {  	_ =	shalt  }
0x81: {  	_ =	shalt  }
0x82: {  	_ =	shalt  }
0x83: {  	_ =	shalt  }
0x84: {  	_ =	shalt  }
0x85: {  	_ =	shalt  }
0x86: {  	_ =	shalt  }
0x87: {  	_ =	shalt  }
.Lfunc_end0:
.L_simem_size_0:
called_computation.1_lowered:
.L_overlay_start_0:
0x88: {  	s2 =	sld [smem:$0x3FD9]  }
0x89: {  	s3 =	sld [smem:$0x3FFE];
	_ =	sdelay $0x1  }
0x8a: {  	s1 =	srdreg.scid  }
0x8b: {  	s0 =	sand.u32 $0x1, s1  }
0x8c: {  	s16 =	sshll.u32 s0, $0xA;
	s2 =	sadd.s32 s3, s2  }
0x8d: {  	s2 =	sadd.s32 s2, s16  }
0x8e: {  	[smem:$0x3FB5] =	sst s2  }
0x8f: {  	_ = 	snop  }
0x90: {  	(tm) =	ssettm $0x1  }
0x91: {  	s17 =	sld [smem:$0x3FFB];
	_ =	sdelay $0x3  }
0x92: {  	_ =	strace s17  }
0x93: {  	s2 =	sld [smem:$0x3FFC];
	_ =	sdelay $0x3  }
0x94: {  	_ =	strace s2  }
0x95: {  	s2 =	sld [smem:$0x3FFD];
	_ =	sdelay $0x3  }
0x96: {  	_ =	strace s2  }
0x97: {  	_ =	strace $0x8FFFFFFF  }
0x98: {  	s18 =	sld [smem:$0x3FDB];
	_ =	sdelay $0x1  }
0x99: {  	s19 =	simm.s32 $_scs_section_size  }
0x9a: {  	s4 =	simm.s32 $_size__tile_overlayer_lowered;
	s5 =	simm.s32 $_tile_overlayer_lowered  }
0x9b: {  	s22 =	simm.s32 $0x1BFF;
	s21 =	sshll.u32 s5, $0x1;
	s2 =	sadd.s32 s19, s18  }
0x9c: {  	s6 =	simm.s32 $0x0;
	s20 =	sshll.u32 s4, $0x1;
	s4 =	sadd.s32 s21, s2  }
0x9d: {  	[timem:s6], [sflag:s22] =	dma.local [hbm:s4], s20  }
0x9e: {  	_ =	swait.ge [sflag:s22], s20  }
0x9f: {  	s3 =	ssub.s32 $0x0, s20;
	[sflag:s22] =	ssyncset.done $0x0  }
0xa0: {  	[sflag:s22] =	ssyncadd.s32 s3;
	_ =	sdelay $0x1  }
0xa1: {  	s23 =	simm.s32 $0x1B8B  }
0xa2: {  	_ =	swait.ge [sflag:s23], $0x1  }
0xa3: {  	[sflag:s23] =	ssyncset.done $0x0  }
0xa4: {  	s25 =	simm.s32 $0x1B8E;
	s24 =	sld [smem:$0x3FFE];
	[sflag:s23] =	ssyncadd.s32 $0xFFFFFFFF  }
0xa5: {  	s26 =	simm.s32 $execute0_lowered;
	[smem:$0x3FD2] =	sst s25  }
0xa6: {  	s4 =	sshll.u32 s26, $0x1;
	_ =	strace $0x80000049;
	[dreg:$0x1] =	wrdreg $0xFFFFFFFF  }
0xa7: {  	s28 =	simm.s32 $_size_execute0_lowered;
	s2 =	sadd.s32 s2, s4;
	[dreg:$0x0] =	wrdreg $0x0  }
0xa8: {  	s4 =	sshll.u32 s28, $0x1;
	[dreg:$0x2] =	wrdreg s2  }
0xa9: {  	[dreg:$0x3] =	wrdreg s4  }
0xaa: {  	[dreg:$0x4] =	wrdreg $0xC0  }
0xab: {  	_ =	task [dreg:s6], $0x5FFFF  }
0xac: {  	[dreg:$0x1] =	wrdreg $0xFFFFFFFF  }
0xad: {  	[dreg:$0x0] =	wrdreg $0x60  }
0xae: {  	[dreg:$0x2] =	wrdreg s24  }
0xaf: {  	[dreg:$0x3] =	wrdreg $0x11D000  }
0xb0: {  	[dreg:$0x4] =	wrdreg $0x9  }
0xb1: {  	_ =	task.clear_ibuf [dreg:s6], $0x5FFFF;
	_ =	strace $0x90000049  }
0xb2: {  	s29 =	simm.s32 $0x9;
	_ =	strace $0x8000004B  }
0xb3: {  	_ =	swait.ge [sflag:s29], $0x1  }
0xb4: {  	[sflag:s29] =	ssyncadd.s32 $0xFFFFFFFF  }
0xb5: {  	_ =	strace $0x9000004B  }
0xb6: {  	_ =	sfence  }
0xb7: {  	s30 =	sld [smem:$0x0];
	_ =	sdelay $0x2  }
0xb8: {  	s31 =	sshll.u32 s1, $0xD;
	s1 =	sshrl.u32 s1, $0x2  }
0xb9: {  	s3 =	sand.u32 $0x4000, s31;
	s1 =	sadd.s32 s1, s30  }
0xba: {  	s0 =	sor.u32 s3, s0;
	s1 =	sshll.u32 s1, $0x11  }
0xbb: {  	s0 =	sor.u32 s1, s0  }
0xbc: {  	s0 =	sadd.s32 $0x8F2B, s0  }
0xbd: {  	[sflag:s0] =	ssyncadd.remote.s32 $0x1  }
0xbe: {  	_ =	sfence.sel $0xFFFF  }
0xbf: {  	[dreg:$0x0] =	wrdreg $0xFFFFFFFF;
	(pc) =	sbr.abs _section_cstart, $3  }
0xc0: {  	[dreg:$0x1] =	wrdreg $0xFFFFFFFF  }
0xc1: {  	_ =	task.clear_ibuf [dreg:s6], $0x2FFFF;
	_ =	strace $0x9FFFFFFF  }
0xc2: {  	(tm) =	ssettm $0x7FFFFFFF  }
0xc3: {  	_ =	shalt  }
tec
execute0_lowered:
.L_overlay_start_1:
0x0: {  	(tag) =	ssettag $0x1  }
0x1: {  	s0 =	srdreg.scid;
	s1 =	rddreg [dreg:$0x0]  }
0x2: {  	s10 =	stileid.u32;
	s2 =	rddreg [dreg:$0x1]  }
0x3: {  	s3 =	simm.s32 $0x0;
	s11 =	simm.s32 $0x5000;
	s14 =	simm.s32 $0x7D  }
0x4: {  	s15 =	simm.s32 $0xA000;
	s17 =	simm.s32 $0xBF40;
	s19 =	simm.s32 $0xDE80  }
0x5: {  	s20 =	simm.s32 $0x1;
	s22 =	simm.s32 $0xFDC0;
	s23 =	simm.s32 $0x2  }
0x6: {  	s24 =	simm.s32 $0x5;
	s28 =	simm.s32 $0x4;
	s29 =	simm.s32 $0x7  }
0x7: {  	s30 =	simm.s32 $0x8;
	s16 =	simm.s32 $0x0;
	s6 =	smul.u32 $0x5000, s10  }
0x8: {  	s0 =	sand.u32 $0x1, s0;
	s8 =	smul.u32 $0x9E00, s10;
	[smem:$0x7FF] =	sst s3  }
0x9: {  	s4 =	sadd.s32 $0x35200, s1;
	s31 =	sshll.u32 s10, $0x6;
	s5 =	smul.u32 $0x50000, s0  }
0xa: {  	s10 =	simm.s32 $0x9;
	s7 =	smul.u32 $0x9E000, s0;
	s0 =	ssub.s32 $0x2, s0  }
0xb: {  	_ =	strace $0x8000004A;
	s12 =	sor.u32 $0x1C09, s31;
	s9 =	sshrl.u32 s0, $0x1  }
0xc: {  	s13 =	sadd.s32 s8, s2;
	s5 =	sadd.s32 s6, s5;
	s25 =	sadd.s32 s8, s7  }
0xd: {  	s0 =	ssub.s32 s0, s9;
	s13 =	sshrl.u32 s13, $0x3;
	s5 =	sshrl.u32 s5, $0x3  }
0xe: {  	s6 =	sshrl.u32 s25, $0x3;
	s9 =	smax.u32 s0, $0x1;
	s25 =	simm.s32 $0x3  }
0xf: {  	s0 =	simm.s32 $0x9F80;
	s26 =	sadd.s32 s5, s1;
	s5 =	sadd.s32 $0x17200, s1  }
0x10: {  	s1 =	sadd.s32 s6, s1;
	s6 =	sadd.s32 $0x21200, s26;
	s7 =	sadd.s32 $0x2C00, s26  }
0x11: {  	s8 =	sadd.s32 $0xD1600, s1;
	s26 =	simm.s32 $0x6;
	s1 =	simm.s32 $0x9F00  }
.LBB2_1:
0x12: {  	[tilespmem:s3], [sflag:$0x9] =	stream.linear.gather [hbm4b:s6+s3], $0x5000, $0x38;
	[tilespmem:$0x1BB00] =	vst v63  }
0x13: {  	_ =	swait.ge [sflag:s10], $0x5000  }
0x14: {  	[sflag:s10] =	ssyncset.done $0x0  }
0x15: {  	[sflag:s10] =	ssyncadd.s32 $0xFFFFB000  }
0x16: {  	[tilespmem:s11], [sflag:$0x9] =	stream.linear.gather [hbm4b:s7+s3], $0x5000, $0x38;
	[tilespmem:$0x1BB00] =	vst v63  }
0x17: {  	_ =	swait.ge [sflag:s10], $0x5000  }
0x18: {  	[sflag:s10] =	ssyncset.done $0x0  }
0x19: {  	[sflag:s10] =	ssyncadd.s32 $0xFFFFB000  }
0x1a: {  	[spmem:s13], [sflag:s12] =	dma.local [hbm:s5], $0x13C0  }
0x1b: {  	_ =	swait.ge [sflag:s10], $0x13C0  }
0x1c: {  	[sflag:s10] =	ssyncset.done $0x0  }
0x1d: {  	[sflag:s10] =	ssyncadd.s32 $0xFFFFEC40  }
0x1e: {  	[bflag:$0x0] =	sbarrier.arrive $0xFFFF  }
0x1f: {  	[tilespmem:s15], [sflag:$0x1] =	stream.indirect.gather [hbm4b:s4+s14], $0x40, s3, s14, $0xb8;
	[tilespmem:$0x1BB00] =	vst v63  }
0x20: {  	s18 =	simm.s32 $0x80  }
0x21: {  	[tilespmem:s17], [sflag:$0x2] =	stream.indirect.gather [hbm4b:s4+s14], $0x40, s18, s14, $0xb8;
	[tilespmem:$0x1BB00] =	vst v63  }
0x22: {  	s31 =	simm.s32 $0x100  }
0x23: {  	[tilespmem:s19], [sflag:$0x3] =	stream.indirect.gather [hbm4b:s4+s14], $0x40, s31, s14, $0xb8;
	[tilespmem:$0x1BB00] =	vst v63  }
0x24: {  	_ =	swait.ge [sflag:s20], $0x1F40  }
0x25: {  	[sflag:s20] =	ssyncset.done $0x0  }
0x26: {  	[sflag:s20] =	ssyncadd.s32 $0xFFFFE0C0  }
0x27: {  	[spmem:s2] =	stream.indirect.scatter.add.f32 [tilespmem:s15], [sflag:$0x5], $0x40, s11, s14, $0xb8;
	[tilespmem:$0x1BB00] =	vst v63  }
0x28: {  	s21 =	simm.s32 $0x180  }
0x29: {  	[tilespmem:s22], [sflag:$0x4] =	stream.indirect.gather [hbm4b:s4+s14], $0x40, s21, s14, $0xb8;
	[tilespmem:$0x1BB00] =	vst v63  }
0x2a: {  	_ =	swait.ge [sflag:s23], $0x1F40  }
0x2b: {  	[sflag:s23] =	ssyncset.done $0x0  }
0x2c: {  	s31 =	simm.s32 $0x5080;
	[sflag:s23] =	ssyncadd.s32 $0xFFFFE0C0  }
0x2d: {  	[spmem:s2] =	stream.indirect.scatter.add.f32 [tilespmem:s17], [sflag:$0x6], $0x40, s31, s14, $0xb8;
	[tilespmem:$0x1BB00] =	vst v63  }
0x2e: {  	_ =	swait.ge [sflag:s24], $0x1F40  }
0x2f: {  	[sflag:s24] =	ssyncset.done $0x0  }
0x30: {  	s21 =	simm.s32 $0x200;
	[sflag:s24] =	ssyncadd.s32 $0xFFFFE0C0  }
0x31: {  	[tilespmem:s15], [sflag:$0x1] =	stream.indirect.gather [hbm4b:s4+s14], $0x40, s21, s14, $0xb8;
	[tilespmem:$0x1BB00] =	vst v63  }
0x32: {  	_ =	swait.ge [sflag:s25], $0x1F40  }
0x33: {  	[sflag:s25] =	ssyncset.done $0x0  }
0x34: {  	s31 =	simm.s32 $0x5100;
	[sflag:s25] =	ssyncadd.s32 $0xFFFFE0C0  }
0x35: {  	[spmem:s2] =	stream.indirect.scatter.add.f32 [tilespmem:s19], [sflag:$0x7], $0x40, s31, s14, $0xb8;
	[tilespmem:$0x1BB00] =	vst v63  }
0x36: {  	_ =	swait.ge [sflag:s26], $0x1F40  }
0x37: {  	[sflag:s26] =	ssyncset.done $0x0  }
0x38: {  	s21 =	simm.s32 $0x280;
	[sflag:s26] =	ssyncadd.s32 $0xFFFFE0C0  }
0x39: {  	[tilespmem:s17], [sflag:$0x2] =	stream.indirect.gather [hbm4b:s4+s14], $0x40, s21, s14, $0xb8;
	[tilespmem:$0x1BB00] =	vst v63  }
0x3a: {  	_ =	swait.ge [sflag:s28], $0x1F40  }
0x3b: {  	[sflag:s28] =	ssyncset.done $0x0  }
0x3c: {  	s31 =	simm.s32 $0x5180;
	[sflag:s28] =	ssyncadd.s32 $0xFFFFE0C0  }
0x3d: {  	[spmem:s2] =	stream.indirect.scatter.add.f32 [tilespmem:s22], [sflag:$0x8], $0x40, s31, s14, $0xb8;
	[tilespmem:$0x1BB00] =	vst v63  }
0x3e: {  	_ =	swait.ge [sflag:s29], $0x1F40  }
0x3f: {  	[sflag:s29] =	ssyncset.done $0x0  }
0x40: {  	s21 =	simm.s32 $0x300;
	[sflag:s29] =	ssyncadd.s32 $0xFFFFE0C0  }
0x41: {  	[tilespmem:s19], [sflag:$0x3] =	stream.indirect.gather [hbm4b:s4+s14], $0x40, s21, s14, $0xb8;
	[tilespmem:$0x1BB00] =	vst v63  }
0x42: {  	_ =	swait.ge [sflag:s20], $0x1F40  }
0x43: {  	[sflag:s20] =	ssyncset.done $0x0  }
0x44: {  	s31 =	simm.s32 $0x5200;
	[sflag:s20] =	ssyncadd.s32 $0xFFFFE0C0  }
0x45: {  	[spmem:s2] =	stream.indirect.scatter.add.f32 [tilespmem:s15], [sflag:$0x5], $0x40, s31, s14, $0xb8;
	[tilespmem:$0x1BB00] =	vst v63  }
0x46: {  	_ =	swait.ge [sflag:s30], $0x1F40  }
0x47: {  	[sflag:s30] =	ssyncset.done $0x0  }
0x48: {  	s18 =	simm.s32 $0x800;
	s21 =	simm.s32 $0x380;
	[sflag:s30] =	ssyncadd.s32 $0xFFFFE0C0  }
.LBB2_2:
0x49: {  	[tilespmem:s22], [sflag:$0x4] =	stream.indirect.gather [hbm4b:s4+s14], $0x40, s21, s14, $0xb8;
	[tilespmem:$0x1BB00] =	vst v63  }
0x4a: {  	s21 =	smov.u32 s18  }
0x4b: {  	p0 =	sne.s32 s18, $0x13000;
	s18 =	sadd.s32 $0x800, s18;
	_ =	swait.ge [sflag:s23], $0x1F40  }
0x4c: {  	s21 =	sshra.s32 s21, $0x2;
	[sflag:s23] =	ssyncset.done $0x0  }
0x4d: {  	s31 =	sadd.s32 $0x5080, s21;
	[sflag:s23] =	ssyncadd.s32 $0xFFFFE0C0  }
0x4e: {  	[spmem:s2] =	stream.indirect.scatter.add.f32 [tilespmem:s17], [sflag:$0x6], $0x40, s31, s14, $0xb8;
	[tilespmem:$0x1BB00] =	vst v63  }
0x4f: {  	_ =	swait.ge [sflag:s24], $0x1F40  }
0x50: {  	[sflag:s24] =	ssyncset.done $0x0  }
0x51: {  	s31 =	sadd.s32 $0x200, s21;
	[sflag:s24] =	ssyncadd.s32 $0xFFFFE0C0  }
0x52: {  	[tilespmem:s15], [sflag:$0x1] =	stream.indirect.gather [hbm4b:s4+s14], $0x40, s31, s14, $0xb8;
	[tilespmem:$0x1BB00] =	vst v63  }
0x53: {  	_ =	swait.ge [sflag:s25], $0x1F40  }
0x54: {  	[sflag:s25] =	ssyncset.done $0x0  }
0x55: {  	s31 =	sadd.s32 $0x5100, s21;
	[sflag:s25] =	ssyncadd.s32 $0xFFFFE0C0  }
0x56: {  	[spmem:s2] =	stream.indirect.scatter.add.f32 [tilespmem:s19], [sflag:$0x7], $0x40, s31, s14, $0xb8;
	[tilespmem:$0x1BB00] =	vst v63  }
0x57: {  	_ =	swait.ge [sflag:s26], $0x1F40  }
0x58: {  	[sflag:s26] =	ssyncset.done $0x0  }
0x59: {  	s31 =	sadd.s32 $0x280, s21;
	[sflag:s26] =	ssyncadd.s32 $0xFFFFE0C0  }
0x5a: {  	[tilespmem:s17], [sflag:$0x2] =	stream.indirect.gather [hbm4b:s4+s14], $0x40, s31, s14, $0xb8;
	[tilespmem:$0x1BB00] =	vst v63  }
0x5b: {  	_ =	swait.ge [sflag:s28], $0x1F40  }
0x5c: {  	[sflag:s28] =	ssyncset.done $0x0  }
0x5d: {  	s31 =	sadd.s32 $0x5180, s21;
	[sflag:s28] =	ssyncadd.s32 $0xFFFFE0C0  }
0x5e: {  	[spmem:s2] =	stream.indirect.scatter.add.f32 [tilespmem:s22], [sflag:$0x8], $0x40, s31, s14, $0xb8;
	[tilespmem:$0x1BB00] =	vst v63  }
0x5f: {  	_ =	swait.ge [sflag:s29], $0x1F40  }
0x60: {  	[sflag:s29] =	ssyncset.done $0x0  }
0x61: {  	s31 =	sadd.s32 $0x300, s21;
	[sflag:s29] =	ssyncadd.s32 $0xFFFFE0C0  }
0x62: {  	[tilespmem:s19], [sflag:$0x3] =	stream.indirect.gather [hbm4b:s4+s14], $0x40, s31, s14, $0xb8;
	[tilespmem:$0x1BB00] =	vst v63  }
0x63: {  	_ =	swait.ge [sflag:s20], $0x1F40  }
0x64: {  	[sflag:s20] =	ssyncset.done $0x0  }
.Ltmp0:
0x65: {  	s31 =	sadd.s32 $0x5200, s21;
	[sflag:s20] =	ssyncadd.s32 $0xFFFFE0C0;
	(pc) =	sbr.rel @p0 .LBB2_2-.Ltmp0, $4  }
0x66: {  	[spmem:s2] =	stream.indirect.scatter.add.f32 [tilespmem:s15], [sflag:$0x5], $0x40, s31, s14, $0xb8;
	[tilespmem:$0x1BB00] =	vst v63  }
0x67: {  	_ =	swait.ge [sflag:s30], $0x1F40  }
0x68: {  	[sflag:s30] =	ssyncset.done $0x0  }
0x69: {  	s21 =	sadd.s32 $0x380, s21;
	[sflag:s30] =	ssyncadd.s32 $0xFFFFE0C0  }
0x6a: {  	[tilespmem:s22], [sflag:$0x4] =	stream.indirect.gather [hbm4b:s4+s14], $0x40, s21, s14, $0xb8;
	[tilespmem:$0x1BB00] =	vst v63  }
0x6b: {  	_ =	swait.ge [sflag:s23], $0x1F40  }
0x6c: {  	[sflag:s23] =	ssyncset.done $0x0  }
0x6d: {  	s18 =	simm.s32 $0x9E80;
	[sflag:s23] =	ssyncadd.s32 $0xFFFFE0C0  }
0x6e: {  	[spmem:s2] =	stream.indirect.scatter.add.f32 [tilespmem:s17], [sflag:$0x6], $0x40, s18, s14, $0xb8;
	[tilespmem:$0x1BB00] =	vst v63  }
0x6f: {  	_ =	swait.ge [sflag:s24], $0x1F40  }
0x70: {  	[sflag:s24] =	ssyncset.done $0x0  }
0x71: {  	[sflag:s24] =	ssyncadd.s32 $0xFFFFE0C0  }
0x72: {  	_ =	swait.ge [sflag:s25], $0x1F40  }
0x73: {  	[sflag:s25] =	ssyncset.done $0x0  }
0x74: {  	[sflag:s25] =	ssyncadd.s32 $0xFFFFE0C0  }
0x75: {  	[spmem:s2] =	stream.indirect.scatter.add.f32 [tilespmem:s19], [sflag:$0x7], $0x40, s1, s14, $0xb8;
	[tilespmem:$0x1BB00] =	vst v63  }
0x76: {  	_ =	swait.ge [sflag:s26], $0x1F40  }
0x77: {  	[sflag:s26] =	ssyncset.done $0x0  }
0x78: {  	[sflag:s26] =	ssyncadd.s32 $0xFFFFE0C0  }
0x79: {  	_ =	swait.ge [sflag:s28], $0x1F40  }
0x7a: {  	[sflag:s28] =	ssyncset.done $0x0  }
0x7b: {  	[sflag:s28] =	ssyncadd.s32 $0xFFFFE0C0  }
0x7c: {  	[spmem:s2] =	stream.indirect.scatter.add.f32 [tilespmem:s22], [sflag:$0x8], $0x40, s0, s14, $0xb8;
	[tilespmem:$0x1BB00] =	vst v63  }
0x7d: {  	_ =	swait.ge [sflag:s29], $0x1F40  }
0x7e: {  	[sflag:s29] =	ssyncset.done $0x0  }
0x7f: {  	[sflag:s29] =	ssyncadd.s32 $0xFFFFE0C0  }
0x80: {  	_ =	swait.ge [sflag:s30], $0x1F40  }
0x81: {  	s16 =	sadd.s32 $0x1, s16;
	[sflag:s30] =	ssyncset.done $0x0  }
0x82: {  	p0 =	sne.s32 s16, s9;
	[sflag:s30] =	ssyncadd.s32 $0xFFFFE0C0  }
.Ltmp1:
0x83: {  	[bflag:$0x0] =	sbarrier.arrive $0xFFFF;
	(pc) =	sbr.rel @p0 .LBB2_1-.Ltmp1, $4  }
0x84: {  	[hbm:s8], [sflag:s12] =	dma.local [spmem:s13], $0x13C0  }
0x85: {  	_ =	swait.ge [sflag:s10], $0x13C0  }
0x86: {  	[sflag:s10] =	ssyncset.done $0x0  }
0x87: {  	[sflag:s10] =	ssyncadd.s32 $0xFFFFEC40  }
0x88: {  	_ =	sfence.sel $0x180000  }
0x89: {  	[bflag:$0x0] =	sbarrier.arrive $0xFFFF  }
0x8a: {  	_ =	strace $0x9000004A  }
0x8b: {  	s0 =	stileid.u32;
	[bflag:$0x2] =	sbarrier.arrive $0xFFFF  }
0x8c: {  	p0 =	sne.s32 s0, $0x0;
	s0 =	rddreg [dreg:$0x2]  }
0x8d: {  	s0 =	sadd.s32 @!p0 $0x100000, s0  }
0x8e: {  	[sflag:s0] =	ssyncadd.tile.s32 @!p0 $0x1;
	_ =	shalt  }
.Lfunc_end2:
_tile_overlayer_lowered:
.L_overlay_start_2:
0x8f: {  	(tag) =	ssettag $0x2  }
0x90: {  	s0 =	rddreg [dreg:$0x0];
	s2 =	stileid.u32  }
0x91: {  	s1 =	rddreg [dreg:$0x1];
	p0 =	sne.s32 s2, $0x0  }
0x92: {  	s3 =	rddreg [dreg:$0x2];
	[bflag:$0x3] =	sbarrier.arrive $0xFFFF;
	s2 =	simm.s32 @!p0 $0x1C09  }
0x93: {  	[timem:s3], [sflag:s2] =	dma.local @!p0 [hbm:s0], s1  }
0x94: {  	s0 =	simm.s32 @!p0 $0x9  }
0x95: {  	_ =	swait.ge @!p0 [sflag:s0], s1  }
0x96: {  	s1 =	ssub.s32 @!p0 $0x0, s1;
	[sflag:s0] =	ssyncset.done @!p0 $0x0  }
0x97: {  	[sflag:s0] =	ssyncadd.s32 @!p0 s1  }
0x98: {  	[bflag:$0x3] =	sbarrier.arrive $0xFFFF  }
0x99: {  	_ =	shalt  }

// kernel: kernel.20.cloned.1.call-start
scs
__scs_entry_jumppad:
0x0: {  	(pc) =	sbr.rel $0x88, $3  }
0x1: {  	(tag) =	ssettag $0x0;
	lr =	simm.s32 $0x1  }
0x2: {  	[smem:$0x3F8E] =	sst lr;
	_ =	strace $0xD0000000  }
0x3: {  	_ = 	snop  }
0x4: {  	_ = 	snop  }
0x5: {  	_ = 	snop  }
0x6: {  	_ = 	snop  }
0x7: {  	_ = 	snop  }
__scs_overlays_trampoline_lowered:
0x8: {  	[smem:$0x3F9D] =	sst s0  }
0x9: {  	[smem:$0x3F9E] =	sst s1  }
0xa: {  	[smem:$0x3F9F] =	sst s2  }
0xb: {  	[smem:$0x3FA0] =	sst s3  }
0xc: {  	[smem:$0x3FA1] =	sst s4  }
0xd: {  	[smem:$0x3FA2] =	sst s5  }
0xe: {  	[smem:$0x3FA3] =	sst s6  }
0xf: {  	[smem:$0x3FA4] =	sst s7  }
0x10: {  	[smem:$0x3FA5] =	sst s8  }
0x11: {  	[smem:$0x3FA6] =	sst s9;
	s0 =	simm.s32 @!p0 $0x0  }
0x12: {  	s1 =	sld [smem:$0x3F8C];
	s0 =	simm.s32 @p0 $0x1  }
0x13: {  	[smem:$0x3FA7] =	sst s0;
	s0 =	simm.s32 @!p1 $0x0  }
0x14: {  	s2 =	sld [smem:$0x3F8B];
	s0 =	simm.s32 @p1 $0x1  }
0x15: {  	[smem:$0x3FA8] =	sst s0;
	s0 =	simm.s32 @!p2 $0x0  }
0x16: {  	s3 =	sld [smem:$0x3FDB];
	s0 =	simm.s32 @p2 $0x1  }
0x17: {  	s4 =	simm.s32 $0x1BF5;
	[smem:$0x3FAA] =	sst s0  }
0x18: {  	s0 =	sld [smem:$0x3F8D];
	_ =	swait.ge [sflag:s4], $0x0  }
0x19: {  	s7 =	sld [smem:$0x3F8E]  }
0x1a: {  	s8 =	sadd.s32 $0xFFFFE003, lr  }
0x1b: {  	s9 =	sadd.s32 $0xFFFFFEF7, lr;
	s5 =	simm.s32 $0xFFFFFFFF;
	p2 =	slt.u32 s8, $0xFFFFF086  }
0x1c: {  	p1 =	slt.u32 s9, $0xF7A;
	s5 =	simm.s32 @!p2 $0x0  }
0x1d: {  	s5 =	simm.s32 @p1 $0x1;
	p0 =	seq.s32 s7, s2  }
0x1e: {  	s7 =	smul.u32 @!p0 $0xF7A, s2;
	p2 =	seq.s32 @!p0 s5, $0x0  }
0x1f: {  	s9 =	smul.u32 $0xF7A, s1;
	s8 =	simm.s32 @!p0 $0x1BF5;
	p2 =	por !p2, p0  }
0x20: {  	[sflag:s8] =	ssyncset.s32 @!p0 $0xFFFFF086;
	s6 =	sadd.s32 @!p0 s3, s7;
	s7 =	simm.s32 @!p0 $0x108  }
0x21: {  	s3 =	sadd.s32 s3, s9;
	s6 =	sadd.s32 @!p0 $0x88, s6;
	s7 =	simm.s32 @p2 $0x1082  }
0x22: {  	[simem:s7], [sflag:s8] =	dma.local @!p0 [hbm:s6], $0xF7A  }
0x23: {  	s9 =	sor.u32 $0xD0000000, s2;
	s6 =	simm.s32 $0x108;
	_ =	swait.ge @!p0 [sflag:s8], $0x0  }
0x24: {  	s3 =	sadd.s32 $0x88, s3;
	s6 =	simm.s32 @!p1 $0x1082;
	[sflag:s4] =	ssyncset.s32 $0xFFFFF086  }
0x25: {  	[simem:s6], [sflag:s4] =	dma.local [hbm:s3], $0xF7A  }
0x26: {  	[smem:$0x3F8E] =	sst s1;
	(tag) =	ssettag s2;
	_ =	strace s9  }
0x27: {  	s1 =	sld [smem:$0x3F9E]  }
0x28: {  	s2 =	sld [smem:$0x3F9F]  }
0x29: {  	s4 =	sld [smem:$0x3FA1]  }
0x2a: {  	p0 =	seq.s32 s5, $0x0;
	s5 =	sld [smem:$0x3FA2]  }
0x2b: {  	s6 =	sld [smem:$0x3FA3]  }
0x2c: {  	s7 =	sld [smem:$0x3FA4]  }
0x2d: {  	s3 =	simm.s32 $0x108;
	s8 =	sld [smem:$0x3FA5]  }
0x2e: {  	s3 =	simm.s32 @!p0 $0x1082;
	s9 =	sld [smem:$0x3FA6]  }
0x2f: {  	lr =	sadd.s32 s0, s3;
	s0 =	sld [smem:$0x3F9D]  }
0x30: {  	s3 =	sld [smem:$0x3FA0]  }
0x31: {  	[smem:$0x3FA9] =	sst s10  }
0x32: {  	s10 =	sld [smem:$0x3FA7];
	_ =	sdelay $0x3  }
0x33: {  	p0 =	seq.s32 s10, $0x1;
	s10 =	sld [smem:$0x3FA9];
	_ =	sdelay $0x3  }
0x34: {  	[smem:$0x3FA9] =	sst s10  }
0x35: {  	s10 =	sld [smem:$0x3FA8];
	_ =	sdelay $0x3  }
0x36: {  	p1 =	seq.s32 s10, $0x1;
	s10 =	sld [smem:$0x3FA9];
	_ =	sdelay $0x3  }
0x37: {  	[smem:$0x3FA9] =	sst s10  }
0x38: {  	s10 =	sld [smem:$0x3FAA]  }
0x39: {  	_ = 	snop;
	(pc) =	sbr.ind lr, $3  }
0x3a: {  	_ = 	snop  }
0x3b: {  	_ = 	snop  }
0x3c: {  	p2 =	seq.s32 s10, $0x1;
	s10 =	sld [smem:$0x3FA9]  }
0x3d: {  	_ =	shalt  }
0x3e: {  	_ =	shalt  }
0x3f: {  	_ =	shalt  }
0x40: {  	_ =	shalt  }
0x41: {  	_ =	shalt  }
0x42: {  	_ =	shalt  }
0x43: {  	_ =	shalt  }
0x44: {  	_ =	shalt  }
0x45: {  	_ =	shalt  }
0x46: {  	_ =	shalt  }
0x47: {  	_ =	shalt  }
0x48: {  	_ =	shalt  }
0x49: {  	_ =	shalt  }
0x4a: {  	_ =	shalt  }
0x4b: {  	_ =	shalt  }
0x4c: {  	_ =	shalt  }
0x4d: {  	_ =	shalt  }
0x4e: {  	_ =	shalt  }
0x4f: {  	_ =	shalt  }
0x50: {  	_ =	shalt  }
0x51: {  	_ =	shalt  }
0x52: {  	_ =	shalt  }
0x53: {  	_ =	shalt  }
0x54: {  	_ =	shalt  }
0x55: {  	_ =	shalt  }
0x56: {  	_ =	shalt  }
0x57: {  	_ =	shalt  }
0x58: {  	_ =	shalt  }
0x59: {  	_ =	shalt  }
0x5a: {  	_ =	shalt  }
0x5b: {  	_ =	shalt  }
0x5c: {  	_ =	shalt  }
0x5d: {  	_ =	shalt  }
0x5e: {  	_ =	shalt  }
0x5f: {  	_ =	shalt  }
0x60: {  	_ =	shalt  }
0x61: {  	_ =	shalt  }
0x62: {  	_ =	shalt  }
0x63: {  	_ =	shalt  }
0x64: {  	_ =	shalt  }
0x65: {  	_ =	shalt  }
0x66: {  	_ =	shalt  }
0x67: {  	_ =	shalt  }
0x68: {  	_ =	shalt  }
0x69: {  	_ =	shalt  }
0x6a: {  	_ =	shalt  }
0x6b: {  	_ =	shalt  }
0x6c: {  	_ =	shalt  }
0x6d: {  	_ =	shalt  }
0x6e: {  	_ =	shalt  }
0x6f: {  	_ =	shalt  }
0x70: {  	_ =	shalt  }
0x71: {  	_ =	shalt  }
0x72: {  	_ =	shalt  }
0x73: {  	_ =	shalt  }
0x74: {  	_ =	shalt  }
0x75: {  	_ =	shalt  }
0x76: {  	_ =	shalt  }
0x77: {  	_ =	shalt  }
0x78: {  	_ =	shalt  }
0x79: {  	_ =	shalt  }
0x7a: {  	_ =	shalt  }
0x7b: {  	_ =	shalt  }
0x7c: {  	_ =	shalt  }
0x7d: {  	_ =	shalt  }
0x7e: {  	_ =	shalt  }
0x7f: {  	_ =	shalt  }
0x80: {  	_ =	shalt  }
0x81: {  	_ =	shalt  }
0x82: {  	_ =	shalt  }
0x83: {  	_ =	shalt  }
0x84: {  	_ =	shalt  }
0x85: {  	_ =	shalt  }
0x86: {  	_ =	shalt  }
0x87: {  	_ =	shalt  }
.Lfunc_end0:
.L_simem_size_0:
called_computation.2_lowered:
.L_overlay_start_0:
0x88: {  	s2 =	sld [smem:$0x3FD9]  }
0x89: {  	s3 =	sld [smem:$0x3FFE];
	_ =	sdelay $0x1  }
0x8a: {  	s1 =	srdreg.scid  }
0x8b: {  	s0 =	sand.u32 $0x1, s1  }
0x8c: {  	s16 =	sshll.u32 s0, $0xA;
	s2 =	sadd.s32 s3, s2  }
0x8d: {  	s2 =	sadd.s32 s2, s16  }
0x8e: {  	[smem:$0x3FB5] =	sst s2  }
0x8f: {  	_ = 	snop  }
0x90: {  	(tm) =	ssettm $0x1  }
0x91: {  	s17 =	sld [smem:$0x3FFB];
	_ =	sdelay $0x3  }
0x92: {  	_ =	strace s17  }
0x93: {  	s2 =	sld [smem:$0x3FFC];
	_ =	sdelay $0x3  }
0x94: {  	_ =	strace s2  }
0x95: {  	s2 =	sld [smem:$0x3FFD];
	_ =	sdelay $0x3  }
0x96: {  	_ =	strace s2  }
0x97: {  	_ =	strace $0x8FFFFFFF  }
0x98: {  	s18 =	sld [smem:$0x3FDB];
	_ =	sdelay $0x1  }
0x99: {  	s19 =	simm.s32 $_scs_section_size  }
0x9a: {  	s4 =	simm.s32 $_size__tile_overlayer_lowered;
	s5 =	simm.s32 $_tile_overlayer_lowered  }
0x9b: {  	s22 =	simm.s32 $0x1BFF;
	s21 =	sshll.u32 s5, $0x1;
	s2 =	sadd.s32 s19, s18  }
0x9c: {  	s6 =	simm.s32 $0x0;
	s20 =	sshll.u32 s4, $0x1;
	s4 =	sadd.s32 s21, s2  }
0x9d: {  	[timem:s6], [sflag:s22] =	dma.local [hbm:s4], s20  }
0x9e: {  	_ =	swait.ge [sflag:s22], s20  }
0x9f: {  	s3 =	ssub.s32 $0x0, s20;
	[sflag:s22] =	ssyncset.done $0x0  }
0xa0: {  	[sflag:s22] =	ssyncadd.s32 s3;
	_ =	sdelay $0x1  }
0xa1: {  	s23 =	simm.s32 $0x1B8B  }
0xa2: {  	_ =	swait.ge [sflag:s23], $0x1  }
0xa3: {  	[sflag:s23] =	ssyncset.done $0x0  }
0xa4: {  	s25 =	simm.s32 $0x1B8E;
	s24 =	sld [smem:$0x3FFE];
	[sflag:s23] =	ssyncadd.s32 $0xFFFFFFFF  }
0xa5: {  	s26 =	simm.s32 $execute0_lowered;
	[smem:$0x3FD2] =	sst s25  }
0xa6: {  	s4 =	sshll.u32 s26, $0x1;
	_ =	strace $0x8000004C;
	[dreg:$0x1] =	wrdreg $0xFFFFFFFF  }
0xa7: {  	s28 =	simm.s32 $_size_execute0_lowered;
	s2 =	sadd.s32 s2, s4;
	[dreg:$0x0] =	wrdreg $0x0  }
0xa8: {  	s4 =	sshll.u32 s28, $0x1;
	[dreg:$0x2] =	wrdreg s2  }
0xa9: {  	[dreg:$0x3] =	wrdreg s4  }
0xaa: {  	[dreg:$0x4] =	wrdreg $0xC0  }
0xab: {  	_ =	task [dreg:s6], $0x5FFFF  }
0xac: {  	[dreg:$0x1] =	wrdreg $0xFFFFFFFF  }
0xad: {  	[dreg:$0x0] =	wrdreg $0x60  }
0xae: {  	[dreg:$0x2] =	wrdreg s24  }
0xaf: {  	[dreg:$0x3] =	wrdreg $0xDE800  }
0xb0: {  	[dreg:$0x4] =	wrdreg $0x9  }
0xb1: {  	_ =	task.clear_ibuf [dreg:s6], $0x5FFFF;
	_ =	strace $0x9000004C  }
0xb2: {  	s29 =	simm.s32 $0x9;
	_ =	strace $0x8000004E  }
0xb3: {  	_ =	swait.ge [sflag:s29], $0x1  }
0xb4: {  	[sflag:s29] =	ssyncadd.s32 $0xFFFFFFFF  }
0xb5: {  	_ =	strace $0x9000004E  }
0xb6: {  	_ =	sfence  }
0xb7: {  	s30 =	sld [smem:$0x0];
	_ =	sdelay $0x2  }
0xb8: {  	s31 =	sshll.u32 s1, $0xD;
	s1 =	sshrl.u32 s1, $0x2  }
0xb9: {  	s3 =	sand.u32 $0x4000, s31;
	s1 =	sadd.s32 s1, s30  }
0xba: {  	s0 =	sor.u32 s3, s0;
	s1 =	sshll.u32 s1, $0x11  }
0xbb: {  	s0 =	sor.u32 s1, s0  }
0xbc: {  	s0 =	sadd.s32 $0x8F2B, s0  }
0xbd: {  	[sflag:s0] =	ssyncadd.remote.s32 $0x1  }
0xbe: {  	_ =	sfence.sel $0xFFFF  }
0xbf: {  	[dreg:$0x0] =	wrdreg $0xFFFFFFFF;
	(pc) =	sbr.abs _section_cstart, $3  }
0xc0: {  	[dreg:$0x1] =	wrdreg $0xFFFFFFFF  }
0xc1: {  	_ =	task.clear_ibuf [dreg:s6], $0x2FFFF;
	_ =	strace $0x9FFFFFFF  }
0xc2: {  	(tm) =	ssettm $0x7FFFFFFF  }
0xc3: {  	_ =	shalt  }
tec
execute0_lowered:
.L_overlay_start_1:
0x0: {  	(tag) =	ssettag $0x1  }
0x1: {  	s0 =	srdreg.scid;
	s1 =	rddreg [dreg:$0x0]  }
0x2: {  	s10 =	stileid.u32;
	s2 =	rddreg [dreg:$0x1]  }
0x3: {  	s3 =	simm.s32 $0x0;
	s11 =	simm.s32 $0x5000;
	s14 =	simm.s32 $0x7D  }
0x4: {  	s15 =	simm.s32 $0xA000;
	s17 =	simm.s32 $0xAFA0;
	s19 =	simm.s32 $0xBF40  }
0x5: {  	s20 =	simm.s32 $0x1;
	s22 =	simm.s32 $0xCEE0;
	s23 =	simm.s32 $0x2  }
0x6: {  	s24 =	simm.s32 $0x5;
	s28 =	simm.s32 $0x4;
	s29 =	simm.s32 $0x7  }
0x7: {  	s30 =	simm.s32 $0x8;
	s16 =	simm.s32 $0x0;
	s6 =	smul.u32 $0x5000, s10  }
0x8: {  	s0 =	sand.u32 $0x1, s0;
	s8 =	smul.u32 $0x4F00, s10;
	[smem:$0x7FF] =	sst s3  }
0x9: {  	s4 =	sadd.s32 $0x35200, s1;
	s31 =	sshll.u32 s10, $0x6;
	s5 =	smul.u32 $0x50000, s0  }
0xa: {  	s10 =	simm.s32 $0x9;
	s7 =	smul.u32 $0x4F000, s0;
	s0 =	ssub.s32 $0x2, s0  }
0xb: {  	_ =	strace $0x8000004D;
	s12 =	sor.u32 $0x1C09, s31;
	s9 =	sshrl.u32 s0, $0x1  }
0xc: {  	s13 =	sadd.s32 s8, s2;
	s5 =	sadd.s32 s6, s5;
	s25 =	sadd.s32 s8, s7  }
0xd: {  	s0 =	ssub.s32 s0, s9;
	s13 =	sshrl.u32 s13, $0x3;
	s5 =	sshrl.u32 s5, $0x3  }
0xe: {  	s6 =	sshrl.u32 s25, $0x3;
	s9 =	smax.u32 s0, $0x1;
	s25 =	simm.s32 $0x3  }
0xf: {  	s0 =	simm.s32 $0x9F80;
	s26 =	sadd.s32 s5, s1;
	s5 =	sadd.s32 $0x17200, s1  }
0x10: {  	s1 =	sadd.s32 s6, s1;
	s6 =	sadd.s32 $0x21200, s26;
	s7 =	sadd.s32 $0x2C00, s26  }
0x11: {  	s8 =	sadd.s32 $0x48C00, s1;
	s26 =	simm.s32 $0x6;
	s1 =	simm.s32 $0x9F00  }
.LBB2_1:
0x12: {  	[tilespmem:s3], [sflag:$0x9] =	stream.linear.gather [hbm4b:s6+s3], $0x5000, $0x38;
	[tilespmem:$0x12D80] =	vst v63  }
0x13: {  	_ =	swait.ge [sflag:s10], $0x5000  }
0x14: {  	[sflag:s10] =	ssyncset.done $0x0  }
0x15: {  	[sflag:s10] =	ssyncadd.s32 $0xFFFFB000  }
0x16: {  	[tilespmem:s11], [sflag:$0x9] =	stream.linear.gather [hbm4b:s7+s3], $0x5000, $0x38;
	[tilespmem:$0x12D80] =	vst v63  }
0x17: {  	_ =	swait.ge [sflag:s10], $0x5000  }
0x18: {  	[sflag:s10] =	ssyncset.done $0x0  }
0x19: {  	[sflag:s10] =	ssyncadd.s32 $0xFFFFB000  }
0x1a: {  	[spmem:s13], [sflag:s12] =	dma.local [hbm:s5], $0x9E0  }
0x1b: {  	_ =	swait.ge [sflag:s10], $0x9E0  }
0x1c: {  	[sflag:s10] =	ssyncset.done $0x0  }
0x1d: {  	[sflag:s10] =	ssyncadd.s32 $0xFFFFF620  }
0x1e: {  	[bflag:$0x0] =	sbarrier.arrive $0xFFFF  }
0x1f: {  	[tilespmem:s15], [sflag:$0x1] =	stream.indirect.gather [hbm4b:s4+s14], $0x20, s3, s14, $0xb8;
	[tilespmem:$0x12D80] =	vst v63  }
0x20: {  	s18 =	simm.s32 $0x80  }
0x21: {  	[tilespmem:s17], [sflag:$0x2] =	stream.indirect.gather [hbm4b:s4+s14], $0x20, s18, s14, $0xb8;
	[tilespmem:$0x12D80] =	vst v63  }
0x22: {  	s31 =	simm.s32 $0x100  }
0x23: {  	[tilespmem:s19], [sflag:$0x3] =	stream.indirect.gather [hbm4b:s4+s14], $0x20, s31, s14, $0xb8;
	[tilespmem:$0x12D80] =	vst v63  }
0x24: {  	_ =	swait.ge [sflag:s20], $0xFA0  }
0x25: {  	[sflag:s20] =	ssyncset.done $0x0  }
0x26: {  	[sflag:s20] =	ssyncadd.s32 $0xFFFFF060  }
0x27: {  	[spmem:s2] =	stream.indirect.scatter.add.f32 [tilespmem:s15], [sflag:$0x5], $0x20, s11, s14, $0xb8;
	[tilespmem:$0x12D80] =	vst v63  }
0x28: {  	s21 =	simm.s32 $0x180  }
0x29: {  	[tilespmem:s22], [sflag:$0x4] =	stream.indirect.gather [hbm4b:s4+s14], $0x20, s21, s14, $0xb8;
	[tilespmem:$0x12D80] =	vst v63  }
0x2a: {  	_ =	swait.ge [sflag:s23], $0xFA0  }
0x2b: {  	[sflag:s23] =	ssyncset.done $0x0  }
0x2c: {  	s31 =	simm.s32 $0x5080;
	[sflag:s23] =	ssyncadd.s32 $0xFFFFF060  }
0x2d: {  	[spmem:s2] =	stream.indirect.scatter.add.f32 [tilespmem:s17], [sflag:$0x6], $0x20, s31, s14, $0xb8;
	[tilespmem:$0x12D80] =	vst v63  }
0x2e: {  	_ =	swait.ge [sflag:s24], $0xFA0  }
0x2f: {  	[sflag:s24] =	ssyncset.done $0x0  }
0x30: {  	s21 =	simm.s32 $0x200;
	[sflag:s24] =	ssyncadd.s32 $0xFFFFF060  }
0x31: {  	[tilespmem:s15], [sflag:$0x1] =	stream.indirect.gather [hbm4b:s4+s14], $0x20, s21, s14, $0xb8;
	[tilespmem:$0x12D80] =	vst v63  }
0x32: {  	_ =	swait.ge [sflag:s25], $0xFA0  }
0x33: {  	[sflag:s25] =	ssyncset.done $0x0  }
0x34: {  	s31 =	simm.s32 $0x5100;
	[sflag:s25] =	ssyncadd.s32 $0xFFFFF060  }
0x35: {  	[spmem:s2] =	stream.indirect.scatter.add.f32 [tilespmem:s19], [sflag:$0x7], $0x20, s31, s14, $0xb8;
	[tilespmem:$0x12D80] =	vst v63  }
0x36: {  	_ =	swait.ge [sflag:s26], $0xFA0  }
0x37: {  	[sflag:s26] =	ssyncset.done $0x0  }
0x38: {  	s21 =	simm.s32 $0x280;
	[sflag:s26] =	ssyncadd.s32 $0xFFFFF060  }
0x39: {  	[tilespmem:s17], [sflag:$0x2] =	stream.indirect.gather [hbm4b:s4+s14], $0x20, s21, s14, $0xb8;
	[tilespmem:$0x12D80] =	vst v63  }
0x3a: {  	_ =	swait.ge [sflag:s28], $0xFA0  }
0x3b: {  	[sflag:s28] =	ssyncset.done $0x0  }
0x3c: {  	s31 =	simm.s32 $0x5180;
	[sflag:s28] =	ssyncadd.s32 $0xFFFFF060  }
0x3d: {  	[spmem:s2] =	stream.indirect.scatter.add.f32 [tilespmem:s22], [sflag:$0x8], $0x20, s31, s14, $0xb8;
	[tilespmem:$0x12D80] =	vst v63  }
0x3e: {  	_ =	swait.ge [sflag:s29], $0xFA0  }
0x3f: {  	[sflag:s29] =	ssyncset.done $0x0  }
0x40: {  	s21 =	simm.s32 $0x300;
	[sflag:s29] =	ssyncadd.s32 $0xFFFFF060  }
0x41: {  	[tilespmem:s19], [sflag:$0x3] =	stream.indirect.gather [hbm4b:s4+s14], $0x20, s21, s14, $0xb8;
	[tilespmem:$0x12D80] =	vst v63  }
0x42: {  	_ =	swait.ge [sflag:s20], $0xFA0  }
0x43: {  	[sflag:s20] =	ssyncset.done $0x0  }
0x44: {  	s31 =	simm.s32 $0x5200;
	[sflag:s20] =	ssyncadd.s32 $0xFFFFF060  }
0x45: {  	[spmem:s2] =	stream.indirect.scatter.add.f32 [tilespmem:s15], [sflag:$0x5], $0x20, s31, s14, $0xb8;
	[tilespmem:$0x12D80] =	vst v63  }
0x46: {  	_ =	swait.ge [sflag:s30], $0xFA0  }
0x47: {  	[sflag:s30] =	ssyncset.done $0x0  }
0x48: {  	s18 =	simm.s32 $0x800;
	s21 =	simm.s32 $0x380;
	[sflag:s30] =	ssyncadd.s32 $0xFFFFF060  }
.LBB2_2:
0x49: {  	[tilespmem:s22], [sflag:$0x4] =	stream.indirect.gather [hbm4b:s4+s14], $0x20, s21, s14, $0xb8;
	[tilespmem:$0x12D80] =	vst v63  }
0x4a: {  	s21 =	smov.u32 s18  }
0x4b: {  	p0 =	sne.s32 s18, $0x13000;
	s18 =	sadd.s32 $0x800, s18;
	_ =	swait.ge [sflag:s23], $0xFA0  }
0x4c: {  	s21 =	sshra.s32 s21, $0x2;
	[sflag:s23] =	ssyncset.done $0x0  }
0x4d: {  	s31 =	sadd.s32 $0x5080, s21;
	[sflag:s23] =	ssyncadd.s32 $0xFFFFF060  }
0x4e: {  	[spmem:s2] =	stream.indirect.scatter.add.f32 [tilespmem:s17], [sflag:$0x6], $0x20, s31, s14, $0xb8;
	[tilespmem:$0x12D80] =	vst v63  }
0x4f: {  	_ =	swait.ge [sflag:s24], $0xFA0  }
0x50: {  	[sflag:s24] =	ssyncset.done $0x0  }
0x51: {  	s31 =	sadd.s32 $0x200, s21;
	[sflag:s24] =	ssyncadd.s32 $0xFFFFF060  }
0x52: {  	[tilespmem:s15], [sflag:$0x1] =	stream.indirect.gather [hbm4b:s4+s14], $0x20, s31, s14, $0xb8;
	[tilespmem:$0x12D80] =	vst v63  }
0x53: {  	_ =	swait.ge [sflag:s25], $0xFA0  }
0x54: {  	[sflag:s25] =	ssyncset.done $0x0  }
0x55: {  	s31 =	sadd.s32 $0x5100, s21;
	[sflag:s25] =	ssyncadd.s32 $0xFFFFF060  }
0x56: {  	[spmem:s2] =	stream.indirect.scatter.add.f32 [tilespmem:s19], [sflag:$0x7], $0x20, s31, s14, $0xb8;
	[tilespmem:$0x12D80] =	vst v63  }
0x57: {  	_ =	swait.ge [sflag:s26], $0xFA0  }
0x58: {  	[sflag:s26] =	ssyncset.done $0x0  }
0x59: {  	s31 =	sadd.s32 $0x280, s21;
	[sflag:s26] =	ssyncadd.s32 $0xFFFFF060  }
0x5a: {  	[tilespmem:s17], [sflag:$0x2] =	stream.indirect.gather [hbm4b:s4+s14], $0x20, s31, s14, $0xb8;
	[tilespmem:$0x12D80] =	vst v63  }
0x5b: {  	_ =	swait.ge [sflag:s28], $0xFA0  }
0x5c: {  	[sflag:s28] =	ssyncset.done $0x0  }
0x5d: {  	s31 =	sadd.s32 $0x5180, s21;
	[sflag:s28] =	ssyncadd.s32 $0xFFFFF060  }
0x5e: {  	[spmem:s2] =	stream.indirect.scatter.add.f32 [tilespmem:s22], [sflag:$0x8], $0x20, s31, s14, $0xb8;
	[tilespmem:$0x12D80] =	vst v63  }
0x5f: {  	_ =	swait.ge [sflag:s29], $0xFA0  }
0x60: {  	[sflag:s29] =	ssyncset.done $0x0  }
0x61: {  	s31 =	sadd.s32 $0x300, s21;
	[sflag:s29] =	ssyncadd.s32 $0xFFFFF060  }
0x62: {  	[tilespmem:s19], [sflag:$0x3] =	stream.indirect.gather [hbm4b:s4+s14], $0x20, s31, s14, $0xb8;
	[tilespmem:$0x12D80] =	vst v63  }
0x63: {  	_ =	swait.ge [sflag:s20], $0xFA0  }
0x64: {  	[sflag:s20] =	ssyncset.done $0x0  }
.Ltmp0:
0x65: {  	s31 =	sadd.s32 $0x5200, s21;
	[sflag:s20] =	ssyncadd.s32 $0xFFFFF060;
	(pc) =	sbr.rel @p0 .LBB2_2-.Ltmp0, $4  }
0x66: {  	[spmem:s2] =	stream.indirect.scatter.add.f32 [tilespmem:s15], [sflag:$0x5], $0x20, s31, s14, $0xb8;
	[tilespmem:$0x12D80] =	vst v63  }
0x67: {  	_ =	swait.ge [sflag:s30], $0xFA0  }
0x68: {  	[sflag:s30] =	ssyncset.done $0x0  }
0x69: {  	s21 =	sadd.s32 $0x380, s21;
	[sflag:s30] =	ssyncadd.s32 $0xFFFFF060  }
0x6a: {  	[tilespmem:s22], [sflag:$0x4] =	stream.indirect.gather [hbm4b:s4+s14], $0x20, s21, s14, $0xb8;
	[tilespmem:$0x12D80] =	vst v63  }
0x6b: {  	_ =	swait.ge [sflag:s23], $0xFA0  }
0x6c: {  	[sflag:s23] =	ssyncset.done $0x0  }
0x6d: {  	s18 =	simm.s32 $0x9E80;
	[sflag:s23] =	ssyncadd.s32 $0xFFFFF060  }
0x6e: {  	[spmem:s2] =	stream.indirect.scatter.add.f32 [tilespmem:s17], [sflag:$0x6], $0x20, s18, s14, $0xb8;
	[tilespmem:$0x12D80] =	vst v63  }
0x6f: {  	_ =	swait.ge [sflag:s24], $0xFA0  }
0x70: {  	[sflag:s24] =	ssyncset.done $0x0  }
0x71: {  	[sflag:s24] =	ssyncadd.s32 $0xFFFFF060  }
0x72: {  	_ =	swait.ge [sflag:s25], $0xFA0  }
0x73: {  	[sflag:s25] =	ssyncset.done $0x0  }
0x74: {  	[sflag:s25] =	ssyncadd.s32 $0xFFFFF060  }
0x75: {  	[spmem:s2] =	stream.indirect.scatter.add.f32 [tilespmem:s19], [sflag:$0x7], $0x20, s1, s14, $0xb8;
	[tilespmem:$0x12D80] =	vst v63  }
0x76: {  	_ =	swait.ge [sflag:s26], $0xFA0  }
0x77: {  	[sflag:s26] =	ssyncset.done $0x0  }
0x78: {  	[sflag:s26] =	ssyncadd.s32 $0xFFFFF060  }
0x79: {  	_ =	swait.ge [sflag:s28], $0xFA0  }
0x7a: {  	[sflag:s28] =	ssyncset.done $0x0  }
0x7b: {  	[sflag:s28] =	ssyncadd.s32 $0xFFFFF060  }
0x7c: {  	[spmem:s2] =	stream.indirect.scatter.add.f32 [tilespmem:s22], [sflag:$0x8], $0x20, s0, s14, $0xb8;
	[tilespmem:$0x12D80] =	vst v63  }
0x7d: {  	_ =	swait.ge [sflag:s29], $0xFA0  }
0x7e: {  	[sflag:s29] =	ssyncset.done $0x0  }
0x7f: {  	[sflag:s29] =	ssyncadd.s32 $0xFFFFF060  }
0x80: {  	_ =	swait.ge [sflag:s30], $0xFA0  }
0x81: {  	s16 =	sadd.s32 $0x1, s16;
	[sflag:s30] =	ssyncset.done $0x0  }
0x82: {  	p0 =	sne.s32 s16, s9;
	[sflag:s30] =	ssyncadd.s32 $0xFFFFF060  }
.Ltmp1:
0x83: {  	[bflag:$0x0] =	sbarrier.arrive $0xFFFF;
	(pc) =	sbr.rel @p0 .LBB2_1-.Ltmp1, $4  }
0x84: {  	[hbm:s8], [sflag:s12] =	dma.local [spmem:s13], $0x9E0  }
0x85: {  	_ =	swait.ge [sflag:s10], $0x9E0  }
0x86: {  	[sflag:s10] =	ssyncset.done $0x0  }
0x87: {  	[sflag:s10] =	ssyncadd.s32 $0xFFFFF620  }
0x88: {  	_ =	sfence.sel $0x180000  }
0x89: {  	[bflag:$0x0] =	sbarrier.arrive $0xFFFF  }
0x8a: {  	_ =	strace $0x9000004D  }
0x8b: {  	s0 =	stileid.u32;
	[bflag:$0x2] =	sbarrier.arrive $0xFFFF  }
0x8c: {  	p0 =	sne.s32 s0, $0x0;
	s0 =	rddreg [dreg:$0x2]  }
0x8d: {  	s0 =	sadd.s32 @!p0 $0x100000, s0  }
0x8e: {  	[sflag:s0] =	ssyncadd.tile.s32 @!p0 $0x1;
	_ =	shalt  }
.Lfunc_end2:
_tile_overlayer_lowered:
.L_overlay_start_2:
0x8f: {  	(tag) =	ssettag $0x2  }
0x90: {  	s0 =	rddreg [dreg:$0x0];
	s2 =	stileid.u32  }
0x91: {  	s1 =	rddreg [dreg:$0x1];
	p0 =	sne.s32 s2, $0x0  }
0x92: {  	s3 =	rddreg [dreg:$0x2];
	[bflag:$0x3] =	sbarrier.arrive $0xFFFF;
	s2 =	simm.s32 @!p0 $0x1C09  }
0x93: {  	[timem:s3], [sflag:s2] =	dma.local @!p0 [hbm:s0], s1  }
0x94: {  	s0 =	simm.s32 @!p0 $0x9  }
0x95: {  	_ =	swait.ge @!p0 [sflag:s0], s1  }
0x96: {  	s1 =	ssub.s32 @!p0 $0x0, s1;
	[sflag:s0] =	ssyncset.done @!p0 $0x0  }
0x97: {  	[sflag:s0] =	ssyncadd.s32 @!p0 s1  }
0x98: {  	[bflag:$0x3] =	sbarrier.arrive $0xFFFF  }
0x99: {  	_ =	shalt  }

// kernel: kernel.23.cloned.1.call-start
scs
__scs_entry_jumppad:
0x0: {  	(pc) =	sbr.rel $0x88, $3  }
0x1: {  	(tag) =	ssettag $0x0;
	lr =	simm.s32 $0x1  }
0x2: {  	[smem:$0x3F8E] =	sst lr;
	_ =	strace $0xD0000000  }
0x3: {  	_ = 	snop  }
0x4: {  	_ = 	snop  }
0x5: {  	_ = 	snop  }
0x6: {  	_ = 	snop  }
0x7: {  	_ = 	snop  }
__scs_overlays_trampoline_lowered:
0x8: {  	[smem:$0x3F9D] =	sst s0  }
0x9: {  	[smem:$0x3F9E] =	sst s1  }
0xa: {  	[smem:$0x3F9F] =	sst s2  }
0xb: {  	[smem:$0x3FA0] =	sst s3  }
0xc: {  	[smem:$0x3FA1] =	sst s4  }
0xd: {  	[smem:$0x3FA2] =	sst s5  }
0xe: {  	[smem:$0x3FA3] =	sst s6  }
0xf: {  	[smem:$0x3FA4] =	sst s7  }
0x10: {  	[smem:$0x3FA5] =	sst s8  }
0x11: {  	[smem:$0x3FA6] =	sst s9;
	s0 =	simm.s32 @!p0 $0x0  }
0x12: {  	s1 =	sld [smem:$0x3F8C];
	s0 =	simm.s32 @p0 $0x1  }
0x13: {  	[smem:$0x3FA7] =	sst s0;
	s0 =	simm.s32 @!p1 $0x0  }
0x14: {  	s2 =	sld [smem:$0x3F8B];
	s0 =	simm.s32 @p1 $0x1  }
0x15: {  	[smem:$0x3FA8] =	sst s0;
	s0 =	simm.s32 @!p2 $0x0  }
0x16: {  	s3 =	sld [smem:$0x3FDB];
	s0 =	simm.s32 @p2 $0x1  }
0x17: {  	s4 =	simm.s32 $0x1BF5;
	[smem:$0x3FAA] =	sst s0  }
0x18: {  	s0 =	sld [smem:$0x3F8D];
	_ =	swait.ge [sflag:s4], $0x0  }
0x19: {  	s7 =	sld [smem:$0x3F8E]  }
0x1a: {  	s8 =	sadd.s32 $0xFFFFE003, lr  }
0x1b: {  	s9 =	sadd.s32 $0xFFFFFEF7, lr;
	s5 =	simm.s32 $0xFFFFFFFF;
	p2 =	slt.u32 s8, $0xFFFFF086  }
0x1c: {  	p1 =	slt.u32 s9, $0xF7A;
	s5 =	simm.s32 @!p2 $0x0  }
0x1d: {  	s5 =	simm.s32 @p1 $0x1;
	p0 =	seq.s32 s7, s2  }
0x1e: {  	s7 =	smul.u32 @!p0 $0xF7A, s2;
	p2 =	seq.s32 @!p0 s5, $0x0  }
0x1f: {  	s9 =	smul.u32 $0xF7A, s1;
	s8 =	simm.s32 @!p0 $0x1BF5;
	p2 =	por !p2, p0  }
0x20: {  	[sflag:s8] =	ssyncset.s32 @!p0 $0xFFFFF086;
	s6 =	sadd.s32 @!p0 s3, s7;
	s7 =	simm.s32 @!p0 $0x108  }
0x21: {  	s3 =	sadd.s32 s3, s9;
	s6 =	sadd.s32 @!p0 $0x88, s6;
	s7 =	simm.s32 @p2 $0x1082  }
0x22: {  	[simem:s7], [sflag:s8] =	dma.local @!p0 [hbm:s6], $0xF7A  }
0x23: {  	s9 =	sor.u32 $0xD0000000, s2;
	s6 =	simm.s32 $0x108;
	_ =	swait.ge @!p0 [sflag:s8], $0x0  }
0x24: {  	s3 =	sadd.s32 $0x88, s3;
	s6 =	simm.s32 @!p1 $0x1082;
	[sflag:s4] =	ssyncset.s32 $0xFFFFF086  }
0x25: {  	[simem:s6], [sflag:s4] =	dma.local [hbm:s3], $0xF7A  }
0x26: {  	[smem:$0x3F8E] =	sst s1;
	(tag) =	ssettag s2;
	_ =	strace s9  }
0x27: {  	s1 =	sld [smem:$0x3F9E]  }
0x28: {  	s2 =	sld [smem:$0x3F9F]  }
0x29: {  	s4 =	sld [smem:$0x3FA1]  }
0x2a: {  	p0 =	seq.s32 s5, $0x0;
	s5 =	sld [smem:$0x3FA2]  }
0x2b: {  	s6 =	sld [smem:$0x3FA3]  }
0x2c: {  	s7 =	sld [smem:$0x3FA4]  }
0x2d: {  	s3 =	simm.s32 $0x108;
	s8 =	sld [smem:$0x3FA5]  }
0x2e: {  	s3 =	simm.s32 @!p0 $0x1082;
	s9 =	sld [smem:$0x3FA6]  }
0x2f: {  	lr =	sadd.s32 s0, s3;
	s0 =	sld [smem:$0x3F9D]  }
0x30: {  	s3 =	sld [smem:$0x3FA0]  }
0x31: {  	[smem:$0x3FA9] =	sst s10  }
0x32: {  	s10 =	sld [smem:$0x3FA7];
	_ =	sdelay $0x3  }
0x33: {  	p0 =	seq.s32 s10, $0x1;
	s10 =	sld [smem:$0x3FA9];
	_ =	sdelay $0x3  }
0x34: {  	[smem:$0x3FA9] =	sst s10  }
0x35: {  	s10 =	sld [smem:$0x3FA8];
	_ =	sdelay $0x3  }
0x36: {  	p1 =	seq.s32 s10, $0x1;
	s10 =	sld [smem:$0x3FA9];
	_ =	sdelay $0x3  }
0x37: {  	[smem:$0x3FA9] =	sst s10  }
0x38: {  	s10 =	sld [smem:$0x3FAA]  }
0x39: {  	_ = 	snop;
	(pc) =	sbr.ind lr, $3  }
0x3a: {  	_ = 	snop  }
0x3b: {  	_ = 	snop  }
0x3c: {  	p2 =	seq.s32 s10, $0x1;
	s10 =	sld [smem:$0x3FA9]  }
0x3d: {  	_ =	shalt  }
0x3e: {  	_ =	shalt  }
0x3f: {  	_ =	shalt  }
0x40: {  	_ =	shalt  }
0x41: {  	_ =	shalt  }
0x42: {  	_ =	shalt  }
0x43: {  	_ =	shalt  }
0x44: {  	_ =	shalt  }
0x45: {  	_ =	shalt  }
0x46: {  	_ =	shalt  }
0x47: {  	_ =	shalt  }
0x48: {  	_ =	shalt  }
0x49: {  	_ =	shalt  }
0x4a: {  	_ =	shalt  }
0x4b: {  	_ =	shalt  }
0x4c: {  	_ =	shalt  }
0x4d: {  	_ =	shalt  }
0x4e: {  	_ =	shalt  }
0x4f: {  	_ =	shalt  }
0x50: {  	_ =	shalt  }
0x51: {  	_ =	shalt  }
0x52: {  	_ =	shalt  }
0x53: {  	_ =	shalt  }
0x54: {  	_ =	shalt  }
0x55: {  	_ =	shalt  }
0x56: {  	_ =	shalt  }
0x57: {  	_ =	shalt  }
0x58: {  	_ =	shalt  }
0x59: {  	_ =	shalt  }
0x5a: {  	_ =	shalt  }
0x5b: {  	_ =	shalt  }
0x5c: {  	_ =	shalt  }
0x5d: {  	_ =	shalt  }
0x5e: {  	_ =	shalt  }
0x5f: {  	_ =	shalt  }
0x60: {  	_ =	shalt  }
0x61: {  	_ =	shalt  }
0x62: {  	_ =	shalt  }
0x63: {  	_ =	shalt  }
0x64: {  	_ =	shalt  }
0x65: {  	_ =	shalt  }
0x66: {  	_ =	shalt  }
0x67: {  	_ =	shalt  }
0x68: {  	_ =	shalt  }
0x69: {  	_ =	shalt  }
0x6a: {  	_ =	shalt  }
0x6b: {  	_ =	shalt  }
0x6c: {  	_ =	shalt  }
0x6d: {  	_ =	shalt  }
0x6e: {  	_ =	shalt  }
0x6f: {  	_ =	shalt  }
0x70: {  	_ =	shalt  }
0x71: {  	_ =	shalt  }
0x72: {  	_ =	shalt  }
0x73: {  	_ =	shalt  }
0x74: {  	_ =	shalt  }
0x75: {  	_ =	shalt  }
0x76: {  	_ =	shalt  }
0x77: {  	_ =	shalt  }
0x78: {  	_ =	shalt  }
0x79: {  	_ =	shalt  }
0x7a: {  	_ =	shalt  }
0x7b: {  	_ =	shalt  }
0x7c: {  	_ =	shalt  }
0x7d: {  	_ =	shalt  }
0x7e: {  	_ =	shalt  }
0x7f: {  	_ =	shalt  }
0x80: {  	_ =	shalt  }
0x81: {  	_ =	shalt  }
0x82: {  	_ =	shalt  }
0x83: {  	_ =	shalt  }
0x84: {  	_ =	shalt  }
0x85: {  	_ =	shalt  }
0x86: {  	_ =	shalt  }
0x87: {  	_ =	shalt  }
.Lfunc_end0:
.L_simem_size_0:
called_computation.3_lowered:
.L_overlay_start_0:
0x88: {  	s2 =	sld [smem:$0x3FD9]  }
0x89: {  	s3 =	sld [smem:$0x3FFE];
	_ =	sdelay $0x1  }
0x8a: {  	s1 =	srdreg.scid  }
0x8b: {  	s0 =	sand.u32 $0x1, s1  }
0x8c: {  	s16 =	sshll.u32 s0, $0xA;
	s2 =	sadd.s32 s3, s2  }
0x8d: {  	s2 =	sadd.s32 s2, s16  }
0x8e: {  	[smem:$0x3FB5] =	sst s2  }
0x8f: {  	_ = 	snop  }
0x90: {  	(tm) =	ssettm $0x1  }
0x91: {  	s17 =	sld [smem:$0x3FFB];
	_ =	sdelay $0x3  }
0x92: {  	_ =	strace s17  }
0x93: {  	s2 =	sld [smem:$0x3FFC];
	_ =	sdelay $0x3  }
0x94: {  	_ =	strace s2  }
0x95: {  	s2 =	sld [smem:$0x3FFD];
	_ =	sdelay $0x3  }
0x96: {  	_ =	strace s2  }
0x97: {  	_ =	strace $0x8FFFFFFF  }
0x98: {  	s18 =	sld [smem:$0x3FDB];
	_ =	sdelay $0x1  }
0x99: {  	s19 =	simm.s32 $_scs_section_size  }
0x9a: {  	s4 =	simm.s32 $_size__tile_overlayer_lowered;
	s5 =	simm.s32 $_tile_overlayer_lowered  }
0x9b: {  	s22 =	simm.s32 $0x1BFF;
	s21 =	sshll.u32 s5, $0x1;
	s2 =	sadd.s32 s19, s18  }
0x9c: {  	s6 =	simm.s32 $0x0;
	s20 =	sshll.u32 s4, $0x1;
	s4 =	sadd.s32 s21, s2  }
0x9d: {  	[timem:s6], [sflag:s22] =	dma.local [hbm:s4], s20  }
0x9e: {  	_ =	swait.ge [sflag:s22], s20  }
0x9f: {  	s3 =	ssub.s32 $0x0, s20;
	[sflag:s22] =	ssyncset.done $0x0  }
0xa0: {  	[sflag:s22] =	ssyncadd.s32 s3;
	_ =	sdelay $0x1  }
0xa1: {  	s23 =	simm.s32 $0x1B8B  }
0xa2: {  	_ =	swait.ge [sflag:s23], $0x1  }
0xa3: {  	[sflag:s23] =	ssyncset.done $0x0  }
0xa4: {  	s25 =	simm.s32 $0x1B8E;
	s24 =	sld [smem:$0x3FFE];
	[sflag:s23] =	ssyncadd.s32 $0xFFFFFFFF  }
0xa5: {  	s26 =	simm.s32 $execute0_lowered;
	[smem:$0x3FD2] =	sst s25  }
0xa6: {  	s4 =	sshll.u32 s26, $0x1;
	_ =	strace $0x8000004F;
	[dreg:$0x1] =	wrdreg $0xFFFFFFFF  }
0xa7: {  	s28 =	simm.s32 $_size_execute0_lowered;
	s2 =	sadd.s32 s2, s4;
	[dreg:$0x0] =	wrdreg $0x0  }
0xa8: {  	s4 =	sshll.u32 s28, $0x1;
	[dreg:$0x2] =	wrdreg s2  }
0xa9: {  	[dreg:$0x3] =	wrdreg s4  }
0xaa: {  	[dreg:$0x4] =	wrdreg $0xC0  }
0xab: {  	_ =	task [dreg:s6], $0x5FFFF  }
0xac: {  	[dreg:$0x1] =	wrdreg $0xFFFFFFFF  }
0xad: {  	[dreg:$0x0] =	wrdreg $0x60  }
0xae: {  	[dreg:$0x2] =	wrdreg s24  }
0xaf: {  	[dreg:$0x3] =	wrdreg $0xBF400  }
0xb0: {  	[dreg:$0x4] =	wrdreg $0x9  }
0xb1: {  	_ =	task.clear_ibuf [dreg:s6], $0x5FFFF;
	_ =	strace $0x9000004F  }
0xb2: {  	s29 =	simm.s32 $0x9;
	_ =	strace $0x80000051  }
0xb3: {  	_ =	swait.ge [sflag:s29], $0x1  }
0xb4: {  	[sflag:s29] =	ssyncadd.s32 $0xFFFFFFFF  }
0xb5: {  	_ =	strace $0x90000051  }
0xb6: {  	_ =	sfence  }
0xb7: {  	s30 =	sld [smem:$0x0];
	_ =	sdelay $0x2  }
0xb8: {  	s31 =	sshll.u32 s1, $0xD;
	s1 =	sshrl.u32 s1, $0x2  }
0xb9: {  	s3 =	sand.u32 $0x4000, s31;
	s1 =	sadd.s32 s1, s30  }
0xba: {  	s0 =	sor.u32 s3, s0;
	s1 =	sshll.u32 s1, $0x11  }
0xbb: {  	s0 =	sor.u32 s1, s0  }
0xbc: {  	s0 =	sadd.s32 $0x8F2B, s0  }
0xbd: {  	[sflag:s0] =	ssyncadd.remote.s32 $0x1  }
0xbe: {  	_ =	sfence.sel $0xFFFF  }
0xbf: {  	[dreg:$0x0] =	wrdreg $0xFFFFFFFF;
	(pc) =	sbr.abs _section_cstart, $3  }
0xc0: {  	[dreg:$0x1] =	wrdreg $0xFFFFFFFF  }
0xc1: {  	_ =	task.clear_ibuf [dreg:s6], $0x2FFFF;
	_ =	strace $0x9FFFFFFF  }
0xc2: {  	(tm) =	ssettm $0x7FFFFFFF  }
0xc3: {  	_ =	shalt  }
tec
execute0_lowered:
.L_overlay_start_1:
0x0: {  	(tag) =	ssettag $0x1  }
0x1: {  	s0 =	srdreg.scid;
	s1 =	rddreg [dreg:$0x0]  }
0x2: {  	s10 =	stileid.u32;
	s2 =	rddreg [dreg:$0x1]  }
0x3: {  	s3 =	simm.s32 $0x0;
	s11 =	simm.s32 $0x5000;
	s14 =	simm.s32 $0x7D  }
0x4: {  	s15 =	simm.s32 $0xA000;
	s17 =	simm.s32 $0xA7D0;
	s19 =	simm.s32 $0xAFA0  }
0x5: {  	s20 =	simm.s32 $0x1;
	s22 =	simm.s32 $0xB770;
	s23 =	simm.s32 $0x2  }
0x6: {  	s24 =	simm.s32 $0x5;
	s28 =	simm.s32 $0x4;
	s29 =	simm.s32 $0x7  }
0x7: {  	s30 =	simm.s32 $0x8;
	s16 =	simm.s32 $0x0;
	s6 =	smul.u32 $0x5000, s10  }
0x8: {  	s0 =	sand.u32 $0x1, s0;
	s8 =	smul.u32 $0x2780, s10;
	[smem:$0x7FF] =	sst s3  }
0x9: {  	s4 =	sadd.s32 $0x17200, s1;
	s31 =	sshll.u32 s10, $0x6;
	s5 =	smul.u32 $0x50000, s0  }
0xa: {  	s10 =	simm.s32 $0x9;
	s7 =	smul.u32 $0x27800, s0;
	s0 =	ssub.s32 $0x2, s0  }
0xb: {  	_ =	strace $0x80000050;
	s12 =	sor.u32 $0x1C09, s31;
	s9 =	sshrl.u32 s0, $0x1  }
0xc: {  	s13 =	sadd.s32 s8, s2;
	s5 =	sadd.s32 s6, s5;
	s25 =	sadd.s32 s8, s7  }
0xd: {  	s0 =	ssub.s32 s0, s9;
	s13 =	sshrl.u32 s13, $0x3;
	s5 =	sshrl.u32 s5, $0x3  }
0xe: {  	s6 =	sshrl.u32 s25, $0x3;
	s9 =	smax.u32 s0, $0x1;
	s25 =	simm.s32 $0x3  }
0xf: {  	s0 =	simm.s32 $0x9F80;
	s26 =	sadd.s32 s5, s1;
	s5 =	sadd.s32 $0x16C00, s1  }
0x10: {  	s1 =	sadd.s32 s6, s1;
	s6 =	sadd.s32 $0x21200, s26;
	s7 =	sadd.s32 $0x2C00, s26  }
0x11: {  	s8 =	sadd.s32 $0x35200, s1;
	s26 =	simm.s32 $0x6;
	s1 =	simm.s32 $0x9F00  }
.LBB2_1:
0x12: {  	[tilespmem:s3], [sflag:$0x9] =	stream.linear.gather [hbm4b:s6+s3], $0x5000, $0x38;
	[tilespmem:$0xE6C0] =	vst v63  }
0x13: {  	_ =	swait.ge [sflag:s10], $0x5000  }
0x14: {  	[sflag:s10] =	ssyncset.done $0x0  }
0x15: {  	[sflag:s10] =	ssyncadd.s32 $0xFFFFB000  }
0x16: {  	[tilespmem:s11], [sflag:$0x9] =	stream.linear.gather [hbm4b:s7+s3], $0x5000, $0x38;
	[tilespmem:$0xE6C0] =	vst v63  }
0x17: {  	_ =	swait.ge [sflag:s10], $0x5000  }
0x18: {  	[sflag:s10] =	ssyncset.done $0x0  }
0x19: {  	[sflag:s10] =	ssyncadd.s32 $0xFFFFB000  }
0x1a: {  	[spmem:s13], [sflag:s12] =	dma.local [hbm:s5], $0x4F0  }
0x1b: {  	_ =	swait.ge [sflag:s10], $0x4F0  }
0x1c: {  	[sflag:s10] =	ssyncset.done $0x0  }
0x1d: {  	[sflag:s10] =	ssyncadd.s32 $0xFFFFFB10  }
0x1e: {  	[bflag:$0x0] =	sbarrier.arrive $0xFFFF  }
0x1f: {  	[tilespmem:s15], [sflag:$0x1] =	stream.indirect.gather [hbm4b:s4+s14], $0x10, s3, s14, $0xb8;
	[tilespmem:$0xE6C0] =	vst v63  }
0x20: {  	s18 =	simm.s32 $0x80  }
0x21: {  	[tilespmem:s17], [sflag:$0x2] =	stream.indirect.gather [hbm4b:s4+s14], $0x10, s18, s14, $0xb8;
	[tilespmem:$0xE6C0] =	vst v63  }
0x22: {  	s31 =	simm.s32 $0x100  }
0x23: {  	[tilespmem:s19], [sflag:$0x3] =	stream.indirect.gather [hbm4b:s4+s14], $0x10, s31, s14, $0xb8;
	[tilespmem:$0xE6C0] =	vst v63  }
0x24: {  	_ =	swait.ge [sflag:s20], $0x7D0  }
0x25: {  	[sflag:s20] =	ssyncset.done $0x0  }
0x26: {  	[sflag:s20] =	ssyncadd.s32 $0xFFFFF830  }
0x27: {  	[spmem:s2] =	stream.indirect.scatter.add.f32 [tilespmem:s15], [sflag:$0x5], $0x10, s11, s14, $0xb8;
	[tilespmem:$0xE6C0] =	vst v63  }
0x28: {  	s21 =	simm.s32 $0x180  }
0x29: {  	[tilespmem:s22], [sflag:$0x4] =	stream.indirect.gather [hbm4b:s4+s14], $0x10, s21, s14, $0xb8;
	[tilespmem:$0xE6C0] =	vst v63  }
0x2a: {  	_ =	swait.ge [sflag:s23], $0x7D0  }
0x2b: {  	[sflag:s23] =	ssyncset.done $0x0  }
0x2c: {  	s31 =	simm.s32 $0x5080;
	[sflag:s23] =	ssyncadd.s32 $0xFFFFF830  }
0x2d: {  	[spmem:s2] =	stream.indirect.scatter.add.f32 [tilespmem:s17], [sflag:$0x6], $0x10, s31, s14, $0xb8;
	[tilespmem:$0xE6C0] =	vst v63  }
0x2e: {  	_ =	swait.ge [sflag:s24], $0x7D0  }
0x2f: {  	[sflag:s24] =	ssyncset.done $0x0  }
0x30: {  	s21 =	simm.s32 $0x200;
	[sflag:s24] =	ssyncadd.s32 $0xFFFFF830  }
0x31: {  	[tilespmem:s15], [sflag:$0x1] =	stream.indirect.gather [hbm4b:s4+s14], $0x10, s21, s14, $0xb8;
	[tilespmem:$0xE6C0] =	vst v63  }
0x32: {  	_ =	swait.ge [sflag:s25], $0x7D0  }
0x33: {  	[sflag:s25] =	ssyncset.done $0x0  }
0x34: {  	s31 =	simm.s32 $0x5100;
	[sflag:s25] =	ssyncadd.s32 $0xFFFFF830  }
0x35: {  	[spmem:s2] =	stream.indirect.scatter.add.f32 [tilespmem:s19], [sflag:$0x7], $0x10, s31, s14, $0xb8;
	[tilespmem:$0xE6C0] =	vst v63  }
0x36: {  	_ =	swait.ge [sflag:s26], $0x7D0  }
0x37: {  	[sflag:s26] =	ssyncset.done $0x0  }
0x38: {  	s21 =	simm.s32 $0x280;
	[sflag:s26] =	ssyncadd.s32 $0xFFFFF830  }
0x39: {  	[tilespmem:s17], [sflag:$0x2] =	stream.indirect.gather [hbm4b:s4+s14], $0x10, s21, s14, $0xb8;
	[tilespmem:$0xE6C0] =	vst v63  }
0x3a: {  	_ =	swait.ge [sflag:s28], $0x7D0  }
0x3b: {  	[sflag:s28] =	ssyncset.done $0x0  }
0x3c: {  	s31 =	simm.s32 $0x5180;
	[sflag:s28] =	ssyncadd.s32 $0xFFFFF830  }
0x3d: {  	[spmem:s2] =	stream.indirect.scatter.add.f32 [tilespmem:s22], [sflag:$0x8], $0x10, s31, s14, $0xb8;
	[tilespmem:$0xE6C0] =	vst v63  }
0x3e: {  	_ =	swait.ge [sflag:s29], $0x7D0  }
0x3f: {  	[sflag:s29] =	ssyncset.done $0x0  }
0x40: {  	s21 =	simm.s32 $0x300;
	[sflag:s29] =	ssyncadd.s32 $0xFFFFF830  }
0x41: {  	[tilespmem:s19], [sflag:$0x3] =	stream.indirect.gather [hbm4b:s4+s14], $0x10, s21, s14, $0xb8;
	[tilespmem:$0xE6C0] =	vst v63  }
0x42: {  	_ =	swait.ge [sflag:s20], $0x7D0  }
0x43: {  	[sflag:s20] =	ssyncset.done $0x0  }
0x44: {  	s31 =	simm.s32 $0x5200;
	[sflag:s20] =	ssyncadd.s32 $0xFFFFF830  }
0x45: {  	[spmem:s2] =	stream.indirect.scatter.add.f32 [tilespmem:s15], [sflag:$0x5], $0x10, s31, s14, $0xb8;
	[tilespmem:$0xE6C0] =	vst v63  }
0x46: {  	_ =	swait.ge [sflag:s30], $0x7D0  }
0x47: {  	[sflag:s30] =	ssyncset.done $0x0  }
0x48: {  	s18 =	simm.s32 $0x800;
	s21 =	simm.s32 $0x380;
	[sflag:s30] =	ssyncadd.s32 $0xFFFFF830  }
.LBB2_2:
0x49: {  	[tilespmem:s22], [sflag:$0x4] =	stream.indirect.gather [hbm4b:s4+s14], $0x10, s21, s14, $0xb8;
	[tilespmem:$0xE6C0] =	vst v63  }
0x4a: {  	s21 =	smov.u32 s18  }
0x4b: {  	p0 =	sne.s32 s18, $0x13000;
	s18 =	sadd.s32 $0x800, s18;
	_ =	swait.ge [sflag:s23], $0x7D0  }
0x4c: {  	s21 =	sshra.s32 s21, $0x2;
	[sflag:s23] =	ssyncset.done $0x0  }
0x4d: {  	s31 =	sadd.s32 $0x5080, s21;
	[sflag:s23] =	ssyncadd.s32 $0xFFFFF830  }
0x4e: {  	[spmem:s2] =	stream.indirect.scatter.add.f32 [tilespmem:s17], [sflag:$0x6], $0x10, s31, s14, $0xb8;
	[tilespmem:$0xE6C0] =	vst v63  }
0x4f: {  	_ =	swait.ge [sflag:s24], $0x7D0  }
0x50: {  	[sflag:s24] =	ssyncset.done $0x0  }
0x51: {  	s31 =	sadd.s32 $0x200, s21;
	[sflag:s24] =	ssyncadd.s32 $0xFFFFF830  }
0x52: {  	[tilespmem:s15], [sflag:$0x1] =	stream.indirect.gather [hbm4b:s4+s14], $0x10, s31, s14, $0xb8;
	[tilespmem:$0xE6C0] =	vst v63  }
0x53: {  	_ =	swait.ge [sflag:s25], $0x7D0  }
0x54: {  	[sflag:s25] =	ssyncset.done $0x0  }
0x55: {  	s31 =	sadd.s32 $0x5100, s21;
	[sflag:s25] =	ssyncadd.s32 $0xFFFFF830  }
0x56: {  	[spmem:s2] =	stream.indirect.scatter.add.f32 [tilespmem:s19], [sflag:$0x7], $0x10, s31, s14, $0xb8;
	[tilespmem:$0xE6C0] =	vst v63  }
0x57: {  	_ =	swait.ge [sflag:s26], $0x7D0  }
0x58: {  	[sflag:s26] =	ssyncset.done $0x0  }
0x59: {  	s31 =	sadd.s32 $0x280, s21;
	[sflag:s26] =	ssyncadd.s32 $0xFFFFF830  }
0x5a: {  	[tilespmem:s17], [sflag:$0x2] =	stream.indirect.gather [hbm4b:s4+s14], $0x10, s31, s14, $0xb8;
	[tilespmem:$0xE6C0] =	vst v63  }
0x5b: {  	_ =	swait.ge [sflag:s28], $0x7D0  }
0x5c: {  	[sflag:s28] =	ssyncset.done $0x0  }
0x5d: {  	s31 =	sadd.s32 $0x5180, s21;
	[sflag:s28] =	ssyncadd.s32 $0xFFFFF830  }
0x5e: {  	[spmem:s2] =	stream.indirect.scatter.add.f32 [tilespmem:s22], [sflag:$0x8], $0x10, s31, s14, $0xb8;
	[tilespmem:$0xE6C0] =	vst v63  }
0x5f: {  	_ =	swait.ge [sflag:s29], $0x7D0  }
0x60: {  	[sflag:s29] =	ssyncset.done $0x0  }
0x61: {  	s31 =	sadd.s32 $0x300, s21;
	[sflag:s29] =	ssyncadd.s32 $0xFFFFF830  }
0x62: {  	[tilespmem:s19], [sflag:$0x3] =	stream.indirect.gather [hbm4b:s4+s14], $0x10, s31, s14, $0xb8;
	[tilespmem:$0xE6C0] =	vst v63  }
0x63: {  	_ =	swait.ge [sflag:s20], $0x7D0  }
0x64: {  	[sflag:s20] =	ssyncset.done $0x0  }
.Ltmp0:
0x65: {  	s31 =	sadd.s32 $0x5200, s21;
	[sflag:s20] =	ssyncadd.s32 $0xFFFFF830;
	(pc) =	sbr.rel @p0 .LBB2_2-.Ltmp0, $4  }
0x66: {  	[spmem:s2] =	stream.indirect.scatter.add.f32 [tilespmem:s15], [sflag:$0x5], $0x10, s31, s14, $0xb8;
	[tilespmem:$0xE6C0] =	vst v63  }
0x67: {  	_ =	swait.ge [sflag:s30], $0x7D0  }
0x68: {  	[sflag:s30] =	ssyncset.done $0x0  }
0x69: {  	s21 =	sadd.s32 $0x380, s21;
	[sflag:s30] =	ssyncadd.s32 $0xFFFFF830  }
0x6a: {  	[tilespmem:s22], [sflag:$0x4] =	stream.indirect.gather [hbm4b:s4+s14], $0x10, s21, s14, $0xb8;
	[tilespmem:$0xE6C0] =	vst v63  }
0x6b: {  	_ =	swait.ge [sflag:s23], $0x7D0  }
0x6c: {  	[sflag:s23] =	ssyncset.done $0x0  }
0x6d: {  	s18 =	simm.s32 $0x9E80;
	[sflag:s23] =	ssyncadd.s32 $0xFFFFF830  }
0x6e: {  	[spmem:s2] =	stream.indirect.scatter.add.f32 [tilespmem:s17], [sflag:$0x6], $0x10, s18, s14, $0xb8;
	[tilespmem:$0xE6C0] =	vst v63  }
0x6f: {  	_ =	swait.ge [sflag:s24], $0x7D0  }
0x70: {  	[sflag:s24] =	ssyncset.done $0x0  }
0x71: {  	[sflag:s24] =	ssyncadd.s32 $0xFFFFF830  }
0x72: {  	_ =	swait.ge [sflag:s25], $0x7D0  }
0x73: {  	[sflag:s25] =	ssyncset.done $0x0  }
0x74: {  	[sflag:s25] =	ssyncadd.s32 $0xFFFFF830  }
0x75: {  	[spmem:s2] =	stream.indirect.scatter.add.f32 [tilespmem:s19], [sflag:$0x7], $0x10, s1, s14, $0xb8;
	[tilespmem:$0xE6C0] =	vst v63  }
0x76: {  	_ =	swait.ge [sflag:s26], $0x7D0  }
0x77: {  	[sflag:s26] =	ssyncset.done $0x0  }
0x78: {  	[sflag:s26] =	ssyncadd.s32 $0xFFFFF830  }
0x79: {  	_ =	swait.ge [sflag:s28], $0x7D0  }
0x7a: {  	[sflag:s28] =	ssyncset.done $0x0  }
0x7b: {  	[sflag:s28] =	ssyncadd.s32 $0xFFFFF830  }
0x7c: {  	[spmem:s2] =	stream.indirect.scatter.add.f32 [tilespmem:s22], [sflag:$0x8], $0x10, s0, s14, $0xb8;
	[tilespmem:$0xE6C0] =	vst v63  }
0x7d: {  	_ =	swait.ge [sflag:s29], $0x7D0  }
0x7e: {  	[sflag:s29] =	ssyncset.done $0x0  }
0x7f: {  	[sflag:s29] =	ssyncadd.s32 $0xFFFFF830  }
0x80: {  	_ =	swait.ge [sflag:s30], $0x7D0  }
0x81: {  	s16 =	sadd.s32 $0x1, s16;
	[sflag:s30] =	ssyncset.done $0x0  }
0x82: {  	p0 =	sne.s32 s16, s9;
	[sflag:s30] =	ssyncadd.s32 $0xFFFFF830  }
.Ltmp1:
0x83: {  	[bflag:$0x0] =	sbarrier.arrive $0xFFFF;
	(pc) =	sbr.rel @p0 .LBB2_1-.Ltmp1, $4  }
0x84: {  	[hbm:s8], [sflag:s12] =	dma.local [spmem:s13], $0x4F0  }
0x85: {  	_ =	swait.ge [sflag:s10], $0x4F0  }
0x86: {  	[sflag:s10] =	ssyncset.done $0x0  }
0x87: {  	[sflag:s10] =	ssyncadd.s32 $0xFFFFFB10  }
0x88: {  	_ =	sfence.sel $0x180000  }
0x89: {  	[bflag:$0x0] =	sbarrier.arrive $0xFFFF  }
0x8a: {  	_ =	strace $0x90000050  }
0x8b: {  	s0 =	stileid.u32;
	[bflag:$0x2] =	sbarrier.arrive $0xFFFF  }
0x8c: {  	p0 =	sne.s32 s0, $0x0;
	s0 =	rddreg [dreg:$0x2]  }
0x8d: {  	s0 =	sadd.s32 @!p0 $0x100000, s0  }
0x8e: {  	[sflag:s0] =	ssyncadd.tile.s32 @!p0 $0x1;
	_ =	shalt  }
.Lfunc_end2:
_tile_overlayer_lowered:
.L_overlay_start_2:
0x8f: {  	(tag) =	ssettag $0x2  }
0x90: {  	s0 =	rddreg [dreg:$0x0];
	s2 =	stileid.u32  }
0x91: {  	s1 =	rddreg [dreg:$0x1];
	p0 =	sne.s32 s2, $0x0  }
0x92: {  	s3 =	rddreg [dreg:$0x2];
	[bflag:$0x3] =	sbarrier.arrive $0xFFFF;
	s2 =	simm.s32 @!p0 $0x1C09  }
0x93: {  	[timem:s3], [sflag:s2] =	dma.local @!p0 [hbm:s0], s1  }
0x94: {  	s0 =	simm.s32 @!p0 $0x9  }
0x95: {  	_ =	swait.ge @!p0 [sflag:s0], s1  }
0x96: {  	s1 =	ssub.s32 @!p0 $0x0, s1;
	[sflag:s0] =	ssyncset.done @!p0 $0x0  }
0x97: {  	[sflag:s0] =	ssyncadd.s32 @!p0 s1  }
0x98: {  	[bflag:$0x3] =	sbarrier.arrive $0xFFFF  }
0x99: {  	_ =	shalt  }

</sc_bundles>
